<compile_context>
chip_gen: v7x
topology: tpu7x:2x2x1
jax: 0.10.2.dev20260603
libtpu: 0.0.44.dev20260713+nightly
codegen_flags: <defaults>
</compile_context>

<pallas_src>
import jax
import jax.numpy as jnp
from jax import lax
from jax.experimental import pallas as pl
from jax.experimental.pallas import tpu as pltpu
from jax.experimental.pallas import tpu_sc as plsc

N1, N2 = 16384, 4096
C1, C2 = 64, 128
NSAMPLE = 3
EPS = 1e-5

NC, NS, L = 2, 16, 16
NW = NC * NS
QPW = N1 // NW
CH = 128
NCHUNK = QPW // CH

RKNN = 1024
RBN = 2048


def _y2_kernel(f2_ref, w1t_ref, b1_ref, y2_ref):
    y2_ref[...] = (
        jnp.dot(f2_ref[...], w1t_ref[...], preferred_element_type=jnp.float32)
        + b1_ref[...]
    )


CHUNK = 128
NCHUNKS = N2 // CHUNK
BIGI = N2


def _knn_kernel(p1_ref, p2t_ref, idx0_ref, idx1_ref, idx2_ref):
    qx = p1_ref[:, 0:1]
    qy = p1_ref[:, 1:2]
    qz = p1_ref[:, 2:3]
    px = p2t_ref[0:1, :]
    py = p2t_ref[1:2, :]
    pz = p2t_ref[2:3, :]
    inf = jnp.float32(jnp.inf)
    m1 = jnp.full((RKNN, CHUNK), inf, jnp.float32)
    m2 = jnp.full((RKNN, CHUNK), inf, jnp.float32)
    m3 = jnp.full((RKNN, CHUNK), inf, jnp.float32)
    id1 = jnp.zeros((RKNN, CHUNK), jnp.int32)
    id2 = jnp.zeros((RKNN, CHUNK), jnp.int32)
    id3 = jnp.zeros((RKNN, CHUNK), jnp.int32)
    for c in range(NCHUNKS):
        cs = slice(c * CHUNK, (c + 1) * CHUNK)
        dx = qx - px[:, cs]
        d2 = dx * dx
        dy = qy - py[:, cs]
        d2 = d2 + dy * dy
        dz = qz - pz[:, cs]
        d2 = d2 + dz * dz
        nid = jnp.int32(c)
        c1 = d2 < m1
        tv = jnp.where(c1, m1, d2)
        ti = jnp.where(c1, id1, nid)
        m1 = jnp.where(c1, d2, m1)
        id1 = jnp.where(c1, nid, id1)
        c2 = tv < m2
        tv2 = jnp.where(c2, m2, tv)
        ti2 = jnp.where(c2, id2, ti)
        m2 = jnp.where(c2, tv, m2)
        id2 = jnp.where(c2, ti, id2)
        c3 = tv2 < m3
        m3 = jnp.where(c3, tv2, m3)
        id3 = jnp.where(c3, ti2, id3)
    lane = lax.broadcasted_iota(jnp.int32, (RKNN, CHUNK), 1)
    g1 = id1 * jnp.int32(CHUNK) + lane
    g2 = id2 * jnp.int32(CHUNK) + lane
    g3 = id3 * jnp.int32(CHUNK) + lane
    v = jnp.concatenate([m1, m2, m3], axis=1)
    gid = jnp.concatenate([g1, g2, g3], axis=1)
    out_refs = (idx0_ref, idx1_ref, idx2_ref)
    for k in range(NSAMPLE):
        mk = jnp.min(v, axis=1, keepdims=True)
        ik = jnp.min(jnp.where(v == mk, gid, jnp.int32(BIGI)),
                     axis=1, keepdims=True)
        out_refs[k][...] = ik
        if k + 1 < NSAMPLE:
            v = jnp.where(gid == ik, inf, v)


NTC = 12288
NSC = N1 - NTC
QWS = NSC // NW


def _sc_knn_body(p2x_h, p2y_h, p2z_h, qx_h, qy_h, qz_h,
                 o0_h, o1_h, o2_h,
                 p2x_v, p2y_v, p2z_v,
                 qx_v, qy_v, qz_v, i0_v, i1_v, i2_v):
    wid = lax.axis_index("s") * NC + lax.axis_index("c")
    qb = wid * QWS
    pltpu.sync_copy(p2x_h, p2x_v)
    pltpu.sync_copy(p2y_h, p2y_v)
    pltpu.sync_copy(p2z_h, p2z_v)
    pltpu.sync_copy(qx_h.at[pl.ds(qb, QWS)], qx_v.at[pl.ds(0, QWS)])
    pltpu.sync_copy(qy_h.at[pl.ds(qb, QWS)], qy_v.at[pl.ds(0, QWS)])
    pltpu.sync_copy(qz_h.at[pl.ds(qb, QWS)], qz_v.at[pl.ds(0, QWS)])
    lane = lax.iota(jnp.int32, L)
    inf = jnp.float32(jnp.inf)

    def q_loop(q, _):
        qxs = qx_v[pl.ds(q, L)][0]
        qys = qy_v[pl.ds(q, L)][0]
        qzs = qz_v[pl.ds(q, L)][0]

        UN = 4

        def v_loop(v, carry):
            m1, m2, m3, id1, id2, id3 = carry
            for u in range(UN):
                nid = v * UN + u
                sl = pl.ds(nid * L, L)
                dx = qxs - p2x_v[sl]
                d2 = dx * dx
                dy = qys - p2y_v[sl]
                d2 = d2 + dy * dy
                dz = qzs - p2z_v[sl]
                d2 = d2 + dz * dz
                c1 = d2 < m1
                tv = jnp.where(c1, m1, d2)
                ti = jnp.where(c1, id1, nid)
                m1 = jnp.where(c1, d2, m1)
                id1 = jnp.where(c1, nid, id1)
                c2 = tv < m2
                tv2 = jnp.where(c2, m2, tv)
                ti2 = jnp.where(c2, id2, ti)
                m2 = jnp.where(c2, tv, m2)
                id2 = jnp.where(c2, ti, id2)
                c3 = tv2 < m3
                m3 = jnp.where(c3, tv2, m3)
                id3 = jnp.where(c3, ti2, id3)
            return m1, m2, m3, id1, id2, id3

        init = (jnp.full((L,), inf, jnp.float32),
                jnp.full((L,), inf, jnp.float32),
                jnp.full((L,), inf, jnp.float32),
                jnp.zeros((L,), jnp.int32),
                jnp.zeros((L,), jnp.int32),
                jnp.zeros((L,), jnp.int32))
        m1, m2, m3, id1, id2, id3 = lax.fori_loop(0, N2 // (L * UN),
                                                  v_loop, init)
        g1 = id1 * jnp.int32(L) + lane
        g2 = id2 * jnp.int32(L) + lane
        g3 = id3 * jnp.int32(L) + lane
        outs = (i0_v, i1_v, i2_v)
        zlane = jnp.zeros((L,), jnp.int32)
        lane0 = lane == 0
        for k in range(NSAMPLE):
            mm = jnp.minimum(jnp.minimum(m1, m2), m3)
            s = lax.reduce_min(mm, (0,))
            cand = jnp.minimum(
                jnp.minimum(
                    jnp.where(m1 == s, g1, jnp.int32(BIGI)),
                    jnp.where(m2 == s, g2, jnp.int32(BIGI))),
                jnp.where(m3 == s, g3, jnp.int32(BIGI)))
            ik = lax.reduce_min(cand, (0,))
            plsc.store_scatter(outs[k], [zlane + q], zlane + ik, mask=lane0)
            if k + 1 < NSAMPLE:
                m1 = jnp.where(g1 == ik, inf, m1)
                m2 = jnp.where(g2 == ik, inf, m2)
                m3 = jnp.where(g3 == ik, inf, m3)
        return 0

    lax.fori_loop(0, QWS, q_loop, 0)
    pltpu.sync_copy(i0_v, o0_h.at[pl.ds(qb, QWS)])
    pltpu.sync_copy(i1_v, o1_h.at[pl.ds(qb, QWS)])
    pltpu.sync_copy(i2_v, o2_h.at[pl.ds(qb, QWS)])


def _gather_body(idx0_hbm, idx1_hbm, idx2_hbm, y2_hbm, ymax_hbm, sp_hbm,
                 ssp_hbm, idx0_v, idx1_v, idx2_v, rows_v, ymax_v, stat_v,
                 sems):
    wid = lax.axis_index("s") * NC + lax.axis_index("c")
    qbase = wid * QPW
    zero = jnp.zeros((L,), jnp.float32)

    pltpu.sync_copy(idx0_hbm.at[pl.ds(qbase, QPW)], idx0_v)
    pltpu.sync_copy(idx1_hbm.at[pl.ds(qbase, QPW)], idx1_v)
    pltpu.sync_copy(idx2_hbm.at[pl.ds(qbase, QPW)], idx2_v)
    idx_vs = (idx0_v, idx1_v, idx2_v)
    cps = []
    for c in range(NCHUNK):
        for k in range(3):
            cps.append(pltpu.async_copy(
                y2_hbm.at[idx_vs[k].at[pl.ds(c * CH, CH)]],
                rows_v.at[c, k], sems.at[c]))

    acc = tuple(zero for _ in range(2 * (C1 // L)))
    for c in range(NCHUNK):
        for k in range(3):
            cps[3 * c + k].wait()

        def q_body(q, a_, c=c):
            new_acc = []
            for j in range(C1 // L):
                sl = pl.ds(j * L, L)
                a = rows_v[c, 0, q, sl]
                b = rows_v[c, 1, q, sl]
                d = rows_v[c, 2, q, sl]
                ymax_v[q, sl] = jnp.maximum(jnp.maximum(a, b), d)
                s = a_[2 * j] + (a + b + d)
                ss = a_[2 * j + 1] + (a * a + b * b + d * d)
                new_acc.append(s)
                new_acc.append(ss)
            return tuple(new_acc)

        acc = lax.fori_loop(0, CH, q_body, acc)
        pltpu.sync_copy(ymax_v, ymax_hbm.at[pl.ds(qbase + c * CH, CH)])
    for j in range(C1 // L):
        stat_v[0, pl.ds(j * L, L)] = acc[2 * j]
        stat_v[1, pl.ds(j * L, L)] = acc[2 * j + 1]
    pltpu.sync_copy(stat_v.at[0], sp_hbm.at[wid])
    pltpu.sync_copy(stat_v.at[1], ssp_hbm.at[wid])


def _bn1_kernel(ymax_ref, f1_ref, sp_ref, ssp_ref, g1_ref, be1_ref,
                fr_ref, s2_ref, ss2_ref):
    cnt = jnp.float32(NSAMPLE * N1)
    s1 = jnp.sum(sp_ref[...], axis=0, keepdims=True)
    ss1 = jnp.sum(ssp_ref[...], axis=0, keepdims=True)
    m1 = s1 / cnt
    v1 = jnp.maximum(ss1 / cnt - m1 * m1, 0.0)
    denom = jnp.sqrt(v1 + EPS)
    y = (ymax_ref[...] - m1) / denom * g1_ref[...] + be1_ref[...]
    y = jnp.maximum(y, 0.0)
    fr = f1_ref[...] + y
    fr_ref[...] = fr

    @pl.when(pl.program_id(0) == 0)
    def _():
        s2_ref[...] = jnp.zeros_like(s2_ref)
        ss2_ref[...] = jnp.zeros_like(ss2_ref)

    s2_ref[...] += jnp.sum(fr, axis=0, keepdims=True)
    ss2_ref[...] += jnp.sum(fr * fr, axis=0, keepdims=True)


def _bn2_kernel(fr_ref, s2_ref, ss2_ref, g2_ref, be2_ref, out_ref):
    n = jnp.float32(N1)
    m2 = s2_ref[...] / n
    v2 = jnp.maximum(ss2_ref[...] / n - m2 * m2, 0.0)
    out_ref[...] = (
        (fr_ref[...] - m2) / jnp.sqrt(v2 + EPS) * g2_ref[...] + be2_ref[...]
    )


def kernel(p1, f1, o1, p2, f2, o2, W1, b1, g1, be1, g2, be2):
    del o1, o2

    y2 = pl.pallas_call(
        _y2_kernel,
        out_shape=jax.ShapeDtypeStruct((N2, C1), jnp.float32),
    )(f2, W1.T, b1.reshape(1, C1))

    sc_knn = pl.kernel(
        _sc_knn_body,
        out_type=[
            jax.ShapeDtypeStruct((NSC,), jnp.int32),
            jax.ShapeDtypeStruct((NSC,), jnp.int32),
            jax.ShapeDtypeStruct((NSC,), jnp.int32),
        ],
        mesh=plsc.VectorSubcoreMesh(core_axis_name="c", subcore_axis_name="s"),
        compiler_params=pltpu.CompilerParams(use_tc_tiling_on_sc=False,
                                             needs_layout_passes=False),
        scratch_types=[
            pltpu.VMEM((N2,), jnp.float32),
            pltpu.VMEM((N2,), jnp.float32),
            pltpu.VMEM((N2,), jnp.float32),
            pltpu.VMEM((QWS + L,), jnp.float32),
            pltpu.VMEM((QWS + L,), jnp.float32),
            pltpu.VMEM((QWS + L,), jnp.float32),
            pltpu.VMEM((QWS,), jnp.int32),
            pltpu.VMEM((QWS,), jnp.int32),
            pltpu.VMEM((QWS,), jnp.int32),
        ],
    )
    sidx0, sidx1, sidx2 = sc_knn(
        p2[:, 0], p2[:, 1], p2[:, 2],
        p1[NTC:, 0], p1[NTC:, 1], p1[NTC:, 2])

    tidx0, tidx1, tidx2 = pl.pallas_call(
        _knn_kernel,
        grid=(NTC // RKNN,),
        in_specs=[
            pl.BlockSpec((RKNN, 3), lambda i: (i, 0)),
            pl.BlockSpec((3, N2), lambda i: (0, 0)),
        ],
        out_specs=[pl.BlockSpec((RKNN, 1), lambda i: (i, 0))] * NSAMPLE,
        out_shape=[jax.ShapeDtypeStruct((NTC, 1), jnp.int32)] * NSAMPLE,
    )(p1[:NTC], p2.T)

    sc_gather = pl.kernel(
        _gather_body,
        out_type=[
            jax.ShapeDtypeStruct((N1, C1), jnp.float32),
            jax.ShapeDtypeStruct((NW, C1), jnp.float32),
            jax.ShapeDtypeStruct((NW, C1), jnp.float32),
        ],
        mesh=plsc.VectorSubcoreMesh(core_axis_name="c", subcore_axis_name="s"),
        compiler_params=pltpu.CompilerParams(use_tc_tiling_on_sc=False),
        scratch_types=[
            pltpu.VMEM((QPW,), jnp.int32),
            pltpu.VMEM((QPW,), jnp.int32),
            pltpu.VMEM((QPW,), jnp.int32),
            pltpu.VMEM((NCHUNK, 3, CH, C1), jnp.float32),
            pltpu.VMEM((CH, C1), jnp.float32),
            pltpu.VMEM((2, C1), jnp.float32),
            pltpu.SemaphoreType.DMA((NCHUNK,)),
        ],
    )
    idx0 = jnp.concatenate([tidx0.reshape(NTC), sidx0])
    idx1 = jnp.concatenate([tidx1.reshape(NTC), sidx1])
    idx2 = jnp.concatenate([tidx2.reshape(NTC), sidx2])
    ymax, sp, ssp = sc_gather(idx0, idx1, idx2, y2)

    fr, s2, ss2 = pl.pallas_call(
        _bn1_kernel,
        grid=(N1 // RBN,),
        in_specs=[
            pl.BlockSpec((RBN, C1), lambda i: (i, 0)),
            pl.BlockSpec((RBN, C1), lambda i: (i, 0)),
            pl.BlockSpec((NW, C1), lambda i: (0, 0)),
            pl.BlockSpec((NW, C1), lambda i: (0, 0)),
            pl.BlockSpec((1, C1), lambda i: (0, 0)),
            pl.BlockSpec((1, C1), lambda i: (0, 0)),
        ],
        out_specs=[
            pl.BlockSpec((RBN, C1), lambda i: (i, 0)),
            pl.BlockSpec((1, C1), lambda i: (0, 0)),
            pl.BlockSpec((1, C1), lambda i: (0, 0)),
        ],
        out_shape=[
            jax.ShapeDtypeStruct((N1, C1), jnp.float32),
            jax.ShapeDtypeStruct((1, C1), jnp.float32),
            jax.ShapeDtypeStruct((1, C1), jnp.float32),
        ],
    )(ymax, f1, sp, ssp, g1.reshape(1, C1), be1.reshape(1, C1))

    out = pl.pallas_call(
        _bn2_kernel,
        grid=(N1 // RBN,),
        in_specs=[
            pl.BlockSpec((RBN, C1), lambda i: (i, 0)),
            pl.BlockSpec((1, C1), lambda i: (0, 0)),
            pl.BlockSpec((1, C1), lambda i: (0, 0)),
            pl.BlockSpec((1, C1), lambda i: (0, 0)),
            pl.BlockSpec((1, C1), lambda i: (0, 0)),
        ],
        out_specs=pl.BlockSpec((RBN, C1), lambda i: (i, 0)),
        out_shape=jax.ShapeDtypeStruct((N1, C1), jnp.float32),
    )(fr, s2, ss2, g2.reshape(1, C1), be2.reshape(1, C1))
    return out

# --- scband reference (transcript-rebuilt; emitter-appended) ---
"""Pipeline reference for scband-feature-propogation-47287589929775 (READ-ONLY COPY).

The authoritative reference and input builder live on the scoring server;
editing this copy changes nothing except your own understanding.
"""

import jax, jax.numpy as jnp
import numpy as np

N1, N2 = 16384, 4096
C1, C2 = 64, 128
NSAMPLE = 3
EPS = 1e-5


def setup_inputs(seed: int = 0) -> dict:
    key = jax.random.key(seed)
    ks = jax.random.split(key, 6)
    p1 = jax.random.normal(ks[0], (N1, 3), jnp.float32)
    f1 = jax.random.normal(ks[1], (N1, C1), jnp.float32)
    p2 = jax.random.normal(ks[2], (N2, 3), jnp.float32)
    f2 = jax.random.normal(ks[3], (N2, C2), jnp.float32)
    # offsets are cumulative point counts per batch element (single batch here)
    o1 = jnp.array([N1], dtype=jnp.int32)
    o2 = jnp.array([N2], dtype=jnp.int32)
    # learned parameters: f2conv = Linear(C2 -> C1) + BatchNorm1d(C1) + ReLU; norm = BatchNorm1d(C1)
    W1 = jax.random.normal(ks[4], (C1, C2), jnp.float32) * (1.0 / np.sqrt(C2))
    b1 = jnp.zeros((C1,), jnp.float32)
    g1 = jnp.ones((C1,), jnp.float32)
    be1 = jnp.zeros((C1,), jnp.float32)
    g2 = jnp.ones((C1,), jnp.float32)
    be2 = jnp.zeros((C1,), jnp.float32)
    return {"p1": p1, "f1": f1, "o1": o1, "p2": p2, "f2": f2, "o2": o2,
            "W1": W1, "b1": b1, "g1": g1, "be1": be1, "g2": g2, "be2": be2}


def knn_query(nsample, xyz, offset, new_xyz, new_offset):
    # segmented kNN: each query only matches points in the same batch segment
    n = xyz.shape[0]
    m = new_xyz.shape[0]
    seg_src = jnp.searchsorted(offset, jnp.arange(n), side='right')
    seg_dst = jnp.searchsorted(new_offset, jnp.arange(m), side='right')
    d2 = jnp.sum(jnp.square(new_xyz[:, None, :] - xyz[None, :, :]), axis=-1)  # (m, n)
    d2 = jnp.where(seg_dst[:, None] != seg_src[None, :], jnp.inf, d2)
    neg, idx = jax.lax.top_k(-d2, nsample)
    return idx, jnp.sqrt(jnp.maximum(-neg, 0.0))


def batchnorm(x, gamma, beta, axes):
    # torch BatchNorm1d in training mode: biased variance over batch (and length) dims
    mean = jnp.mean(x, axis=axes, keepdims=True)
    var = jnp.mean(jnp.square(x - mean), axis=axes, keepdims=True)
    return (x - mean) / jnp.sqrt(var + EPS) * gamma + beta


def reference(p1, f1, o1, p2, f2, o2, W1, b1, g1, be1, g2, be2):
    idx, dist = knn_query(NSAMPLE, p2, o2, p1, o1)  # idx: (N1, nsample)
    g = jnp.take(f2, idx, axis=0)                    # (N1, nsample, C2) gather
    y = g @ W1.T + b1                                # Linear(C2 -> C1)
    y = batchnorm(y, g1, be1, (0, 1))                # PointBatchNorm on 3D input
    y = jax.nn.relu(y)
    y = jnp.max(y, axis=-2)                          # max-pool over neighbors
    f = f1 + y
    f = batchnorm(f, g2, be2, (0,))                  # PointBatchNorm on 2D input
    return f

if __name__ == "__main__":
    import jax
    _d = setup_inputs()
    print(jax.jit(kernel)(*tuple(_d.values())))

</pallas_src>

<mosaic_0001>
#map = affine_map<(d0, d1) -> (0)>
module attributes {stable_mosaic.version = 14 : i64} {
  func.func @_sc_knn_body(%arg0: i32, %arg1: i32, %arg2: memref<4096xf32, #tpu.memory_space<hbm>>, %arg3: memref<4096xf32, #tpu.memory_space<hbm>>, %arg4: memref<4096xf32, #tpu.memory_space<hbm>>, %arg5: memref<4096xf32, #tpu.memory_space<hbm>>, %arg6: memref<4096xf32, #tpu.memory_space<hbm>>, %arg7: memref<4096xf32, #tpu.memory_space<hbm>>, %arg8: memref<4096xi32, #tpu.memory_space<hbm>>, %arg9: memref<4096xi32, #tpu.memory_space<hbm>>, %arg10: memref<4096xi32, #tpu.memory_space<hbm>>, %arg11: memref<4096xf32, #tpu.memory_space<vmem>>, %arg12: memref<4096xf32, #tpu.memory_space<vmem>>, %arg13: memref<4096xf32, #tpu.memory_space<vmem>>, %arg14: memref<144xf32, #tpu.memory_space<vmem>>, %arg15: memref<144xf32, #tpu.memory_space<vmem>>, %arg16: memref<144xf32, #tpu.memory_space<vmem>>, %arg17: memref<128xi32, #tpu.memory_space<vmem>>, %arg18: memref<128xi32, #tpu.memory_space<vmem>>, %arg19: memref<128xi32, #tpu.memory_space<vmem>>) attributes {dimension_semantics = [#tpu.dimension_semantics<core_parallel>, #tpu.dimension_semantics<subcore_parallel>], iteration_bounds = array<i64: 2, 16>, scalar_prefetch = 0 : i64, scratch_operands = 9 : i64, tpu.core_type = #tpu.core_type<sc_vector_subcore>, window_params = [{transform_indices = #map}, {transform_indices = #map}, {transform_indices = #map}, {transform_indices = #map}, {transform_indices = #map}, {transform_indices = #map}, {transform_indices = #map}, {transform_indices = #map}, {transform_indices = #map}]} {
    %mul3A = arith.constant 2 : i32
    %mul3A_0 = arith.muli %arg1, %mul3A : i32
    %add3A = arith.addi %mul3A_0, %arg0 : i32
    %mul3A_1 = arith.constant 128 : i32
    %mul3A_2 = arith.muli %add3A, %mul3A_1 : i32
    "tpu.region"() ({
      %run_scoped3A = tpu.sem_alloc : memref<!tpu.dma_semaphore, #tpu.memory_space<semaphore_mem>>
      tpu.enqueue_dma source(%arg2 : memref<4096xf32, #tpu.memory_space<hbm>>) target(%arg11 : memref<4096xf32, #tpu.memory_space<vmem>>) target_semaphore(%run_scoped3A : memref<!tpu.dma_semaphore, #tpu.memory_space<semaphore_mem>>)
      tpu.wait_dma2 semaphore(%run_scoped3A : memref<!tpu.dma_semaphore, #tpu.memory_space<semaphore_mem>>) src(%arg2 : memref<4096xf32, #tpu.memory_space<hbm>>) dst(%arg11 : memref<4096xf32, #tpu.memory_space<vmem>>)
      tpu.yield
    }) : () -> ()
    "tpu.region"() ({
      %run_scoped3A = tpu.sem_alloc : memref<!tpu.dma_semaphore, #tpu.memory_space<semaphore_mem>>
      tpu.enqueue_dma source(%arg3 : memref<4096xf32, #tpu.memory_space<hbm>>) target(%arg12 : memref<4096xf32, #tpu.memory_space<vmem>>) target_semaphore(%run_scoped3A : memref<!tpu.dma_semaphore, #tpu.memory_space<semaphore_mem>>)
      tpu.wait_dma2 semaphore(%run_scoped3A : memref<!tpu.dma_semaphore, #tpu.memory_space<semaphore_mem>>) src(%arg3 : memref<4096xf32, #tpu.memory_space<hbm>>) dst(%arg12 : memref<4096xf32, #tpu.memory_space<vmem>>)
      tpu.yield
    }) : () -> ()
    "tpu.region"() ({
      %run_scoped3A = tpu.sem_alloc : memref<!tpu.dma_semaphore, #tpu.memory_space<semaphore_mem>>
      tpu.enqueue_dma source(%arg4 : memref<4096xf32, #tpu.memory_space<hbm>>) target(%arg13 : memref<4096xf32, #tpu.memory_space<vmem>>) target_semaphore(%run_scoped3A : memref<!tpu.dma_semaphore, #tpu.memory_space<semaphore_mem>>)
      tpu.wait_dma2 semaphore(%run_scoped3A : memref<!tpu.dma_semaphore, #tpu.memory_space<semaphore_mem>>) src(%arg4 : memref<4096xf32, #tpu.memory_space<hbm>>) dst(%arg13 : memref<4096xf32, #tpu.memory_space<vmem>>)
      tpu.yield
    }) : () -> ()
    "tpu.region"() ({
      %run_scoped3A = tpu.sem_alloc : memref<!tpu.dma_semaphore, #tpu.memory_space<semaphore_mem>>
      %dma_start3A = arith.constant 0 : i32
      %dma_start3A_10 = tpu.memref_slice %arg14[%dma_start3A] : memref<144xf32, #tpu.memory_space<vmem>> -> memref<128xf32, #tpu.memory_space<vmem>>
      %dma_start3A_11 = tpu.memref_slice %arg5[%mul3A_2] : memref<4096xf32, #tpu.memory_space<hbm>> -> memref<128xf32, #tpu.memory_space<hbm>>
      %dma_start3A_12 = arith.constant 0 : i32
      %dma_start3A_13 = tpu.memref_slice %arg14[%dma_start3A_12] : memref<144xf32, #tpu.memory_space<vmem>> -> memref<128xf32, #tpu.memory_space<vmem>>
      %dma_start3A_14 = tpu.memref_slice %arg5[%mul3A_2] : memref<4096xf32, #tpu.memory_space<hbm>> -> memref<128xf32, #tpu.memory_space<hbm>>
      tpu.enqueue_dma source(%dma_start3A_14 : memref<128xf32, #tpu.memory_space<hbm>>) target(%dma_start3A_13 : memref<128xf32, #tpu.memory_space<vmem>>) target_semaphore(%run_scoped3A : memref<!tpu.dma_semaphore, #tpu.memory_space<semaphore_mem>>)
      %dma_wait3A = arith.constant 0 : i32
      %dma_wait3A_15 = tpu.memref_slice %arg14[%dma_wait3A] : memref<144xf32, #tpu.memory_space<vmem>> -> memref<128xf32, #tpu.memory_space<vmem>>
      %dma_wait3A_16 = tpu.memref_slice %arg5[%mul3A_2] : memref<4096xf32, #tpu.memory_space<hbm>> -> memref<128xf32, #tpu.memory_space<hbm>>
      %dma_wait3A_17 = arith.constant 0 : i32
      %dma_wait3A_18 = tpu.memref_slice %arg14[%dma_wait3A_17] : memref<144xf32, #tpu.memory_space<vmem>> -> memref<128xf32, #tpu.memory_space<vmem>>
      %dma_wait3A_19 = tpu.memref_slice %arg5[%mul3A_2] : memref<4096xf32, #tpu.memory_space<hbm>> -> memref<128xf32, #tpu.memory_space<hbm>>
      tpu.wait_dma2 semaphore(%run_scoped3A : memref<!tpu.dma_semaphore, #tpu.memory_space<semaphore_mem>>) src(%dma_wait3A_19 : memref<128xf32, #tpu.memory_space<hbm>>) dst(%dma_wait3A_18 : memref<128xf32, #tpu.memory_space<vmem>>)
      tpu.yield
    }) : () -> ()
    "tpu.region"() ({
      %run_scoped3A = tpu.sem_alloc : memref<!tpu.dma_semaphore, #tpu.memory_space<semaphore_mem>>
      %dma_start3A = arith.constant 0 : i32
      %dma_start3A_10 = tpu.memref_slice %arg15[%dma_start3A] : memref<144xf32, #tpu.memory_space<vmem>> -> memref<128xf32, #tpu.memory_space<vmem>>
      %dma_start3A_11 = tpu.memref_slice %arg6[%mul3A_2] : memref<4096xf32, #tpu.memory_space<hbm>> -> memref<128xf32, #tpu.memory_space<hbm>>
      %dma_start3A_12 = arith.constant 0 : i32
      %dma_start3A_13 = tpu.memref_slice %arg15[%dma_start3A_12] : memref<144xf32, #tpu.memory_space<vmem>> -> memref<128xf32, #tpu.memory_space<vmem>>
      %dma_start3A_14 = tpu.memref_slice %arg6[%mul3A_2] : memref<4096xf32, #tpu.memory_space<hbm>> -> memref<128xf32, #tpu.memory_space<hbm>>
      tpu.enqueue_dma source(%dma_start3A_14 : memref<128xf32, #tpu.memory_space<hbm>>) target(%dma_start3A_13 : memref<128xf32, #tpu.memory_space<vmem>>) target_semaphore(%run_scoped3A : memref<!tpu.dma_semaphore, #tpu.memory_space<semaphore_mem>>)
      %dma_wait3A = arith.constant 0 : i32
      %dma_wait3A_15 = tpu.memref_slice %arg15[%dma_wait3A] : memref<144xf32, #tpu.memory_space<vmem>> -> memref<128xf32, #tpu.memory_space<vmem>>
      %dma_wait3A_16 = tpu.memref_slice %arg6[%mul3A_2] : memref<4096xf32, #tpu.memory_space<hbm>> -> memref<128xf32, #tpu.memory_space<hbm>>
      %dma_wait3A_17 = arith.constant 0 : i32
      %dma_wait3A_18 = tpu.memref_slice %arg15[%dma_wait3A_17] : memref<144xf32, #tpu.memory_space<vmem>> -> memref<128xf32, #tpu.memory_space<vmem>>
      %dma_wait3A_19 = tpu.memref_slice %arg6[%mul3A_2] : memref<4096xf32, #tpu.memory_space<hbm>> -> memref<128xf32, #tpu.memory_space<hbm>>
      tpu.wait_dma2 semaphore(%run_scoped3A : memref<!tpu.dma_semaphore, #tpu.memory_space<semaphore_mem>>) src(%dma_wait3A_19 : memref<128xf32, #tpu.memory_space<hbm>>) dst(%dma_wait3A_18 : memref<128xf32, #tpu.memory_space<vmem>>)
      tpu.yield
    }) : () -> ()
    "tpu.region"() ({
      %run_scoped3A = tpu.sem_alloc : memref<!tpu.dma_semaphore, #tpu.memory_space<semaphore_mem>>
      %dma_start3A = arith.constant 0 : i32
      %dma_start3A_10 = tpu.memref_slice %arg16[%dma_start3A] : memref<144xf32, #tpu.memory_space<vmem>> -> memref<128xf32, #tpu.memory_space<vmem>>
      %dma_start3A_11 = tpu.memref_slice %arg7[%mul3A_2] : memref<4096xf32, #tpu.memory_space<hbm>> -> memref<128xf32, #tpu.memory_space<hbm>>
      %dma_start3A_12 = arith.constant 0 : i32
      %dma_start3A_13 = tpu.memref_slice %arg16[%dma_start3A_12] : memref<144xf32, #tpu.memory_space<vmem>> -> memref<128xf32, #tpu.memory_space<vmem>>
      %dma_start3A_14 = tpu.memref_slice %arg7[%mul3A_2] : memref<4096xf32, #tpu.memory_space<hbm>> -> memref<128xf32, #tpu.memory_space<hbm>>
      tpu.enqueue_dma source(%dma_start3A_14 : memref<128xf32, #tpu.memory_space<hbm>>) target(%dma_start3A_13 : memref<128xf32, #tpu.memory_space<vmem>>) target_semaphore(%run_scoped3A : memref<!tpu.dma_semaphore, #tpu.memory_space<semaphore_mem>>)
      %dma_wait3A = arith.constant 0 : i32
      %dma_wait3A_15 = tpu.memref_slice %arg16[%dma_wait3A] : memref<144xf32, #tpu.memory_space<vmem>> -> memref<128xf32, #tpu.memory_space<vmem>>
      %dma_wait3A_16 = tpu.memref_slice %arg7[%mul3A_2] : memref<4096xf32, #tpu.memory_space<hbm>> -> memref<128xf32, #tpu.memory_space<hbm>>
      %dma_wait3A_17 = arith.constant 0 : i32
      %dma_wait3A_18 = tpu.memref_slice %arg16[%dma_wait3A_17] : memref<144xf32, #tpu.memory_space<vmem>> -> memref<128xf32, #tpu.memory_space<vmem>>
      %dma_wait3A_19 = tpu.memref_slice %arg7[%mul3A_2] : memref<4096xf32, #tpu.memory_space<hbm>> -> memref<128xf32, #tpu.memory_space<hbm>>
      tpu.wait_dma2 semaphore(%run_scoped3A : memref<!tpu.dma_semaphore, #tpu.memory_space<semaphore_mem>>) src(%dma_wait3A_19 : memref<128xf32, #tpu.memory_space<hbm>>) dst(%dma_wait3A_18 : memref<128xf32, #tpu.memory_space<vmem>>)
      tpu.yield
    }) : () -> ()
    %iota3A = tpu.iota {dimensions = array<i32: 0>} : vector<16xi32>
    %scan3A = arith.constant 0x7F800000 : f32
    %scan3A_3 = arith.constant 0 : i32
    %scan3A_4 = arith.constant 0 : i32
    %scan3A_5 = arith.constant 128 : i32
    %scan3A_6 = arith.addi %scan3A_4, %scan3A_5 : i32
    %scan3A_7 = arith.constant 1 : i32
    %scan3A_8 = scf.for %scan3A_10 = %scan3A_4 to %scan3A_6 step %scan3A_7 iter_args(%scan3A_11 = %scan3A_3) -> (i32)  : i32 {
      %get3A = arith.index_cast %scan3A_10 : i32 to index
      %get3A_12 = tpu.vector_load %arg14[%get3A] {strides = array<i32>} : memref<144xf32, #tpu.memory_space<vmem>>, vector<16xf32>,
      %slice3A = vector.extract_strided_slice %get3A_12 {offsets = [0], sizes = [1], strides = [1]} : vector<16xf32> to vector<1xf32>
      %squeeze3A = vector.extract %slice3A[0] : f32 from vector<1xf32>
      %get3A_13 = arith.index_cast %scan3A_10 : i32 to index
      %get3A_14 = tpu.vector_load %arg15[%get3A_13] {strides = array<i32>} : memref<144xf32, #tpu.memory_space<vmem>>, vector<16xf32>,
      %slice3A_15 = vector.extract_strided_slice %get3A_14 {offsets = [0], sizes = [1], strides = [1]} : vector<16xf32> to vector<1xf32>
      %squeeze3A_16 = vector.extract %slice3A_15[0] : f32 from vector<1xf32>
      %get3A_17 = arith.index_cast %scan3A_10 : i32 to index
      %get3A_18 = tpu.vector_load %arg16[%get3A_17] {strides = array<i32>} : memref<144xf32, #tpu.memory_space<vmem>>, vector<16xf32>,
      %slice3A_19 = vector.extract_strided_slice %get3A_18 {offsets = [0], sizes = [1], strides = [1]} : vector<16xf32> to vector<1xf32>
      %squeeze3A_20 = vector.extract %slice3A_19[0] : f32 from vector<1xf32>
      %broadcast_in_dim3A = vector.broadcast %scan3A : f32 to vector<16xf32>
      %broadcast_in_dim3A_21 = vector.broadcast %scan3A : f32 to vector<16xf32>
      %broadcast_in_dim3A_22 = vector.broadcast %scan3A : f32 to vector<16xf32>
      %broadcast_in_dim3A_23 = arith.constant 0 : i32
      %broadcast_in_dim3A_24 = vector.broadcast %broadcast_in_dim3A_23 : i32 to vector<16xi32>
      %broadcast_in_dim3A_25 = arith.constant 0 : i32
      %broadcast_in_dim3A_26 = vector.broadcast %broadcast_in_dim3A_25 : i32 to vector<16xi32>
      %broadcast_in_dim3A_27 = arith.constant 0 : i32
      %broadcast_in_dim3A_28 = vector.broadcast %broadcast_in_dim3A_27 : i32 to vector<16xi32>
      %scan3A_29 = arith.constant 0 : i32
      %scan3A_30 = arith.constant 64 : i32
      %scan3A_31 = arith.addi %scan3A_29, %scan3A_30 : i32
      %scan3A_32 = arith.constant 1 : i32
      %scan3A_33:6 = scf.for %scan3A_177 = %scan3A_29 to %scan3A_31 step %scan3A_32 iter_args(%scan3A_178 = %broadcast_in_dim3A, %scan3A_179 = %broadcast_in_dim3A_21, %scan3A_180 = %broadcast_in_dim3A_22, %scan3A_181 = %broadcast_in_dim3A_24, %scan3A_182 = %broadcast_in_dim3A_26, %scan3A_183 = %broadcast_in_dim3A_28) -> (vector<16xf32>, vector<16xf32>, vector<16xf32>, vector<16xi32>, vector<16xi32>, vector<16xi32>)  : i32 {
        %mul3A_184 = arith.constant 4 : i32
        %mul3A_185 = arith.muli %scan3A_177, %mul3A_184 : i32
        %add3A_186 = arith.constant 0 : i32
        %add3A_187 = arith.addi %mul3A_185, %add3A_186 : i32
        %mul3A_188 = arith.constant 16 : i32
        %mul3A_189 = arith.muli %add3A_187, %mul3A_188 : i32
        %get3A_190 = arith.index_cast %mul3A_189 : i32 to index
        %get3A_191 = tpu.vector_load %arg11[%get3A_190] {strides = array<i32>} : memref<4096xf32, #tpu.memory_space<vmem>>, vector<16xf32>,
        %sub3A = vector.broadcast %squeeze3A : f32 to vector<16xf32>
        %sub3A_192 = arith.subf %sub3A, %get3A_191 : vector<16xf32>
        %mul3A_193 = arith.mulf %sub3A_192, %sub3A_192 : vector<16xf32>
        %get3A_194 = arith.index_cast %mul3A_189 : i32 to index
        %get3A_195 = tpu.vector_load %arg12[%get3A_194] {strides = array<i32>} : memref<4096xf32, #tpu.memory_space<vmem>>, vector<16xf32>,
        %sub3A_196 = vector.broadcast %squeeze3A_16 : f32 to vector<16xf32>
        %sub3A_197 = arith.subf %sub3A_196, %get3A_195 : vector<16xf32>
        %mul3A_198 = arith.mulf %sub3A_197, %sub3A_197 : vector<16xf32>
        %add3A_199 = arith.addf %mul3A_193, %mul3A_198 : vector<16xf32>
        %get3A_200 = arith.index_cast %mul3A_189 : i32 to index
        %get3A_201 = tpu.vector_load %arg13[%get3A_200] {strides = array<i32>} : memref<4096xf32, #tpu.memory_space<vmem>>, vector<16xf32>,
        %sub3A_202 = vector.broadcast %squeeze3A_20 : f32 to vector<16xf32>
        %sub3A_203 = arith.subf %sub3A_202, %get3A_201 : vector<16xf32>
        %mul3A_204 = arith.mulf %sub3A_203, %sub3A_203 : vector<16xf32>
        %add3A_205 = arith.addf %add3A_199, %mul3A_204 : vector<16xf32>
        %lt3A = arith.cmpf olt, %add3A_205, %scan3A_178 : vector<16xf32>
        %select_n3A_206 = arith.select %lt3A, %scan3A_178, %add3A_205 : vector<16xi1>, vector<16xf32>
        %broadcast_in_dim3A_207 = vector.broadcast %add3A_187 : i32 to vector<16xi32>
        %select_n3A_208 = arith.select %lt3A, %scan3A_181, %broadcast_in_dim3A_207 : vector<16xi1>, vector<16xi32>
        %select_n3A_209 = arith.select %lt3A, %add3A_205, %scan3A_178 : vector<16xi1>, vector<16xf32>
        %broadcast_in_dim3A_210 = vector.broadcast %add3A_187 : i32 to vector<16xi32>
        %select_n3A_211 = arith.select %lt3A, %broadcast_in_dim3A_210, %scan3A_181 : vector<16xi1>, vector<16xi32>
        %lt3A_212 = arith.cmpf olt, %select_n3A_206, %scan3A_179 : vector<16xf32>
        %select_n3A_213 = arith.select %lt3A_212, %scan3A_179, %select_n3A_206 : vector<16xi1>, vector<16xf32>
        %select_n3A_214 = arith.select %lt3A_212, %scan3A_182, %select_n3A_208 : vector<16xi1>, vector<16xi32>
        %select_n3A_215 = arith.select %lt3A_212, %select_n3A_206, %scan3A_179 : vector<16xi1>, vector<16xf32>
        %select_n3A_216 = arith.select %lt3A_212, %select_n3A_208, %scan3A_182 : vector<16xi1>, vector<16xi32>
        %lt3A_217 = arith.cmpf olt, %select_n3A_213, %scan3A_180 : vector<16xf32>
        %select_n3A_218 = arith.select %lt3A_217, %select_n3A_213, %scan3A_180 : vector<16xi1>, vector<16xf32>
        %select_n3A_219 = arith.select %lt3A_217, %select_n3A_214, %scan3A_183 : vector<16xi1>, vector<16xi32>
        %mul3A_220 = arith.constant 4 : i32
        %mul3A_221 = arith.muli %scan3A_177, %mul3A_220 : i32
        %add3A_222 = arith.constant 1 : i32
        %add3A_223 = arith.addi %mul3A_221, %add3A_222 : i32
        %mul3A_224 = arith.constant 16 : i32
        %mul3A_225 = arith.muli %add3A_223, %mul3A_224 : i32
        %get3A_226 = arith.index_cast %mul3A_225 : i32 to index
        %get3A_227 = tpu.vector_load %arg11[%get3A_226] {strides = array<i32>} : memref<4096xf32, #tpu.memory_space<vmem>>, vector<16xf32>,
        %sub3A_228 = vector.broadcast %squeeze3A : f32 to vector<16xf32>
        %sub3A_229 = arith.subf %sub3A_228, %get3A_227 : vector<16xf32>
        %mul3A_230 = arith.mulf %sub3A_229, %sub3A_229 : vector<16xf32>
        %get3A_231 = arith.index_cast %mul3A_225 : i32 to index
        %get3A_232 = tpu.vector_load %arg12[%get3A_231] {strides = array<i32>} : memref<4096xf32, #tpu.memory_space<vmem>>, vector<16xf32>,
        %sub3A_233 = vector.broadcast %squeeze3A_16 : f32 to vector<16xf32>
        %sub3A_234 = arith.subf %sub3A_233, %get3A_232 : vector<16xf32>
        %mul3A_235 = arith.mulf %sub3A_234, %sub3A_234 : vector<16xf32>
        %add3A_236 = arith.addf %mul3A_230, %mul3A_235 : vector<16xf32>
        %get3A_237 = arith.index_cast %mul3A_225 : i32 to index
        %get3A_238 = tpu.vector_load %arg13[%get3A_237] {strides = array<i32>} : memref<4096xf32, #tpu.memory_space<vmem>>, vector<16xf32>,
        %sub3A_239 = vector.broadcast %squeeze3A_20 : f32 to vector<16xf32>
        %sub3A_240 = arith.subf %sub3A_239, %get3A_238 : vector<16xf32>
        %mul3A_241 = arith.mulf %sub3A_240, %sub3A_240 : vector<16xf32>
        %add3A_242 = arith.addf %add3A_236, %mul3A_241 : vector<16xf32>
        %lt3A_243 = arith.cmpf olt, %add3A_242, %select_n3A_209 : vector<16xf32>
        %select_n3A_244 = arith.select %lt3A_243, %select_n3A_209, %add3A_242 : vector<16xi1>, vector<16xf32>
        %broadcast_in_dim3A_245 = vector.broadcast %add3A_223 : i32 to vector<16xi32>
        %select_n3A_246 = arith.select %lt3A_243, %select_n3A_211, %broadcast_in_dim3A_245 : vector<16xi1>, vector<16xi32>
        %select_n3A_247 = arith.select %lt3A_243, %add3A_242, %select_n3A_209 : vector<16xi1>, vector<16xf32>
        %broadcast_in_dim3A_248 = vector.broadcast %add3A_223 : i32 to vector<16xi32>
        %select_n3A_249 = arith.select %lt3A_243, %broadcast_in_dim3A_248, %select_n3A_211 : vector<16xi1>, vector<16xi32>
        %lt3A_250 = arith.cmpf olt, %select_n3A_244, %select_n3A_215 : vector<16xf32>
        %select_n3A_251 = arith.select %lt3A_250, %select_n3A_215, %select_n3A_244 : vector<16xi1>, vector<16xf32>
        %select_n3A_252 = arith.select %lt3A_250, %select_n3A_216, %select_n3A_246 : vector<16xi1>, vector<16xi32>
        %select_n3A_253 = arith.select %lt3A_250, %select_n3A_244, %select_n3A_215 : vector<16xi1>, vector<16xf32>
        %select_n3A_254 = arith.select %lt3A_250, %select_n3A_246, %select_n3A_216 : vector<16xi1>, vector<16xi32>
        %lt3A_255 = arith.cmpf olt, %select_n3A_251, %select_n3A_218 : vector<16xf32>
        %select_n3A_256 = arith.select %lt3A_255, %select_n3A_251, %select_n3A_218 : vector<16xi1>, vector<16xf32>
        %select_n3A_257 = arith.select %lt3A_255, %select_n3A_252, %select_n3A_219 : vector<16xi1>, vector<16xi32>
        %mul3A_258 = arith.constant 4 : i32
        %mul3A_259 = arith.muli %scan3A_177, %mul3A_258 : i32
        %add3A_260 = arith.constant 2 : i32
        %add3A_261 = arith.addi %mul3A_259, %add3A_260 : i32
        %mul3A_262 = arith.constant 16 : i32
        %mul3A_263 = arith.muli %add3A_261, %mul3A_262 : i32
        %get3A_264 = arith.index_cast %mul3A_263 : i32 to index
        %get3A_265 = tpu.vector_load %arg11[%get3A_264] {strides = array<i32>} : memref<4096xf32, #tpu.memory_space<vmem>>, vector<16xf32>,
        %sub3A_266 = vector.broadcast %squeeze3A : f32 to vector<16xf32>
        %sub3A_267 = arith.subf %sub3A_266, %get3A_265 : vector<16xf32>
        %mul3A_268 = arith.mulf %sub3A_267, %sub3A_267 : vector<16xf32>
        %get3A_269 = arith.index_cast %mul3A_263 : i32 to index
        %get3A_270 = tpu.vector_load %arg12[%get3A_269] {strides = array<i32>} : memref<4096xf32, #tpu.memory_space<vmem>>, vector<16xf32>,
        %sub3A_271 = vector.broadcast %squeeze3A_16 : f32 to vector<16xf32>
        %sub3A_272 = arith.subf %sub3A_271, %get3A_270 : vector<16xf32>
        %mul3A_273 = arith.mulf %sub3A_272, %sub3A_272 : vector<16xf32>
        %add3A_274 = arith.addf %mul3A_268, %mul3A_273 : vector<16xf32>
        %get3A_275 = arith.index_cast %mul3A_263 : i32 to index
        %get3A_276 = tpu.vector_load %arg13[%get3A_275] {strides = array<i32>} : memref<4096xf32, #tpu.memory_space<vmem>>, vector<16xf32>,
        %sub3A_277 = vector.broadcast %squeeze3A_20 : f32 to vector<16xf32>
        %sub3A_278 = arith.subf %sub3A_277, %get3A_276 : vector<16xf32>
        %mul3A_279 = arith.mulf %sub3A_278, %sub3A_278 : vector<16xf32>
        %add3A_280 = arith.addf %add3A_274, %mul3A_279 : vector<16xf32>
        %lt3A_281 = arith.cmpf olt, %add3A_280, %select_n3A_247 : vector<16xf32>
        %select_n3A_282 = arith.select %lt3A_281, %select_n3A_247, %add3A_280 : vector<16xi1>, vector<16xf32>
        %broadcast_in_dim3A_283 = vector.broadcast %add3A_261 : i32 to vector<16xi32>
        %select_n3A_284 = arith.select %lt3A_281, %select_n3A_249, %broadcast_in_dim3A_283 : vector<16xi1>, vector<16xi32>
        %select_n3A_285 = arith.select %lt3A_281, %add3A_280, %select_n3A_247 : vector<16xi1>, vector<16xf32>
        %broadcast_in_dim3A_286 = vector.broadcast %add3A_261 : i32 to vector<16xi32>
        %select_n3A_287 = arith.select %lt3A_281, %broadcast_in_dim3A_286, %select_n3A_249 : vector<16xi1>, vector<16xi32>
        %lt3A_288 = arith.cmpf olt, %select_n3A_282, %select_n3A_253 : vector<16xf32>
        %select_n3A_289 = arith.select %lt3A_288, %select_n3A_253, %select_n3A_282 : vector<16xi1>, vector<16xf32>
        %select_n3A_290 = arith.select %lt3A_288, %select_n3A_254, %select_n3A_284 : vector<16xi1>, vector<16xi32>
        %select_n3A_291 = arith.select %lt3A_288, %select_n3A_282, %select_n3A_253 : vector<16xi1>, vector<16xf32>
        %select_n3A_292 = arith.select %lt3A_288, %select_n3A_284, %select_n3A_254 : vector<16xi1>, vector<16xi32>
        %lt3A_293 = arith.cmpf olt, %select_n3A_289, %select_n3A_256 : vector<16xf32>
        %select_n3A_294 = arith.select %lt3A_293, %select_n3A_289, %select_n3A_256 : vector<16xi1>, vector<16xf32>
        %select_n3A_295 = arith.select %lt3A_293, %select_n3A_290, %select_n3A_257 : vector<16xi1>, vector<16xi32>
        %mul3A_296 = arith.constant 4 : i32
        %mul3A_297 = arith.muli %scan3A_177, %mul3A_296 : i32
        %add3A_298 = arith.constant 3 : i32
        %add3A_299 = arith.addi %mul3A_297, %add3A_298 : i32
        %mul3A_300 = arith.constant 16 : i32
        %mul3A_301 = arith.muli %add3A_299, %mul3A_300 : i32
        %get3A_302 = arith.index_cast %mul3A_301 : i32 to index
        %get3A_303 = tpu.vector_load %arg11[%get3A_302] {strides = array<i32>} : memref<4096xf32, #tpu.memory_space<vmem>>, vector<16xf32>,
        %sub3A_304 = vector.broadcast %squeeze3A : f32 to vector<16xf32>
        %sub3A_305 = arith.subf %sub3A_304, %get3A_303 : vector<16xf32>
        %mul3A_306 = arith.mulf %sub3A_305, %sub3A_305 : vector<16xf32>
        %get3A_307 = arith.index_cast %mul3A_301 : i32 to index
        %get3A_308 = tpu.vector_load %arg12[%get3A_307] {strides = array<i32>} : memref<4096xf32, #tpu.memory_space<vmem>>, vector<16xf32>,
        %sub3A_309 = vector.broadcast %squeeze3A_16 : f32 to vector<16xf32>
        %sub3A_310 = arith.subf %sub3A_309, %get3A_308 : vector<16xf32>
        %mul3A_311 = arith.mulf %sub3A_310, %sub3A_310 : vector<16xf32>
        %add3A_312 = arith.addf %mul3A_306, %mul3A_311 : vector<16xf32>
        %get3A_313 = arith.index_cast %mul3A_301 : i32 to index
        %get3A_314 = tpu.vector_load %arg13[%get3A_313] {strides = array<i32>} : memref<4096xf32, #tpu.memory_space<vmem>>, vector<16xf32>,
        %sub3A_315 = vector.broadcast %squeeze3A_20 : f32 to vector<16xf32>
        %sub3A_316 = arith.subf %sub3A_315, %get3A_314 : vector<16xf32>
        %mul3A_317 = arith.mulf %sub3A_316, %sub3A_316 : vector<16xf32>
        %add3A_318 = arith.addf %add3A_312, %mul3A_317 : vector<16xf32>
        %lt3A_319 = arith.cmpf olt, %add3A_318, %select_n3A_285 : vector<16xf32>
        %select_n3A_320 = arith.select %lt3A_319, %select_n3A_285, %add3A_318 : vector<16xi1>, vector<16xf32>
        %broadcast_in_dim3A_321 = vector.broadcast %add3A_299 : i32 to vector<16xi32>
        %select_n3A_322 = arith.select %lt3A_319, %select_n3A_287, %broadcast_in_dim3A_321 : vector<16xi1>, vector<16xi32>
        %select_n3A_323 = arith.select %lt3A_319, %add3A_318, %select_n3A_285 : vector<16xi1>, vector<16xf32>
        %broadcast_in_dim3A_324 = vector.broadcast %add3A_299 : i32 to vector<16xi32>
        %select_n3A_325 = arith.select %lt3A_319, %broadcast_in_dim3A_324, %select_n3A_287 : vector<16xi1>, vector<16xi32>
        %lt3A_326 = arith.cmpf olt, %select_n3A_320, %select_n3A_291 : vector<16xf32>
        %select_n3A_327 = arith.select %lt3A_326, %select_n3A_291, %select_n3A_320 : vector<16xi1>, vector<16xf32>
        %select_n3A_328 = arith.select %lt3A_326, %select_n3A_292, %select_n3A_322 : vector<16xi1>, vector<16xi32>
        %select_n3A_329 = arith.select %lt3A_326, %select_n3A_320, %select_n3A_291 : vector<16xi1>, vector<16xf32>
        %select_n3A_330 = arith.select %lt3A_326, %select_n3A_322, %select_n3A_292 : vector<16xi1>, vector<16xi32>
        %lt3A_331 = arith.cmpf olt, %select_n3A_327, %select_n3A_294 : vector<16xf32>
        %select_n3A_332 = arith.select %lt3A_331, %select_n3A_327, %select_n3A_294 : vector<16xi1>, vector<16xf32>
        %select_n3A_333 = arith.select %lt3A_331, %select_n3A_328, %select_n3A_295 : vector<16xi1>, vector<16xi32>
        scf.yield %select_n3A_323, %select_n3A_329, %select_n3A_332, %select_n3A_325, %select_n3A_330, %select_n3A_333 : vector<16xf32>, vector<16xf32>, vector<16xf32>, vector<16xi32>, vector<16xi32>, vector<16xi32>
      }
      %scan3A_34 = arith.constant 64 : i32
      %mul3A_35 = arith.constant 16 : i32
      %mul3A_36 = vector.broadcast %mul3A_35 : i32 to vector<16xi32>
      %mul3A_37 = arith.muli %scan3A_33#3, %mul3A_36 : vector<16xi32>
      %add3A_38 = arith.addi %mul3A_37, %iota3A : vector<16xi32>
      %mul3A_39 = arith.constant 16 : i32
      %mul3A_40 = vector.broadcast %mul3A_39 : i32 to vector<16xi32>
      %mul3A_41 = arith.muli %scan3A_33#4, %mul3A_40 : vector<16xi32>
      %add3A_42 = arith.addi %mul3A_41, %iota3A : vector<16xi32>
      %mul3A_43 = arith.constant 16 : i32
      %mul3A_44 = vector.broadcast %mul3A_43 : i32 to vector<16xi32>
      %mul3A_45 = arith.muli %scan3A_33#5, %mul3A_44 : vector<16xi32>
      %add3A_46 = arith.addi %mul3A_45, %iota3A : vector<16xi32>
      %broadcast_in_dim3A_47 = arith.constant 0 : i32
      %broadcast_in_dim3A_48 = vector.broadcast %broadcast_in_dim3A_47 : i32 to vector<16xi32>
      %eq3A = arith.constant 0 : i32
      %eq3A_49 = vector.broadcast %eq3A : i32 to vector<16xi32>
      %eq3A_50 = arith.cmpi eq, %iota3A, %eq3A_49 : vector<16xi32>
      %min3A = arith.minimumf %scan3A_33#0, %scan3A_33#1 : vector<16xf32>
      %min3A_51 = arith.minimumf %min3A, %scan3A_33#2 : vector<16xf32>
      %reduce_min3A = arith.constant true
      %reduce_min3A_52 = vector.broadcast %reduce_min3A : i1 to vector<16xi1>
      %reduce_min3A_53 = tpu.scan <min>, %min3A_51 masked %reduce_min3A_52 : vector<16xf32>, vector<16xi1> -> vector<16xf32>
      %reduce_min3A_54 = vector.extract %reduce_min3A_53[15] : f32 from vector<16xf32>
      %eq3A_55 = vector.broadcast %reduce_min3A_54 : f32 to vector<16xf32>
      %eq3A_56 = arith.cmpf oeq, %scan3A_33#0, %eq3A_55 : vector<16xf32>
      %jit3A = arith.constant 4096 : i32
      %broadcast_in_dim3A_57 = vector.broadcast %jit3A : i32 to vector<16xi32>
      %select_n3A = arith.select %eq3A_56, %add3A_38, %broadcast_in_dim3A_57 : vector<16xi1>, vector<16xi32>
      %eq3A_58 = vector.broadcast %reduce_min3A_54 : f32 to vector<16xf32>
      %eq3A_59 = arith.cmpf oeq, %scan3A_33#1, %eq3A_58 : vector<16xf32>
      %jit3A_60 = arith.constant 4096 : i32
      %broadcast_in_dim3A_61 = vector.broadcast %jit3A_60 : i32 to vector<16xi32>
      %select_n3A_62 = arith.select %eq3A_59, %add3A_42, %broadcast_in_dim3A_61 : vector<16xi1>, vector<16xi32>
      %min3A_63 = arith.minsi %select_n3A, %select_n3A_62 : vector<16xi32>
      %eq3A_64 = vector.broadcast %reduce_min3A_54 : f32 to vector<16xf32>
      %eq3A_65 = arith.cmpf oeq, %scan3A_33#2, %eq3A_64 : vector<16xf32>
      %jit3A_66 = arith.constant 4096 : i32
      %broadcast_in_dim3A_67 = vector.broadcast %jit3A_66 : i32 to vector<16xi32>
      %select_n3A_68 = arith.select %eq3A_65, %add3A_46, %broadcast_in_dim3A_67 : vector<16xi1>, vector<16xi32>
      %min3A_69 = arith.minsi %min3A_63, %select_n3A_68 : vector<16xi32>
      %reduce_min3A_70 = arith.constant true
      %reduce_min3A_71 = vector.broadcast %reduce_min3A_70 : i1 to vector<16xi1>
      %reduce_min3A_72 = arith.constant -2147483648 : i32
      %reduce_min3A_73 = vector.broadcast %reduce_min3A_72 : i32 to vector<16xi32>
      %reduce_min3A_74 = arith.xori %min3A_69, %reduce_min3A_73 : vector<16xi32>
      %reduce_min3A_75 = tpu.scan <min>, %reduce_min3A_74 masked %reduce_min3A_71 : vector<16xi32>, vector<16xi1> -> vector<16xi32>
      %reduce_min3A_76 = arith.xori %reduce_min3A_75, %reduce_min3A_73 : vector<16xi32>
      %reduce_min3A_77 = vector.extract %reduce_min3A_76[15] : i32 from vector<16xi32>
      %add3A_78 = vector.broadcast %scan3A_10 : i32 to vector<16xi32>
      %add3A_79 = arith.addi %broadcast_in_dim3A_48, %add3A_78 : vector<16xi32>
      %add3A_80 = vector.broadcast %reduce_min3A_77 : i32 to vector<16xi32>
      %add3A_81 = arith.addi %broadcast_in_dim3A_48, %add3A_80 : vector<16xi32>
      tpu.vector_store_idx %arg17[%add3A_79], %add3A_81 masked %eq3A_50 : memref<128xi32, #tpu.memory_space<vmem>>[vector<16xi32>], vector<16xi32>, vector<16xi1>
      %eq3A_82 = vector.broadcast %reduce_min3A_77 : i32 to vector<16xi32>
      %eq3A_83 = arith.cmpi eq, %add3A_38, %eq3A_82 : vector<16xi32>
      %broadcast_in_dim3A_84 = vector.broadcast %scan3A : f32 to vector<16xf32>
      %select_n3A_85 = arith.select %eq3A_83, %broadcast_in_dim3A_84, %scan3A_33#0 : vector<16xi1>, vector<16xf32>
      %eq3A_86 = vector.broadcast %reduce_min3A_77 : i32 to vector<16xi32>
      %eq3A_87 = arith.cmpi eq, %add3A_42, %eq3A_86 : vector<16xi32>
      %broadcast_in_dim3A_88 = vector.broadcast %scan3A : f32 to vector<16xf32>
      %select_n3A_89 = arith.select %eq3A_87, %broadcast_in_dim3A_88, %scan3A_33#1 : vector<16xi1>, vector<16xf32>
      %eq3A_90 = vector.broadcast %reduce_min3A_77 : i32 to vector<16xi32>
      %eq3A_91 = arith.cmpi eq, %add3A_46, %eq3A_90 : vector<16xi32>
      %broadcast_in_dim3A_92 = vector.broadcast %scan3A : f32 to vector<16xf32>
      %select_n3A_93 = arith.select %eq3A_91, %broadcast_in_dim3A_92, %scan3A_33#2 : vector<16xi1>, vector<16xf32>
      %min3A_94 = arith.minimumf %select_n3A_85, %select_n3A_89 : vector<16xf32>
      %min3A_95 = arith.minimumf %min3A_94, %select_n3A_93 : vector<16xf32>
      %reduce_min3A_96 = arith.constant true
      %reduce_min3A_97 = vector.broadcast %reduce_min3A_96 : i1 to vector<16xi1>
      %reduce_min3A_98 = tpu.scan <min>, %min3A_95 masked %reduce_min3A_97 : vector<16xf32>, vector<16xi1> -> vector<16xf32>
      %reduce_min3A_99 = vector.extract %reduce_min3A_98[15] : f32 from vector<16xf32>
      %eq3A_100 = vector.broadcast %reduce_min3A_99 : f32 to vector<16xf32>
      %eq3A_101 = arith.cmpf oeq, %select_n3A_85, %eq3A_100 : vector<16xf32>
      %jit3A_102 = arith.constant 4096 : i32
      %broadcast_in_dim3A_103 = vector.broadcast %jit3A_102 : i32 to vector<16xi32>
      %select_n3A_104 = arith.select %eq3A_101, %add3A_38, %broadcast_in_dim3A_103 : vector<16xi1>, vector<16xi32>
      %eq3A_105 = vector.broadcast %reduce_min3A_99 : f32 to vector<16xf32>
      %eq3A_106 = arith.cmpf oeq, %select_n3A_89, %eq3A_105 : vector<16xf32>
      %jit3A_107 = arith.constant 4096 : i32
      %broadcast_in_dim3A_108 = vector.broadcast %jit3A_107 : i32 to vector<16xi32>
      %select_n3A_109 = arith.select %eq3A_106, %add3A_42, %broadcast_in_dim3A_108 : vector<16xi1>, vector<16xi32>
      %min3A_110 = arith.minsi %select_n3A_104, %select_n3A_109 : vector<16xi32>
      %eq3A_111 = vector.broadcast %reduce_min3A_99 : f32 to vector<16xf32>
      %eq3A_112 = arith.cmpf oeq, %select_n3A_93, %eq3A_111 : vector<16xf32>
      %jit3A_113 = arith.constant 4096 : i32
      %broadcast_in_dim3A_114 = vector.broadcast %jit3A_113 : i32 to vector<16xi32>
      %select_n3A_115 = arith.select %eq3A_112, %add3A_46, %broadcast_in_dim3A_114 : vector<16xi1>, vector<16xi32>
      %min3A_116 = arith.minsi %min3A_110, %select_n3A_115 : vector<16xi32>
      %reduce_min3A_117 = arith.constant true
      %reduce_min3A_118 = vector.broadcast %reduce_min3A_117 : i1 to vector<16xi1>
      %reduce_min3A_119 = arith.constant -2147483648 : i32
      %reduce_min3A_120 = vector.broadcast %reduce_min3A_119 : i32 to vector<16xi32>
      %reduce_min3A_121 = arith.xori %min3A_116, %reduce_min3A_120 : vector<16xi32>
      %reduce_min3A_122 = tpu.scan <min>, %reduce_min3A_121 masked %reduce_min3A_118 : vector<16xi32>, vector<16xi1> -> vector<16xi32>
      %reduce_min3A_123 = arith.xori %reduce_min3A_122, %reduce_min3A_120 : vector<16xi32>
      %reduce_min3A_124 = vector.extract %reduce_min3A_123[15] : i32 from vector<16xi32>
      %add3A_125 = vector.broadcast %scan3A_10 : i32 to vector<16xi32>
      %add3A_126 = arith.addi %broadcast_in_dim3A_48, %add3A_125 : vector<16xi32>
      %add3A_127 = vector.broadcast %reduce_min3A_124 : i32 to vector<16xi32>
      %add3A_128 = arith.addi %broadcast_in_dim3A_48, %add3A_127 : vector<16xi32>
      tpu.vector_store_idx %arg18[%add3A_126], %add3A_128 masked %eq3A_50 : memref<128xi32, #tpu.memory_space<vmem>>[vector<16xi32>], vector<16xi32>, vector<16xi1>
      %eq3A_129 = vector.broadcast %reduce_min3A_124 : i32 to vector<16xi32>
      %eq3A_130 = arith.cmpi eq, %add3A_38, %eq3A_129 : vector<16xi32>
      %broadcast_in_dim3A_131 = vector.broadcast %scan3A : f32 to vector<16xf32>
      %select_n3A_132 = arith.select %eq3A_130, %broadcast_in_dim3A_131, %select_n3A_85 : vector<16xi1>, vector<16xf32>
      %eq3A_133 = vector.broadcast %reduce_min3A_124 : i32 to vector<16xi32>
      %eq3A_134 = arith.cmpi eq, %add3A_42, %eq3A_133 : vector<16xi32>
      %broadcast_in_dim3A_135 = vector.broadcast %scan3A : f32 to vector<16xf32>
      %select_n3A_136 = arith.select %eq3A_134, %broadcast_in_dim3A_135, %select_n3A_89 : vector<16xi1>, vector<16xf32>
      %eq3A_137 = vector.broadcast %reduce_min3A_124 : i32 to vector<16xi32>
      %eq3A_138 = arith.cmpi eq, %add3A_46, %eq3A_137 : vector<16xi32>
      %broadcast_in_dim3A_139 = vector.broadcast %scan3A : f32 to vector<16xf32>
      %select_n3A_140 = arith.select %eq3A_138, %broadcast_in_dim3A_139, %select_n3A_93 : vector<16xi1>, vector<16xf32>
      %min3A_141 = arith.minimumf %select_n3A_132, %select_n3A_136 : vector<16xf32>
      %min3A_142 = arith.minimumf %min3A_141, %select_n3A_140 : vector<16xf32>
      %reduce_min3A_143 = arith.constant true
      %reduce_min3A_144 = vector.broadcast %reduce_min3A_143 : i1 to vector<16xi1>
      %reduce_min3A_145 = tpu.scan <min>, %min3A_142 masked %reduce_min3A_144 : vector<16xf32>, vector<16xi1> -> vector<16xf32>
      %reduce_min3A_146 = vector.extract %reduce_min3A_145[15] : f32 from vector<16xf32>
      %eq3A_147 = vector.broadcast %reduce_min3A_146 : f32 to vector<16xf32>
      %eq3A_148 = arith.cmpf oeq, %select_n3A_132, %eq3A_147 : vector<16xf32>
      %jit3A_149 = arith.constant 4096 : i32
      %broadcast_in_dim3A_150 = vector.broadcast %jit3A_149 : i32 to vector<16xi32>
      %select_n3A_151 = arith.select %eq3A_148, %add3A_38, %broadcast_in_dim3A_150 : vector<16xi1>, vector<16xi32>
      %eq3A_152 = vector.broadcast %reduce_min3A_146 : f32 to vector<16xf32>
      %eq3A_153 = arith.cmpf oeq, %select_n3A_136, %eq3A_152 : vector<16xf32>
      %jit3A_154 = arith.constant 4096 : i32
      %broadcast_in_dim3A_155 = vector.broadcast %jit3A_154 : i32 to vector<16xi32>
      %select_n3A_156 = arith.select %eq3A_153, %add3A_42, %broadcast_in_dim3A_155 : vector<16xi1>, vector<16xi32>
      %min3A_157 = arith.minsi %select_n3A_151, %select_n3A_156 : vector<16xi32>
      %eq3A_158 = vector.broadcast %reduce_min3A_146 : f32 to vector<16xf32>
      %eq3A_159 = arith.cmpf oeq, %select_n3A_140, %eq3A_158 : vector<16xf32>
      %jit3A_160 = arith.constant 4096 : i32
      %broadcast_in_dim3A_161 = vector.broadcast %jit3A_160 : i32 to vector<16xi32>
      %select_n3A_162 = arith.select %eq3A_159, %add3A_46, %broadcast_in_dim3A_161 : vector<16xi1>, vector<16xi32>
      %min3A_163 = arith.minsi %min3A_157, %select_n3A_162 : vector<16xi32>
      %reduce_min3A_164 = arith.constant true
      %reduce_min3A_165 = vector.broadcast %reduce_min3A_164 : i1 to vector<16xi1>
      %reduce_min3A_166 = arith.constant -2147483648 : i32
      %reduce_min3A_167 = vector.broadcast %reduce_min3A_166 : i32 to vector<16xi32>
      %reduce_min3A_168 = arith.xori %min3A_163, %reduce_min3A_167 : vector<16xi32>
      %reduce_min3A_169 = tpu.scan <min>, %reduce_min3A_168 masked %reduce_min3A_165 : vector<16xi32>, vector<16xi1> -> vector<16xi32>
      %reduce_min3A_170 = arith.xori %reduce_min3A_169, %reduce_min3A_167 : vector<16xi32>
      %reduce_min3A_171 = vector.extract %reduce_min3A_170[15] : i32 from vector<16xi32>
      %add3A_172 = vector.broadcast %scan3A_10 : i32 to vector<16xi32>
      %add3A_173 = arith.addi %broadcast_in_dim3A_48, %add3A_172 : vector<16xi32>
      %add3A_174 = vector.broadcast %reduce_min3A_171 : i32 to vector<16xi32>
      %add3A_175 = arith.addi %broadcast_in_dim3A_48, %add3A_174 : vector<16xi32>
      tpu.vector_store_idx %arg19[%add3A_173], %add3A_175 masked %eq3A_50 : memref<128xi32, #tpu.memory_space<vmem>>[vector<16xi32>], vector<16xi32>, vector<16xi1>
      %scan3A_176 = arith.constant 0 : i32
      scf.yield %scan3A_176 : i32
    }
    %scan3A_9 = arith.constant 128 : i32
    "tpu.region"() ({
      %run_scoped3A = tpu.sem_alloc : memref<!tpu.dma_semaphore, #tpu.memory_space<semaphore_mem>>
      %dma_start3A = tpu.memref_slice %arg8[%mul3A_2] : memref<4096xi32, #tpu.memory_space<hbm>> -> memref<128xi32, #tpu.memory_space<hbm>>
      %dma_start3A_10 = tpu.memref_slice %arg8[%mul3A_2] : memref<4096xi32, #tpu.memory_space<hbm>> -> memref<128xi32, #tpu.memory_space<hbm>>
      tpu.enqueue_dma source(%arg17 : memref<128xi32, #tpu.memory_space<vmem>>) target(%dma_start3A_10 : memref<128xi32, #tpu.memory_space<hbm>>) target_semaphore(%run_scoped3A : memref<!tpu.dma_semaphore, #tpu.memory_space<semaphore_mem>>)
      %dma_wait3A = tpu.memref_slice %arg8[%mul3A_2] : memref<4096xi32, #tpu.memory_space<hbm>> -> memref<128xi32, #tpu.memory_space<hbm>>
      %dma_wait3A_11 = tpu.memref_slice %arg8[%mul3A_2] : memref<4096xi32, #tpu.memory_space<hbm>> -> memref<128xi32, #tpu.memory_space<hbm>>
      tpu.wait_dma2 semaphore(%run_scoped3A : memref<!tpu.dma_semaphore, #tpu.memory_space<semaphore_mem>>) src(%arg17 : memref<128xi32, #tpu.memory_space<vmem>>) dst(%dma_wait3A_11 : memref<128xi32, #tpu.memory_space<hbm>>)
      tpu.yield
    }) : () -> ()
    "tpu.region"() ({
      %run_scoped3A = tpu.sem_alloc : memref<!tpu.dma_semaphore, #tpu.memory_space<semaphore_mem>>
      %dma_start3A = tpu.memref_slice %arg9[%mul3A_2] : memref<4096xi32, #tpu.memory_space<hbm>> -> memref<128xi32, #tpu.memory_space<hbm>>
      %dma_start3A_10 = tpu.memref_slice %arg9[%mul3A_2] : memref<4096xi32, #tpu.memory_space<hbm>> -> memref<128xi32, #tpu.memory_space<hbm>>
      tpu.enqueue_dma source(%arg18 : memref<128xi32, #tpu.memory_space<vmem>>) target(%dma_start3A_10 : memref<128xi32, #tpu.memory_space<hbm>>) target_semaphore(%run_scoped3A : memref<!tpu.dma_semaphore, #tpu.memory_space<semaphore_mem>>)
      %dma_wait3A = tpu.memref_slice %arg9[%mul3A_2] : memref<4096xi32, #tpu.memory_space<hbm>> -> memref<128xi32, #tpu.memory_space<hbm>>
      %dma_wait3A_11 = tpu.memref_slice %arg9[%mul3A_2] : memref<4096xi32, #tpu.memory_space<hbm>> -> memref<128xi32, #tpu.memory_space<hbm>>
      tpu.wait_dma2 semaphore(%run_scoped3A : memref<!tpu.dma_semaphore, #tpu.memory_space<semaphore_mem>>) src(%arg18 : memref<128xi32, #tpu.memory_space<vmem>>) dst(%dma_wait3A_11 : memref<128xi32, #tpu.memory_space<hbm>>)
      tpu.yield
    }) : () -> ()
    "tpu.region"() ({
      %run_scoped3A = tpu.sem_alloc : memref<!tpu.dma_semaphore, #tpu.memory_space<semaphore_mem>>
      %dma_start3A = tpu.memref_slice %arg10[%mul3A_2] : memref<4096xi32, #tpu.memory_space<hbm>> -> memref<128xi32, #tpu.memory_space<hbm>>
      %dma_start3A_10 = tpu.memref_slice %arg10[%mul3A_2] : memref<4096xi32, #tpu.memory_space<hbm>> -> memref<128xi32, #tpu.memory_space<hbm>>
      tpu.enqueue_dma source(%arg19 : memref<128xi32, #tpu.memory_space<vmem>>) target(%dma_start3A_10 : memref<128xi32, #tpu.memory_space<hbm>>) target_semaphore(%run_scoped3A : memref<!tpu.dma_semaphore, #tpu.memory_space<semaphore_mem>>)
      %dma_wait3A = tpu.memref_slice %arg10[%mul3A_2] : memref<4096xi32, #tpu.memory_space<hbm>> -> memref<128xi32, #tpu.memory_space<hbm>>
      %dma_wait3A_11 = tpu.memref_slice %arg10[%mul3A_2] : memref<4096xi32, #tpu.memory_space<hbm>> -> memref<128xi32, #tpu.memory_space<hbm>>
      tpu.wait_dma2 semaphore(%run_scoped3A : memref<!tpu.dma_semaphore, #tpu.memory_space<semaphore_mem>>) src(%arg19 : memref<128xi32, #tpu.memory_space<vmem>>) dst(%dma_wait3A_11 : memref<128xi32, #tpu.memory_space<hbm>>)
      tpu.yield
    }) : () -> ()
    return
  }
}

#map = affine_map<(d0, d1) -> (0)>
#map1 = affine_map<(d0, d1) -> (0, 0)>
module attributes {stable_mosaic.version = 14 : i64} {
  func.func @_gather_body(%arg0: i32, %arg1: i32, %arg2: memref<16384xi32, #tpu.memory_space<hbm>>, %arg3: memref<16384xi32, #tpu.memory_space<hbm>>, %arg4: memref<16384xi32, #tpu.memory_space<hbm>>, %arg5: memref<4096x64xf32, #tpu.memory_space<hbm>>, %arg6: memref<16384x64xf32, #tpu.memory_space<hbm>>, %arg7: memref<32x64xf32, #tpu.memory_space<hbm>>, %arg8: memref<32x64xf32, #tpu.memory_space<hbm>>, %arg9: memref<512xi32, #tpu.memory_space<vmem>>, %arg10: memref<512xi32, #tpu.memory_space<vmem>>, %arg11: memref<512xi32, #tpu.memory_space<vmem>>, %arg12: memref<4x3x128x64xf32, #tpu.memory_space<vmem>>, %arg13: memref<128x64xf32, #tpu.memory_space<vmem>>, %arg14: memref<2x64xf32, #tpu.memory_space<vmem>>, %arg15: memref<4x!tpu.dma_semaphore, #tpu.memory_space<semaphore_mem>>) attributes {dimension_semantics = [#tpu.dimension_semantics<core_parallel>, #tpu.dimension_semantics<subcore_parallel>], iteration_bounds = array<i64: 2, 16>, scalar_prefetch = 0 : i64, scratch_operands = 7 : i64, tpu.core_type = #tpu.core_type<sc_vector_subcore>, window_params = [{transform_indices = #map}, {transform_indices = #map}, {transform_indices = #map}, {transform_indices = #map1}, {transform_indices = #map1}, {transform_indices = #map1}, {transform_indices = #map1}]} {
    %mul3A = arith.constant 2 : i32
    %mul3A_0 = arith.muli %arg1, %mul3A : i32
    %add3A = arith.addi %mul3A_0, %arg0 : i32
    %mul3A_1 = arith.constant 512 : i32
    %mul3A_2 = arith.muli %add3A, %mul3A_1 : i32
    %broadcast_in_dim3A = arith.constant 0.000000e+00 : f32
    %broadcast_in_dim3A_3 = vector.broadcast %broadcast_in_dim3A : f32 to vector<16xf32>
    "tpu.region"() ({
      %run_scoped3A_417 = tpu.sem_alloc : memref<!tpu.dma_semaphore, #tpu.memory_space<semaphore_mem>>
      %dma_start3A_418 = tpu.memref_slice %arg2[%mul3A_2] : memref<16384xi32, #tpu.memory_space<hbm>> -> memref<512xi32, #tpu.memory_space<hbm>>
      %dma_start3A_419 = tpu.memref_slice %arg2[%mul3A_2] : memref<16384xi32, #tpu.memory_space<hbm>> -> memref<512xi32, #tpu.memory_space<hbm>>
      tpu.enqueue_dma source(%dma_start3A_419 : memref<512xi32, #tpu.memory_space<hbm>>) target(%arg9 : memref<512xi32, #tpu.memory_space<vmem>>) target_semaphore(%run_scoped3A_417 : memref<!tpu.dma_semaphore, #tpu.memory_space<semaphore_mem>>)
      %dma_wait3A_420 = tpu.memref_slice %arg2[%mul3A_2] : memref<16384xi32, #tpu.memory_space<hbm>> -> memref<512xi32, #tpu.memory_space<hbm>>
      %dma_wait3A_421 = tpu.memref_slice %arg2[%mul3A_2] : memref<16384xi32, #tpu.memory_space<hbm>> -> memref<512xi32, #tpu.memory_space<hbm>>
      tpu.wait_dma2 semaphore(%run_scoped3A_417 : memref<!tpu.dma_semaphore, #tpu.memory_space<semaphore_mem>>) src(%dma_wait3A_421 : memref<512xi32, #tpu.memory_space<hbm>>) dst(%arg9 : memref<512xi32, #tpu.memory_space<vmem>>)
      tpu.yield
    }) : () -> ()
    "tpu.region"() ({
      %run_scoped3A_417 = tpu.sem_alloc : memref<!tpu.dma_semaphore, #tpu.memory_space<semaphore_mem>>
      %dma_start3A_418 = tpu.memref_slice %arg3[%mul3A_2] : memref<16384xi32, #tpu.memory_space<hbm>> -> memref<512xi32, #tpu.memory_space<hbm>>
      %dma_start3A_419 = tpu.memref_slice %arg3[%mul3A_2] : memref<16384xi32, #tpu.memory_space<hbm>> -> memref<512xi32, #tpu.memory_space<hbm>>
      tpu.enqueue_dma source(%dma_start3A_419 : memref<512xi32, #tpu.memory_space<hbm>>) target(%arg10 : memref<512xi32, #tpu.memory_space<vmem>>) target_semaphore(%run_scoped3A_417 : memref<!tpu.dma_semaphore, #tpu.memory_space<semaphore_mem>>)
      %dma_wait3A_420 = tpu.memref_slice %arg3[%mul3A_2] : memref<16384xi32, #tpu.memory_space<hbm>> -> memref<512xi32, #tpu.memory_space<hbm>>
      %dma_wait3A_421 = tpu.memref_slice %arg3[%mul3A_2] : memref<16384xi32, #tpu.memory_space<hbm>> -> memref<512xi32, #tpu.memory_space<hbm>>
      tpu.wait_dma2 semaphore(%run_scoped3A_417 : memref<!tpu.dma_semaphore, #tpu.memory_space<semaphore_mem>>) src(%dma_wait3A_421 : memref<512xi32, #tpu.memory_space<hbm>>) dst(%arg10 : memref<512xi32, #tpu.memory_space<vmem>>)
      tpu.yield
    }) : () -> ()
    "tpu.region"() ({
      %run_scoped3A_417 = tpu.sem_alloc : memref<!tpu.dma_semaphore, #tpu.memory_space<semaphore_mem>>
      %dma_start3A_418 = tpu.memref_slice %arg4[%mul3A_2] : memref<16384xi32, #tpu.memory_space<hbm>> -> memref<512xi32, #tpu.memory_space<hbm>>
      %dma_start3A_419 = tpu.memref_slice %arg4[%mul3A_2] : memref<16384xi32, #tpu.memory_space<hbm>> -> memref<512xi32, #tpu.memory_space<hbm>>
      tpu.enqueue_dma source(%dma_start3A_419 : memref<512xi32, #tpu.memory_space<hbm>>) target(%arg11 : memref<512xi32, #tpu.memory_space<vmem>>) target_semaphore(%run_scoped3A_417 : memref<!tpu.dma_semaphore, #tpu.memory_space<semaphore_mem>>)
      %dma_wait3A_420 = tpu.memref_slice %arg4[%mul3A_2] : memref<16384xi32, #tpu.memory_space<hbm>> -> memref<512xi32, #tpu.memory_space<hbm>>
      %dma_wait3A_421 = tpu.memref_slice %arg4[%mul3A_2] : memref<16384xi32, #tpu.memory_space<hbm>> -> memref<512xi32, #tpu.memory_space<hbm>>
      tpu.wait_dma2 semaphore(%run_scoped3A_417 : memref<!tpu.dma_semaphore, #tpu.memory_space<semaphore_mem>>) src(%dma_wait3A_421 : memref<512xi32, #tpu.memory_space<hbm>>) dst(%arg11 : memref<512xi32, #tpu.memory_space<vmem>>)
      tpu.yield
    }) : () -> ()
    %dma_start3A = arith.constant 0 : i32
    %dma_start3A_4 = arith.constant 0 : i32
    %dma_start3A_5 = arith.constant 0 : i32
    %dma_start3A_6 = arith.constant 0 : i32
    %dma_start3A_7 = arith.constant 0 : i32
    %dma_start3A_8 = tpu.memref_slice %arg12[%dma_start3A, %dma_start3A_4, %dma_start3A_6, %dma_start3A_7] : memref<4x3x128x64xf32, #tpu.memory_space<vmem>> -> memref<1x1x128x64xf32, #tpu.memory_space<vmem>>
    %dma_start3A_9 = tpu.memref_squeeze %dma_start3A_8 : memref<1x1x128x64xf32, #tpu.memory_space<vmem>> -> memref<128x64xf32, #tpu.memory_space<vmem>>
    %dma_start3A_10 = arith.constant 0 : i32
    %dma_start3A_11 = tpu.memref_slice %arg9[%dma_start3A_10] : memref<512xi32, #tpu.memory_space<vmem>> -> memref<128xi32, #tpu.memory_space<vmem>>
    %dma_start3A_12 = arith.constant 0 : i32
    %dma_start3A_13 = arith.constant 0 : i32
    %dma_start3A_14 = tpu.memref_slice %arg5[%dma_start3A_12, %dma_start3A_13] : memref<4096x64xf32, #tpu.memory_space<hbm>> -> memref<4096x64xf32, #tpu.memory_space<hbm>>
    %dma_start3A_15 = tpu.memref_slice %arg15[%dma_start3A_5] : memref<4x!tpu.dma_semaphore, #tpu.memory_space<semaphore_mem>> -> memref<1x!tpu.dma_semaphore, #tpu.memory_space<semaphore_mem>>
    %dma_start3A_16 = tpu.memref_squeeze %dma_start3A_15 : memref<1x!tpu.dma_semaphore, #tpu.memory_space<semaphore_mem>> -> memref<!tpu.dma_semaphore, #tpu.memory_space<semaphore_mem>>
    tpu.enqueue_indirect_dma source(%dma_start3A_14 : memref<4096x64xf32, #tpu.memory_space<hbm>>) target(%dma_start3A_9 : memref<128x64xf32, #tpu.memory_space<vmem>>) offsets(%dma_start3A_11 : memref<128xi32, #tpu.memory_space<vmem>>) semaphore(%dma_start3A_16 : memref<!tpu.dma_semaphore, #tpu.memory_space<semaphore_mem>>)
    %dma_start3A_17 = arith.constant 0 : i32
    %dma_start3A_18 = arith.constant 1 : i32
    %dma_start3A_19 = arith.constant 0 : i32
    %dma_start3A_20 = arith.constant 0 : i32
    %dma_start3A_21 = arith.constant 0 : i32
    %dma_start3A_22 = tpu.memref_slice %arg12[%dma_start3A_17, %dma_start3A_18, %dma_start3A_20, %dma_start3A_21] : memref<4x3x128x64xf32, #tpu.memory_space<vmem>> -> memref<1x1x128x64xf32, #tpu.memory_space<vmem>>
    %dma_start3A_23 = tpu.memref_squeeze %dma_start3A_22 : memref<1x1x128x64xf32, #tpu.memory_space<vmem>> -> memref<128x64xf32, #tpu.memory_space<vmem>>
    %dma_start3A_24 = arith.constant 0 : i32
    %dma_start3A_25 = tpu.memref_slice %arg10[%dma_start3A_24] : memref<512xi32, #tpu.memory_space<vmem>> -> memref<128xi32, #tpu.memory_space<vmem>>
    %dma_start3A_26 = arith.constant 0 : i32
    %dma_start3A_27 = arith.constant 0 : i32
    %dma_start3A_28 = tpu.memref_slice %arg5[%dma_start3A_26, %dma_start3A_27] : memref<4096x64xf32, #tpu.memory_space<hbm>> -> memref<4096x64xf32, #tpu.memory_space<hbm>>
    %dma_start3A_29 = tpu.memref_slice %arg15[%dma_start3A_19] : memref<4x!tpu.dma_semaphore, #tpu.memory_space<semaphore_mem>> -> memref<1x!tpu.dma_semaphore, #tpu.memory_space<semaphore_mem>>
    %dma_start3A_30 = tpu.memref_squeeze %dma_start3A_29 : memref<1x!tpu.dma_semaphore, #tpu.memory_space<semaphore_mem>> -> memref<!tpu.dma_semaphore, #tpu.memory_space<semaphore_mem>>
    tpu.enqueue_indirect_dma source(%dma_start3A_28 : memref<4096x64xf32, #tpu.memory_space<hbm>>) target(%dma_start3A_23 : memref<128x64xf32, #tpu.memory_space<vmem>>) offsets(%dma_start3A_25 : memref<128xi32, #tpu.memory_space<vmem>>) semaphore(%dma_start3A_30 : memref<!tpu.dma_semaphore, #tpu.memory_space<semaphore_mem>>)
    %dma_start3A_31 = arith.constant 0 : i32
    %dma_start3A_32 = arith.constant 2 : i32
    %dma_start3A_33 = arith.constant 0 : i32
    %dma_start3A_34 = arith.constant 0 : i32
    %dma_start3A_35 = arith.constant 0 : i32
    %dma_start3A_36 = tpu.memref_slice %arg12[%dma_start3A_31, %dma_start3A_32, %dma_start3A_34, %dma_start3A_35] : memref<4x3x128x64xf32, #tpu.memory_space<vmem>> -> memref<1x1x128x64xf32, #tpu.memory_space<vmem>>
    %dma_start3A_37 = tpu.memref_squeeze %dma_start3A_36 : memref<1x1x128x64xf32, #tpu.memory_space<vmem>> -> memref<128x64xf32, #tpu.memory_space<vmem>>
    %dma_start3A_38 = arith.constant 0 : i32
    %dma_start3A_39 = tpu.memref_slice %arg11[%dma_start3A_38] : memref<512xi32, #tpu.memory_space<vmem>> -> memref<128xi32, #tpu.memory_space<vmem>>
    %dma_start3A_40 = arith.constant 0 : i32
    %dma_start3A_41 = arith.constant 0 : i32
    %dma_start3A_42 = tpu.memref_slice %arg5[%dma_start3A_40, %dma_start3A_41] : memref<4096x64xf32, #tpu.memory_space<hbm>> -> memref<4096x64xf32, #tpu.memory_space<hbm>>
    %dma_start3A_43 = tpu.memref_slice %arg15[%dma_start3A_33] : memref<4x!tpu.dma_semaphore, #tpu.memory_space<semaphore_mem>> -> memref<1x!tpu.dma_semaphore, #tpu.memory_space<semaphore_mem>>
    %dma_start3A_44 = tpu.memref_squeeze %dma_start3A_43 : memref<1x!tpu.dma_semaphore, #tpu.memory_space<semaphore_mem>> -> memref<!tpu.dma_semaphore, #tpu.memory_space<semaphore_mem>>
    tpu.enqueue_indirect_dma source(%dma_start3A_42 : memref<4096x64xf32, #tpu.memory_space<hbm>>) target(%dma_start3A_37 : memref<128x64xf32, #tpu.memory_space<vmem>>) offsets(%dma_start3A_39 : memref<128xi32, #tpu.memory_space<vmem>>) semaphore(%dma_start3A_44 : memref<!tpu.dma_semaphore, #tpu.memory_space<semaphore_mem>>)
    %dma_start3A_45 = arith.constant 1 : i32
    %dma_start3A_46 = arith.constant 0 : i32
    %dma_start3A_47 = arith.constant 1 : i32
    %dma_start3A_48 = arith.constant 0 : i32
    %dma_start3A_49 = arith.constant 0 : i32
    %dma_start3A_50 = tpu.memref_slice %arg12[%dma_start3A_45, %dma_start3A_46, %dma_start3A_48, %dma_start3A_49] : memref<4x3x128x64xf32, #tpu.memory_space<vmem>> -> memref<1x1x128x64xf32, #tpu.memory_space<vmem>>
    %dma_start3A_51 = tpu.memref_squeeze %dma_start3A_50 : memref<1x1x128x64xf32, #tpu.memory_space<vmem>> -> memref<128x64xf32, #tpu.memory_space<vmem>>
    %dma_start3A_52 = arith.constant 128 : i32
    %dma_start3A_53 = tpu.memref_slice %arg9[%dma_start3A_52] : memref<512xi32, #tpu.memory_space<vmem>> -> memref<128xi32, #tpu.memory_space<vmem>>
    %dma_start3A_54 = arith.constant 0 : i32
    %dma_start3A_55 = arith.constant 0 : i32
    %dma_start3A_56 = tpu.memref_slice %arg5[%dma_start3A_54, %dma_start3A_55] : memref<4096x64xf32, #tpu.memory_space<hbm>> -> memref<4096x64xf32, #tpu.memory_space<hbm>>
    %dma_start3A_57 = tpu.memref_slice %arg15[%dma_start3A_47] : memref<4x!tpu.dma_semaphore, #tpu.memory_space<semaphore_mem>> -> memref<1x!tpu.dma_semaphore, #tpu.memory_space<semaphore_mem>>
    %dma_start3A_58 = tpu.memref_squeeze %dma_start3A_57 : memref<1x!tpu.dma_semaphore, #tpu.memory_space<semaphore_mem>> -> memref<!tpu.dma_semaphore, #tpu.memory_space<semaphore_mem>>
    tpu.enqueue_indirect_dma source(%dma_start3A_56 : memref<4096x64xf32, #tpu.memory_space<hbm>>) target(%dma_start3A_51 : memref<128x64xf32, #tpu.memory_space<vmem>>) offsets(%dma_start3A_53 : memref<128xi32, #tpu.memory_space<vmem>>) semaphore(%dma_start3A_58 : memref<!tpu.dma_semaphore, #tpu.memory_space<semaphore_mem>>)
    %dma_start3A_59 = arith.constant 1 : i32
    %dma_start3A_60 = arith.constant 1 : i32
    %dma_start3A_61 = arith.constant 1 : i32
    %dma_start3A_62 = arith.constant 0 : i32
    %dma_start3A_63 = arith.constant 0 : i32
    %dma_start3A_64 = tpu.memref_slice %arg12[%dma_start3A_59, %dma_start3A_60, %dma_start3A_62, %dma_start3A_63] : memref<4x3x128x64xf32, #tpu.memory_space<vmem>> -> memref<1x1x128x64xf32, #tpu.memory_space<vmem>>
    %dma_start3A_65 = tpu.memref_squeeze %dma_start3A_64 : memref<1x1x128x64xf32, #tpu.memory_space<vmem>> -> memref<128x64xf32, #tpu.memory_space<vmem>>
    %dma_start3A_66 = arith.constant 128 : i32
    %dma_start3A_67 = tpu.memref_slice %arg10[%dma_start3A_66] : memref<512xi32, #tpu.memory_space<vmem>> -> memref<128xi32, #tpu.memory_space<vmem>>
    %dma_start3A_68 = arith.constant 0 : i32
    %dma_start3A_69 = arith.constant 0 : i32
    %dma_start3A_70 = tpu.memref_slice %arg5[%dma_start3A_68, %dma_start3A_69] : memref<4096x64xf32, #tpu.memory_space<hbm>> -> memref<4096x64xf32, #tpu.memory_space<hbm>>
    %dma_start3A_71 = tpu.memref_slice %arg15[%dma_start3A_61] : memref<4x!tpu.dma_semaphore, #tpu.memory_space<semaphore_mem>> -> memref<1x!tpu.dma_semaphore, #tpu.memory_space<semaphore_mem>>
    %dma_start3A_72 = tpu.memref_squeeze %dma_start3A_71 : memref<1x!tpu.dma_semaphore, #tpu.memory_space<semaphore_mem>> -> memref<!tpu.dma_semaphore, #tpu.memory_space<semaphore_mem>>
    tpu.enqueue_indirect_dma source(%dma_start3A_70 : memref<4096x64xf32, #tpu.memory_space<hbm>>) target(%dma_start3A_65 : memref<128x64xf32, #tpu.memory_space<vmem>>) offsets(%dma_start3A_67 : memref<128xi32, #tpu.memory_space<vmem>>) semaphore(%dma_start3A_72 : memref<!tpu.dma_semaphore, #tpu.memory_space<semaphore_mem>>)
    %dma_start3A_73 = arith.constant 1 : i32
    %dma_start3A_74 = arith.constant 2 : i32
    %dma_start3A_75 = arith.constant 1 : i32
    %dma_start3A_76 = arith.constant 0 : i32
    %dma_start3A_77 = arith.constant 0 : i32
    %dma_start3A_78 = tpu.memref_slice %arg12[%dma_start3A_73, %dma_start3A_74, %dma_start3A_76, %dma_start3A_77] : memref<4x3x128x64xf32, #tpu.memory_space<vmem>> -> memref<1x1x128x64xf32, #tpu.memory_space<vmem>>
    %dma_start3A_79 = tpu.memref_squeeze %dma_start3A_78 : memref<1x1x128x64xf32, #tpu.memory_space<vmem>> -> memref<128x64xf32, #tpu.memory_space<vmem>>
    %dma_start3A_80 = arith.constant 128 : i32
    %dma_start3A_81 = tpu.memref_slice %arg11[%dma_start3A_80] : memref<512xi32, #tpu.memory_space<vmem>> -> memref<128xi32, #tpu.memory_space<vmem>>
    %dma_start3A_82 = arith.constant 0 : i32
    %dma_start3A_83 = arith.constant 0 : i32
    %dma_start3A_84 = tpu.memref_slice %arg5[%dma_start3A_82, %dma_start3A_83] : memref<4096x64xf32, #tpu.memory_space<hbm>> -> memref<4096x64xf32, #tpu.memory_space<hbm>>
    %dma_start3A_85 = tpu.memref_slice %arg15[%dma_start3A_75] : memref<4x!tpu.dma_semaphore, #tpu.memory_space<semaphore_mem>> -> memref<1x!tpu.dma_semaphore, #tpu.memory_space<semaphore_mem>>
    %dma_start3A_86 = tpu.memref_squeeze %dma_start3A_85 : memref<1x!tpu.dma_semaphore, #tpu.memory_space<semaphore_mem>> -> memref<!tpu.dma_semaphore, #tpu.memory_space<semaphore_mem>>
    tpu.enqueue_indirect_dma source(%dma_start3A_84 : memref<4096x64xf32, #tpu.memory_space<hbm>>) target(%dma_start3A_79 : memref<128x64xf32, #tpu.memory_space<vmem>>) offsets(%dma_start3A_81 : memref<128xi32, #tpu.memory_space<vmem>>) semaphore(%dma_start3A_86 : memref<!tpu.dma_semaphore, #tpu.memory_space<semaphore_mem>>)
    %dma_start3A_87 = arith.constant 2 : i32
    %dma_start3A_88 = arith.constant 0 : i32
    %dma_start3A_89 = arith.constant 2 : i32
    %dma_start3A_90 = arith.constant 0 : i32
    %dma_start3A_91 = arith.constant 0 : i32
    %dma_start3A_92 = tpu.memref_slice %arg12[%dma_start3A_87, %dma_start3A_88, %dma_start3A_90, %dma_start3A_91] : memref<4x3x128x64xf32, #tpu.memory_space<vmem>> -> memref<1x1x128x64xf32, #tpu.memory_space<vmem>>
    %dma_start3A_93 = tpu.memref_squeeze %dma_start3A_92 : memref<1x1x128x64xf32, #tpu.memory_space<vmem>> -> memref<128x64xf32, #tpu.memory_space<vmem>>
    %dma_start3A_94 = arith.constant 256 : i32
    %dma_start3A_95 = tpu.memref_slice %arg9[%dma_start3A_94] : memref<512xi32, #tpu.memory_space<vmem>> -> memref<128xi32, #tpu.memory_space<vmem>>
    %dma_start3A_96 = arith.constant 0 : i32
    %dma_start3A_97 = arith.constant 0 : i32
    %dma_start3A_98 = tpu.memref_slice %arg5[%dma_start3A_96, %dma_start3A_97] : memref<4096x64xf32, #tpu.memory_space<hbm>> -> memref<4096x64xf32, #tpu.memory_space<hbm>>
    %dma_start3A_99 = tpu.memref_slice %arg15[%dma_start3A_89] : memref<4x!tpu.dma_semaphore, #tpu.memory_space<semaphore_mem>> -> memref<1x!tpu.dma_semaphore, #tpu.memory_space<semaphore_mem>>
    %dma_start3A_100 = tpu.memref_squeeze %dma_start3A_99 : memref<1x!tpu.dma_semaphore, #tpu.memory_space<semaphore_mem>> -> memref<!tpu.dma_semaphore, #tpu.memory_space<semaphore_mem>>
    tpu.enqueue_indirect_dma source(%dma_start3A_98 : memref<4096x64xf32, #tpu.memory_space<hbm>>) target(%dma_start3A_93 : memref<128x64xf32, #tpu.memory_space<vmem>>) offsets(%dma_start3A_95 : memref<128xi32, #tpu.memory_space<vmem>>) semaphore(%dma_start3A_100 : memref<!tpu.dma_semaphore, #tpu.memory_space<semaphore_mem>>)
    %dma_start3A_101 = arith.constant 2 : i32
    %dma_start3A_102 = arith.constant 1 : i32
    %dma_start3A_103 = arith.constant 2 : i32
    %dma_start3A_104 = arith.constant 0 : i32
    %dma_start3A_105 = arith.constant 0 : i32
    %dma_start3A_106 = tpu.memref_slice %arg12[%dma_start3A_101, %dma_start3A_102, %dma_start3A_104, %dma_start3A_105] : memref<4x3x128x64xf32, #tpu.memory_space<vmem>> -> memref<1x1x128x64xf32, #tpu.memory_space<vmem>>
    %dma_start3A_107 = tpu.memref_squeeze %dma_start3A_106 : memref<1x1x128x64xf32, #tpu.memory_space<vmem>> -> memref<128x64xf32, #tpu.memory_space<vmem>>
    %dma_start3A_108 = arith.constant 256 : i32
    %dma_start3A_109 = tpu.memref_slice %arg10[%dma_start3A_108] : memref<512xi32, #tpu.memory_space<vmem>> -> memref<128xi32, #tpu.memory_space<vmem>>
    %dma_start3A_110 = arith.constant 0 : i32
    %dma_start3A_111 = arith.constant 0 : i32
    %dma_start3A_112 = tpu.memref_slice %arg5[%dma_start3A_110, %dma_start3A_111] : memref<4096x64xf32, #tpu.memory_space<hbm>> -> memref<4096x64xf32, #tpu.memory_space<hbm>>
    %dma_start3A_113 = tpu.memref_slice %arg15[%dma_start3A_103] : memref<4x!tpu.dma_semaphore, #tpu.memory_space<semaphore_mem>> -> memref<1x!tpu.dma_semaphore, #tpu.memory_space<semaphore_mem>>
    %dma_start3A_114 = tpu.memref_squeeze %dma_start3A_113 : memref<1x!tpu.dma_semaphore, #tpu.memory_space<semaphore_mem>> -> memref<!tpu.dma_semaphore, #tpu.memory_space<semaphore_mem>>
    tpu.enqueue_indirect_dma source(%dma_start3A_112 : memref<4096x64xf32, #tpu.memory_space<hbm>>) target(%dma_start3A_107 : memref<128x64xf32, #tpu.memory_space<vmem>>) offsets(%dma_start3A_109 : memref<128xi32, #tpu.memory_space<vmem>>) semaphore(%dma_start3A_114 : memref<!tpu.dma_semaphore, #tpu.memory_space<semaphore_mem>>)
    %dma_start3A_115 = arith.constant 2 : i32
    %dma_start3A_116 = arith.constant 2 : i32
    %dma_start3A_117 = arith.constant 2 : i32
    %dma_start3A_118 = arith.constant 0 : i32
    %dma_start3A_119 = arith.constant 0 : i32
    %dma_start3A_120 = tpu.memref_slice %arg12[%dma_start3A_115, %dma_start3A_116, %dma_start3A_118, %dma_start3A_119] : memref<4x3x128x64xf32, #tpu.memory_space<vmem>> -> memref<1x1x128x64xf32, #tpu.memory_space<vmem>>
    %dma_start3A_121 = tpu.memref_squeeze %dma_start3A_120 : memref<1x1x128x64xf32, #tpu.memory_space<vmem>> -> memref<128x64xf32, #tpu.memory_space<vmem>>
    %dma_start3A_122 = arith.constant 256 : i32
    %dma_start3A_123 = tpu.memref_slice %arg11[%dma_start3A_122] : memref<512xi32, #tpu.memory_space<vmem>> -> memref<128xi32, #tpu.memory_space<vmem>>
    %dma_start3A_124 = arith.constant 0 : i32
    %dma_start3A_125 = arith.constant 0 : i32
    %dma_start3A_126 = tpu.memref_slice %arg5[%dma_start3A_124, %dma_start3A_125] : memref<4096x64xf32, #tpu.memory_space<hbm>> -> memref<4096x64xf32, #tpu.memory_space<hbm>>
    %dma_start3A_127 = tpu.memref_slice %arg15[%dma_start3A_117] : memref<4x!tpu.dma_semaphore, #tpu.memory_space<semaphore_mem>> -> memref<1x!tpu.dma_semaphore, #tpu.memory_space<semaphore_mem>>
    %dma_start3A_128 = tpu.memref_squeeze %dma_start3A_127 : memref<1x!tpu.dma_semaphore, #tpu.memory_space<semaphore_mem>> -> memref<!tpu.dma_semaphore, #tpu.memory_space<semaphore_mem>>
    tpu.enqueue_indirect_dma source(%dma_start3A_126 : memref<4096x64xf32, #tpu.memory_space<hbm>>) target(%dma_start3A_121 : memref<128x64xf32, #tpu.memory_space<vmem>>) offsets(%dma_start3A_123 : memref<128xi32, #tpu.memory_space<vmem>>) semaphore(%dma_start3A_128 : memref<!tpu.dma_semaphore, #tpu.memory_space<semaphore_mem>>)
    %dma_start3A_129 = arith.constant 3 : i32
    %dma_start3A_130 = arith.constant 0 : i32
    %dma_start3A_131 = arith.constant 3 : i32
    %dma_start3A_132 = arith.constant 0 : i32
    %dma_start3A_133 = arith.constant 0 : i32
    %dma_start3A_134 = tpu.memref_slice %arg12[%dma_start3A_129, %dma_start3A_130, %dma_start3A_132, %dma_start3A_133] : memref<4x3x128x64xf32, #tpu.memory_space<vmem>> -> memref<1x1x128x64xf32, #tpu.memory_space<vmem>>
    %dma_start3A_135 = tpu.memref_squeeze %dma_start3A_134 : memref<1x1x128x64xf32, #tpu.memory_space<vmem>> -> memref<128x64xf32, #tpu.memory_space<vmem>>
    %dma_start3A_136 = arith.constant 384 : i32
    %dma_start3A_137 = tpu.memref_slice %arg9[%dma_start3A_136] : memref<512xi32, #tpu.memory_space<vmem>> -> memref<128xi32, #tpu.memory_space<vmem>>
    %dma_start3A_138 = arith.constant 0 : i32
    %dma_start3A_139 = arith.constant 0 : i32
    %dma_start3A_140 = tpu.memref_slice %arg5[%dma_start3A_138, %dma_start3A_139] : memref<4096x64xf32, #tpu.memory_space<hbm>> -> memref<4096x64xf32, #tpu.memory_space<hbm>>
    %dma_start3A_141 = tpu.memref_slice %arg15[%dma_start3A_131] : memref<4x!tpu.dma_semaphore, #tpu.memory_space<semaphore_mem>> -> memref<1x!tpu.dma_semaphore, #tpu.memory_space<semaphore_mem>>
    %dma_start3A_142 = tpu.memref_squeeze %dma_start3A_141 : memref<1x!tpu.dma_semaphore, #tpu.memory_space<semaphore_mem>> -> memref<!tpu.dma_semaphore, #tpu.memory_space<semaphore_mem>>
    tpu.enqueue_indirect_dma source(%dma_start3A_140 : memref<4096x64xf32, #tpu.memory_space<hbm>>) target(%dma_start3A_135 : memref<128x64xf32, #tpu.memory_space<vmem>>) offsets(%dma_start3A_137 : memref<128xi32, #tpu.memory_space<vmem>>) semaphore(%dma_start3A_142 : memref<!tpu.dma_semaphore, #tpu.memory_space<semaphore_mem>>)
    %dma_start3A_143 = arith.constant 3 : i32
    %dma_start3A_144 = arith.constant 1 : i32
    %dma_start3A_145 = arith.constant 3 : i32
    %dma_start3A_146 = arith.constant 0 : i32
    %dma_start3A_147 = arith.constant 0 : i32
    %dma_start3A_148 = tpu.memref_slice %arg12[%dma_start3A_143, %dma_start3A_144, %dma_start3A_146, %dma_start3A_147] : memref<4x3x128x64xf32, #tpu.memory_space<vmem>> -> memref<1x1x128x64xf32, #tpu.memory_space<vmem>>
    %dma_start3A_149 = tpu.memref_squeeze %dma_start3A_148 : memref<1x1x128x64xf32, #tpu.memory_space<vmem>> -> memref<128x64xf32, #tpu.memory_space<vmem>>
    %dma_start3A_150 = arith.constant 384 : i32
    %dma_start3A_151 = tpu.memref_slice %arg10[%dma_start3A_150] : memref<512xi32, #tpu.memory_space<vmem>> -> memref<128xi32, #tpu.memory_space<vmem>>
    %dma_start3A_152 = arith.constant 0 : i32
    %dma_start3A_153 = arith.constant 0 : i32
    %dma_start3A_154 = tpu.memref_slice %arg5[%dma_start3A_152, %dma_start3A_153] : memref<4096x64xf32, #tpu.memory_space<hbm>> -> memref<4096x64xf32, #tpu.memory_space<hbm>>
    %dma_start3A_155 = tpu.memref_slice %arg15[%dma_start3A_145] : memref<4x!tpu.dma_semaphore, #tpu.memory_space<semaphore_mem>> -> memref<1x!tpu.dma_semaphore, #tpu.memory_space<semaphore_mem>>
    %dma_start3A_156 = tpu.memref_squeeze %dma_start3A_155 : memref<1x!tpu.dma_semaphore, #tpu.memory_space<semaphore_mem>> -> memref<!tpu.dma_semaphore, #tpu.memory_space<semaphore_mem>>
    tpu.enqueue_indirect_dma source(%dma_start3A_154 : memref<4096x64xf32, #tpu.memory_space<hbm>>) target(%dma_start3A_149 : memref<128x64xf32, #tpu.memory_space<vmem>>) offsets(%dma_start3A_151 : memref<128xi32, #tpu.memory_space<vmem>>) semaphore(%dma_start3A_156 : memref<!tpu.dma_semaphore, #tpu.memory_space<semaphore_mem>>)
    %dma_start3A_157 = arith.constant 3 : i32
    %dma_start3A_158 = arith.constant 2 : i32
    %dma_start3A_159 = arith.constant 3 : i32
    %dma_start3A_160 = arith.constant 0 : i32
    %dma_start3A_161 = arith.constant 0 : i32
    %dma_start3A_162 = tpu.memref_slice %arg12[%dma_start3A_157, %dma_start3A_158, %dma_start3A_160, %dma_start3A_161] : memref<4x3x128x64xf32, #tpu.memory_space<vmem>> -> memref<1x1x128x64xf32, #tpu.memory_space<vmem>>
    %dma_start3A_163 = tpu.memref_squeeze %dma_start3A_162 : memref<1x1x128x64xf32, #tpu.memory_space<vmem>> -> memref<128x64xf32, #tpu.memory_space<vmem>>
    %dma_start3A_164 = arith.constant 384 : i32
    %dma_start3A_165 = tpu.memref_slice %arg11[%dma_start3A_164] : memref<512xi32, #tpu.memory_space<vmem>> -> memref<128xi32, #tpu.memory_space<vmem>>
    %dma_start3A_166 = arith.constant 0 : i32
    %dma_start3A_167 = arith.constant 0 : i32
    %dma_start3A_168 = tpu.memref_slice %arg5[%dma_start3A_166, %dma_start3A_167] : memref<4096x64xf32, #tpu.memory_space<hbm>> -> memref<4096x64xf32, #tpu.memory_space<hbm>>
    %dma_start3A_169 = tpu.memref_slice %arg15[%dma_start3A_159] : memref<4x!tpu.dma_semaphore, #tpu.memory_space<semaphore_mem>> -> memref<1x!tpu.dma_semaphore, #tpu.memory_space<semaphore_mem>>
    %dma_start3A_170 = tpu.memref_squeeze %dma_start3A_169 : memref<1x!tpu.dma_semaphore, #tpu.memory_space<semaphore_mem>> -> memref<!tpu.dma_semaphore, #tpu.memory_space<semaphore_mem>>
    tpu.enqueue_indirect_dma source(%dma_start3A_168 : memref<4096x64xf32, #tpu.memory_space<hbm>>) target(%dma_start3A_163 : memref<128x64xf32, #tpu.memory_space<vmem>>) offsets(%dma_start3A_165 : memref<128xi32, #tpu.memory_space<vmem>>) semaphore(%dma_start3A_170 : memref<!tpu.dma_semaphore, #tpu.memory_space<semaphore_mem>>)
    %dma_wait3A = arith.constant 0 : i32
    %dma_wait3A_171 = arith.constant 0 : i32
    %dma_wait3A_172 = arith.constant 0 : i32
    %dma_wait3A_173 = arith.constant 0 : i32
    %dma_wait3A_174 = arith.constant 0 : i32
    %dma_wait3A_175 = tpu.memref_slice %arg12[%dma_wait3A, %dma_wait3A_171, %dma_wait3A_173, %dma_wait3A_174] : memref<4x3x128x64xf32, #tpu.memory_space<vmem>> -> memref<1x1x128x64xf32, #tpu.memory_space<vmem>>
    %dma_wait3A_176 = tpu.memref_squeeze %dma_wait3A_175 : memref<1x1x128x64xf32, #tpu.memory_space<vmem>> -> memref<128x64xf32, #tpu.memory_space<vmem>>
    %dma_wait3A_177 = arith.constant 0 : i32
    %dma_wait3A_178 = tpu.memref_slice %arg9[%dma_wait3A_177] : memref<512xi32, #tpu.memory_space<vmem>> -> memref<128xi32, #tpu.memory_space<vmem>>
    %dma_wait3A_179 = arith.constant 0 : i32
    %dma_wait3A_180 = arith.constant 0 : i32
    %dma_wait3A_181 = tpu.memref_slice %arg5[%dma_wait3A_179, %dma_wait3A_180] : memref<4096x64xf32, #tpu.memory_space<hbm>> -> memref<4096x64xf32, #tpu.memory_space<hbm>>
    %dma_wait3A_182 = tpu.memref_slice %arg15[%dma_wait3A_172] : memref<4x!tpu.dma_semaphore, #tpu.memory_space<semaphore_mem>> -> memref<1x!tpu.dma_semaphore, #tpu.memory_space<semaphore_mem>>
    %dma_wait3A_183 = tpu.memref_squeeze %dma_wait3A_182 : memref<1x!tpu.dma_semaphore, #tpu.memory_space<semaphore_mem>> -> memref<!tpu.dma_semaphore, #tpu.memory_space<semaphore_mem>>
    tpu.wait_indirect_dma semaphore(%dma_wait3A_183 : memref<!tpu.dma_semaphore, #tpu.memory_space<semaphore_mem>>) src(%dma_wait3A_181 : memref<4096x64xf32, #tpu.memory_space<hbm>>) dst(%dma_wait3A_176 : memref<128x64xf32, #tpu.memory_space<vmem>>)
    %dma_wait3A_184 = arith.constant 0 : i32
    %dma_wait3A_185 = arith.constant 1 : i32
    %dma_wait3A_186 = arith.constant 0 : i32
    %dma_wait3A_187 = arith.constant 0 : i32
    %dma_wait3A_188 = arith.constant 0 : i32
    %dma_wait3A_189 = tpu.memref_slice %arg12[%dma_wait3A_184, %dma_wait3A_185, %dma_wait3A_187, %dma_wait3A_188] : memref<4x3x128x64xf32, #tpu.memory_space<vmem>> -> memref<1x1x128x64xf32, #tpu.memory_space<vmem>>
    %dma_wait3A_190 = tpu.memref_squeeze %dma_wait3A_189 : memref<1x1x128x64xf32, #tpu.memory_space<vmem>> -> memref<128x64xf32, #tpu.memory_space<vmem>>
    %dma_wait3A_191 = arith.constant 0 : i32
    %dma_wait3A_192 = tpu.memref_slice %arg10[%dma_wait3A_191] : memref<512xi32, #tpu.memory_space<vmem>> -> memref<128xi32, #tpu.memory_space<vmem>>
    %dma_wait3A_193 = arith.constant 0 : i32
    %dma_wait3A_194 = arith.constant 0 : i32
    %dma_wait3A_195 = tpu.memref_slice %arg5[%dma_wait3A_193, %dma_wait3A_194] : memref<4096x64xf32, #tpu.memory_space<hbm>> -> memref<4096x64xf32, #tpu.memory_space<hbm>>
    %dma_wait3A_196 = tpu.memref_slice %arg15[%dma_wait3A_186] : memref<4x!tpu.dma_semaphore, #tpu.memory_space<semaphore_mem>> -> memref<1x!tpu.dma_semaphore, #tpu.memory_space<semaphore_mem>>
    %dma_wait3A_197 = tpu.memref_squeeze %dma_wait3A_196 : memref<1x!tpu.dma_semaphore, #tpu.memory_space<semaphore_mem>> -> memref<!tpu.dma_semaphore, #tpu.memory_space<semaphore_mem>>
    tpu.wait_indirect_dma semaphore(%dma_wait3A_197 : memref<!tpu.dma_semaphore, #tpu.memory_space<semaphore_mem>>) src(%dma_wait3A_195 : memref<4096x64xf32, #tpu.memory_space<hbm>>) dst(%dma_wait3A_190 : memref<128x64xf32, #tpu.memory_space<vmem>>)
    %dma_wait3A_198 = arith.constant 0 : i32
    %dma_wait3A_199 = arith.constant 2 : i32
    %dma_wait3A_200 = arith.constant 0 : i32
    %dma_wait3A_201 = arith.constant 0 : i32
    %dma_wait3A_202 = arith.constant 0 : i32
    %dma_wait3A_203 = tpu.memref_slice %arg12[%dma_wait3A_198, %dma_wait3A_199, %dma_wait3A_201, %dma_wait3A_202] : memref<4x3x128x64xf32, #tpu.memory_space<vmem>> -> memref<1x1x128x64xf32, #tpu.memory_space<vmem>>
    %dma_wait3A_204 = tpu.memref_squeeze %dma_wait3A_203 : memref<1x1x128x64xf32, #tpu.memory_space<vmem>> -> memref<128x64xf32, #tpu.memory_space<vmem>>
    %dma_wait3A_205 = arith.constant 0 : i32
    %dma_wait3A_206 = tpu.memref_slice %arg11[%dma_wait3A_205] : memref<512xi32, #tpu.memory_space<vmem>> -> memref<128xi32, #tpu.memory_space<vmem>>
    %dma_wait3A_207 = arith.constant 0 : i32
    %dma_wait3A_208 = arith.constant 0 : i32
    %dma_wait3A_209 = tpu.memref_slice %arg5[%dma_wait3A_207, %dma_wait3A_208] : memref<4096x64xf32, #tpu.memory_space<hbm>> -> memref<4096x64xf32, #tpu.memory_space<hbm>>
    %dma_wait3A_210 = tpu.memref_slice %arg15[%dma_wait3A_200] : memref<4x!tpu.dma_semaphore, #tpu.memory_space<semaphore_mem>> -> memref<1x!tpu.dma_semaphore, #tpu.memory_space<semaphore_mem>>
    %dma_wait3A_211 = tpu.memref_squeeze %dma_wait3A_210 : memref<1x!tpu.dma_semaphore, #tpu.memory_space<semaphore_mem>> -> memref<!tpu.dma_semaphore, #tpu.memory_space<semaphore_mem>>
    tpu.wait_indirect_dma semaphore(%dma_wait3A_211 : memref<!tpu.dma_semaphore, #tpu.memory_space<semaphore_mem>>) src(%dma_wait3A_209 : memref<4096x64xf32, #tpu.memory_space<hbm>>) dst(%dma_wait3A_204 : memref<128x64xf32, #tpu.memory_space<vmem>>)
    %scan3A = arith.constant 0 : i32
    %scan3A_212 = arith.constant 128 : i32
    %scan3A_213 = arith.addi %scan3A, %scan3A_212 : i32
    %scan3A_214 = arith.constant 1 : i32
    %scan3A_215:8 = scf.for %scan3A_417 = %scan3A to %scan3A_213 step %scan3A_214 iter_args(%scan3A_418 = %broadcast_in_dim3A_3, %scan3A_419 = %broadcast_in_dim3A_3, %scan3A_420 = %broadcast_in_dim3A_3, %scan3A_421 = %broadcast_in_dim3A_3, %scan3A_422 = %broadcast_in_dim3A_3, %scan3A_423 = %broadcast_in_dim3A_3, %scan3A_424 = %broadcast_in_dim3A_3, %scan3A_425 = %broadcast_in_dim3A_3) -> (vector<16xf32>, vector<16xf32>, vector<16xf32>, vector<16xf32>, vector<16xf32>, vector<16xf32>, vector<16xf32>, vector<16xf32>)  : i32 {
      %get3A = arith.constant 0 : i32
      %get3A_426 = arith.constant 0 : i32
      %get3A_427 = arith.index_cast %get3A : i32 to index
      %get3A_428 = arith.index_cast %get3A_426 : i32 to index
      %get3A_429 = arith.index_cast %scan3A_417 : i32 to index
      %get3A_430 = arith.constant 0 : index
      %get3A_431 = tpu.vector_load %arg12[%get3A_427, %get3A_428, %get3A_429, %get3A_430] {strides = array<i32>} : memref<4x3x128x64xf32, #tpu.memory_space<vmem>>, vector<1x1x1x16xf32>,
      %get3A_432 = vector.shape_cast %get3A_431 : vector<1x1x1x16xf32> to vector<16xf32>
      %get3A_433 = arith.constant 0 : i32
      %get3A_434 = arith.constant 1 : i32
      %get3A_435 = arith.index_cast %get3A_433 : i32 to index
      %get3A_436 = arith.index_cast %get3A_434 : i32 to index
      %get3A_437 = arith.index_cast %scan3A_417 : i32 to index
      %get3A_438 = arith.constant 0 : index
      %get3A_439 = tpu.vector_load %arg12[%get3A_435, %get3A_436, %get3A_437, %get3A_438] {strides = array<i32>} : memref<4x3x128x64xf32, #tpu.memory_space<vmem>>, vector<1x1x1x16xf32>,
      %get3A_440 = vector.shape_cast %get3A_439 : vector<1x1x1x16xf32> to vector<16xf32>
      %get3A_441 = arith.constant 0 : i32
      %get3A_442 = arith.constant 2 : i32
      %get3A_443 = arith.index_cast %get3A_441 : i32 to index
      %get3A_444 = arith.index_cast %get3A_442 : i32 to index
      %get3A_445 = arith.index_cast %scan3A_417 : i32 to index
      %get3A_446 = arith.constant 0 : index
      %get3A_447 = tpu.vector_load %arg12[%get3A_443, %get3A_444, %get3A_445, %get3A_446] {strides = array<i32>} : memref<4x3x128x64xf32, #tpu.memory_space<vmem>>, vector<1x1x1x16xf32>,
      %get3A_448 = vector.shape_cast %get3A_447 : vector<1x1x1x16xf32> to vector<16xf32>
      %max3A = arith.maximumf %get3A_432, %get3A_440 : vector<16xf32>
      %max3A_449 = arith.maximumf %max3A, %get3A_448 : vector<16xf32>
      %swap3A_450 = arith.index_cast %scan3A_417 : i32 to index
      %swap3A_451 = arith.constant 0 : index
      %swap3A_452 = tpu.vector_load %arg13[%swap3A_450, %swap3A_451] {strides = array<i32>} : memref<128x64xf32, #tpu.memory_space<vmem>>, vector<1x16xf32>,
      %swap3A_453 = vector.shape_cast %swap3A_452 : vector<1x16xf32> to vector<16xf32>
      %swap3A_454 = vector.shape_cast %max3A_449 : vector<16xf32> to vector<1x16xf32>
      tpu.vector_store %arg13[%swap3A_450, %swap3A_451], %swap3A_454 {strides = array<i32>} : memref<128x64xf32, #tpu.memory_space<vmem>>, vector<1x16xf32>,
      %add3A_455 = arith.addf %get3A_432, %get3A_440 : vector<16xf32>
      %add3A_456 = arith.addf %add3A_455, %get3A_448 : vector<16xf32>
      %add3A_457 = arith.addf %scan3A_418, %add3A_456 : vector<16xf32>
      %mul3A_458 = arith.mulf %get3A_432, %get3A_432 : vector<16xf32>
      %mul3A_459 = arith.mulf %get3A_440, %get3A_440 : vector<16xf32>
      %add3A_460 = arith.addf %mul3A_458, %mul3A_459 : vector<16xf32>
      %mul3A_461 = arith.mulf %get3A_448, %get3A_448 : vector<16xf32>
      %add3A_462 = arith.addf %add3A_460, %mul3A_461 : vector<16xf32>
      %add3A_463 = arith.addf %scan3A_419, %add3A_462 : vector<16xf32>
      %get3A_464 = arith.constant 0 : i32
      %get3A_465 = arith.constant 0 : i32
      %get3A_466 = arith.index_cast %get3A_464 : i32 to index
      %get3A_467 = arith.index_cast %get3A_465 : i32 to index
      %get3A_468 = arith.index_cast %scan3A_417 : i32 to index
      %get3A_469 = arith.constant 16 : index
      %get3A_470 = tpu.vector_load %arg12[%get3A_466, %get3A_467, %get3A_468, %get3A_469] {strides = array<i32>} : memref<4x3x128x64xf32, #tpu.memory_space<vmem>>, vector<1x1x1x16xf32>,
      %get3A_471 = vector.shape_cast %get3A_470 : vector<1x1x1x16xf32> to vector<16xf32>
      %get3A_472 = arith.constant 0 : i32
      %get3A_473 = arith.constant 1 : i32
      %get3A_474 = arith.index_cast %get3A_472 : i32 to index
      %get3A_475 = arith.index_cast %get3A_473 : i32 to index
      %get3A_476 = arith.index_cast %scan3A_417 : i32 to index
      %get3A_477 = arith.constant 16 : index
      %get3A_478 = tpu.vector_load %arg12[%get3A_474, %get3A_475, %get3A_476, %get3A_477] {strides = array<i32>} : memref<4x3x128x64xf32, #tpu.memory_space<vmem>>, vector<1x1x1x16xf32>,
      %get3A_479 = vector.shape_cast %get3A_478 : vector<1x1x1x16xf32> to vector<16xf32>
      %get3A_480 = arith.constant 0 : i32
      %get3A_481 = arith.constant 2 : i32
      %get3A_482 = arith.index_cast %get3A_480 : i32 to index
      %get3A_483 = arith.index_cast %get3A_481 : i32 to index
      %get3A_484 = arith.index_cast %scan3A_417 : i32 to index
      %get3A_485 = arith.constant 16 : index
      %get3A_486 = tpu.vector_load %arg12[%get3A_482, %get3A_483, %get3A_484, %get3A_485] {strides = array<i32>} : memref<4x3x128x64xf32, #tpu.memory_space<vmem>>, vector<1x1x1x16xf32>,
      %get3A_487 = vector.shape_cast %get3A_486 : vector<1x1x1x16xf32> to vector<16xf32>
      %max3A_488 = arith.maximumf %get3A_471, %get3A_479 : vector<16xf32>
      %max3A_489 = arith.maximumf %max3A_488, %get3A_487 : vector<16xf32>
      %swap3A_490 = arith.index_cast %scan3A_417 : i32 to index
      %swap3A_491 = arith.constant 16 : index
      %swap3A_492 = tpu.vector_load %arg13[%swap3A_490, %swap3A_491] {strides = array<i32>} : memref<128x64xf32, #tpu.memory_space<vmem>>, vector<1x16xf32>,
      %swap3A_493 = vector.shape_cast %swap3A_492 : vector<1x16xf32> to vector<16xf32>
      %swap3A_494 = vector.shape_cast %max3A_489 : vector<16xf32> to vector<1x16xf32>
      tpu.vector_store %arg13[%swap3A_490, %swap3A_491], %swap3A_494 {strides = array<i32>} : memref<128x64xf32, #tpu.memory_space<vmem>>, vector<1x16xf32>,
      %add3A_495 = arith.addf %get3A_471, %get3A_479 : vector<16xf32>
      %add3A_496 = arith.addf %add3A_495, %get3A_487 : vector<16xf32>
      %add3A_497 = arith.addf %scan3A_420, %add3A_496 : vector<16xf32>
      %mul3A_498 = arith.mulf %get3A_471, %get3A_471 : vector<16xf32>
      %mul3A_499 = arith.mulf %get3A_479, %get3A_479 : vector<16xf32>
      %add3A_500 = arith.addf %mul3A_498, %mul3A_499 : vector<16xf32>
      %mul3A_501 = arith.mulf %get3A_487, %get3A_487 : vector<16xf32>
      %add3A_502 = arith.addf %add3A_500, %mul3A_501 : vector<16xf32>
      %add3A_503 = arith.addf %scan3A_421, %add3A_502 : vector<16xf32>
      %get3A_504 = arith.constant 0 : i32
      %get3A_505 = arith.constant 0 : i32
      %get3A_506 = arith.index_cast %get3A_504 : i32 to index
      %get3A_507 = arith.index_cast %get3A_505 : i32 to index
      %get3A_508 = arith.index_cast %scan3A_417 : i32 to index
      %get3A_509 = arith.constant 32 : index
      %get3A_510 = tpu.vector_load %arg12[%get3A_506, %get3A_507, %get3A_508, %get3A_509] {strides = array<i32>} : memref<4x3x128x64xf32, #tpu.memory_space<vmem>>, vector<1x1x1x16xf32>,
      %get3A_511 = vector.shape_cast %get3A_510 : vector<1x1x1x16xf32> to vector<16xf32>
      %get3A_512 = arith.constant 0 : i32
      %get3A_513 = arith.constant 1 : i32
      %get3A_514 = arith.index_cast %get3A_512 : i32 to index
      %get3A_515 = arith.index_cast %get3A_513 : i32 to index
      %get3A_516 = arith.index_cast %scan3A_417 : i32 to index
      %get3A_517 = arith.constant 32 : index
      %get3A_518 = tpu.vector_load %arg12[%get3A_514, %get3A_515, %get3A_516, %get3A_517] {strides = array<i32>} : memref<4x3x128x64xf32, #tpu.memory_space<vmem>>, vector<1x1x1x16xf32>,
      %get3A_519 = vector.shape_cast %get3A_518 : vector<1x1x1x16xf32> to vector<16xf32>
      %get3A_520 = arith.constant 0 : i32
      %get3A_521 = arith.constant 2 : i32
      %get3A_522 = arith.index_cast %get3A_520 : i32 to index
      %get3A_523 = arith.index_cast %get3A_521 : i32 to index
      %get3A_524 = arith.index_cast %scan3A_417 : i32 to index
      %get3A_525 = arith.constant 32 : index
      %get3A_526 = tpu.vector_load %arg12[%get3A_522, %get3A_523, %get3A_524, %get3A_525] {strides = array<i32>} : memref<4x3x128x64xf32, #tpu.memory_space<vmem>>, vector<1x1x1x16xf32>,
      %get3A_527 = vector.shape_cast %get3A_526 : vector<1x1x1x16xf32> to vector<16xf32>
      %max3A_528 = arith.maximumf %get3A_511, %get3A_519 : vector<16xf32>
      %max3A_529 = arith.maximumf %max3A_528, %get3A_527 : vector<16xf32>
      %swap3A_530 = arith.index_cast %scan3A_417 : i32 to index
      %swap3A_531 = arith.constant 32 : index
      %swap3A_532 = tpu.vector_load %arg13[%swap3A_530, %swap3A_531] {strides = array<i32>} : memref<128x64xf32, #tpu.memory_space<vmem>>, vector<1x16xf32>,
      %swap3A_533 = vector.shape_cast %swap3A_532 : vector<1x16xf32> to vector<16xf32>
      %swap3A_534 = vector.shape_cast %max3A_529 : vector<16xf32> to vector<1x16xf32>
      tpu.vector_store %arg13[%swap3A_530, %swap3A_531], %swap3A_534 {strides = array<i32>} : memref<128x64xf32, #tpu.memory_space<vmem>>, vector<1x16xf32>,
      %add3A_535 = arith.addf %get3A_511, %get3A_519 : vector<16xf32>
      %add3A_536 = arith.addf %add3A_535, %get3A_527 : vector<16xf32>
      %add3A_537 = arith.addf %scan3A_422, %add3A_536 : vector<16xf32>
      %mul3A_538 = arith.mulf %get3A_511, %get3A_511 : vector<16xf32>
      %mul3A_539 = arith.mulf %get3A_519, %get3A_519 : vector<16xf32>
      %add3A_540 = arith.addf %mul3A_538, %mul3A_539 : vector<16xf32>
      %mul3A_541 = arith.mulf %get3A_527, %get3A_527 : vector<16xf32>
      %add3A_542 = arith.addf %add3A_540, %mul3A_541 : vector<16xf32>
      %add3A_543 = arith.addf %scan3A_423, %add3A_542 : vector<16xf32>
      %get3A_544 = arith.constant 0 : i32
      %get3A_545 = arith.constant 0 : i32
      %get3A_546 = arith.index_cast %get3A_544 : i32 to index
      %get3A_547 = arith.index_cast %get3A_545 : i32 to index
      %get3A_548 = arith.index_cast %scan3A_417 : i32 to index
      %get3A_549 = arith.constant 48 : index
      %get3A_550 = tpu.vector_load %arg12[%get3A_546, %get3A_547, %get3A_548, %get3A_549] {strides = array<i32>} : memref<4x3x128x64xf32, #tpu.memory_space<vmem>>, vector<1x1x1x16xf32>,
      %get3A_551 = vector.shape_cast %get3A_550 : vector<1x1x1x16xf32> to vector<16xf32>
      %get3A_552 = arith.constant 0 : i32
      %get3A_553 = arith.constant 1 : i32
      %get3A_554 = arith.index_cast %get3A_552 : i32 to index
      %get3A_555 = arith.index_cast %get3A_553 : i32 to index
      %get3A_556 = arith.index_cast %scan3A_417 : i32 to index
      %get3A_557 = arith.constant 48 : index
      %get3A_558 = tpu.vector_load %arg12[%get3A_554, %get3A_555, %get3A_556, %get3A_557] {strides = array<i32>} : memref<4x3x128x64xf32, #tpu.memory_space<vmem>>, vector<1x1x1x16xf32>,
      %get3A_559 = vector.shape_cast %get3A_558 : vector<1x1x1x16xf32> to vector<16xf32>
      %get3A_560 = arith.constant 0 : i32
      %get3A_561 = arith.constant 2 : i32
      %get3A_562 = arith.index_cast %get3A_560 : i32 to index
      %get3A_563 = arith.index_cast %get3A_561 : i32 to index
      %get3A_564 = arith.index_cast %scan3A_417 : i32 to index
      %get3A_565 = arith.constant 48 : index
      %get3A_566 = tpu.vector_load %arg12[%get3A_562, %get3A_563, %get3A_564, %get3A_565] {strides = array<i32>} : memref<4x3x128x64xf32, #tpu.memory_space<vmem>>, vector<1x1x1x16xf32>,
      %get3A_567 = vector.shape_cast %get3A_566 : vector<1x1x1x16xf32> to vector<16xf32>
      %max3A_568 = arith.maximumf %get3A_551, %get3A_559 : vector<16xf32>
      %max3A_569 = arith.maximumf %max3A_568, %get3A_567 : vector<16xf32>
      %swap3A_570 = arith.index_cast %scan3A_417 : i32 to index
      %swap3A_571 = arith.constant 48 : index
      %swap3A_572 = tpu.vector_load %arg13[%swap3A_570, %swap3A_571] {strides = array<i32>} : memref<128x64xf32, #tpu.memory_space<vmem>>, vector<1x16xf32>,
      %swap3A_573 = vector.shape_cast %swap3A_572 : vector<1x16xf32> to vector<16xf32>
      %swap3A_574 = vector.shape_cast %max3A_569 : vector<16xf32> to vector<1x16xf32>
      tpu.vector_store %arg13[%swap3A_570, %swap3A_571], %swap3A_574 {strides = array<i32>} : memref<128x64xf32, #tpu.memory_space<vmem>>, vector<1x16xf32>,
      %add3A_575 = arith.addf %get3A_551, %get3A_559 : vector<16xf32>
      %add3A_576 = arith.addf %add3A_575, %get3A_567 : vector<16xf32>
      %add3A_577 = arith.addf %scan3A_424, %add3A_576 : vector<16xf32>
      %mul3A_578 = arith.mulf %get3A_551, %get3A_551 : vector<16xf32>
      %mul3A_579 = arith.mulf %get3A_559, %get3A_559 : vector<16xf32>
      %add3A_580 = arith.addf %mul3A_578, %mul3A_579 : vector<16xf32>
      %mul3A_581 = arith.mulf %get3A_567, %get3A_567 : vector<16xf32>
      %add3A_582 = arith.addf %add3A_580, %mul3A_581 : vector<16xf32>
      %add3A_583 = arith.addf %scan3A_425, %add3A_582 : vector<16xf32>
      scf.yield %add3A_457, %add3A_463, %add3A_497, %add3A_503, %add3A_537, %add3A_543, %add3A_577, %add3A_583 : vector<16xf32>, vector<16xf32>, vector<16xf32>, vector<16xf32>, vector<16xf32>, vector<16xf32>, vector<16xf32>, vector<16xf32>
    }
    %scan3A_216 = arith.constant 128 : i32
    %add3A_217 = arith.constant 0 : i32
    %add3A_218 = arith.addi %mul3A_2, %add3A_217 : i32
    "tpu.region"() ({
      %run_scoped3A_417 = tpu.sem_alloc : memref<!tpu.dma_semaphore, #tpu.memory_space<semaphore_mem>>
      %dma_start3A_418 = arith.constant 0 : i32
      %dma_start3A_419 = tpu.memref_slice %arg6[%add3A_218, %dma_start3A_418] : memref<16384x64xf32, #tpu.memory_space<hbm>> -> memref<128x64xf32, #tpu.memory_space<hbm>>
      %dma_start3A_420 = arith.constant 0 : i32
      %dma_start3A_421 = tpu.memref_slice %arg6[%add3A_218, %dma_start3A_420] : memref<16384x64xf32, #tpu.memory_space<hbm>> -> memref<128x64xf32, #tpu.memory_space<hbm>>
      tpu.enqueue_dma source(%arg13 : memref<128x64xf32, #tpu.memory_space<vmem>>) target(%dma_start3A_421 : memref<128x64xf32, #tpu.memory_space<hbm>>) target_semaphore(%run_scoped3A_417 : memref<!tpu.dma_semaphore, #tpu.memory_space<semaphore_mem>>)
      %dma_wait3A_422 = arith.constant 0 : i32
      %dma_wait3A_423 = tpu.memref_slice %arg6[%add3A_218, %dma_wait3A_422] : memref<16384x64xf32, #tpu.memory_space<hbm>> -> memref<128x64xf32, #tpu.memory_space<hbm>>
      %dma_wait3A_424 = arith.constant 0 : i32
      %dma_wait3A_425 = tpu.memref_slice %arg6[%add3A_218, %dma_wait3A_424] : memref<16384x64xf32, #tpu.memory_space<hbm>> -> memref<128x64xf32, #tpu.memory_space<hbm>>
      tpu.wait_dma2 semaphore(%run_scoped3A_417 : memref<!tpu.dma_semaphore, #tpu.memory_space<semaphore_mem>>) src(%arg13 : memref<128x64xf32, #tpu.memory_space<vmem>>) dst(%dma_wait3A_425 : memref<128x64xf32, #tpu.memory_space<hbm>>)
      tpu.yield
    }) : () -> ()
    %dma_wait3A_219 = arith.constant 1 : i32
    %dma_wait3A_220 = arith.constant 0 : i32
    %dma_wait3A_221 = arith.constant 1 : i32
    %dma_wait3A_222 = arith.constant 0 : i32
    %dma_wait3A_223 = arith.constant 0 : i32
    %dma_wait3A_224 = tpu.memref_slice %arg12[%dma_wait3A_219, %dma_wait3A_220, %dma_wait3A_222, %dma_wait3A_223] : memref<4x3x128x64xf32, #tpu.memory_space<vmem>> -> memref<1x1x128x64xf32, #tpu.memory_space<vmem>>
    %dma_wait3A_225 = tpu.memref_squeeze %dma_wait3A_224 : memref<1x1x128x64xf32, #tpu.memory_space<vmem>> -> memref<128x64xf32, #tpu.memory_space<vmem>>
    %dma_wait3A_226 = arith.constant 128 : i32
    %dma_wait3A_227 = tpu.memref_slice %arg9[%dma_wait3A_226] : memref<512xi32, #tpu.memory_space<vmem>> -> memref<128xi32, #tpu.memory_space<vmem>>
    %dma_wait3A_228 = arith.constant 0 : i32
    %dma_wait3A_229 = arith.constant 0 : i32
    %dma_wait3A_230 = tpu.memref_slice %arg5[%dma_wait3A_228, %dma_wait3A_229] : memref<4096x64xf32, #tpu.memory_space<hbm>> -> memref<4096x64xf32, #tpu.memory_space<hbm>>
    %dma_wait3A_231 = tpu.memref_slice %arg15[%dma_wait3A_221] : memref<4x!tpu.dma_semaphore, #tpu.memory_space<semaphore_mem>> -> memref<1x!tpu.dma_semaphore, #tpu.memory_space<semaphore_mem>>
    %dma_wait3A_232 = tpu.memref_squeeze %dma_wait3A_231 : memref<1x!tpu.dma_semaphore, #tpu.memory_space<semaphore_mem>> -> memref<!tpu.dma_semaphore, #tpu.memory_space<semaphore_mem>>
    tpu.wait_indirect_dma semaphore(%dma_wait3A_232 : memref<!tpu.dma_semaphore, #tpu.memory_space<semaphore_mem>>) src(%dma_wait3A_230 : memref<4096x64xf32, #tpu.memory_space<hbm>>) dst(%dma_wait3A_225 : memref<128x64xf32, #tpu.memory_space<vmem>>)
    %dma_wait3A_233 = arith.constant 1 : i32
    %dma_wait3A_234 = arith.constant 1 : i32
    %dma_wait3A_235 = arith.constant 1 : i32
    %dma_wait3A_236 = arith.constant 0 : i32
    %dma_wait3A_237 = arith.constant 0 : i32
    %dma_wait3A_238 = tpu.memref_slice %arg12[%dma_wait3A_233, %dma_wait3A_234, %dma_wait3A_236, %dma_wait3A_237] : memref<4x3x128x64xf32, #tpu.memory_space<vmem>> -> memref<1x1x128x64xf32, #tpu.memory_space<vmem>>
    %dma_wait3A_239 = tpu.memref_squeeze %dma_wait3A_238 : memref<1x1x128x64xf32, #tpu.memory_space<vmem>> -> memref<128x64xf32, #tpu.memory_space<vmem>>
    %dma_wait3A_240 = arith.constant 128 : i32
    %dma_wait3A_241 = tpu.memref_slice %arg10[%dma_wait3A_240] : memref<512xi32, #tpu.memory_space<vmem>> -> memref<128xi32, #tpu.memory_space<vmem>>
    %dma_wait3A_242 = arith.constant 0 : i32
    %dma_wait3A_243 = arith.constant 0 : i32
    %dma_wait3A_244 = tpu.memref_slice %arg5[%dma_wait3A_242, %dma_wait3A_243] : memref<4096x64xf32, #tpu.memory_space<hbm>> -> memref<4096x64xf32, #tpu.memory_space<hbm>>
    %dma_wait3A_245 = tpu.memref_slice %arg15[%dma_wait3A_235] : memref<4x!tpu.dma_semaphore, #tpu.memory_space<semaphore_mem>> -> memref<1x!tpu.dma_semaphore, #tpu.memory_space<semaphore_mem>>
    %dma_wait3A_246 = tpu.memref_squeeze %dma_wait3A_245 : memref<1x!tpu.dma_semaphore, #tpu.memory_space<semaphore_mem>> -> memref<!tpu.dma_semaphore, #tpu.memory_space<semaphore_mem>>
    tpu.wait_indirect_dma semaphore(%dma_wait3A_246 : memref<!tpu.dma_semaphore, #tpu.memory_space<semaphore_mem>>) src(%dma_wait3A_244 : memref<4096x64xf32, #tpu.memory_space<hbm>>) dst(%dma_wait3A_239 : memref<128x64xf32, #tpu.memory_space<vmem>>)
    %dma_wait3A_247 = arith.constant 1 : i32
    %dma_wait3A_248 = arith.constant 2 : i32
    %dma_wait3A_249 = arith.constant 1 : i32
    %dma_wait3A_250 = arith.constant 0 : i32
    %dma_wait3A_251 = arith.constant 0 : i32
    %dma_wait3A_252 = tpu.memref_slice %arg12[%dma_wait3A_247, %dma_wait3A_248, %dma_wait3A_250, %dma_wait3A_251] : memref<4x3x128x64xf32, #tpu.memory_space<vmem>> -> memref<1x1x128x64xf32, #tpu.memory_space<vmem>>
    %dma_wait3A_253 = tpu.memref_squeeze %dma_wait3A_252 : memref<1x1x128x64xf32, #tpu.memory_space<vmem>> -> memref<128x64xf32, #tpu.memory_space<vmem>>
    %dma_wait3A_254 = arith.constant 128 : i32
    %dma_wait3A_255 = tpu.memref_slice %arg11[%dma_wait3A_254] : memref<512xi32, #tpu.memory_space<vmem>> -> memref<128xi32, #tpu.memory_space<vmem>>
    %dma_wait3A_256 = arith.constant 0 : i32
    %dma_wait3A_257 = arith.constant 0 : i32
    %dma_wait3A_258 = tpu.memref_slice %arg5[%dma_wait3A_256, %dma_wait3A_257] : memref<4096x64xf32, #tpu.memory_space<hbm>> -> memref<4096x64xf32, #tpu.memory_space<hbm>>
    %dma_wait3A_259 = tpu.memref_slice %arg15[%dma_wait3A_249] : memref<4x!tpu.dma_semaphore, #tpu.memory_space<semaphore_mem>> -> memref<1x!tpu.dma_semaphore, #tpu.memory_space<semaphore_mem>>
    %dma_wait3A_260 = tpu.memref_squeeze %dma_wait3A_259 : memref<1x!tpu.dma_semaphore, #tpu.memory_space<semaphore_mem>> -> memref<!tpu.dma_semaphore, #tpu.memory_space<semaphore_mem>>
    tpu.wait_indirect_dma semaphore(%dma_wait3A_260 : memref<!tpu.dma_semaphore, #tpu.memory_space<semaphore_mem>>) src(%dma_wait3A_258 : memref<4096x64xf32, #tpu.memory_space<hbm>>) dst(%dma_wait3A_253 : memref<128x64xf32, #tpu.memory_space<vmem>>)
    %scan3A_261 = arith.constant 0 : i32
    %scan3A_262 = arith.constant 128 : i32
    %scan3A_263 = arith.addi %scan3A_261, %scan3A_262 : i32
    %scan3A_264 = arith.constant 1 : i32
    %scan3A_265:8 = scf.for %scan3A_417 = %scan3A_261 to %scan3A_263 step %scan3A_264 iter_args(%scan3A_418 = %scan3A_215#0, %scan3A_419 = %scan3A_215#1, %scan3A_420 = %scan3A_215#2, %scan3A_421 = %scan3A_215#3, %scan3A_422 = %scan3A_215#4, %scan3A_423 = %scan3A_215#5, %scan3A_424 = %scan3A_215#6, %scan3A_425 = %scan3A_215#7) -> (vector<16xf32>, vector<16xf32>, vector<16xf32>, vector<16xf32>, vector<16xf32>, vector<16xf32>, vector<16xf32>, vector<16xf32>)  : i32 {
      %get3A = arith.constant 1 : i32
      %get3A_426 = arith.constant 0 : i32
      %get3A_427 = arith.index_cast %get3A : i32 to index
      %get3A_428 = arith.index_cast %get3A_426 : i32 to index
      %get3A_429 = arith.index_cast %scan3A_417 : i32 to index
      %get3A_430 = arith.constant 0 : index
      %get3A_431 = tpu.vector_load %arg12[%get3A_427, %get3A_428, %get3A_429, %get3A_430] {strides = array<i32>} : memref<4x3x128x64xf32, #tpu.memory_space<vmem>>, vector<1x1x1x16xf32>,
      %get3A_432 = vector.shape_cast %get3A_431 : vector<1x1x1x16xf32> to vector<16xf32>
      %get3A_433 = arith.constant 1 : i32
      %get3A_434 = arith.constant 1 : i32
      %get3A_435 = arith.index_cast %get3A_433 : i32 to index
      %get3A_436 = arith.index_cast %get3A_434 : i32 to index
      %get3A_437 = arith.index_cast %scan3A_417 : i32 to index
      %get3A_438 = arith.constant 0 : index
      %get3A_439 = tpu.vector_load %arg12[%get3A_435, %get3A_436, %get3A_437, %get3A_438] {strides = array<i32>} : memref<4x3x128x64xf32, #tpu.memory_space<vmem>>, vector<1x1x1x16xf32>,
      %get3A_440 = vector.shape_cast %get3A_439 : vector<1x1x1x16xf32> to vector<16xf32>
      %get3A_441 = arith.constant 1 : i32
      %get3A_442 = arith.constant 2 : i32
      %get3A_443 = arith.index_cast %get3A_441 : i32 to index
      %get3A_444 = arith.index_cast %get3A_442 : i32 to index
      %get3A_445 = arith.index_cast %scan3A_417 : i32 to index
      %get3A_446 = arith.constant 0 : index
      %get3A_447 = tpu.vector_load %arg12[%get3A_443, %get3A_444, %get3A_445, %get3A_446] {strides = array<i32>} : memref<4x3x128x64xf32, #tpu.memory_space<vmem>>, vector<1x1x1x16xf32>,
      %get3A_448 = vector.shape_cast %get3A_447 : vector<1x1x1x16xf32> to vector<16xf32>
      %max3A = arith.maximumf %get3A_432, %get3A_440 : vector<16xf32>
      %max3A_449 = arith.maximumf %max3A, %get3A_448 : vector<16xf32>
      %swap3A_450 = arith.index_cast %scan3A_417 : i32 to index
      %swap3A_451 = arith.constant 0 : index
      %swap3A_452 = tpu.vector_load %arg13[%swap3A_450, %swap3A_451] {strides = array<i32>} : memref<128x64xf32, #tpu.memory_space<vmem>>, vector<1x16xf32>,
      %swap3A_453 = vector.shape_cast %swap3A_452 : vector<1x16xf32> to vector<16xf32>
      %swap3A_454 = vector.shape_cast %max3A_449 : vector<16xf32> to vector<1x16xf32>
      tpu.vector_store %arg13[%swap3A_450, %swap3A_451], %swap3A_454 {strides = array<i32>} : memref<128x64xf32, #tpu.memory_space<vmem>>, vector<1x16xf32>,
      %add3A_455 = arith.addf %get3A_432, %get3A_440 : vector<16xf32>
      %add3A_456 = arith.addf %add3A_455, %get3A_448 : vector<16xf32>
      %add3A_457 = arith.addf %scan3A_418, %add3A_456 : vector<16xf32>
      %mul3A_458 = arith.mulf %get3A_432, %get3A_432 : vector<16xf32>
      %mul3A_459 = arith.mulf %get3A_440, %get3A_440 : vector<16xf32>
      %add3A_460 = arith.addf %mul3A_458, %mul3A_459 : vector<16xf32>
      %mul3A_461 = arith.mulf %get3A_448, %get3A_448 : vector<16xf32>
      %add3A_462 = arith.addf %add3A_460, %mul3A_461 : vector<16xf32>
      %add3A_463 = arith.addf %scan3A_419, %add3A_462 : vector<16xf32>
      %get3A_464 = arith.constant 1 : i32
      %get3A_465 = arith.constant 0 : i32
      %get3A_466 = arith.index_cast %get3A_464 : i32 to index
      %get3A_467 = arith.index_cast %get3A_465 : i32 to index
      %get3A_468 = arith.index_cast %scan3A_417 : i32 to index
      %get3A_469 = arith.constant 16 : index
      %get3A_470 = tpu.vector_load %arg12[%get3A_466, %get3A_467, %get3A_468, %get3A_469] {strides = array<i32>} : memref<4x3x128x64xf32, #tpu.memory_space<vmem>>, vector<1x1x1x16xf32>,
      %get3A_471 = vector.shape_cast %get3A_470 : vector<1x1x1x16xf32> to vector<16xf32>
      %get3A_472 = arith.constant 1 : i32
      %get3A_473 = arith.constant 1 : i32
      %get3A_474 = arith.index_cast %get3A_472 : i32 to index
      %get3A_475 = arith.index_cast %get3A_473 : i32 to index
      %get3A_476 = arith.index_cast %scan3A_417 : i32 to index
      %get3A_477 = arith.constant 16 : index
      %get3A_478 = tpu.vector_load %arg12[%get3A_474, %get3A_475, %get3A_476, %get3A_477] {strides = array<i32>} : memref<4x3x128x64xf32, #tpu.memory_space<vmem>>, vector<1x1x1x16xf32>,
      %get3A_479 = vector.shape_cast %get3A_478 : vector<1x1x1x16xf32> to vector<16xf32>
      %get3A_480 = arith.constant 1 : i32
      %get3A_481 = arith.constant 2 : i32
      %get3A_482 = arith.index_cast %get3A_480 : i32 to index
      %get3A_483 = arith.index_cast %get3A_481 : i32 to index
      %get3A_484 = arith.index_cast %scan3A_417 : i32 to index
      %get3A_485 = arith.constant 16 : index
      %get3A_486 = tpu.vector_load %arg12[%get3A_482, %get3A_483, %get3A_484, %get3A_485] {strides = array<i32>} : memref<4x3x128x64xf32, #tpu.memory_space<vmem>>, vector<1x1x1x16xf32>,
      %get3A_487 = vector.shape_cast %get3A_486 : vector<1x1x1x16xf32> to vector<16xf32>
      %max3A_488 = arith.maximumf %get3A_471, %get3A_479 : vector<16xf32>
      %max3A_489 = arith.maximumf %max3A_488, %get3A_487 : vector<16xf32>
      %swap3A_490 = arith.index_cast %scan3A_417 : i32 to index
      %swap3A_491 = arith.constant 16 : index
      %swap3A_492 = tpu.vector_load %arg13[%swap3A_490, %swap3A_491] {strides = array<i32>} : memref<128x64xf32, #tpu.memory_space<vmem>>, vector<1x16xf32>,
      %swap3A_493 = vector.shape_cast %swap3A_492 : vector<1x16xf32> to vector<16xf32>
      %swap3A_494 = vector.shape_cast %max3A_489 : vector<16xf32> to vector<1x16xf32>
      tpu.vector_store %arg13[%swap3A_490, %swap3A_491], %swap3A_494 {strides = array<i32>} : memref<128x64xf32, #tpu.memory_space<vmem>>, vector<1x16xf32>,
      %add3A_495 = arith.addf %get3A_471, %get3A_479 : vector<16xf32>
      %add3A_496 = arith.addf %add3A_495, %get3A_487 : vector<16xf32>
      %add3A_497 = arith.addf %scan3A_420, %add3A_496 : vector<16xf32>
      %mul3A_498 = arith.mulf %get3A_471, %get3A_471 : vector<16xf32>
      %mul3A_499 = arith.mulf %get3A_479, %get3A_479 : vector<16xf32>
      %add3A_500 = arith.addf %mul3A_498, %mul3A_499 : vector<16xf32>
      %mul3A_501 = arith.mulf %get3A_487, %get3A_487 : vector<16xf32>
      %add3A_502 = arith.addf %add3A_500, %mul3A_501 : vector<16xf32>
      %add3A_503 = arith.addf %scan3A_421, %add3A_502 : vector<16xf32>
      %get3A_504 = arith.constant 1 : i32
      %get3A_505 = arith.constant 0 : i32
      %get3A_506 = arith.index_cast %get3A_504 : i32 to index
      %get3A_507 = arith.index_cast %get3A_505 : i32 to index
      %get3A_508 = arith.index_cast %scan3A_417 : i32 to index
      %get3A_509 = arith.constant 32 : index
      %get3A_510 = tpu.vector_load %arg12[%get3A_506, %get3A_507, %get3A_508, %get3A_509] {strides = array<i32>} : memref<4x3x128x64xf32, #tpu.memory_space<vmem>>, vector<1x1x1x16xf32>,
      %get3A_511 = vector.shape_cast %get3A_510 : vector<1x1x1x16xf32> to vector<16xf32>
      %get3A_512 = arith.constant 1 : i32
      %get3A_513 = arith.constant 1 : i32
      %get3A_514 = arith.index_cast %get3A_512 : i32 to index
      %get3A_515 = arith.index_cast %get3A_513 : i32 to index
      %get3A_516 = arith.index_cast %scan3A_417 : i32 to index
      %get3A_517 = arith.constant 32 : index
      %get3A_518 = tpu.vector_load %arg12[%get3A_514, %get3A_515, %get3A_516, %get3A_517] {strides = array<i32>} : memref<4x3x128x64xf32, #tpu.memory_space<vmem>>, vector<1x1x1x16xf32>,
      %get3A_519 = vector.shape_cast %get3A_518 : vector<1x1x1x16xf32> to vector<16xf32>
      %get3A_520 = arith.constant 1 : i32
      %get3A_521 = arith.constant 2 : i32
      %get3A_522 = arith.index_cast %get3A_520 : i32 to index
      %get3A_523 = arith.index_cast %get3A_521 : i32 to index
      %get3A_524 = arith.index_cast %scan3A_417 : i32 to index
      %get3A_525 = arith.constant 32 : index
      %get3A_526 = tpu.vector_load %arg12[%get3A_522, %get3A_523, %get3A_524, %get3A_525] {strides = array<i32>} : memref<4x3x128x64xf32, #tpu.memory_space<vmem>>, vector<1x1x1x16xf32>,
      %get3A_527 = vector.shape_cast %get3A_526 : vector<1x1x1x16xf32> to vector<16xf32>
      %max3A_528 = arith.maximumf %get3A_511, %get3A_519 : vector<16xf32>
      %max3A_529 = arith.maximumf %max3A_528, %get3A_527 : vector<16xf32>
      %swap3A_530 = arith.index_cast %scan3A_417 : i32 to index
      %swap3A_531 = arith.constant 32 : index
      %swap3A_532 = tpu.vector_load %arg13[%swap3A_530, %swap3A_531] {strides = array<i32>} : memref<128x64xf32, #tpu.memory_space<vmem>>, vector<1x16xf32>,
      %swap3A_533 = vector.shape_cast %swap3A_532 : vector<1x16xf32> to vector<16xf32>
      %swap3A_534 = vector.shape_cast %max3A_529 : vector<16xf32> to vector<1x16xf32>
      tpu.vector_store %arg13[%swap3A_530, %swap3A_531], %swap3A_534 {strides = array<i32>} : memref<128x64xf32, #tpu.memory_space<vmem>>, vector<1x16xf32>,
      %add3A_535 = arith.addf %get3A_511, %get3A_519 : vector<16xf32>
      %add3A_536 = arith.addf %add3A_535, %get3A_527 : vector<16xf32>
      %add3A_537 = arith.addf %scan3A_422, %add3A_536 : vector<16xf32>
      %mul3A_538 = arith.mulf %get3A_511, %get3A_511 : vector<16xf32>
      %mul3A_539 = arith.mulf %get3A_519, %get3A_519 : vector<16xf32>
      %add3A_540 = arith.addf %mul3A_538, %mul3A_539 : vector<16xf32>
      %mul3A_541 = arith.mulf %get3A_527, %get3A_527 : vector<16xf32>
      %add3A_542 = arith.addf %add3A_540, %mul3A_541 : vector<16xf32>
      %add3A_543 = arith.addf %scan3A_423, %add3A_542 : vector<16xf32>
      %get3A_544 = arith.constant 1 : i32
      %get3A_545 = arith.constant 0 : i32
      %get3A_546 = arith.index_cast %get3A_544 : i32 to index
      %get3A_547 = arith.index_cast %get3A_545 : i32 to index
      %get3A_548 = arith.index_cast %scan3A_417 : i32 to index
      %get3A_549 = arith.constant 48 : index
      %get3A_550 = tpu.vector_load %arg12[%get3A_546, %get3A_547, %get3A_548, %get3A_549] {strides = array<i32>} : memref<4x3x128x64xf32, #tpu.memory_space<vmem>>, vector<1x1x1x16xf32>,
      %get3A_551 = vector.shape_cast %get3A_550 : vector<1x1x1x16xf32> to vector<16xf32>
      %get3A_552 = arith.constant 1 : i32
      %get3A_553 = arith.constant 1 : i32
      %get3A_554 = arith.index_cast %get3A_552 : i32 to index
      %get3A_555 = arith.index_cast %get3A_553 : i32 to index
      %get3A_556 = arith.index_cast %scan3A_417 : i32 to index
      %get3A_557 = arith.constant 48 : index
      %get3A_558 = tpu.vector_load %arg12[%get3A_554, %get3A_555, %get3A_556, %get3A_557] {strides = array<i32>} : memref<4x3x128x64xf32, #tpu.memory_space<vmem>>, vector<1x1x1x16xf32>,
      %get3A_559 = vector.shape_cast %get3A_558 : vector<1x1x1x16xf32> to vector<16xf32>
      %get3A_560 = arith.constant 1 : i32
      %get3A_561 = arith.constant 2 : i32
      %get3A_562 = arith.index_cast %get3A_560 : i32 to index
      %get3A_563 = arith.index_cast %get3A_561 : i32 to index
      %get3A_564 = arith.index_cast %scan3A_417 : i32 to index
      %get3A_565 = arith.constant 48 : index
      %get3A_566 = tpu.vector_load %arg12[%get3A_562, %get3A_563, %get3A_564, %get3A_565] {strides = array<i32>} : memref<4x3x128x64xf32, #tpu.memory_space<vmem>>, vector<1x1x1x16xf32>,
      %get3A_567 = vector.shape_cast %get3A_566 : vector<1x1x1x16xf32> to vector<16xf32>
      %max3A_568 = arith.maximumf %get3A_551, %get3A_559 : vector<16xf32>
      %max3A_569 = arith.maximumf %max3A_568, %get3A_567 : vector<16xf32>
      %swap3A_570 = arith.index_cast %scan3A_417 : i32 to index
      %swap3A_571 = arith.constant 48 : index
      %swap3A_572 = tpu.vector_load %arg13[%swap3A_570, %swap3A_571] {strides = array<i32>} : memref<128x64xf32, #tpu.memory_space<vmem>>, vector<1x16xf32>,
      %swap3A_573 = vector.shape_cast %swap3A_572 : vector<1x16xf32> to vector<16xf32>
      %swap3A_574 = vector.shape_cast %max3A_569 : vector<16xf32> to vector<1x16xf32>
      tpu.vector_store %arg13[%swap3A_570, %swap3A_571], %swap3A_574 {strides = array<i32>} : memref<128x64xf32, #tpu.memory_space<vmem>>, vector<1x16xf32>,
      %add3A_575 = arith.addf %get3A_551, %get3A_559 : vector<16xf32>
      %add3A_576 = arith.addf %add3A_575, %get3A_567 : vector<16xf32>
      %add3A_577 = arith.addf %scan3A_424, %add3A_576 : vector<16xf32>
      %mul3A_578 = arith.mulf %get3A_551, %get3A_551 : vector<16xf32>
      %mul3A_579 = arith.mulf %get3A_559, %get3A_559 : vector<16xf32>
      %add3A_580 = arith.addf %mul3A_578, %mul3A_579 : vector<16xf32>
      %mul3A_581 = arith.mulf %get3A_567, %get3A_567 : vector<16xf32>
      %add3A_582 = arith.addf %add3A_580, %mul3A_581 : vector<16xf32>
      %add3A_583 = arith.addf %scan3A_425, %add3A_582 : vector<16xf32>
      scf.yield %add3A_457, %add3A_463, %add3A_497, %add3A_503, %add3A_537, %add3A_543, %add3A_577, %add3A_583 : vector<16xf32>, vector<16xf32>, vector<16xf32>, vector<16xf32>, vector<16xf32>, vector<16xf32>, vector<16xf32>, vector<16xf32>
    }
    %scan3A_266 = arith.constant 128 : i32
    %add3A_267 = arith.constant 128 : i32
    %add3A_268 = arith.addi %mul3A_2, %add3A_267 : i32
    "tpu.region"() ({
      %run_scoped3A_417 = tpu.sem_alloc : memref<!tpu.dma_semaphore, #tpu.memory_space<semaphore_mem>>
      %dma_start3A_418 = arith.constant 0 : i32
      %dma_start3A_419 = tpu.memref_slice %arg6[%add3A_268, %dma_start3A_418] : memref<16384x64xf32, #tpu.memory_space<hbm>> -> memref<128x64xf32, #tpu.memory_space<hbm>>
      %dma_start3A_420 = arith.constant 0 : i32
      %dma_start3A_421 = tpu.memref_slice %arg6[%add3A_268, %dma_start3A_420] : memref<16384x64xf32, #tpu.memory_space<hbm>> -> memref<128x64xf32, #tpu.memory_space<hbm>>
      tpu.enqueue_dma source(%arg13 : memref<128x64xf32, #tpu.memory_space<vmem>>) target(%dma_start3A_421 : memref<128x64xf32, #tpu.memory_space<hbm>>) target_semaphore(%run_scoped3A_417 : memref<!tpu.dma_semaphore, #tpu.memory_space<semaphore_mem>>)
      %dma_wait3A_422 = arith.constant 0 : i32
      %dma_wait3A_423 = tpu.memref_slice %arg6[%add3A_268, %dma_wait3A_422] : memref<16384x64xf32, #tpu.memory_space<hbm>> -> memref<128x64xf32, #tpu.memory_space<hbm>>
      %dma_wait3A_424 = arith.constant 0 : i32
      %dma_wait3A_425 = tpu.memref_slice %arg6[%add3A_268, %dma_wait3A_424] : memref<16384x64xf32, #tpu.memory_space<hbm>> -> memref<128x64xf32, #tpu.memory_space<hbm>>
      tpu.wait_dma2 semaphore(%run_scoped3A_417 : memref<!tpu.dma_semaphore, #tpu.memory_space<semaphore_mem>>) src(%arg13 : memref<128x64xf32, #tpu.memory_space<vmem>>) dst(%dma_wait3A_425 : memref<128x64xf32, #tpu.memory_space<hbm>>)
      tpu.yield
    }) : () -> ()
    %dma_wait3A_269 = arith.constant 2 : i32
    %dma_wait3A_270 = arith.constant 0 : i32
    %dma_wait3A_271 = arith.constant 2 : i32
    %dma_wait3A_272 = arith.constant 0 : i32
    %dma_wait3A_273 = arith.constant 0 : i32
    %dma_wait3A_274 = tpu.memref_slice %arg12[%dma_wait3A_269, %dma_wait3A_270, %dma_wait3A_272, %dma_wait3A_273] : memref<4x3x128x64xf32, #tpu.memory_space<vmem>> -> memref<1x1x128x64xf32, #tpu.memory_space<vmem>>
    %dma_wait3A_275 = tpu.memref_squeeze %dma_wait3A_274 : memref<1x1x128x64xf32, #tpu.memory_space<vmem>> -> memref<128x64xf32, #tpu.memory_space<vmem>>
    %dma_wait3A_276 = arith.constant 256 : i32
    %dma_wait3A_277 = tpu.memref_slice %arg9[%dma_wait3A_276] : memref<512xi32, #tpu.memory_space<vmem>> -> memref<128xi32, #tpu.memory_space<vmem>>
    %dma_wait3A_278 = arith.constant 0 : i32
    %dma_wait3A_279 = arith.constant 0 : i32
    %dma_wait3A_280 = tpu.memref_slice %arg5[%dma_wait3A_278, %dma_wait3A_279] : memref<4096x64xf32, #tpu.memory_space<hbm>> -> memref<4096x64xf32, #tpu.memory_space<hbm>>
    %dma_wait3A_281 = tpu.memref_slice %arg15[%dma_wait3A_271] : memref<4x!tpu.dma_semaphore, #tpu.memory_space<semaphore_mem>> -> memref<1x!tpu.dma_semaphore, #tpu.memory_space<semaphore_mem>>
    %dma_wait3A_282 = tpu.memref_squeeze %dma_wait3A_281 : memref<1x!tpu.dma_semaphore, #tpu.memory_space<semaphore_mem>> -> memref<!tpu.dma_semaphore, #tpu.memory_space<semaphore_mem>>
    tpu.wait_indirect_dma semaphore(%dma_wait3A_282 : memref<!tpu.dma_semaphore, #tpu.memory_space<semaphore_mem>>) src(%dma_wait3A_280 : memref<4096x64xf32, #tpu.memory_space<hbm>>) dst(%dma_wait3A_275 : memref<128x64xf32, #tpu.memory_space<vmem>>)
    %dma_wait3A_283 = arith.constant 2 : i32
    %dma_wait3A_284 = arith.constant 1 : i32
    %dma_wait3A_285 = arith.constant 2 : i32
    %dma_wait3A_286 = arith.constant 0 : i32
    %dma_wait3A_287 = arith.constant 0 : i32
    %dma_wait3A_288 = tpu.memref_slice %arg12[%dma_wait3A_283, %dma_wait3A_284, %dma_wait3A_286, %dma_wait3A_287] : memref<4x3x128x64xf32, #tpu.memory_space<vmem>> -> memref<1x1x128x64xf32, #tpu.memory_space<vmem>>
    %dma_wait3A_289 = tpu.memref_squeeze %dma_wait3A_288 : memref<1x1x128x64xf32, #tpu.memory_space<vmem>> -> memref<128x64xf32, #tpu.memory_space<vmem>>
    %dma_wait3A_290 = arith.constant 256 : i32
    %dma_wait3A_291 = tpu.memref_slice %arg10[%dma_wait3A_290] : memref<512xi32, #tpu.memory_space<vmem>> -> memref<128xi32, #tpu.memory_space<vmem>>
    %dma_wait3A_292 = arith.constant 0 : i32
    %dma_wait3A_293 = arith.constant 0 : i32
    %dma_wait3A_294 = tpu.memref_slice %arg5[%dma_wait3A_292, %dma_wait3A_293] : memref<4096x64xf32, #tpu.memory_space<hbm>> -> memref<4096x64xf32, #tpu.memory_space<hbm>>
    %dma_wait3A_295 = tpu.memref_slice %arg15[%dma_wait3A_285] : memref<4x!tpu.dma_semaphore, #tpu.memory_space<semaphore_mem>> -> memref<1x!tpu.dma_semaphore, #tpu.memory_space<semaphore_mem>>
    %dma_wait3A_296 = tpu.memref_squeeze %dma_wait3A_295 : memref<1x!tpu.dma_semaphore, #tpu.memory_space<semaphore_mem>> -> memref<!tpu.dma_semaphore, #tpu.memory_space<semaphore_mem>>
    tpu.wait_indirect_dma semaphore(%dma_wait3A_296 : memref<!tpu.dma_semaphore, #tpu.memory_space<semaphore_mem>>) src(%dma_wait3A_294 : memref<4096x64xf32, #tpu.memory_space<hbm>>) dst(%dma_wait3A_289 : memref<128x64xf32, #tpu.memory_space<vmem>>)
    %dma_wait3A_297 = arith.constant 2 : i32
    %dma_wait3A_298 = arith.constant 2 : i32
    %dma_wait3A_299 = arith.constant 2 : i32
    %dma_wait3A_300 = arith.constant 0 : i32
    %dma_wait3A_301 = arith.constant 0 : i32
    %dma_wait3A_302 = tpu.memref_slice %arg12[%dma_wait3A_297, %dma_wait3A_298, %dma_wait3A_300, %dma_wait3A_301] : memref<4x3x128x64xf32, #tpu.memory_space<vmem>> -> memref<1x1x128x64xf32, #tpu.memory_space<vmem>>
    %dma_wait3A_303 = tpu.memref_squeeze %dma_wait3A_302 : memref<1x1x128x64xf32, #tpu.memory_space<vmem>> -> memref<128x64xf32, #tpu.memory_space<vmem>>
    %dma_wait3A_304 = arith.constant 256 : i32
    %dma_wait3A_305 = tpu.memref_slice %arg11[%dma_wait3A_304] : memref<512xi32, #tpu.memory_space<vmem>> -> memref<128xi32, #tpu.memory_space<vmem>>
    %dma_wait3A_306 = arith.constant 0 : i32
    %dma_wait3A_307 = arith.constant 0 : i32
    %dma_wait3A_308 = tpu.memref_slice %arg5[%dma_wait3A_306, %dma_wait3A_307] : memref<4096x64xf32, #tpu.memory_space<hbm>> -> memref<4096x64xf32, #tpu.memory_space<hbm>>
    %dma_wait3A_309 = tpu.memref_slice %arg15[%dma_wait3A_299] : memref<4x!tpu.dma_semaphore, #tpu.memory_space<semaphore_mem>> -> memref<1x!tpu.dma_semaphore, #tpu.memory_space<semaphore_mem>>
    %dma_wait3A_310 = tpu.memref_squeeze %dma_wait3A_309 : memref<1x!tpu.dma_semaphore, #tpu.memory_space<semaphore_mem>> -> memref<!tpu.dma_semaphore, #tpu.memory_space<semaphore_mem>>
    tpu.wait_indirect_dma semaphore(%dma_wait3A_310 : memref<!tpu.dma_semaphore, #tpu.memory_space<semaphore_mem>>) src(%dma_wait3A_308 : memref<4096x64xf32, #tpu.memory_space<hbm>>) dst(%dma_wait3A_303 : memref<128x64xf32, #tpu.memory_space<vmem>>)
    %scan3A_311 = arith.constant 0 : i32
    %scan3A_312 = arith.constant 128 : i32
    %scan3A_313 = arith.addi %scan3A_311, %scan3A_312 : i32
    %scan3A_314 = arith.constant 1 : i32
    %scan3A_315:8 = scf.for %scan3A_417 = %scan3A_311 to %scan3A_313 step %scan3A_314 iter_args(%scan3A_418 = %scan3A_265#0, %scan3A_419 = %scan3A_265#1, %scan3A_420 = %scan3A_265#2, %scan3A_421 = %scan3A_265#3, %scan3A_422 = %scan3A_265#4, %scan3A_423 = %scan3A_265#5, %scan3A_424 = %scan3A_265#6, %scan3A_425 = %scan3A_265#7) -> (vector<16xf32>, vector<16xf32>, vector<16xf32>, vector<16xf32>, vector<16xf32>, vector<16xf32>, vector<16xf32>, vector<16xf32>)  : i32 {
      %get3A = arith.constant 2 : i32
      %get3A_426 = arith.constant 0 : i32
      %get3A_427 = arith.index_cast %get3A : i32 to index
      %get3A_428 = arith.index_cast %get3A_426 : i32 to index
      %get3A_429 = arith.index_cast %scan3A_417 : i32 to index
      %get3A_430 = arith.constant 0 : index
      %get3A_431 = tpu.vector_load %arg12[%get3A_427, %get3A_428, %get3A_429, %get3A_430] {strides = array<i32>} : memref<4x3x128x64xf32, #tpu.memory_space<vmem>>, vector<1x1x1x16xf32>,
      %get3A_432 = vector.shape_cast %get3A_431 : vector<1x1x1x16xf32> to vector<16xf32>
      %get3A_433 = arith.constant 2 : i32
      %get3A_434 = arith.constant 1 : i32
      %get3A_435 = arith.index_cast %get3A_433 : i32 to index
      %get3A_436 = arith.index_cast %get3A_434 : i32 to index
      %get3A_437 = arith.index_cast %scan3A_417 : i32 to index
      %get3A_438 = arith.constant 0 : index
      %get3A_439 = tpu.vector_load %arg12[%get3A_435, %get3A_436, %get3A_437, %get3A_438] {strides = array<i32>} : memref<4x3x128x64xf32, #tpu.memory_space<vmem>>, vector<1x1x1x16xf32>,
      %get3A_440 = vector.shape_cast %get3A_439 : vector<1x1x1x16xf32> to vector<16xf32>
      %get3A_441 = arith.constant 2 : i32
      %get3A_442 = arith.constant 2 : i32
      %get3A_443 = arith.index_cast %get3A_441 : i32 to index
      %get3A_444 = arith.index_cast %get3A_442 : i32 to index
      %get3A_445 = arith.index_cast %scan3A_417 : i32 to index
      %get3A_446 = arith.constant 0 : index
      %get3A_447 = tpu.vector_load %arg12[%get3A_443, %get3A_444, %get3A_445, %get3A_446] {strides = array<i32>} : memref<4x3x128x64xf32, #tpu.memory_space<vmem>>, vector<1x1x1x16xf32>,
      %get3A_448 = vector.shape_cast %get3A_447 : vector<1x1x1x16xf32> to vector<16xf32>
      %max3A = arith.maximumf %get3A_432, %get3A_440 : vector<16xf32>
      %max3A_449 = arith.maximumf %max3A, %get3A_448 : vector<16xf32>
      %swap3A_450 = arith.index_cast %scan3A_417 : i32 to index
      %swap3A_451 = arith.constant 0 : index
      %swap3A_452 = tpu.vector_load %arg13[%swap3A_450, %swap3A_451] {strides = array<i32>} : memref<128x64xf32, #tpu.memory_space<vmem>>, vector<1x16xf32>,
      %swap3A_453 = vector.shape_cast %swap3A_452 : vector<1x16xf32> to vector<16xf32>
      %swap3A_454 = vector.shape_cast %max3A_449 : vector<16xf32> to vector<1x16xf32>
      tpu.vector_store %arg13[%swap3A_450, %swap3A_451], %swap3A_454 {strides = array<i32>} : memref<128x64xf32, #tpu.memory_space<vmem>>, vector<1x16xf32>,
      %add3A_455 = arith.addf %get3A_432, %get3A_440 : vector<16xf32>
      %add3A_456 = arith.addf %add3A_455, %get3A_448 : vector<16xf32>
      %add3A_457 = arith.addf %scan3A_418, %add3A_456 : vector<16xf32>
      %mul3A_458 = arith.mulf %get3A_432, %get3A_432 : vector<16xf32>
      %mul3A_459 = arith.mulf %get3A_440, %get3A_440 : vector<16xf32>
      %add3A_460 = arith.addf %mul3A_458, %mul3A_459 : vector<16xf32>
      %mul3A_461 = arith.mulf %get3A_448, %get3A_448 : vector<16xf32>
      %add3A_462 = arith.addf %add3A_460, %mul3A_461 : vector<16xf32>
      %add3A_463 = arith.addf %scan3A_419, %add3A_462 : vector<16xf32>
      %get3A_464 = arith.constant 2 : i32
      %get3A_465 = arith.constant 0 : i32
      %get3A_466 = arith.index_cast %get3A_464 : i32 to index
      %get3A_467 = arith.index_cast %get3A_465 : i32 to index
      %get3A_468 = arith.index_cast %scan3A_417 : i32 to index
      %get3A_469 = arith.constant 16 : index
      %get3A_470 = tpu.vector_load %arg12[%get3A_466, %get3A_467, %get3A_468, %get3A_469] {strides = array<i32>} : memref<4x3x128x64xf32, #tpu.memory_space<vmem>>, vector<1x1x1x16xf32>,
      %get3A_471 = vector.shape_cast %get3A_470 : vector<1x1x1x16xf32> to vector<16xf32>
      %get3A_472 = arith.constant 2 : i32
      %get3A_473 = arith.constant 1 : i32
      %get3A_474 = arith.index_cast %get3A_472 : i32 to index
      %get3A_475 = arith.index_cast %get3A_473 : i32 to index
      %get3A_476 = arith.index_cast %scan3A_417 : i32 to index
      %get3A_477 = arith.constant 16 : index
      %get3A_478 = tpu.vector_load %arg12[%get3A_474, %get3A_475, %get3A_476, %get3A_477] {strides = array<i32>} : memref<4x3x128x64xf32, #tpu.memory_space<vmem>>, vector<1x1x1x16xf32>,
      %get3A_479 = vector.shape_cast %get3A_478 : vector<1x1x1x16xf32> to vector<16xf32>
      %get3A_480 = arith.constant 2 : i32
      %get3A_481 = arith.constant 2 : i32
      %get3A_482 = arith.index_cast %get3A_480 : i32 to index
      %get3A_483 = arith.index_cast %get3A_481 : i32 to index
      %get3A_484 = arith.index_cast %scan3A_417 : i32 to index
      %get3A_485 = arith.constant 16 : index
      %get3A_486 = tpu.vector_load %arg12[%get3A_482, %get3A_483, %get3A_484, %get3A_485] {strides = array<i32>} : memref<4x3x128x64xf32, #tpu.memory_space<vmem>>, vector<1x1x1x16xf32>,
      %get3A_487 = vector.shape_cast %get3A_486 : vector<1x1x1x16xf32> to vector<16xf32>
      %max3A_488 = arith.maximumf %get3A_471, %get3A_479 : vector<16xf32>
      %max3A_489 = arith.maximumf %max3A_488, %get3A_487 : vector<16xf32>
      %swap3A_490 = arith.index_cast %scan3A_417 : i32 to index
      %swap3A_491 = arith.constant 16 : index
      %swap3A_492 = tpu.vector_load %arg13[%swap3A_490, %swap3A_491] {strides = array<i32>} : memref<128x64xf32, #tpu.memory_space<vmem>>, vector<1x16xf32>,
      %swap3A_493 = vector.shape_cast %swap3A_492 : vector<1x16xf32> to vector<16xf32>
      %swap3A_494 = vector.shape_cast %max3A_489 : vector<16xf32> to vector<1x16xf32>
      tpu.vector_store %arg13[%swap3A_490, %swap3A_491], %swap3A_494 {strides = array<i32>} : memref<128x64xf32, #tpu.memory_space<vmem>>, vector<1x16xf32>,
      %add3A_495 = arith.addf %get3A_471, %get3A_479 : vector<16xf32>
      %add3A_496 = arith.addf %add3A_495, %get3A_487 : vector<16xf32>
      %add3A_497 = arith.addf %scan3A_420, %add3A_496 : vector<16xf32>
      %mul3A_498 = arith.mulf %get3A_471, %get3A_471 : vector<16xf32>
      %mul3A_499 = arith.mulf %get3A_479, %get3A_479 : vector<16xf32>
      %add3A_500 = arith.addf %mul3A_498, %mul3A_499 : vector<16xf32>
      %mul3A_501 = arith.mulf %get3A_487, %get3A_487 : vector<16xf32>
      %add3A_502 = arith.addf %add3A_500, %mul3A_501 : vector<16xf32>
      %add3A_503 = arith.addf %scan3A_421, %add3A_502 : vector<16xf32>
      %get3A_504 = arith.constant 2 : i32
      %get3A_505 = arith.constant 0 : i32
      %get3A_506 = arith.index_cast %get3A_504 : i32 to index
      %get3A_507 = arith.index_cast %get3A_505 : i32 to index
      %get3A_508 = arith.index_cast %scan3A_417 : i32 to index
      %get3A_509 = arith.constant 32 : index
      %get3A_510 = tpu.vector_load %arg12[%get3A_506, %get3A_507, %get3A_508, %get3A_509] {strides = array<i32>} : memref<4x3x128x64xf32, #tpu.memory_space<vmem>>, vector<1x1x1x16xf32>,
      %get3A_511 = vector.shape_cast %get3A_510 : vector<1x1x1x16xf32> to vector<16xf32>
      %get3A_512 = arith.constant 2 : i32
      %get3A_513 = arith.constant 1 : i32
      %get3A_514 = arith.index_cast %get3A_512 : i32 to index
      %get3A_515 = arith.index_cast %get3A_513 : i32 to index
      %get3A_516 = arith.index_cast %scan3A_417 : i32 to index
      %get3A_517 = arith.constant 32 : index
      %get3A_518 = tpu.vector_load %arg12[%get3A_514, %get3A_515, %get3A_516, %get3A_517] {strides = array<i32>} : memref<4x3x128x64xf32, #tpu.memory_space<vmem>>, vector<1x1x1x16xf32>,
      %get3A_519 = vector.shape_cast %get3A_518 : vector<1x1x1x16xf32> to vector<16xf32>
      %get3A_520 = arith.constant 2 : i32
      %get3A_521 = arith.constant 2 : i32
      %get3A_522 = arith.index_cast %get3A_520 : i32 to index
      %get3A_523 = arith.index_cast %get3A_521 : i32 to index
      %get3A_524 = arith.index_cast %scan3A_417 : i32 to index
      %get3A_525 = arith.constant 32 : index
      %get3A_526 = tpu.vector_load %arg12[%get3A_522, %get3A_523, %get3A_524, %get3A_525] {strides = array<i32>} : memref<4x3x128x64xf32, #tpu.memory_space<vmem>>, vector<1x1x1x16xf32>,
      %get3A_527 = vector.shape_cast %get3A_526 : vector<1x1x1x16xf32> to vector<16xf32>
      %max3A_528 = arith.maximumf %get3A_511, %get3A_519 : vector<16xf32>
      %max3A_529 = arith.maximumf %max3A_528, %get3A_527 : vector<16xf32>
      %swap3A_530 = arith.index_cast %scan3A_417 : i32 to index
      %swap3A_531 = arith.constant 32 : index
      %swap3A_532 = tpu.vector_load %arg13[%swap3A_530, %swap3A_531] {strides = array<i32>} : memref<128x64xf32, #tpu.memory_space<vmem>>, vector<1x16xf32>,
      %swap3A_533 = vector.shape_cast %swap3A_532 : vector<1x16xf32> to vector<16xf32>
      %swap3A_534 = vector.shape_cast %max3A_529 : vector<16xf32> to vector<1x16xf32>
      tpu.vector_store %arg13[%swap3A_530, %swap3A_531], %swap3A_534 {strides = array<i32>} : memref<128x64xf32, #tpu.memory_space<vmem>>, vector<1x16xf32>,
      %add3A_535 = arith.addf %get3A_511, %get3A_519 : vector<16xf32>
      %add3A_536 = arith.addf %add3A_535, %get3A_527 : vector<16xf32>
      %add3A_537 = arith.addf %scan3A_422, %add3A_536 : vector<16xf32>
      %mul3A_538 = arith.mulf %get3A_511, %get3A_511 : vector<16xf32>
      %mul3A_539 = arith.mulf %get3A_519, %get3A_519 : vector<16xf32>
      %add3A_540 = arith.addf %mul3A_538, %mul3A_539 : vector<16xf32>
      %mul3A_541 = arith.mulf %get3A_527, %get3A_527 : vector<16xf32>
      %add3A_542 = arith.addf %add3A_540, %mul3A_541 : vector<16xf32>
      %add3A_543 = arith.addf %scan3A_423, %add3A_542 : vector<16xf32>
      %get3A_544 = arith.constant 2 : i32
      %get3A_545 = arith.constant 0 : i32
      %get3A_546 = arith.index_cast %get3A_544 : i32 to index
      %get3A_547 = arith.index_cast %get3A_545 : i32 to index
      %get3A_548 = arith.index_cast %scan3A_417 : i32 to index
      %get3A_549 = arith.constant 48 : index
      %get3A_550 = tpu.vector_load %arg12[%get3A_546, %get3A_547, %get3A_548, %get3A_549] {strides = array<i32>} : memref<4x3x128x64xf32, #tpu.memory_space<vmem>>, vector<1x1x1x16xf32>,
      %get3A_551 = vector.shape_cast %get3A_550 : vector<1x1x1x16xf32> to vector<16xf32>
      %get3A_552 = arith.constant 2 : i32
      %get3A_553 = arith.constant 1 : i32
      %get3A_554 = arith.index_cast %get3A_552 : i32 to index
      %get3A_555 = arith.index_cast %get3A_553 : i32 to index
      %get3A_556 = arith.index_cast %scan3A_417 : i32 to index
      %get3A_557 = arith.constant 48 : index
      %get3A_558 = tpu.vector_load %arg12[%get3A_554, %get3A_555, %get3A_556, %get3A_557] {strides = array<i32>} : memref<4x3x128x64xf32, #tpu.memory_space<vmem>>, vector<1x1x1x16xf32>,
      %get3A_559 = vector.shape_cast %get3A_558 : vector<1x1x1x16xf32> to vector<16xf32>
      %get3A_560 = arith.constant 2 : i32
      %get3A_561 = arith.constant 2 : i32
      %get3A_562 = arith.index_cast %get3A_560 : i32 to index
      %get3A_563 = arith.index_cast %get3A_561 : i32 to index
      %get3A_564 = arith.index_cast %scan3A_417 : i32 to index
      %get3A_565 = arith.constant 48 : index
      %get3A_566 = tpu.vector_load %arg12[%get3A_562, %get3A_563, %get3A_564, %get3A_565] {strides = array<i32>} : memref<4x3x128x64xf32, #tpu.memory_space<vmem>>, vector<1x1x1x16xf32>,
      %get3A_567 = vector.shape_cast %get3A_566 : vector<1x1x1x16xf32> to vector<16xf32>
      %max3A_568 = arith.maximumf %get3A_551, %get3A_559 : vector<16xf32>
      %max3A_569 = arith.maximumf %max3A_568, %get3A_567 : vector<16xf32>
      %swap3A_570 = arith.index_cast %scan3A_417 : i32 to index
      %swap3A_571 = arith.constant 48 : index
      %swap3A_572 = tpu.vector_load %arg13[%swap3A_570, %swap3A_571] {strides = array<i32>} : memref<128x64xf32, #tpu.memory_space<vmem>>, vector<1x16xf32>,
      %swap3A_573 = vector.shape_cast %swap3A_572 : vector<1x16xf32> to vector<16xf32>
      %swap3A_574 = vector.shape_cast %max3A_569 : vector<16xf32> to vector<1x16xf32>
      tpu.vector_store %arg13[%swap3A_570, %swap3A_571], %swap3A_574 {strides = array<i32>} : memref<128x64xf32, #tpu.memory_space<vmem>>, vector<1x16xf32>,
      %add3A_575 = arith.addf %get3A_551, %get3A_559 : vector<16xf32>
      %add3A_576 = arith.addf %add3A_575, %get3A_567 : vector<16xf32>
      %add3A_577 = arith.addf %scan3A_424, %add3A_576 : vector<16xf32>
      %mul3A_578 = arith.mulf %get3A_551, %get3A_551 : vector<16xf32>
      %mul3A_579 = arith.mulf %get3A_559, %get3A_559 : vector<16xf32>
      %add3A_580 = arith.addf %mul3A_578, %mul3A_579 : vector<16xf32>
      %mul3A_581 = arith.mulf %get3A_567, %get3A_567 : vector<16xf32>
      %add3A_582 = arith.addf %add3A_580, %mul3A_581 : vector<16xf32>
      %add3A_583 = arith.addf %scan3A_425, %add3A_582 : vector<16xf32>
      scf.yield %add3A_457, %add3A_463, %add3A_497, %add3A_503, %add3A_537, %add3A_543, %add3A_577, %add3A_583 : vector<16xf32>, vector<16xf32>, vector<16xf32>, vector<16xf32>, vector<16xf32>, vector<16xf32>, vector<16xf32>, vector<16xf32>
    }
    %scan3A_316 = arith.constant 128 : i32
    %add3A_317 = arith.constant 256 : i32
    %add3A_318 = arith.addi %mul3A_2, %add3A_317 : i32
    "tpu.region"() ({
      %run_scoped3A_417 = tpu.sem_alloc : memref<!tpu.dma_semaphore, #tpu.memory_space<semaphore_mem>>
      %dma_start3A_418 = arith.constant 0 : i32
      %dma_start3A_419 = tpu.memref_slice %arg6[%add3A_318, %dma_start3A_418] : memref<16384x64xf32, #tpu.memory_space<hbm>> -> memref<128x64xf32, #tpu.memory_space<hbm>>
      %dma_start3A_420 = arith.constant 0 : i32
      %dma_start3A_421 = tpu.memref_slice %arg6[%add3A_318, %dma_start3A_420] : memref<16384x64xf32, #tpu.memory_space<hbm>> -> memref<128x64xf32, #tpu.memory_space<hbm>>
      tpu.enqueue_dma source(%arg13 : memref<128x64xf32, #tpu.memory_space<vmem>>) target(%dma_start3A_421 : memref<128x64xf32, #tpu.memory_space<hbm>>) target_semaphore(%run_scoped3A_417 : memref<!tpu.dma_semaphore, #tpu.memory_space<semaphore_mem>>)
      %dma_wait3A_422 = arith.constant 0 : i32
      %dma_wait3A_423 = tpu.memref_slice %arg6[%add3A_318, %dma_wait3A_422] : memref<16384x64xf32, #tpu.memory_space<hbm>> -> memref<128x64xf32, #tpu.memory_space<hbm>>
      %dma_wait3A_424 = arith.constant 0 : i32
      %dma_wait3A_425 = tpu.memref_slice %arg6[%add3A_318, %dma_wait3A_424] : memref<16384x64xf32, #tpu.memory_space<hbm>> -> memref<128x64xf32, #tpu.memory_space<hbm>>
      tpu.wait_dma2 semaphore(%run_scoped3A_417 : memref<!tpu.dma_semaphore, #tpu.memory_space<semaphore_mem>>) src(%arg13 : memref<128x64xf32, #tpu.memory_space<vmem>>) dst(%dma_wait3A_425 : memref<128x64xf32, #tpu.memory_space<hbm>>)
      tpu.yield
    }) : () -> ()
    %dma_wait3A_319 = arith.constant 3 : i32
    %dma_wait3A_320 = arith.constant 0 : i32
    %dma_wait3A_321 = arith.constant 3 : i32
    %dma_wait3A_322 = arith.constant 0 : i32
    %dma_wait3A_323 = arith.constant 0 : i32
    %dma_wait3A_324 = tpu.memref_slice %arg12[%dma_wait3A_319, %dma_wait3A_320, %dma_wait3A_322, %dma_wait3A_323] : memref<4x3x128x64xf32, #tpu.memory_space<vmem>> -> memref<1x1x128x64xf32, #tpu.memory_space<vmem>>
    %dma_wait3A_325 = tpu.memref_squeeze %dma_wait3A_324 : memref<1x1x128x64xf32, #tpu.memory_space<vmem>> -> memref<128x64xf32, #tpu.memory_space<vmem>>
    %dma_wait3A_326 = arith.constant 384 : i32
    %dma_wait3A_327 = tpu.memref_slice %arg9[%dma_wait3A_326] : memref<512xi32, #tpu.memory_space<vmem>> -> memref<128xi32, #tpu.memory_space<vmem>>
    %dma_wait3A_328 = arith.constant 0 : i32
    %dma_wait3A_329 = arith.constant 0 : i32
    %dma_wait3A_330 = tpu.memref_slice %arg5[%dma_wait3A_328, %dma_wait3A_329] : memref<4096x64xf32, #tpu.memory_space<hbm>> -> memref<4096x64xf32, #tpu.memory_space<hbm>>
    %dma_wait3A_331 = tpu.memref_slice %arg15[%dma_wait3A_321] : memref<4x!tpu.dma_semaphore, #tpu.memory_space<semaphore_mem>> -> memref<1x!tpu.dma_semaphore, #tpu.memory_space<semaphore_mem>>
    %dma_wait3A_332 = tpu.memref_squeeze %dma_wait3A_331 : memref<1x!tpu.dma_semaphore, #tpu.memory_space<semaphore_mem>> -> memref<!tpu.dma_semaphore, #tpu.memory_space<semaphore_mem>>
    tpu.wait_indirect_dma semaphore(%dma_wait3A_332 : memref<!tpu.dma_semaphore, #tpu.memory_space<semaphore_mem>>) src(%dma_wait3A_330 : memref<4096x64xf32, #tpu.memory_space<hbm>>) dst(%dma_wait3A_325 : memref<128x64xf32, #tpu.memory_space<vmem>>)
    %dma_wait3A_333 = arith.constant 3 : i32
    %dma_wait3A_334 = arith.constant 1 : i32
    %dma_wait3A_335 = arith.constant 3 : i32
    %dma_wait3A_336 = arith.constant 0 : i32
    %dma_wait3A_337 = arith.constant 0 : i32
    %dma_wait3A_338 = tpu.memref_slice %arg12[%dma_wait3A_333, %dma_wait3A_334, %dma_wait3A_336, %dma_wait3A_337] : memref<4x3x128x64xf32, #tpu.memory_space<vmem>> -> memref<1x1x128x64xf32, #tpu.memory_space<vmem>>
    %dma_wait3A_339 = tpu.memref_squeeze %dma_wait3A_338 : memref<1x1x128x64xf32, #tpu.memory_space<vmem>> -> memref<128x64xf32, #tpu.memory_space<vmem>>
    %dma_wait3A_340 = arith.constant 384 : i32
    %dma_wait3A_341 = tpu.memref_slice %arg10[%dma_wait3A_340] : memref<512xi32, #tpu.memory_space<vmem>> -> memref<128xi32, #tpu.memory_space<vmem>>
    %dma_wait3A_342 = arith.constant 0 : i32
    %dma_wait3A_343 = arith.constant 0 : i32
    %dma_wait3A_344 = tpu.memref_slice %arg5[%dma_wait3A_342, %dma_wait3A_343] : memref<4096x64xf32, #tpu.memory_space<hbm>> -> memref<4096x64xf32, #tpu.memory_space<hbm>>
    %dma_wait3A_345 = tpu.memref_slice %arg15[%dma_wait3A_335] : memref<4x!tpu.dma_semaphore, #tpu.memory_space<semaphore_mem>> -> memref<1x!tpu.dma_semaphore, #tpu.memory_space<semaphore_mem>>
    %dma_wait3A_346 = tpu.memref_squeeze %dma_wait3A_345 : memref<1x!tpu.dma_semaphore, #tpu.memory_space<semaphore_mem>> -> memref<!tpu.dma_semaphore, #tpu.memory_space<semaphore_mem>>
    tpu.wait_indirect_dma semaphore(%dma_wait3A_346 : memref<!tpu.dma_semaphore, #tpu.memory_space<semaphore_mem>>) src(%dma_wait3A_344 : memref<4096x64xf32, #tpu.memory_space<hbm>>) dst(%dma_wait3A_339 : memref<128x64xf32, #tpu.memory_space<vmem>>)
    %dma_wait3A_347 = arith.constant 3 : i32
    %dma_wait3A_348 = arith.constant 2 : i32
    %dma_wait3A_349 = arith.constant 3 : i32
    %dma_wait3A_350 = arith.constant 0 : i32
    %dma_wait3A_351 = arith.constant 0 : i32
    %dma_wait3A_352 = tpu.memref_slice %arg12[%dma_wait3A_347, %dma_wait3A_348, %dma_wait3A_350, %dma_wait3A_351] : memref<4x3x128x64xf32, #tpu.memory_space<vmem>> -> memref<1x1x128x64xf32, #tpu.memory_space<vmem>>
    %dma_wait3A_353 = tpu.memref_squeeze %dma_wait3A_352 : memref<1x1x128x64xf32, #tpu.memory_space<vmem>> -> memref<128x64xf32, #tpu.memory_space<vmem>>
    %dma_wait3A_354 = arith.constant 384 : i32
    %dma_wait3A_355 = tpu.memref_slice %arg11[%dma_wait3A_354] : memref<512xi32, #tpu.memory_space<vmem>> -> memref<128xi32, #tpu.memory_space<vmem>>
    %dma_wait3A_356 = arith.constant 0 : i32
    %dma_wait3A_357 = arith.constant 0 : i32
    %dma_wait3A_358 = tpu.memref_slice %arg5[%dma_wait3A_356, %dma_wait3A_357] : memref<4096x64xf32, #tpu.memory_space<hbm>> -> memref<4096x64xf32, #tpu.memory_space<hbm>>
    %dma_wait3A_359 = tpu.memref_slice %arg15[%dma_wait3A_349] : memref<4x!tpu.dma_semaphore, #tpu.memory_space<semaphore_mem>> -> memref<1x!tpu.dma_semaphore, #tpu.memory_space<semaphore_mem>>
    %dma_wait3A_360 = tpu.memref_squeeze %dma_wait3A_359 : memref<1x!tpu.dma_semaphore, #tpu.memory_space<semaphore_mem>> -> memref<!tpu.dma_semaphore, #tpu.memory_space<semaphore_mem>>
    tpu.wait_indirect_dma semaphore(%dma_wait3A_360 : memref<!tpu.dma_semaphore, #tpu.memory_space<semaphore_mem>>) src(%dma_wait3A_358 : memref<4096x64xf32, #tpu.memory_space<hbm>>) dst(%dma_wait3A_353 : memref<128x64xf32, #tpu.memory_space<vmem>>)
    %scan3A_361 = arith.constant 0 : i32
    %scan3A_362 = arith.constant 128 : i32
    %scan3A_363 = arith.addi %scan3A_361, %scan3A_362 : i32
    %scan3A_364 = arith.constant 1 : i32
    %scan3A_365:8 = scf.for %scan3A_417 = %scan3A_361 to %scan3A_363 step %scan3A_364 iter_args(%scan3A_418 = %scan3A_315#0, %scan3A_419 = %scan3A_315#1, %scan3A_420 = %scan3A_315#2, %scan3A_421 = %scan3A_315#3, %scan3A_422 = %scan3A_315#4, %scan3A_423 = %scan3A_315#5, %scan3A_424 = %scan3A_315#6, %scan3A_425 = %scan3A_315#7) -> (vector<16xf32>, vector<16xf32>, vector<16xf32>, vector<16xf32>, vector<16xf32>, vector<16xf32>, vector<16xf32>, vector<16xf32>)  : i32 {
      %get3A = arith.constant 3 : i32
      %get3A_426 = arith.constant 0 : i32
      %get3A_427 = arith.index_cast %get3A : i32 to index
      %get3A_428 = arith.index_cast %get3A_426 : i32 to index
      %get3A_429 = arith.index_cast %scan3A_417 : i32 to index
      %get3A_430 = arith.constant 0 : index
      %get3A_431 = tpu.vector_load %arg12[%get3A_427, %get3A_428, %get3A_429, %get3A_430] {strides = array<i32>} : memref<4x3x128x64xf32, #tpu.memory_space<vmem>>, vector<1x1x1x16xf32>,
      %get3A_432 = vector.shape_cast %get3A_431 : vector<1x1x1x16xf32> to vector<16xf32>
      %get3A_433 = arith.constant 3 : i32
      %get3A_434 = arith.constant 1 : i32
      %get3A_435 = arith.index_cast %get3A_433 : i32 to index
      %get3A_436 = arith.index_cast %get3A_434 : i32 to index
      %get3A_437 = arith.index_cast %scan3A_417 : i32 to index
      %get3A_438 = arith.constant 0 : index
      %get3A_439 = tpu.vector_load %arg12[%get3A_435, %get3A_436, %get3A_437, %get3A_438] {strides = array<i32>} : memref<4x3x128x64xf32, #tpu.memory_space<vmem>>, vector<1x1x1x16xf32>,
      %get3A_440 = vector.shape_cast %get3A_439 : vector<1x1x1x16xf32> to vector<16xf32>
      %get3A_441 = arith.constant 3 : i32
      %get3A_442 = arith.constant 2 : i32
      %get3A_443 = arith.index_cast %get3A_441 : i32 to index
      %get3A_444 = arith.index_cast %get3A_442 : i32 to index
      %get3A_445 = arith.index_cast %scan3A_417 : i32 to index
      %get3A_446 = arith.constant 0 : index
      %get3A_447 = tpu.vector_load %arg12[%get3A_443, %get3A_444, %get3A_445, %get3A_446] {strides = array<i32>} : memref<4x3x128x64xf32, #tpu.memory_space<vmem>>, vector<1x1x1x16xf32>,
      %get3A_448 = vector.shape_cast %get3A_447 : vector<1x1x1x16xf32> to vector<16xf32>
      %max3A = arith.maximumf %get3A_432, %get3A_440 : vector<16xf32>
      %max3A_449 = arith.maximumf %max3A, %get3A_448 : vector<16xf32>
      %swap3A_450 = arith.index_cast %scan3A_417 : i32 to index
      %swap3A_451 = arith.constant 0 : index
      %swap3A_452 = tpu.vector_load %arg13[%swap3A_450, %swap3A_451] {strides = array<i32>} : memref<128x64xf32, #tpu.memory_space<vmem>>, vector<1x16xf32>,
      %swap3A_453 = vector.shape_cast %swap3A_452 : vector<1x16xf32> to vector<16xf32>
      %swap3A_454 = vector.shape_cast %max3A_449 : vector<16xf32> to vector<1x16xf32>
      tpu.vector_store %arg13[%swap3A_450, %swap3A_451], %swap3A_454 {strides = array<i32>} : memref<128x64xf32, #tpu.memory_space<vmem>>, vector<1x16xf32>,
      %add3A_455 = arith.addf %get3A_432, %get3A_440 : vector<16xf32>
      %add3A_456 = arith.addf %add3A_455, %get3A_448 : vector<16xf32>
      %add3A_457 = arith.addf %scan3A_418, %add3A_456 : vector<16xf32>
      %mul3A_458 = arith.mulf %get3A_432, %get3A_432 : vector<16xf32>
      %mul3A_459 = arith.mulf %get3A_440, %get3A_440 : vector<16xf32>
      %add3A_460 = arith.addf %mul3A_458, %mul3A_459 : vector<16xf32>
      %mul3A_461 = arith.mulf %get3A_448, %get3A_448 : vector<16xf32>
      %add3A_462 = arith.addf %add3A_460, %mul3A_461 : vector<16xf32>
      %add3A_463 = arith.addf %scan3A_419, %add3A_462 : vector<16xf32>
      %get3A_464 = arith.constant 3 : i32
      %get3A_465 = arith.constant 0 : i32
      %get3A_466 = arith.index_cast %get3A_464 : i32 to index
      %get3A_467 = arith.index_cast %get3A_465 : i32 to index
      %get3A_468 = arith.index_cast %scan3A_417 : i32 to index
      %get3A_469 = arith.constant 16 : index
      %get3A_470 = tpu.vector_load %arg12[%get3A_466, %get3A_467, %get3A_468, %get3A_469] {strides = array<i32>} : memref<4x3x128x64xf32, #tpu.memory_space<vmem>>, vector<1x1x1x16xf32>,
      %get3A_471 = vector.shape_cast %get3A_470 : vector<1x1x1x16xf32> to vector<16xf32>
      %get3A_472 = arith.constant 3 : i32
      %get3A_473 = arith.constant 1 : i32
      %get3A_474 = arith.index_cast %get3A_472 : i32 to index
      %get3A_475 = arith.index_cast %get3A_473 : i32 to index
      %get3A_476 = arith.index_cast %scan3A_417 : i32 to index
      %get3A_477 = arith.constant 16 : index
      %get3A_478 = tpu.vector_load %arg12[%get3A_474, %get3A_475, %get3A_476, %get3A_477] {strides = array<i32>} : memref<4x3x128x64xf32, #tpu.memory_space<vmem>>, vector<1x1x1x16xf32>,
      %get3A_479 = vector.shape_cast %get3A_478 : vector<1x1x1x16xf32> to vector<16xf32>
      %get3A_480 = arith.constant 3 : i32
      %get3A_481 = arith.constant 2 : i32
      %get3A_482 = arith.index_cast %get3A_480 : i32 to index
      %get3A_483 = arith.index_cast %get3A_481 : i32 to index
      %get3A_484 = arith.index_cast %scan3A_417 : i32 to index
      %get3A_485 = arith.constant 16 : index
      %get3A_486 = tpu.vector_load %arg12[%get3A_482, %get3A_483, %get3A_484, %get3A_485] {strides = array<i32>} : memref<4x3x128x64xf32, #tpu.memory_space<vmem>>, vector<1x1x1x16xf32>,
      %get3A_487 = vector.shape_cast %get3A_486 : vector<1x1x1x16xf32> to vector<16xf32>
      %max3A_488 = arith.maximumf %get3A_471, %get3A_479 : vector<16xf32>
      %max3A_489 = arith.maximumf %max3A_488, %get3A_487 : vector<16xf32>
      %swap3A_490 = arith.index_cast %scan3A_417 : i32 to index
      %swap3A_491 = arith.constant 16 : index
      %swap3A_492 = tpu.vector_load %arg13[%swap3A_490, %swap3A_491] {strides = array<i32>} : memref<128x64xf32, #tpu.memory_space<vmem>>, vector<1x16xf32>,
      %swap3A_493 = vector.shape_cast %swap3A_492 : vector<1x16xf32> to vector<16xf32>
      %swap3A_494 = vector.shape_cast %max3A_489 : vector<16xf32> to vector<1x16xf32>
      tpu.vector_store %arg13[%swap3A_490, %swap3A_491], %swap3A_494 {strides = array<i32>} : memref<128x64xf32, #tpu.memory_space<vmem>>, vector<1x16xf32>,
      %add3A_495 = arith.addf %get3A_471, %get3A_479 : vector<16xf32>
      %add3A_496 = arith.addf %add3A_495, %get3A_487 : vector<16xf32>
      %add3A_497 = arith.addf %scan3A_420, %add3A_496 : vector<16xf32>
      %mul3A_498 = arith.mulf %get3A_471, %get3A_471 : vector<16xf32>
      %mul3A_499 = arith.mulf %get3A_479, %get3A_479 : vector<16xf32>
      %add3A_500 = arith.addf %mul3A_498, %mul3A_499 : vector<16xf32>
      %mul3A_501 = arith.mulf %get3A_487, %get3A_487 : vector<16xf32>
      %add3A_502 = arith.addf %add3A_500, %mul3A_501 : vector<16xf32>
      %add3A_503 = arith.addf %scan3A_421, %add3A_502 : vector<16xf32>
      %get3A_504 = arith.constant 3 : i32
      %get3A_505 = arith.constant 0 : i32
      %get3A_506 = arith.index_cast %get3A_504 : i32 to index
      %get3A_507 = arith.index_cast %get3A_505 : i32 to index
      %get3A_508 = arith.index_cast %scan3A_417 : i32 to index
      %get3A_509 = arith.constant 32 : index
      %get3A_510 = tpu.vector_load %arg12[%get3A_506, %get3A_507, %get3A_508, %get3A_509] {strides = array<i32>} : memref<4x3x128x64xf32, #tpu.memory_space<vmem>>, vector<1x1x1x16xf32>,
      %get3A_511 = vector.shape_cast %get3A_510 : vector<1x1x1x16xf32> to vector<16xf32>
      %get3A_512 = arith.constant 3 : i32
      %get3A_513 = arith.constant 1 : i32
      %get3A_514 = arith.index_cast %get3A_512 : i32 to index
      %get3A_515 = arith.index_cast %get3A_513 : i32 to index
      %get3A_516 = arith.index_cast %scan3A_417 : i32 to index
      %get3A_517 = arith.constant 32 : index
      %get3A_518 = tpu.vector_load %arg12[%get3A_514, %get3A_515, %get3A_516, %get3A_517] {strides = array<i32>} : memref<4x3x128x64xf32, #tpu.memory_space<vmem>>, vector<1x1x1x16xf32>,
      %get3A_519 = vector.shape_cast %get3A_518 : vector<1x1x1x16xf32> to vector<16xf32>
      %get3A_520 = arith.constant 3 : i32
      %get3A_521 = arith.constant 2 : i32
      %get3A_522 = arith.index_cast %get3A_520 : i32 to index
      %get3A_523 = arith.index_cast %get3A_521 : i32 to index
      %get3A_524 = arith.index_cast %scan3A_417 : i32 to index
      %get3A_525 = arith.constant 32 : index
      %get3A_526 = tpu.vector_load %arg12[%get3A_522, %get3A_523, %get3A_524, %get3A_525] {strides = array<i32>} : memref<4x3x128x64xf32, #tpu.memory_space<vmem>>, vector<1x1x1x16xf32>,
      %get3A_527 = vector.shape_cast %get3A_526 : vector<1x1x1x16xf32> to vector<16xf32>
      %max3A_528 = arith.maximumf %get3A_511, %get3A_519 : vector<16xf32>
      %max3A_529 = arith.maximumf %max3A_528, %get3A_527 : vector<16xf32>
      %swap3A_530 = arith.index_cast %scan3A_417 : i32 to index
      %swap3A_531 = arith.constant 32 : index
      %swap3A_532 = tpu.vector_load %arg13[%swap3A_530, %swap3A_531] {strides = array<i32>} : memref<128x64xf32, #tpu.memory_space<vmem>>, vector<1x16xf32>,
      %swap3A_533 = vector.shape_cast %swap3A_532 : vector<1x16xf32> to vector<16xf32>
      %swap3A_534 = vector.shape_cast %max3A_529 : vector<16xf32> to vector<1x16xf32>
      tpu.vector_store %arg13[%swap3A_530, %swap3A_531], %swap3A_534 {strides = array<i32>} : memref<128x64xf32, #tpu.memory_space<vmem>>, vector<1x16xf32>,
      %add3A_535 = arith.addf %get3A_511, %get3A_519 : vector<16xf32>
      %add3A_536 = arith.addf %add3A_535, %get3A_527 : vector<16xf32>
      %add3A_537 = arith.addf %scan3A_422, %add3A_536 : vector<16xf32>
      %mul3A_538 = arith.mulf %get3A_511, %get3A_511 : vector<16xf32>
      %mul3A_539 = arith.mulf %get3A_519, %get3A_519 : vector<16xf32>
      %add3A_540 = arith.addf %mul3A_538, %mul3A_539 : vector<16xf32>
      %mul3A_541 = arith.mulf %get3A_527, %get3A_527 : vector<16xf32>
      %add3A_542 = arith.addf %add3A_540, %mul3A_541 : vector<16xf32>
      %add3A_543 = arith.addf %scan3A_423, %add3A_542 : vector<16xf32>
      %get3A_544 = arith.constant 3 : i32
      %get3A_545 = arith.constant 0 : i32
      %get3A_546 = arith.index_cast %get3A_544 : i32 to index
      %get3A_547 = arith.index_cast %get3A_545 : i32 to index
      %get3A_548 = arith.index_cast %scan3A_417 : i32 to index
      %get3A_549 = arith.constant 48 : index
      %get3A_550 = tpu.vector_load %arg12[%get3A_546, %get3A_547, %get3A_548, %get3A_549] {strides = array<i32>} : memref<4x3x128x64xf32, #tpu.memory_space<vmem>>, vector<1x1x1x16xf32>,
      %get3A_551 = vector.shape_cast %get3A_550 : vector<1x1x1x16xf32> to vector<16xf32>
      %get3A_552 = arith.constant 3 : i32
      %get3A_553 = arith.constant 1 : i32
      %get3A_554 = arith.index_cast %get3A_552 : i32 to index
      %get3A_555 = arith.index_cast %get3A_553 : i32 to index
      %get3A_556 = arith.index_cast %scan3A_417 : i32 to index
      %get3A_557 = arith.constant 48 : index
      %get3A_558 = tpu.vector_load %arg12[%get3A_554, %get3A_555, %get3A_556, %get3A_557] {strides = array<i32>} : memref<4x3x128x64xf32, #tpu.memory_space<vmem>>, vector<1x1x1x16xf32>,
      %get3A_559 = vector.shape_cast %get3A_558 : vector<1x1x1x16xf32> to vector<16xf32>
      %get3A_560 = arith.constant 3 : i32
      %get3A_561 = arith.constant 2 : i32
      %get3A_562 = arith.index_cast %get3A_560 : i32 to index
      %get3A_563 = arith.index_cast %get3A_561 : i32 to index
      %get3A_564 = arith.index_cast %scan3A_417 : i32 to index
      %get3A_565 = arith.constant 48 : index
      %get3A_566 = tpu.vector_load %arg12[%get3A_562, %get3A_563, %get3A_564, %get3A_565] {strides = array<i32>} : memref<4x3x128x64xf32, #tpu.memory_space<vmem>>, vector<1x1x1x16xf32>,
      %get3A_567 = vector.shape_cast %get3A_566 : vector<1x1x1x16xf32> to vector<16xf32>
      %max3A_568 = arith.maximumf %get3A_551, %get3A_559 : vector<16xf32>
      %max3A_569 = arith.maximumf %max3A_568, %get3A_567 : vector<16xf32>
      %swap3A_570 = arith.index_cast %scan3A_417 : i32 to index
      %swap3A_571 = arith.constant 48 : index
      %swap3A_572 = tpu.vector_load %arg13[%swap3A_570, %swap3A_571] {strides = array<i32>} : memref<128x64xf32, #tpu.memory_space<vmem>>, vector<1x16xf32>,
      %swap3A_573 = vector.shape_cast %swap3A_572 : vector<1x16xf32> to vector<16xf32>
      %swap3A_574 = vector.shape_cast %max3A_569 : vector<16xf32> to vector<1x16xf32>
      tpu.vector_store %arg13[%swap3A_570, %swap3A_571], %swap3A_574 {strides = array<i32>} : memref<128x64xf32, #tpu.memory_space<vmem>>, vector<1x16xf32>,
      %add3A_575 = arith.addf %get3A_551, %get3A_559 : vector<16xf32>
      %add3A_576 = arith.addf %add3A_575, %get3A_567 : vector<16xf32>
      %add3A_577 = arith.addf %scan3A_424, %add3A_576 : vector<16xf32>
      %mul3A_578 = arith.mulf %get3A_551, %get3A_551 : vector<16xf32>
      %mul3A_579 = arith.mulf %get3A_559, %get3A_559 : vector<16xf32>
      %add3A_580 = arith.addf %mul3A_578, %mul3A_579 : vector<16xf32>
      %mul3A_581 = arith.mulf %get3A_567, %get3A_567 : vector<16xf32>
      %add3A_582 = arith.addf %add3A_580, %mul3A_581 : vector<16xf32>
      %add3A_583 = arith.addf %scan3A_425, %add3A_582 : vector<16xf32>
      scf.yield %add3A_457, %add3A_463, %add3A_497, %add3A_503, %add3A_537, %add3A_543, %add3A_577, %add3A_583 : vector<16xf32>, vector<16xf32>, vector<16xf32>, vector<16xf32>, vector<16xf32>, vector<16xf32>, vector<16xf32>, vector<16xf32>
    }
    %scan3A_366 = arith.constant 128 : i32
    %add3A_367 = arith.constant 384 : i32
    %add3A_368 = arith.addi %mul3A_2, %add3A_367 : i32
    "tpu.region"() ({
      %run_scoped3A_417 = tpu.sem_alloc : memref<!tpu.dma_semaphore, #tpu.memory_space<semaphore_mem>>
      %dma_start3A_418 = arith.constant 0 : i32
      %dma_start3A_419 = tpu.memref_slice %arg6[%add3A_368, %dma_start3A_418] : memref<16384x64xf32, #tpu.memory_space<hbm>> -> memref<128x64xf32, #tpu.memory_space<hbm>>
      %dma_start3A_420 = arith.constant 0 : i32
      %dma_start3A_421 = tpu.memref_slice %arg6[%add3A_368, %dma_start3A_420] : memref<16384x64xf32, #tpu.memory_space<hbm>> -> memref<128x64xf32, #tpu.memory_space<hbm>>
      tpu.enqueue_dma source(%arg13 : memref<128x64xf32, #tpu.memory_space<vmem>>) target(%dma_start3A_421 : memref<128x64xf32, #tpu.memory_space<hbm>>) target_semaphore(%run_scoped3A_417 : memref<!tpu.dma_semaphore, #tpu.memory_space<semaphore_mem>>)
      %dma_wait3A_422 = arith.constant 0 : i32
      %dma_wait3A_423 = tpu.memref_slice %arg6[%add3A_368, %dma_wait3A_422] : memref<16384x64xf32, #tpu.memory_space<hbm>> -> memref<128x64xf32, #tpu.memory_space<hbm>>
      %dma_wait3A_424 = arith.constant 0 : i32
      %dma_wait3A_425 = tpu.memref_slice %arg6[%add3A_368, %dma_wait3A_424] : memref<16384x64xf32, #tpu.memory_space<hbm>> -> memref<128x64xf32, #tpu.memory_space<hbm>>
      tpu.wait_dma2 semaphore(%run_scoped3A_417 : memref<!tpu.dma_semaphore, #tpu.memory_space<semaphore_mem>>) src(%arg13 : memref<128x64xf32, #tpu.memory_space<vmem>>) dst(%dma_wait3A_425 : memref<128x64xf32, #tpu.memory_space<hbm>>)
      tpu.yield
    }) : () -> ()
    %swap3A = arith.constant 0 : i32
    %swap3A_369 = arith.index_cast %swap3A : i32 to index
    %swap3A_370 = arith.constant 0 : index
    %swap3A_371 = tpu.vector_load %arg14[%swap3A_369, %swap3A_370] {strides = array<i32>} : memref<2x64xf32, #tpu.memory_space<vmem>>, vector<1x16xf32>,
    %swap3A_372 = vector.shape_cast %swap3A_371 : vector<1x16xf32> to vector<16xf32>
    %swap3A_373 = vector.shape_cast %scan3A_365#0 : vector<16xf32> to vector<1x16xf32>
    tpu.vector_store %arg14[%swap3A_369, %swap3A_370], %swap3A_373 {strides = array<i32>} : memref<2x64xf32, #tpu.memory_space<vmem>>, vector<1x16xf32>,
    %swap3A_374 = arith.constant 1 : i32
    %swap3A_375 = arith.index_cast %swap3A_374 : i32 to index
    %swap3A_376 = arith.constant 0 : index
    %swap3A_377 = tpu.vector_load %arg14[%swap3A_375, %swap3A_376] {strides = array<i32>} : memref<2x64xf32, #tpu.memory_space<vmem>>, vector<1x16xf32>,
    %swap3A_378 = vector.shape_cast %swap3A_377 : vector<1x16xf32> to vector<16xf32>
    %swap3A_379 = vector.shape_cast %scan3A_365#1 : vector<16xf32> to vector<1x16xf32>
    tpu.vector_store %arg14[%swap3A_375, %swap3A_376], %swap3A_379 {strides = array<i32>} : memref<2x64xf32, #tpu.memory_space<vmem>>, vector<1x16xf32>,
    %swap3A_380 = arith.constant 0 : i32
    %swap3A_381 = arith.index_cast %swap3A_380 : i32 to index
    %swap3A_382 = arith.constant 16 : index
    %swap3A_383 = tpu.vector_load %arg14[%swap3A_381, %swap3A_382] {strides = array<i32>} : memref<2x64xf32, #tpu.memory_space<vmem>>, vector<1x16xf32>,
    %swap3A_384 = vector.shape_cast %swap3A_383 : vector<1x16xf32> to vector<16xf32>
    %swap3A_385 = vector.shape_cast %scan3A_365#2 : vector<16xf32> to vector<1x16xf32>
    tpu.vector_store %arg14[%swap3A_381, %swap3A_382], %swap3A_385 {strides = array<i32>} : memref<2x64xf32, #tpu.memory_space<vmem>>, vector<1x16xf32>,
    %swap3A_386 = arith.constant 1 : i32
    %swap3A_387 = arith.index_cast %swap3A_386 : i32 to index
    %swap3A_388 = arith.constant 16 : index
    %swap3A_389 = tpu.vector_load %arg14[%swap3A_387, %swap3A_388] {strides = array<i32>} : memref<2x64xf32, #tpu.memory_space<vmem>>, vector<1x16xf32>,
    %swap3A_390 = vector.shape_cast %swap3A_389 : vector<1x16xf32> to vector<16xf32>
    %swap3A_391 = vector.shape_cast %scan3A_365#3 : vector<16xf32> to vector<1x16xf32>
    tpu.vector_store %arg14[%swap3A_387, %swap3A_388], %swap3A_391 {strides = array<i32>} : memref<2x64xf32, #tpu.memory_space<vmem>>, vector<1x16xf32>,
    %swap3A_392 = arith.constant 0 : i32
    %swap3A_393 = arith.index_cast %swap3A_392 : i32 to index
    %swap3A_394 = arith.constant 32 : index
    %swap3A_395 = tpu.vector_load %arg14[%swap3A_393, %swap3A_394] {strides = array<i32>} : memref<2x64xf32, #tpu.memory_space<vmem>>, vector<1x16xf32>,
    %swap3A_396 = vector.shape_cast %swap3A_395 : vector<1x16xf32> to vector<16xf32>
    %swap3A_397 = vector.shape_cast %scan3A_365#4 : vector<16xf32> to vector<1x16xf32>
    tpu.vector_store %arg14[%swap3A_393, %swap3A_394], %swap3A_397 {strides = array<i32>} : memref<2x64xf32, #tpu.memory_space<vmem>>, vector<1x16xf32>,
    %swap3A_398 = arith.constant 1 : i32
    %swap3A_399 = arith.index_cast %swap3A_398 : i32 to index
    %swap3A_400 = arith.constant 32 : index
    %swap3A_401 = tpu.vector_load %arg14[%swap3A_399, %swap3A_400] {strides = array<i32>} : memref<2x64xf32, #tpu.memory_space<vmem>>, vector<1x16xf32>,
    %swap3A_402 = vector.shape_cast %swap3A_401 : vector<1x16xf32> to vector<16xf32>
    %swap3A_403 = vector.shape_cast %scan3A_365#5 : vector<16xf32> to vector<1x16xf32>
    tpu.vector_store %arg14[%swap3A_399, %swap3A_400], %swap3A_403 {strides = array<i32>} : memref<2x64xf32, #tpu.memory_space<vmem>>, vector<1x16xf32>,
    %swap3A_404 = arith.constant 0 : i32
    %swap3A_405 = arith.index_cast %swap3A_404 : i32 to index
    %swap3A_406 = arith.constant 48 : index
    %swap3A_407 = tpu.vector_load %arg14[%swap3A_405, %swap3A_406] {strides = array<i32>} : memref<2x64xf32, #tpu.memory_space<vmem>>, vector<1x16xf32>,
    %swap3A_408 = vector.shape_cast %swap3A_407 : vector<1x16xf32> to vector<16xf32>
    %swap3A_409 = vector.shape_cast %scan3A_365#6 : vector<16xf32> to vector<1x16xf32>
    tpu.vector_store %arg14[%swap3A_405, %swap3A_406], %swap3A_409 {strides = array<i32>} : memref<2x64xf32, #tpu.memory_space<vmem>>, vector<1x16xf32>,
    %swap3A_410 = arith.constant 1 : i32
    %swap3A_411 = arith.index_cast %swap3A_410 : i32 to index
    %swap3A_412 = arith.constant 48 : index
    %swap3A_413 = tpu.vector_load %arg14[%swap3A_411, %swap3A_412] {strides = array<i32>} : memref<2x64xf32, #tpu.memory_space<vmem>>, vector<1x16xf32>,
    %swap3A_414 = vector.shape_cast %swap3A_413 : vector<1x16xf32> to vector<16xf32>
    %swap3A_415 = vector.shape_cast %scan3A_365#7 : vector<16xf32> to vector<1x16xf32>
    tpu.vector_store %arg14[%swap3A_411, %swap3A_412], %swap3A_415 {strides = array<i32>} : memref<2x64xf32, #tpu.memory_space<vmem>>, vector<1x16xf32>,
    %run_scoped3A = arith.constant 0 : i32
    "tpu.region"() ({
      %run_scoped3A_417 = tpu.sem_alloc : memref<!tpu.dma_semaphore, #tpu.memory_space<semaphore_mem>>
      %dma_start3A_418 = arith.constant 0 : i32
      %dma_start3A_419 = tpu.memref_slice %arg14[%run_scoped3A, %dma_start3A_418] : memref<2x64xf32, #tpu.memory_space<vmem>> -> memref<1x64xf32, #tpu.memory_space<vmem>>
      %dma_start3A_420 = tpu.memref_squeeze %dma_start3A_419 : memref<1x64xf32, #tpu.memory_space<vmem>> -> memref<64xf32, #tpu.memory_space<vmem>>
      %dma_start3A_421 = arith.constant 0 : i32
      %dma_start3A_422 = tpu.memref_slice %arg7[%add3A, %dma_start3A_421] : memref<32x64xf32, #tpu.memory_space<hbm>> -> memref<1x64xf32, #tpu.memory_space<hbm>>
      %dma_start3A_423 = tpu.memref_squeeze %dma_start3A_422 : memref<1x64xf32, #tpu.memory_space<hbm>> -> memref<64xf32, #tpu.memory_space<hbm>>
      %dma_start3A_424 = arith.constant 0 : i32
      %dma_start3A_425 = tpu.memref_slice %arg7[%add3A, %dma_start3A_424] : memref<32x64xf32, #tpu.memory_space<hbm>> -> memref<1x64xf32, #tpu.memory_space<hbm>>
      %dma_start3A_426 = tpu.memref_squeeze %dma_start3A_425 : memref<1x64xf32, #tpu.memory_space<hbm>> -> memref<64xf32, #tpu.memory_space<hbm>>
      %dma_start3A_427 = arith.constant 0 : i32
      %dma_start3A_428 = tpu.memref_slice %arg14[%run_scoped3A, %dma_start3A_427] : memref<2x64xf32, #tpu.memory_space<vmem>> -> memref<1x64xf32, #tpu.memory_space<vmem>>
      %dma_start3A_429 = tpu.memref_squeeze %dma_start3A_428 : memref<1x64xf32, #tpu.memory_space<vmem>> -> memref<64xf32, #tpu.memory_space<vmem>>
      tpu.enqueue_dma source(%dma_start3A_429 : memref<64xf32, #tpu.memory_space<vmem>>) target(%dma_start3A_426 : memref<64xf32, #tpu.memory_space<hbm>>) target_semaphore(%run_scoped3A_417 : memref<!tpu.dma_semaphore, #tpu.memory_space<semaphore_mem>>)
      %dma_wait3A_430 = arith.constant 0 : i32
      %dma_wait3A_431 = tpu.memref_slice %arg14[%run_scoped3A, %dma_wait3A_430] : memref<2x64xf32, #tpu.memory_space<vmem>> -> memref<1x64xf32, #tpu.memory_space<vmem>>
      %dma_wait3A_432 = tpu.memref_squeeze %dma_wait3A_431 : memref<1x64xf32, #tpu.memory_space<vmem>> -> memref<64xf32, #tpu.memory_space<vmem>>
      %dma_wait3A_433 = arith.constant 0 : i32
      %dma_wait3A_434 = tpu.memref_slice %arg7[%add3A, %dma_wait3A_433] : memref<32x64xf32, #tpu.memory_space<hbm>> -> memref<1x64xf32, #tpu.memory_space<hbm>>
      %dma_wait3A_435 = tpu.memref_squeeze %dma_wait3A_434 : memref<1x64xf32, #tpu.memory_space<hbm>> -> memref<64xf32, #tpu.memory_space<hbm>>
      %dma_wait3A_436 = arith.constant 0 : i32
      %dma_wait3A_437 = tpu.memref_slice %arg7[%add3A, %dma_wait3A_436] : memref<32x64xf32, #tpu.memory_space<hbm>> -> memref<1x64xf32, #tpu.memory_space<hbm>>
      %dma_wait3A_438 = tpu.memref_squeeze %dma_wait3A_437 : memref<1x64xf32, #tpu.memory_space<hbm>> -> memref<64xf32, #tpu.memory_space<hbm>>
      %dma_wait3A_439 = arith.constant 0 : i32
      %dma_wait3A_440 = tpu.memref_slice %arg14[%run_scoped3A, %dma_wait3A_439] : memref<2x64xf32, #tpu.memory_space<vmem>> -> memref<1x64xf32, #tpu.memory_space<vmem>>
      %dma_wait3A_441 = tpu.memref_squeeze %dma_wait3A_440 : memref<1x64xf32, #tpu.memory_space<vmem>> -> memref<64xf32, #tpu.memory_space<vmem>>
      tpu.wait_dma2 semaphore(%run_scoped3A_417 : memref<!tpu.dma_semaphore, #tpu.memory_space<semaphore_mem>>) src(%dma_wait3A_441 : memref<64xf32, #tpu.memory_space<vmem>>) dst(%dma_wait3A_438 : memref<64xf32, #tpu.memory_space<hbm>>)
      tpu.yield
    }) : () -> ()
    %run_scoped3A_416 = arith.constant 1 : i32
    "tpu.region"() ({
      %run_scoped3A_417 = tpu.sem_alloc : memref<!tpu.dma_semaphore, #tpu.memory_space<semaphore_mem>>
      %dma_start3A_418 = arith.constant 0 : i32
      %dma_start3A_419 = tpu.memref_slice %arg14[%run_scoped3A_416, %dma_start3A_418] : memref<2x64xf32, #tpu.memory_space<vmem>> -> memref<1x64xf32, #tpu.memory_space<vmem>>
      %dma_start3A_420 = tpu.memref_squeeze %dma_start3A_419 : memref<1x64xf32, #tpu.memory_space<vmem>> -> memref<64xf32, #tpu.memory_space<vmem>>
      %dma_start3A_421 = arith.constant 0 : i32
      %dma_start3A_422 = tpu.memref_slice %arg8[%add3A, %dma_start3A_421] : memref<32x64xf32, #tpu.memory_space<hbm>> -> memref<1x64xf32, #tpu.memory_space<hbm>>
      %dma_start3A_423 = tpu.memref_squeeze %dma_start3A_422 : memref<1x64xf32, #tpu.memory_space<hbm>> -> memref<64xf32, #tpu.memory_space<hbm>>
      %dma_start3A_424 = arith.constant 0 : i32
      %dma_start3A_425 = tpu.memref_slice %arg8[%add3A, %dma_start3A_424] : memref<32x64xf32, #tpu.memory_space<hbm>> -> memref<1x64xf32, #tpu.memory_space<hbm>>
      %dma_start3A_426 = tpu.memref_squeeze %dma_start3A_425 : memref<1x64xf32, #tpu.memory_space<hbm>> -> memref<64xf32, #tpu.memory_space<hbm>>
      %dma_start3A_427 = arith.constant 0 : i32
      %dma_start3A_428 = tpu.memref_slice %arg14[%run_scoped3A_416, %dma_start3A_427] : memref<2x64xf32, #tpu.memory_space<vmem>> -> memref<1x64xf32, #tpu.memory_space<vmem>>
      %dma_start3A_429 = tpu.memref_squeeze %dma_start3A_428 : memref<1x64xf32, #tpu.memory_space<vmem>> -> memref<64xf32, #tpu.memory_space<vmem>>
      tpu.enqueue_dma source(%dma_start3A_429 : memref<64xf32, #tpu.memory_space<vmem>>) target(%dma_start3A_426 : memref<64xf32, #tpu.memory_space<hbm>>) target_semaphore(%run_scoped3A_417 : memref<!tpu.dma_semaphore, #tpu.memory_space<semaphore_mem>>)
      %dma_wait3A_430 = arith.constant 0 : i32
      %dma_wait3A_431 = tpu.memref_slice %arg14[%run_scoped3A_416, %dma_wait3A_430] : memref<2x64xf32, #tpu.memory_space<vmem>> -> memref<1x64xf32, #tpu.memory_space<vmem>>
      %dma_wait3A_432 = tpu.memref_squeeze %dma_wait3A_431 : memref<1x64xf32, #tpu.memory_space<vmem>> -> memref<64xf32, #tpu.memory_space<vmem>>
      %dma_wait3A_433 = arith.constant 0 : i32
      %dma_wait3A_434 = tpu.memref_slice %arg8[%add3A, %dma_wait3A_433] : memref<32x64xf32, #tpu.memory_space<hbm>> -> memref<1x64xf32, #tpu.memory_space<hbm>>
      %dma_wait3A_435 = tpu.memref_squeeze %dma_wait3A_434 : memref<1x64xf32, #tpu.memory_space<hbm>> -> memref<64xf32, #tpu.memory_space<hbm>>
      %dma_wait3A_436 = arith.constant 0 : i32
      %dma_wait3A_437 = tpu.memref_slice %arg8[%add3A, %dma_wait3A_436] : memref<32x64xf32, #tpu.memory_space<hbm>> -> memref<1x64xf32, #tpu.memory_space<hbm>>
      %dma_wait3A_438 = tpu.memref_squeeze %dma_wait3A_437 : memref<1x64xf32, #tpu.memory_space<hbm>> -> memref<64xf32, #tpu.memory_space<hbm>>
      %dma_wait3A_439 = arith.constant 0 : i32
      %dma_wait3A_440 = tpu.memref_slice %arg14[%run_scoped3A_416, %dma_wait3A_439] : memref<2x64xf32, #tpu.memory_space<vmem>> -> memref<1x64xf32, #tpu.memory_space<vmem>>
      %dma_wait3A_441 = tpu.memref_squeeze %dma_wait3A_440 : memref<1x64xf32, #tpu.memory_space<vmem>> -> memref<64xf32, #tpu.memory_space<vmem>>
      tpu.wait_dma2 semaphore(%run_scoped3A_417 : memref<!tpu.dma_semaphore, #tpu.memory_space<semaphore_mem>>) src(%dma_wait3A_441 : memref<64xf32, #tpu.memory_space<vmem>>) dst(%dma_wait3A_438 : memref<64xf32, #tpu.memory_space<hbm>>)
      tpu.yield
    }) : () -> ()
    return
  }
}

module attributes {stable_mosaic.version = 14 : i64} {
  func.func @_knn_kernel(%arg0: i32, %arg1: memref<1024x3xf32, #tpu.memory_space<vmem>>, %arg2: memref<3x4096xf32, #tpu.memory_space<vmem>>, %arg3: memref<1024x1xi32, #tpu.memory_space<vmem>>, %arg4: memref<1024x1xi32, #tpu.memory_space<vmem>>, %arg5: memref<1024x1xi32, #tpu.memory_space<vmem>>) attributes {dimension_semantics = [#tpu.dimension_semantics<arbitrary>], iteration_bounds = array<i64: 12>, scalar_prefetch = 0 : i64, scratch_operands = 0 : i64, tpu.core_type = #tpu.core_type<tc>, window_params = [{transform_indices = @transform_0, window_bounds = array<i64: 1024, 3>}, {pipeline_mode = #tpu.pipeline_mode<synchronous>, transform_indices = @transform_1, window_bounds = array<i64: 3, 4096>}, {transform_indices = @transform_2, window_bounds = array<i64: 1024, 1>}, {transform_indices = @transform_3, window_bounds = array<i64: 1024, 1>}, {transform_indices = @transform_4, window_bounds = array<i64: 1024, 1>}]} {
    %get3A = arith.constant 0 : index
    %get3A_0 = arith.constant 0 : index
    %get3A_1 = vector.load %arg1[%get3A, %get3A_0] : memref<1024x3xf32, #tpu.memory_space<vmem>>, vector<1024x1xf32>
    %get3A_2 = arith.constant 0 : index
    %get3A_3 = arith.constant 1 : index
    %get3A_4 = vector.load %arg1[%get3A_2, %get3A_3] : memref<1024x3xf32, #tpu.memory_space<vmem>>, vector<1024x1xf32>
    %get3A_5 = arith.constant 0 : index
    %get3A_6 = arith.constant 2 : index
    %get3A_7 = vector.load %arg1[%get3A_5, %get3A_6] : memref<1024x3xf32, #tpu.memory_space<vmem>>, vector<1024x1xf32>
    %get3A_8 = arith.constant 0 : index
    %get3A_9 = arith.constant 0 : index
    %get3A_10 = vector.load %arg2[%get3A_8, %get3A_9] : memref<3x4096xf32, #tpu.memory_space<vmem>>, vector<1x4096xf32>
    %get3A_11 = arith.constant 1 : index
    %get3A_12 = arith.constant 0 : index
    %get3A_13 = vector.load %arg2[%get3A_11, %get3A_12] : memref<3x4096xf32, #tpu.memory_space<vmem>>, vector<1x4096xf32>
    %get3A_14 = arith.constant 2 : index
    %get3A_15 = arith.constant 0 : index
    %get3A_16 = vector.load %arg2[%get3A_14, %get3A_15] : memref<3x4096xf32, #tpu.memory_space<vmem>>, vector<1x4096xf32>
    %broadcast_in_dim3A = arith.constant 0x7F800000 : f32
    %broadcast_in_dim3A_17 = vector.broadcast %broadcast_in_dim3A : f32 to vector<1024x128xf32>
    %broadcast_in_dim3A_18 = arith.constant 0x7F800000 : f32
    %broadcast_in_dim3A_19 = vector.broadcast %broadcast_in_dim3A_18 : f32 to vector<1024x128xf32>
    %broadcast_in_dim3A_20 = arith.constant 0x7F800000 : f32
    %broadcast_in_dim3A_21 = vector.broadcast %broadcast_in_dim3A_20 : f32 to vector<1024x128xf32>
    %broadcast_in_dim3A_22 = arith.constant 0 : i32
    %broadcast_in_dim3A_23 = vector.broadcast %broadcast_in_dim3A_22 : i32 to vector<1024x128xi32>
    %broadcast_in_dim3A_24 = arith.constant 0 : i32
    %broadcast_in_dim3A_25 = vector.broadcast %broadcast_in_dim3A_24 : i32 to vector<1024x128xi32>
    %broadcast_in_dim3A_26 = arith.constant 0 : i32
    %broadcast_in_dim3A_27 = vector.broadcast %broadcast_in_dim3A_26 : i32 to vector<1024x128xi32>
    %slice3A = vector.extract_strided_slice %get3A_10 {offsets = [0, 0], sizes = [1, 128], strides = [1, 1]} : vector<1x4096xf32> to vector<1x128xf32>
    %sub3A = vector.broadcast %get3A_1 : vector<1024x1xf32> to vector<1024x128xf32>
    %sub3A_28 = vector.broadcast %slice3A : vector<1x128xf32> to vector<1024x128xf32>
    %sub3A_29 = arith.subf %sub3A, %sub3A_28 : vector<1024x128xf32>
    %mul3A = arith.mulf %sub3A_29, %sub3A_29 : vector<1024x128xf32>
    %slice3A_30 = vector.extract_strided_slice %get3A_13 {offsets = [0, 0], sizes = [1, 128], strides = [1, 1]} : vector<1x4096xf32> to vector<1x128xf32>
    %sub3A_31 = vector.broadcast %get3A_4 : vector<1024x1xf32> to vector<1024x128xf32>
    %sub3A_32 = vector.broadcast %slice3A_30 : vector<1x128xf32> to vector<1024x128xf32>
    %sub3A_33 = arith.subf %sub3A_31, %sub3A_32 : vector<1024x128xf32>
    %mul3A_34 = arith.mulf %sub3A_33, %sub3A_33 : vector<1024x128xf32>
    %add3A = arith.addf %mul3A, %mul3A_34 : vector<1024x128xf32>
    %slice3A_35 = vector.extract_strided_slice %get3A_16 {offsets = [0, 0], sizes = [1, 128], strides = [1, 1]} : vector<1x4096xf32> to vector<1x128xf32>
    %sub3A_36 = vector.broadcast %get3A_7 : vector<1024x1xf32> to vector<1024x128xf32>
    %sub3A_37 = vector.broadcast %slice3A_35 : vector<1x128xf32> to vector<1024x128xf32>
    %sub3A_38 = arith.subf %sub3A_36, %sub3A_37 : vector<1024x128xf32>
    %mul3A_39 = arith.mulf %sub3A_38, %sub3A_38 : vector<1024x128xf32>
    %add3A_40 = arith.addf %add3A, %mul3A_39 : vector<1024x128xf32>
    %lt3A = arith.cmpf olt, %add3A_40, %broadcast_in_dim3A_17 : vector<1024x128xf32>
    %select_n3A = arith.select %lt3A, %broadcast_in_dim3A_17, %add3A_40 : vector<1024x128xi1>, vector<1024x128xf32>
    %jit3A = arith.constant 0 : i32
    %broadcast_in_dim3A_41 = vector.broadcast %jit3A : i32 to vector<1024x128xi32>
    %select_n3A_42 = arith.select %lt3A, %broadcast_in_dim3A_23, %broadcast_in_dim3A_41 : vector<1024x128xi1>, vector<1024x128xi32>
    %select_n3A_43 = arith.select %lt3A, %add3A_40, %broadcast_in_dim3A_17 : vector<1024x128xi1>, vector<1024x128xf32>
    %jit3A_44 = arith.constant 0 : i32
    %broadcast_in_dim3A_45 = vector.broadcast %jit3A_44 : i32 to vector<1024x128xi32>
    %select_n3A_46 = arith.select %lt3A, %broadcast_in_dim3A_45, %broadcast_in_dim3A_23 : vector<1024x128xi1>, vector<1024x128xi32>
    %lt3A_47 = arith.cmpf olt, %select_n3A, %broadcast_in_dim3A_19 : vector<1024x128xf32>
    %select_n3A_48 = arith.select %lt3A_47, %broadcast_in_dim3A_19, %select_n3A : vector<1024x128xi1>, vector<1024x128xf32>
    %select_n3A_49 = arith.select %lt3A_47, %broadcast_in_dim3A_25, %select_n3A_42 : vector<1024x128xi1>, vector<1024x128xi32>
    %select_n3A_50 = arith.select %lt3A_47, %select_n3A, %broadcast_in_dim3A_19 : vector<1024x128xi1>, vector<1024x128xf32>
    %select_n3A_51 = arith.select %lt3A_47, %select_n3A_42, %broadcast_in_dim3A_25 : vector<1024x128xi1>, vector<1024x128xi32>
    %lt3A_52 = arith.cmpf olt, %select_n3A_48, %broadcast_in_dim3A_21 : vector<1024x128xf32>
    %select_n3A_53 = arith.select %lt3A_52, %select_n3A_48, %broadcast_in_dim3A_21 : vector<1024x128xi1>, vector<1024x128xf32>
    %select_n3A_54 = arith.select %lt3A_52, %select_n3A_49, %broadcast_in_dim3A_27 : vector<1024x128xi1>, vector<1024x128xi32>
    %slice3A_55 = vector.extract_strided_slice %get3A_10 {offsets = [0, 128], sizes = [1, 128], strides = [1, 1]} : vector<1x4096xf32> to vector<1x128xf32>
    %sub3A_56 = vector.broadcast %get3A_1 : vector<1024x1xf32> to vector<1024x128xf32>
    %sub3A_57 = vector.broadcast %slice3A_55 : vector<1x128xf32> to vector<1024x128xf32>
    %sub3A_58 = arith.subf %sub3A_56, %sub3A_57 : vector<1024x128xf32>
    %mul3A_59 = arith.mulf %sub3A_58, %sub3A_58 : vector<1024x128xf32>
    %slice3A_60 = vector.extract_strided_slice %get3A_13 {offsets = [0, 128], sizes = [1, 128], strides = [1, 1]} : vector<1x4096xf32> to vector<1x128xf32>
    %sub3A_61 = vector.broadcast %get3A_4 : vector<1024x1xf32> to vector<1024x128xf32>
    %sub3A_62 = vector.broadcast %slice3A_60 : vector<1x128xf32> to vector<1024x128xf32>
    %sub3A_63 = arith.subf %sub3A_61, %sub3A_62 : vector<1024x128xf32>
    %mul3A_64 = arith.mulf %sub3A_63, %sub3A_63 : vector<1024x128xf32>
    %add3A_65 = arith.addf %mul3A_59, %mul3A_64 : vector<1024x128xf32>
    %slice3A_66 = vector.extract_strided_slice %get3A_16 {offsets = [0, 128], sizes = [1, 128], strides = [1, 1]} : vector<1x4096xf32> to vector<1x128xf32>
    %sub3A_67 = vector.broadcast %get3A_7 : vector<1024x1xf32> to vector<1024x128xf32>
    %sub3A_68 = vector.broadcast %slice3A_66 : vector<1x128xf32> to vector<1024x128xf32>
    %sub3A_69 = arith.subf %sub3A_67, %sub3A_68 : vector<1024x128xf32>
    %mul3A_70 = arith.mulf %sub3A_69, %sub3A_69 : vector<1024x128xf32>
    %add3A_71 = arith.addf %add3A_65, %mul3A_70 : vector<1024x128xf32>
    %lt3A_72 = arith.cmpf olt, %add3A_71, %select_n3A_43 : vector<1024x128xf32>
    %select_n3A_73 = arith.select %lt3A_72, %select_n3A_43, %add3A_71 : vector<1024x128xi1>, vector<1024x128xf32>
    %jit3A_74 = arith.constant 1 : i32
    %broadcast_in_dim3A_75 = vector.broadcast %jit3A_74 : i32 to vector<1024x128xi32>
    %select_n3A_76 = arith.select %lt3A_72, %select_n3A_46, %broadcast_in_dim3A_75 : vector<1024x128xi1>, vector<1024x128xi32>
    %select_n3A_77 = arith.select %lt3A_72, %add3A_71, %select_n3A_43 : vector<1024x128xi1>, vector<1024x128xf32>
    %jit3A_78 = arith.constant 1 : i32
    %broadcast_in_dim3A_79 = vector.broadcast %jit3A_78 : i32 to vector<1024x128xi32>
    %select_n3A_80 = arith.select %lt3A_72, %broadcast_in_dim3A_79, %select_n3A_46 : vector<1024x128xi1>, vector<1024x128xi32>
    %lt3A_81 = arith.cmpf olt, %select_n3A_73, %select_n3A_50 : vector<1024x128xf32>
    %select_n3A_82 = arith.select %lt3A_81, %select_n3A_50, %select_n3A_73 : vector<1024x128xi1>, vector<1024x128xf32>
    %select_n3A_83 = arith.select %lt3A_81, %select_n3A_51, %select_n3A_76 : vector<1024x128xi1>, vector<1024x128xi32>
    %select_n3A_84 = arith.select %lt3A_81, %select_n3A_73, %select_n3A_50 : vector<1024x128xi1>, vector<1024x128xf32>
    %select_n3A_85 = arith.select %lt3A_81, %select_n3A_76, %select_n3A_51 : vector<1024x128xi1>, vector<1024x128xi32>
    %lt3A_86 = arith.cmpf olt, %select_n3A_82, %select_n3A_53 : vector<1024x128xf32>
    %select_n3A_87 = arith.select %lt3A_86, %select_n3A_82, %select_n3A_53 : vector<1024x128xi1>, vector<1024x128xf32>
    %select_n3A_88 = arith.select %lt3A_86, %select_n3A_83, %select_n3A_54 : vector<1024x128xi1>, vector<1024x128xi32>
    %slice3A_89 = vector.extract_strided_slice %get3A_10 {offsets = [0, 256], sizes = [1, 128], strides = [1, 1]} : vector<1x4096xf32> to vector<1x128xf32>
    %sub3A_90 = vector.broadcast %get3A_1 : vector<1024x1xf32> to vector<1024x128xf32>
    %sub3A_91 = vector.broadcast %slice3A_89 : vector<1x128xf32> to vector<1024x128xf32>
    %sub3A_92 = arith.subf %sub3A_90, %sub3A_91 : vector<1024x128xf32>
    %mul3A_93 = arith.mulf %sub3A_92, %sub3A_92 : vector<1024x128xf32>
    %slice3A_94 = vector.extract_strided_slice %get3A_13 {offsets = [0, 256], sizes = [1, 128], strides = [1, 1]} : vector<1x4096xf32> to vector<1x128xf32>
    %sub3A_95 = vector.broadcast %get3A_4 : vector<1024x1xf32> to vector<1024x128xf32>
    %sub3A_96 = vector.broadcast %slice3A_94 : vector<1x128xf32> to vector<1024x128xf32>
    %sub3A_97 = arith.subf %sub3A_95, %sub3A_96 : vector<1024x128xf32>
    %mul3A_98 = arith.mulf %sub3A_97, %sub3A_97 : vector<1024x128xf32>
    %add3A_99 = arith.addf %mul3A_93, %mul3A_98 : vector<1024x128xf32>
    %slice3A_100 = vector.extract_strided_slice %get3A_16 {offsets = [0, 256], sizes = [1, 128], strides = [1, 1]} : vector<1x4096xf32> to vector<1x128xf32>
    %sub3A_101 = vector.broadcast %get3A_7 : vector<1024x1xf32> to vector<1024x128xf32>
    %sub3A_102 = vector.broadcast %slice3A_100 : vector<1x128xf32> to vector<1024x128xf32>
    %sub3A_103 = arith.subf %sub3A_101, %sub3A_102 : vector<1024x128xf32>
    %mul3A_104 = arith.mulf %sub3A_103, %sub3A_103 : vector<1024x128xf32>
    %add3A_105 = arith.addf %add3A_99, %mul3A_104 : vector<1024x128xf32>
    %lt3A_106 = arith.cmpf olt, %add3A_105, %select_n3A_77 : vector<1024x128xf32>
    %select_n3A_107 = arith.select %lt3A_106, %select_n3A_77, %add3A_105 : vector<1024x128xi1>, vector<1024x128xf32>
    %jit3A_108 = arith.constant 2 : i32
    %broadcast_in_dim3A_109 = vector.broadcast %jit3A_108 : i32 to vector<1024x128xi32>
    %select_n3A_110 = arith.select %lt3A_106, %select_n3A_80, %broadcast_in_dim3A_109 : vector<1024x128xi1>, vector<1024x128xi32>
    %select_n3A_111 = arith.select %lt3A_106, %add3A_105, %select_n3A_77 : vector<1024x128xi1>, vector<1024x128xf32>
    %jit3A_112 = arith.constant 2 : i32
    %broadcast_in_dim3A_113 = vector.broadcast %jit3A_112 : i32 to vector<1024x128xi32>
    %select_n3A_114 = arith.select %lt3A_106, %broadcast_in_dim3A_113, %select_n3A_80 : vector<1024x128xi1>, vector<1024x128xi32>
    %lt3A_115 = arith.cmpf olt, %select_n3A_107, %select_n3A_84 : vector<1024x128xf32>
    %select_n3A_116 = arith.select %lt3A_115, %select_n3A_84, %select_n3A_107 : vector<1024x128xi1>, vector<1024x128xf32>
    %select_n3A_117 = arith.select %lt3A_115, %select_n3A_85, %select_n3A_110 : vector<1024x128xi1>, vector<1024x128xi32>
    %select_n3A_118 = arith.select %lt3A_115, %select_n3A_107, %select_n3A_84 : vector<1024x128xi1>, vector<1024x128xf32>
    %select_n3A_119 = arith.select %lt3A_115, %select_n3A_110, %select_n3A_85 : vector<1024x128xi1>, vector<1024x128xi32>
    %lt3A_120 = arith.cmpf olt, %select_n3A_116, %select_n3A_87 : vector<1024x128xf32>
    %select_n3A_121 = arith.select %lt3A_120, %select_n3A_116, %select_n3A_87 : vector<1024x128xi1>, vector<1024x128xf32>
    %select_n3A_122 = arith.select %lt3A_120, %select_n3A_117, %select_n3A_88 : vector<1024x128xi1>, vector<1024x128xi32>
    %slice3A_123 = vector.extract_strided_slice %get3A_10 {offsets = [0, 384], sizes = [1, 128], strides = [1, 1]} : vector<1x4096xf32> to vector<1x128xf32>
    %sub3A_124 = vector.broadcast %get3A_1 : vector<1024x1xf32> to vector<1024x128xf32>
    %sub3A_125 = vector.broadcast %slice3A_123 : vector<1x128xf32> to vector<1024x128xf32>
    %sub3A_126 = arith.subf %sub3A_124, %sub3A_125 : vector<1024x128xf32>
    %mul3A_127 = arith.mulf %sub3A_126, %sub3A_126 : vector<1024x128xf32>
    %slice3A_128 = vector.extract_strided_slice %get3A_13 {offsets = [0, 384], sizes = [1, 128], strides = [1, 1]} : vector<1x4096xf32> to vector<1x128xf32>
    %sub3A_129 = vector.broadcast %get3A_4 : vector<1024x1xf32> to vector<1024x128xf32>
    %sub3A_130 = vector.broadcast %slice3A_128 : vector<1x128xf32> to vector<1024x128xf32>
    %sub3A_131 = arith.subf %sub3A_129, %sub3A_130 : vector<1024x128xf32>
    %mul3A_132 = arith.mulf %sub3A_131, %sub3A_131 : vector<1024x128xf32>
    %add3A_133 = arith.addf %mul3A_127, %mul3A_132 : vector<1024x128xf32>
    %slice3A_134 = vector.extract_strided_slice %get3A_16 {offsets = [0, 384], sizes = [1, 128], strides = [1, 1]} : vector<1x4096xf32> to vector<1x128xf32>
    %sub3A_135 = vector.broadcast %get3A_7 : vector<1024x1xf32> to vector<1024x128xf32>
    %sub3A_136 = vector.broadcast %slice3A_134 : vector<1x128xf32> to vector<1024x128xf32>
    %sub3A_137 = arith.subf %sub3A_135, %sub3A_136 : vector<1024x128xf32>
    %mul3A_138 = arith.mulf %sub3A_137, %sub3A_137 : vector<1024x128xf32>
    %add3A_139 = arith.addf %add3A_133, %mul3A_138 : vector<1024x128xf32>
    %lt3A_140 = arith.cmpf olt, %add3A_139, %select_n3A_111 : vector<1024x128xf32>
    %select_n3A_141 = arith.select %lt3A_140, %select_n3A_111, %add3A_139 : vector<1024x128xi1>, vector<1024x128xf32>
    %jit3A_142 = arith.constant 3 : i32
    %broadcast_in_dim3A_143 = vector.broadcast %jit3A_142 : i32 to vector<1024x128xi32>
    %select_n3A_144 = arith.select %lt3A_140, %select_n3A_114, %broadcast_in_dim3A_143 : vector<1024x128xi1>, vector<1024x128xi32>
    %select_n3A_145 = arith.select %lt3A_140, %add3A_139, %select_n3A_111 : vector<1024x128xi1>, vector<1024x128xf32>
    %jit3A_146 = arith.constant 3 : i32
    %broadcast_in_dim3A_147 = vector.broadcast %jit3A_146 : i32 to vector<1024x128xi32>
    %select_n3A_148 = arith.select %lt3A_140, %broadcast_in_dim3A_147, %select_n3A_114 : vector<1024x128xi1>, vector<1024x128xi32>
    %lt3A_149 = arith.cmpf olt, %select_n3A_141, %select_n3A_118 : vector<1024x128xf32>
    %select_n3A_150 = arith.select %lt3A_149, %select_n3A_118, %select_n3A_141 : vector<1024x128xi1>, vector<1024x128xf32>
    %select_n3A_151 = arith.select %lt3A_149, %select_n3A_119, %select_n3A_144 : vector<1024x128xi1>, vector<1024x128xi32>
    %select_n3A_152 = arith.select %lt3A_149, %select_n3A_141, %select_n3A_118 : vector<1024x128xi1>, vector<1024x128xf32>
    %select_n3A_153 = arith.select %lt3A_149, %select_n3A_144, %select_n3A_119 : vector<1024x128xi1>, vector<1024x128xi32>
    %lt3A_154 = arith.cmpf olt, %select_n3A_150, %select_n3A_121 : vector<1024x128xf32>
    %select_n3A_155 = arith.select %lt3A_154, %select_n3A_150, %select_n3A_121 : vector<1024x128xi1>, vector<1024x128xf32>
    %select_n3A_156 = arith.select %lt3A_154, %select_n3A_151, %select_n3A_122 : vector<1024x128xi1>, vector<1024x128xi32>
    %slice3A_157 = vector.extract_strided_slice %get3A_10 {offsets = [0, 512], sizes = [1, 128], strides = [1, 1]} : vector<1x4096xf32> to vector<1x128xf32>
    %sub3A_158 = vector.broadcast %get3A_1 : vector<1024x1xf32> to vector<1024x128xf32>
    %sub3A_159 = vector.broadcast %slice3A_157 : vector<1x128xf32> to vector<1024x128xf32>
    %sub3A_160 = arith.subf %sub3A_158, %sub3A_159 : vector<1024x128xf32>
    %mul3A_161 = arith.mulf %sub3A_160, %sub3A_160 : vector<1024x128xf32>
    %slice3A_162 = vector.extract_strided_slice %get3A_13 {offsets = [0, 512], sizes = [1, 128], strides = [1, 1]} : vector<1x4096xf32> to vector<1x128xf32>
    %sub3A_163 = vector.broadcast %get3A_4 : vector<1024x1xf32> to vector<1024x128xf32>
    %sub3A_164 = vector.broadcast %slice3A_162 : vector<1x128xf32> to vector<1024x128xf32>
    %sub3A_165 = arith.subf %sub3A_163, %sub3A_164 : vector<1024x128xf32>
    %mul3A_166 = arith.mulf %sub3A_165, %sub3A_165 : vector<1024x128xf32>
    %add3A_167 = arith.addf %mul3A_161, %mul3A_166 : vector<1024x128xf32>
    %slice3A_168 = vector.extract_strided_slice %get3A_16 {offsets = [0, 512], sizes = [1, 128], strides = [1, 1]} : vector<1x4096xf32> to vector<1x128xf32>
    %sub3A_169 = vector.broadcast %get3A_7 : vector<1024x1xf32> to vector<1024x128xf32>
    %sub3A_170 = vector.broadcast %slice3A_168 : vector<1x128xf32> to vector<1024x128xf32>
    %sub3A_171 = arith.subf %sub3A_169, %sub3A_170 : vector<1024x128xf32>
    %mul3A_172 = arith.mulf %sub3A_171, %sub3A_171 : vector<1024x128xf32>
    %add3A_173 = arith.addf %add3A_167, %mul3A_172 : vector<1024x128xf32>
    %lt3A_174 = arith.cmpf olt, %add3A_173, %select_n3A_145 : vector<1024x128xf32>
    %select_n3A_175 = arith.select %lt3A_174, %select_n3A_145, %add3A_173 : vector<1024x128xi1>, vector<1024x128xf32>
    %jit3A_176 = arith.constant 4 : i32
    %broadcast_in_dim3A_177 = vector.broadcast %jit3A_176 : i32 to vector<1024x128xi32>
    %select_n3A_178 = arith.select %lt3A_174, %select_n3A_148, %broadcast_in_dim3A_177 : vector<1024x128xi1>, vector<1024x128xi32>
    %select_n3A_179 = arith.select %lt3A_174, %add3A_173, %select_n3A_145 : vector<1024x128xi1>, vector<1024x128xf32>
    %jit3A_180 = arith.constant 4 : i32
    %broadcast_in_dim3A_181 = vector.broadcast %jit3A_180 : i32 to vector<1024x128xi32>
    %select_n3A_182 = arith.select %lt3A_174, %broadcast_in_dim3A_181, %select_n3A_148 : vector<1024x128xi1>, vector<1024x128xi32>
    %lt3A_183 = arith.cmpf olt, %select_n3A_175, %select_n3A_152 : vector<1024x128xf32>
    %select_n3A_184 = arith.select %lt3A_183, %select_n3A_152, %select_n3A_175 : vector<1024x128xi1>, vector<1024x128xf32>
    %select_n3A_185 = arith.select %lt3A_183, %select_n3A_153, %select_n3A_178 : vector<1024x128xi1>, vector<1024x128xi32>
    %select_n3A_186 = arith.select %lt3A_183, %select_n3A_175, %select_n3A_152 : vector<1024x128xi1>, vector<1024x128xf32>
    %select_n3A_187 = arith.select %lt3A_183, %select_n3A_178, %select_n3A_153 : vector<1024x128xi1>, vector<1024x128xi32>
    %lt3A_188 = arith.cmpf olt, %select_n3A_184, %select_n3A_155 : vector<1024x128xf32>
    %select_n3A_189 = arith.select %lt3A_188, %select_n3A_184, %select_n3A_155 : vector<1024x128xi1>, vector<1024x128xf32>
    %select_n3A_190 = arith.select %lt3A_188, %select_n3A_185, %select_n3A_156 : vector<1024x128xi1>, vector<1024x128xi32>
    %slice3A_191 = vector.extract_strided_slice %get3A_10 {offsets = [0, 640], sizes = [1, 128], strides = [1, 1]} : vector<1x4096xf32> to vector<1x128xf32>
    %sub3A_192 = vector.broadcast %get3A_1 : vector<1024x1xf32> to vector<1024x128xf32>
    %sub3A_193 = vector.broadcast %slice3A_191 : vector<1x128xf32> to vector<1024x128xf32>
    %sub3A_194 = arith.subf %sub3A_192, %sub3A_193 : vector<1024x128xf32>
    %mul3A_195 = arith.mulf %sub3A_194, %sub3A_194 : vector<1024x128xf32>
    %slice3A_196 = vector.extract_strided_slice %get3A_13 {offsets = [0, 640], sizes = [1, 128], strides = [1, 1]} : vector<1x4096xf32> to vector<1x128xf32>
    %sub3A_197 = vector.broadcast %get3A_4 : vector<1024x1xf32> to vector<1024x128xf32>
    %sub3A_198 = vector.broadcast %slice3A_196 : vector<1x128xf32> to vector<1024x128xf32>
    %sub3A_199 = arith.subf %sub3A_197, %sub3A_198 : vector<1024x128xf32>
    %mul3A_200 = arith.mulf %sub3A_199, %sub3A_199 : vector<1024x128xf32>
    %add3A_201 = arith.addf %mul3A_195, %mul3A_200 : vector<1024x128xf32>
    %slice3A_202 = vector.extract_strided_slice %get3A_16 {offsets = [0, 640], sizes = [1, 128], strides = [1, 1]} : vector<1x4096xf32> to vector<1x128xf32>
    %sub3A_203 = vector.broadcast %get3A_7 : vector<1024x1xf32> to vector<1024x128xf32>
    %sub3A_204 = vector.broadcast %slice3A_202 : vector<1x128xf32> to vector<1024x128xf32>
    %sub3A_205 = arith.subf %sub3A_203, %sub3A_204 : vector<1024x128xf32>
    %mul3A_206 = arith.mulf %sub3A_205, %sub3A_205 : vector<1024x128xf32>
    %add3A_207 = arith.addf %add3A_201, %mul3A_206 : vector<1024x128xf32>
    %lt3A_208 = arith.cmpf olt, %add3A_207, %select_n3A_179 : vector<1024x128xf32>
    %select_n3A_209 = arith.select %lt3A_208, %select_n3A_179, %add3A_207 : vector<1024x128xi1>, vector<1024x128xf32>
    %jit3A_210 = arith.constant 5 : i32
    %broadcast_in_dim3A_211 = vector.broadcast %jit3A_210 : i32 to vector<1024x128xi32>
    %select_n3A_212 = arith.select %lt3A_208, %select_n3A_182, %broadcast_in_dim3A_211 : vector<1024x128xi1>, vector<1024x128xi32>
    %select_n3A_213 = arith.select %lt3A_208, %add3A_207, %select_n3A_179 : vector<1024x128xi1>, vector<1024x128xf32>
    %jit3A_214 = arith.constant 5 : i32
    %broadcast_in_dim3A_215 = vector.broadcast %jit3A_214 : i32 to vector<1024x128xi32>
    %select_n3A_216 = arith.select %lt3A_208, %broadcast_in_dim3A_215, %select_n3A_182 : vector<1024x128xi1>, vector<1024x128xi32>
    %lt3A_217 = arith.cmpf olt, %select_n3A_209, %select_n3A_186 : vector<1024x128xf32>
    %select_n3A_218 = arith.select %lt3A_217, %select_n3A_186, %select_n3A_209 : vector<1024x128xi1>, vector<1024x128xf32>
    %select_n3A_219 = arith.select %lt3A_217, %select_n3A_187, %select_n3A_212 : vector<1024x128xi1>, vector<1024x128xi32>
    %select_n3A_220 = arith.select %lt3A_217, %select_n3A_209, %select_n3A_186 : vector<1024x128xi1>, vector<1024x128xf32>
    %select_n3A_221 = arith.select %lt3A_217, %select_n3A_212, %select_n3A_187 : vector<1024x128xi1>, vector<1024x128xi32>
    %lt3A_222 = arith.cmpf olt, %select_n3A_218, %select_n3A_189 : vector<1024x128xf32>
    %select_n3A_223 = arith.select %lt3A_222, %select_n3A_218, %select_n3A_189 : vector<1024x128xi1>, vector<1024x128xf32>
    %select_n3A_224 = arith.select %lt3A_222, %select_n3A_219, %select_n3A_190 : vector<1024x128xi1>, vector<1024x128xi32>
    %slice3A_225 = vector.extract_strided_slice %get3A_10 {offsets = [0, 768], sizes = [1, 128], strides = [1, 1]} : vector<1x4096xf32> to vector<1x128xf32>
    %sub3A_226 = vector.broadcast %get3A_1 : vector<1024x1xf32> to vector<1024x128xf32>
    %sub3A_227 = vector.broadcast %slice3A_225 : vector<1x128xf32> to vector<1024x128xf32>
    %sub3A_228 = arith.subf %sub3A_226, %sub3A_227 : vector<1024x128xf32>
    %mul3A_229 = arith.mulf %sub3A_228, %sub3A_228 : vector<1024x128xf32>
    %slice3A_230 = vector.extract_strided_slice %get3A_13 {offsets = [0, 768], sizes = [1, 128], strides = [1, 1]} : vector<1x4096xf32> to vector<1x128xf32>
    %sub3A_231 = vector.broadcast %get3A_4 : vector<1024x1xf32> to vector<1024x128xf32>
    %sub3A_232 = vector.broadcast %slice3A_230 : vector<1x128xf32> to vector<1024x128xf32>
    %sub3A_233 = arith.subf %sub3A_231, %sub3A_232 : vector<1024x128xf32>
    %mul3A_234 = arith.mulf %sub3A_233, %sub3A_233 : vector<1024x128xf32>
    %add3A_235 = arith.addf %mul3A_229, %mul3A_234 : vector<1024x128xf32>
    %slice3A_236 = vector.extract_strided_slice %get3A_16 {offsets = [0, 768], sizes = [1, 128], strides = [1, 1]} : vector<1x4096xf32> to vector<1x128xf32>
    %sub3A_237 = vector.broadcast %get3A_7 : vector<1024x1xf32> to vector<1024x128xf32>
    %sub3A_238 = vector.broadcast %slice3A_236 : vector<1x128xf32> to vector<1024x128xf32>
    %sub3A_239 = arith.subf %sub3A_237, %sub3A_238 : vector<1024x128xf32>
    %mul3A_240 = arith.mulf %sub3A_239, %sub3A_239 : vector<1024x128xf32>
    %add3A_241 = arith.addf %add3A_235, %mul3A_240 : vector<1024x128xf32>
    %lt3A_242 = arith.cmpf olt, %add3A_241, %select_n3A_213 : vector<1024x128xf32>
    %select_n3A_243 = arith.select %lt3A_242, %select_n3A_213, %add3A_241 : vector<1024x128xi1>, vector<1024x128xf32>
    %jit3A_244 = arith.constant 6 : i32
    %broadcast_in_dim3A_245 = vector.broadcast %jit3A_244 : i32 to vector<1024x128xi32>
    %select_n3A_246 = arith.select %lt3A_242, %select_n3A_216, %broadcast_in_dim3A_245 : vector<1024x128xi1>, vector<1024x128xi32>
    %select_n3A_247 = arith.select %lt3A_242, %add3A_241, %select_n3A_213 : vector<1024x128xi1>, vector<1024x128xf32>
    %jit3A_248 = arith.constant 6 : i32
    %broadcast_in_dim3A_249 = vector.broadcast %jit3A_248 : i32 to vector<1024x128xi32>
    %select_n3A_250 = arith.select %lt3A_242, %broadcast_in_dim3A_249, %select_n3A_216 : vector<1024x128xi1>, vector<1024x128xi32>
    %lt3A_251 = arith.cmpf olt, %select_n3A_243, %select_n3A_220 : vector<1024x128xf32>
    %select_n3A_252 = arith.select %lt3A_251, %select_n3A_220, %select_n3A_243 : vector<1024x128xi1>, vector<1024x128xf32>
    %select_n3A_253 = arith.select %lt3A_251, %select_n3A_221, %select_n3A_246 : vector<1024x128xi1>, vector<1024x128xi32>
    %select_n3A_254 = arith.select %lt3A_251, %select_n3A_243, %select_n3A_220 : vector<1024x128xi1>, vector<1024x128xf32>
    %select_n3A_255 = arith.select %lt3A_251, %select_n3A_246, %select_n3A_221 : vector<1024x128xi1>, vector<1024x128xi32>
    %lt3A_256 = arith.cmpf olt, %select_n3A_252, %select_n3A_223 : vector<1024x128xf32>
    %select_n3A_257 = arith.select %lt3A_256, %select_n3A_252, %select_n3A_223 : vector<1024x128xi1>, vector<1024x128xf32>
    %select_n3A_258 = arith.select %lt3A_256, %select_n3A_253, %select_n3A_224 : vector<1024x128xi1>, vector<1024x128xi32>
    %slice3A_259 = vector.extract_strided_slice %get3A_10 {offsets = [0, 896], sizes = [1, 128], strides = [1, 1]} : vector<1x4096xf32> to vector<1x128xf32>
    %sub3A_260 = vector.broadcast %get3A_1 : vector<1024x1xf32> to vector<1024x128xf32>
    %sub3A_261 = vector.broadcast %slice3A_259 : vector<1x128xf32> to vector<1024x128xf32>
    %sub3A_262 = arith.subf %sub3A_260, %sub3A_261 : vector<1024x128xf32>
    %mul3A_263 = arith.mulf %sub3A_262, %sub3A_262 : vector<1024x128xf32>
    %slice3A_264 = vector.extract_strided_slice %get3A_13 {offsets = [0, 896], sizes = [1, 128], strides = [1, 1]} : vector<1x4096xf32> to vector<1x128xf32>
    %sub3A_265 = vector.broadcast %get3A_4 : vector<1024x1xf32> to vector<1024x128xf32>
    %sub3A_266 = vector.broadcast %slice3A_264 : vector<1x128xf32> to vector<1024x128xf32>
    %sub3A_267 = arith.subf %sub3A_265, %sub3A_266 : vector<1024x128xf32>
    %mul3A_268 = arith.mulf %sub3A_267, %sub3A_267 : vector<1024x128xf32>
    %add3A_269 = arith.addf %mul3A_263, %mul3A_268 : vector<1024x128xf32>
    %slice3A_270 = vector.extract_strided_slice %get3A_16 {offsets = [0, 896], sizes = [1, 128], strides = [1, 1]} : vector<1x4096xf32> to vector<1x128xf32>
    %sub3A_271 = vector.broadcast %get3A_7 : vector<1024x1xf32> to vector<1024x128xf32>
    %sub3A_272 = vector.broadcast %slice3A_270 : vector<1x128xf32> to vector<1024x128xf32>
    %sub3A_273 = arith.subf %sub3A_271, %sub3A_272 : vector<1024x128xf32>
    %mul3A_274 = arith.mulf %sub3A_273, %sub3A_273 : vector<1024x128xf32>
    %add3A_275 = arith.addf %add3A_269, %mul3A_274 : vector<1024x128xf32>
    %lt3A_276 = arith.cmpf olt, %add3A_275, %select_n3A_247 : vector<1024x128xf32>
    %select_n3A_277 = arith.select %lt3A_276, %select_n3A_247, %add3A_275 : vector<1024x128xi1>, vector<1024x128xf32>
    %jit3A_278 = arith.constant 7 : i32
    %broadcast_in_dim3A_279 = vector.broadcast %jit3A_278 : i32 to vector<1024x128xi32>
    %select_n3A_280 = arith.select %lt3A_276, %select_n3A_250, %broadcast_in_dim3A_279 : vector<1024x128xi1>, vector<1024x128xi32>
    %select_n3A_281 = arith.select %lt3A_276, %add3A_275, %select_n3A_247 : vector<1024x128xi1>, vector<1024x128xf32>
    %jit3A_282 = arith.constant 7 : i32
    %broadcast_in_dim3A_283 = vector.broadcast %jit3A_282 : i32 to vector<1024x128xi32>
    %select_n3A_284 = arith.select %lt3A_276, %broadcast_in_dim3A_283, %select_n3A_250 : vector<1024x128xi1>, vector<1024x128xi32>
    %lt3A_285 = arith.cmpf olt, %select_n3A_277, %select_n3A_254 : vector<1024x128xf32>
    %select_n3A_286 = arith.select %lt3A_285, %select_n3A_254, %select_n3A_277 : vector<1024x128xi1>, vector<1024x128xf32>
    %select_n3A_287 = arith.select %lt3A_285, %select_n3A_255, %select_n3A_280 : vector<1024x128xi1>, vector<1024x128xi32>
    %select_n3A_288 = arith.select %lt3A_285, %select_n3A_277, %select_n3A_254 : vector<1024x128xi1>, vector<1024x128xf32>
    %select_n3A_289 = arith.select %lt3A_285, %select_n3A_280, %select_n3A_255 : vector<1024x128xi1>, vector<1024x128xi32>
    %lt3A_290 = arith.cmpf olt, %select_n3A_286, %select_n3A_257 : vector<1024x128xf32>
    %select_n3A_291 = arith.select %lt3A_290, %select_n3A_286, %select_n3A_257 : vector<1024x128xi1>, vector<1024x128xf32>
    %select_n3A_292 = arith.select %lt3A_290, %select_n3A_287, %select_n3A_258 : vector<1024x128xi1>, vector<1024x128xi32>
    %slice3A_293 = vector.extract_strided_slice %get3A_10 {offsets = [0, 1024], sizes = [1, 128], strides = [1, 1]} : vector<1x4096xf32> to vector<1x128xf32>
    %sub3A_294 = vector.broadcast %get3A_1 : vector<1024x1xf32> to vector<1024x128xf32>
    %sub3A_295 = vector.broadcast %slice3A_293 : vector<1x128xf32> to vector<1024x128xf32>
    %sub3A_296 = arith.subf %sub3A_294, %sub3A_295 : vector<1024x128xf32>
    %mul3A_297 = arith.mulf %sub3A_296, %sub3A_296 : vector<1024x128xf32>
    %slice3A_298 = vector.extract_strided_slice %get3A_13 {offsets = [0, 1024], sizes = [1, 128], strides = [1, 1]} : vector<1x4096xf32> to vector<1x128xf32>
    %sub3A_299 = vector.broadcast %get3A_4 : vector<1024x1xf32> to vector<1024x128xf32>
    %sub3A_300 = vector.broadcast %slice3A_298 : vector<1x128xf32> to vector<1024x128xf32>
    %sub3A_301 = arith.subf %sub3A_299, %sub3A_300 : vector<1024x128xf32>
    %mul3A_302 = arith.mulf %sub3A_301, %sub3A_301 : vector<1024x128xf32>
    %add3A_303 = arith.addf %mul3A_297, %mul3A_302 : vector<1024x128xf32>
    %slice3A_304 = vector.extract_strided_slice %get3A_16 {offsets = [0, 1024], sizes = [1, 128], strides = [1, 1]} : vector<1x4096xf32> to vector<1x128xf32>
    %sub3A_305 = vector.broadcast %get3A_7 : vector<1024x1xf32> to vector<1024x128xf32>
    %sub3A_306 = vector.broadcast %slice3A_304 : vector<1x128xf32> to vector<1024x128xf32>
    %sub3A_307 = arith.subf %sub3A_305, %sub3A_306 : vector<1024x128xf32>
    %mul3A_308 = arith.mulf %sub3A_307, %sub3A_307 : vector<1024x128xf32>
    %add3A_309 = arith.addf %add3A_303, %mul3A_308 : vector<1024x128xf32>
    %lt3A_310 = arith.cmpf olt, %add3A_309, %select_n3A_281 : vector<1024x128xf32>
    %select_n3A_311 = arith.select %lt3A_310, %select_n3A_281, %add3A_309 : vector<1024x128xi1>, vector<1024x128xf32>
    %jit3A_312 = arith.constant 8 : i32
    %broadcast_in_dim3A_313 = vector.broadcast %jit3A_312 : i32 to vector<1024x128xi32>
    %select_n3A_314 = arith.select %lt3A_310, %select_n3A_284, %broadcast_in_dim3A_313 : vector<1024x128xi1>, vector<1024x128xi32>
    %select_n3A_315 = arith.select %lt3A_310, %add3A_309, %select_n3A_281 : vector<1024x128xi1>, vector<1024x128xf32>
    %jit3A_316 = arith.constant 8 : i32
    %broadcast_in_dim3A_317 = vector.broadcast %jit3A_316 : i32 to vector<1024x128xi32>
    %select_n3A_318 = arith.select %lt3A_310, %broadcast_in_dim3A_317, %select_n3A_284 : vector<1024x128xi1>, vector<1024x128xi32>
    %lt3A_319 = arith.cmpf olt, %select_n3A_311, %select_n3A_288 : vector<1024x128xf32>
    %select_n3A_320 = arith.select %lt3A_319, %select_n3A_288, %select_n3A_311 : vector<1024x128xi1>, vector<1024x128xf32>
    %select_n3A_321 = arith.select %lt3A_319, %select_n3A_289, %select_n3A_314 : vector<1024x128xi1>, vector<1024x128xi32>
    %select_n3A_322 = arith.select %lt3A_319, %select_n3A_311, %select_n3A_288 : vector<1024x128xi1>, vector<1024x128xf32>
    %select_n3A_323 = arith.select %lt3A_319, %select_n3A_314, %select_n3A_289 : vector<1024x128xi1>, vector<1024x128xi32>
    %lt3A_324 = arith.cmpf olt, %select_n3A_320, %select_n3A_291 : vector<1024x128xf32>
    %select_n3A_325 = arith.select %lt3A_324, %select_n3A_320, %select_n3A_291 : vector<1024x128xi1>, vector<1024x128xf32>
    %select_n3A_326 = arith.select %lt3A_324, %select_n3A_321, %select_n3A_292 : vector<1024x128xi1>, vector<1024x128xi32>
    %slice3A_327 = vector.extract_strided_slice %get3A_10 {offsets = [0, 1152], sizes = [1, 128], strides = [1, 1]} : vector<1x4096xf32> to vector<1x128xf32>
    %sub3A_328 = vector.broadcast %get3A_1 : vector<1024x1xf32> to vector<1024x128xf32>
    %sub3A_329 = vector.broadcast %slice3A_327 : vector<1x128xf32> to vector<1024x128xf32>
    %sub3A_330 = arith.subf %sub3A_328, %sub3A_329 : vector<1024x128xf32>
    %mul3A_331 = arith.mulf %sub3A_330, %sub3A_330 : vector<1024x128xf32>
    %slice3A_332 = vector.extract_strided_slice %get3A_13 {offsets = [0, 1152], sizes = [1, 128], strides = [1, 1]} : vector<1x4096xf32> to vector<1x128xf32>
    %sub3A_333 = vector.broadcast %get3A_4 : vector<1024x1xf32> to vector<1024x128xf32>
    %sub3A_334 = vector.broadcast %slice3A_332 : vector<1x128xf32> to vector<1024x128xf32>
    %sub3A_335 = arith.subf %sub3A_333, %sub3A_334 : vector<1024x128xf32>
    %mul3A_336 = arith.mulf %sub3A_335, %sub3A_335 : vector<1024x128xf32>
    %add3A_337 = arith.addf %mul3A_331, %mul3A_336 : vector<1024x128xf32>
    %slice3A_338 = vector.extract_strided_slice %get3A_16 {offsets = [0, 1152], sizes = [1, 128], strides = [1, 1]} : vector<1x4096xf32> to vector<1x128xf32>
    %sub3A_339 = vector.broadcast %get3A_7 : vector<1024x1xf32> to vector<1024x128xf32>
    %sub3A_340 = vector.broadcast %slice3A_338 : vector<1x128xf32> to vector<1024x128xf32>
    %sub3A_341 = arith.subf %sub3A_339, %sub3A_340 : vector<1024x128xf32>
    %mul3A_342 = arith.mulf %sub3A_341, %sub3A_341 : vector<1024x128xf32>
    %add3A_343 = arith.addf %add3A_337, %mul3A_342 : vector<1024x128xf32>
    %lt3A_344 = arith.cmpf olt, %add3A_343, %select_n3A_315 : vector<1024x128xf32>
    %select_n3A_345 = arith.select %lt3A_344, %select_n3A_315, %add3A_343 : vector<1024x128xi1>, vector<1024x128xf32>
    %jit3A_346 = arith.constant 9 : i32
    %broadcast_in_dim3A_347 = vector.broadcast %jit3A_346 : i32 to vector<1024x128xi32>
    %select_n3A_348 = arith.select %lt3A_344, %select_n3A_318, %broadcast_in_dim3A_347 : vector<1024x128xi1>, vector<1024x128xi32>
    %select_n3A_349 = arith.select %lt3A_344, %add3A_343, %select_n3A_315 : vector<1024x128xi1>, vector<1024x128xf32>
    %jit3A_350 = arith.constant 9 : i32
    %broadcast_in_dim3A_351 = vector.broadcast %jit3A_350 : i32 to vector<1024x128xi32>
    %select_n3A_352 = arith.select %lt3A_344, %broadcast_in_dim3A_351, %select_n3A_318 : vector<1024x128xi1>, vector<1024x128xi32>
    %lt3A_353 = arith.cmpf olt, %select_n3A_345, %select_n3A_322 : vector<1024x128xf32>
    %select_n3A_354 = arith.select %lt3A_353, %select_n3A_322, %select_n3A_345 : vector<1024x128xi1>, vector<1024x128xf32>
    %select_n3A_355 = arith.select %lt3A_353, %select_n3A_323, %select_n3A_348 : vector<1024x128xi1>, vector<1024x128xi32>
    %select_n3A_356 = arith.select %lt3A_353, %select_n3A_345, %select_n3A_322 : vector<1024x128xi1>, vector<1024x128xf32>
    %select_n3A_357 = arith.select %lt3A_353, %select_n3A_348, %select_n3A_323 : vector<1024x128xi1>, vector<1024x128xi32>
    %lt3A_358 = arith.cmpf olt, %select_n3A_354, %select_n3A_325 : vector<1024x128xf32>
    %select_n3A_359 = arith.select %lt3A_358, %select_n3A_354, %select_n3A_325 : vector<1024x128xi1>, vector<1024x128xf32>
    %select_n3A_360 = arith.select %lt3A_358, %select_n3A_355, %select_n3A_326 : vector<1024x128xi1>, vector<1024x128xi32>
    %slice3A_361 = vector.extract_strided_slice %get3A_10 {offsets = [0, 1280], sizes = [1, 128], strides = [1, 1]} : vector<1x4096xf32> to vector<1x128xf32>
    %sub3A_362 = vector.broadcast %get3A_1 : vector<1024x1xf32> to vector<1024x128xf32>
    %sub3A_363 = vector.broadcast %slice3A_361 : vector<1x128xf32> to vector<1024x128xf32>
    %sub3A_364 = arith.subf %sub3A_362, %sub3A_363 : vector<1024x128xf32>
    %mul3A_365 = arith.mulf %sub3A_364, %sub3A_364 : vector<1024x128xf32>
    %slice3A_366 = vector.extract_strided_slice %get3A_13 {offsets = [0, 1280], sizes = [1, 128], strides = [1, 1]} : vector<1x4096xf32> to vector<1x128xf32>
    %sub3A_367 = vector.broadcast %get3A_4 : vector<1024x1xf32> to vector<1024x128xf32>
    %sub3A_368 = vector.broadcast %slice3A_366 : vector<1x128xf32> to vector<1024x128xf32>
    %sub3A_369 = arith.subf %sub3A_367, %sub3A_368 : vector<1024x128xf32>
    %mul3A_370 = arith.mulf %sub3A_369, %sub3A_369 : vector<1024x128xf32>
    %add3A_371 = arith.addf %mul3A_365, %mul3A_370 : vector<1024x128xf32>
    %slice3A_372 = vector.extract_strided_slice %get3A_16 {offsets = [0, 1280], sizes = [1, 128], strides = [1, 1]} : vector<1x4096xf32> to vector<1x128xf32>
    %sub3A_373 = vector.broadcast %get3A_7 : vector<1024x1xf32> to vector<1024x128xf32>
    %sub3A_374 = vector.broadcast %slice3A_372 : vector<1x128xf32> to vector<1024x128xf32>
    %sub3A_375 = arith.subf %sub3A_373, %sub3A_374 : vector<1024x128xf32>
    %mul3A_376 = arith.mulf %sub3A_375, %sub3A_375 : vector<1024x128xf32>
    %add3A_377 = arith.addf %add3A_371, %mul3A_376 : vector<1024x128xf32>
    %lt3A_378 = arith.cmpf olt, %add3A_377, %select_n3A_349 : vector<1024x128xf32>
    %select_n3A_379 = arith.select %lt3A_378, %select_n3A_349, %add3A_377 : vector<1024x128xi1>, vector<1024x128xf32>
    %jit3A_380 = arith.constant 10 : i32
    %broadcast_in_dim3A_381 = vector.broadcast %jit3A_380 : i32 to vector<1024x128xi32>
    %select_n3A_382 = arith.select %lt3A_378, %select_n3A_352, %broadcast_in_dim3A_381 : vector<1024x128xi1>, vector<1024x128xi32>
    %select_n3A_383 = arith.select %lt3A_378, %add3A_377, %select_n3A_349 : vector<1024x128xi1>, vector<1024x128xf32>
    %jit3A_384 = arith.constant 10 : i32
    %broadcast_in_dim3A_385 = vector.broadcast %jit3A_384 : i32 to vector<1024x128xi32>
    %select_n3A_386 = arith.select %lt3A_378, %broadcast_in_dim3A_385, %select_n3A_352 : vector<1024x128xi1>, vector<1024x128xi32>
    %lt3A_387 = arith.cmpf olt, %select_n3A_379, %select_n3A_356 : vector<1024x128xf32>
    %select_n3A_388 = arith.select %lt3A_387, %select_n3A_356, %select_n3A_379 : vector<1024x128xi1>, vector<1024x128xf32>
    %select_n3A_389 = arith.select %lt3A_387, %select_n3A_357, %select_n3A_382 : vector<1024x128xi1>, vector<1024x128xi32>
    %select_n3A_390 = arith.select %lt3A_387, %select_n3A_379, %select_n3A_356 : vector<1024x128xi1>, vector<1024x128xf32>
    %select_n3A_391 = arith.select %lt3A_387, %select_n3A_382, %select_n3A_357 : vector<1024x128xi1>, vector<1024x128xi32>
    %lt3A_392 = arith.cmpf olt, %select_n3A_388, %select_n3A_359 : vector<1024x128xf32>
    %select_n3A_393 = arith.select %lt3A_392, %select_n3A_388, %select_n3A_359 : vector<1024x128xi1>, vector<1024x128xf32>
    %select_n3A_394 = arith.select %lt3A_392, %select_n3A_389, %select_n3A_360 : vector<1024x128xi1>, vector<1024x128xi32>
    %slice3A_395 = vector.extract_strided_slice %get3A_10 {offsets = [0, 1408], sizes = [1, 128], strides = [1, 1]} : vector<1x4096xf32> to vector<1x128xf32>
    %sub3A_396 = vector.broadcast %get3A_1 : vector<1024x1xf32> to vector<1024x128xf32>
    %sub3A_397 = vector.broadcast %slice3A_395 : vector<1x128xf32> to vector<1024x128xf32>
    %sub3A_398 = arith.subf %sub3A_396, %sub3A_397 : vector<1024x128xf32>
    %mul3A_399 = arith.mulf %sub3A_398, %sub3A_398 : vector<1024x128xf32>
    %slice3A_400 = vector.extract_strided_slice %get3A_13 {offsets = [0, 1408], sizes = [1, 128], strides = [1, 1]} : vector<1x4096xf32> to vector<1x128xf32>
    %sub3A_401 = vector.broadcast %get3A_4 : vector<1024x1xf32> to vector<1024x128xf32>
    %sub3A_402 = vector.broadcast %slice3A_400 : vector<1x128xf32> to vector<1024x128xf32>
    %sub3A_403 = arith.subf %sub3A_401, %sub3A_402 : vector<1024x128xf32>
    %mul3A_404 = arith.mulf %sub3A_403, %sub3A_403 : vector<1024x128xf32>
    %add3A_405 = arith.addf %mul3A_399, %mul3A_404 : vector<1024x128xf32>
    %slice3A_406 = vector.extract_strided_slice %get3A_16 {offsets = [0, 1408], sizes = [1, 128], strides = [1, 1]} : vector<1x4096xf32> to vector<1x128xf32>
    %sub3A_407 = vector.broadcast %get3A_7 : vector<1024x1xf32> to vector<1024x128xf32>
    %sub3A_408 = vector.broadcast %slice3A_406 : vector<1x128xf32> to vector<1024x128xf32>
    %sub3A_409 = arith.subf %sub3A_407, %sub3A_408 : vector<1024x128xf32>
    %mul3A_410 = arith.mulf %sub3A_409, %sub3A_409 : vector<1024x128xf32>
    %add3A_411 = arith.addf %add3A_405, %mul3A_410 : vector<1024x128xf32>
    %lt3A_412 = arith.cmpf olt, %add3A_411, %select_n3A_383 : vector<1024x128xf32>
    %select_n3A_413 = arith.select %lt3A_412, %select_n3A_383, %add3A_411 : vector<1024x128xi1>, vector<1024x128xf32>
    %jit3A_414 = arith.constant 11 : i32
    %broadcast_in_dim3A_415 = vector.broadcast %jit3A_414 : i32 to vector<1024x128xi32>
    %select_n3A_416 = arith.select %lt3A_412, %select_n3A_386, %broadcast_in_dim3A_415 : vector<1024x128xi1>, vector<1024x128xi32>
    %select_n3A_417 = arith.select %lt3A_412, %add3A_411, %select_n3A_383 : vector<1024x128xi1>, vector<1024x128xf32>
    %jit3A_418 = arith.constant 11 : i32
    %broadcast_in_dim3A_419 = vector.broadcast %jit3A_418 : i32 to vector<1024x128xi32>
    %select_n3A_420 = arith.select %lt3A_412, %broadcast_in_dim3A_419, %select_n3A_386 : vector<1024x128xi1>, vector<1024x128xi32>
    %lt3A_421 = arith.cmpf olt, %select_n3A_413, %select_n3A_390 : vector<1024x128xf32>
    %select_n3A_422 = arith.select %lt3A_421, %select_n3A_390, %select_n3A_413 : vector<1024x128xi1>, vector<1024x128xf32>
    %select_n3A_423 = arith.select %lt3A_421, %select_n3A_391, %select_n3A_416 : vector<1024x128xi1>, vector<1024x128xi32>
    %select_n3A_424 = arith.select %lt3A_421, %select_n3A_413, %select_n3A_390 : vector<1024x128xi1>, vector<1024x128xf32>
    %select_n3A_425 = arith.select %lt3A_421, %select_n3A_416, %select_n3A_391 : vector<1024x128xi1>, vector<1024x128xi32>
    %lt3A_426 = arith.cmpf olt, %select_n3A_422, %select_n3A_393 : vector<1024x128xf32>
    %select_n3A_427 = arith.select %lt3A_426, %select_n3A_422, %select_n3A_393 : vector<1024x128xi1>, vector<1024x128xf32>
    %select_n3A_428 = arith.select %lt3A_426, %select_n3A_423, %select_n3A_394 : vector<1024x128xi1>, vector<1024x128xi32>
    %slice3A_429 = vector.extract_strided_slice %get3A_10 {offsets = [0, 1536], sizes = [1, 128], strides = [1, 1]} : vector<1x4096xf32> to vector<1x128xf32>
    %sub3A_430 = vector.broadcast %get3A_1 : vector<1024x1xf32> to vector<1024x128xf32>
    %sub3A_431 = vector.broadcast %slice3A_429 : vector<1x128xf32> to vector<1024x128xf32>
    %sub3A_432 = arith.subf %sub3A_430, %sub3A_431 : vector<1024x128xf32>
    %mul3A_433 = arith.mulf %sub3A_432, %sub3A_432 : vector<1024x128xf32>
    %slice3A_434 = vector.extract_strided_slice %get3A_13 {offsets = [0, 1536], sizes = [1, 128], strides = [1, 1]} : vector<1x4096xf32> to vector<1x128xf32>
    %sub3A_435 = vector.broadcast %get3A_4 : vector<1024x1xf32> to vector<1024x128xf32>
    %sub3A_436 = vector.broadcast %slice3A_434 : vector<1x128xf32> to vector<1024x128xf32>
    %sub3A_437 = arith.subf %sub3A_435, %sub3A_436 : vector<1024x128xf32>
    %mul3A_438 = arith.mulf %sub3A_437, %sub3A_437 : vector<1024x128xf32>
    %add3A_439 = arith.addf %mul3A_433, %mul3A_438 : vector<1024x128xf32>
    %slice3A_440 = vector.extract_strided_slice %get3A_16 {offsets = [0, 1536], sizes = [1, 128], strides = [1, 1]} : vector<1x4096xf32> to vector<1x128xf32>
    %sub3A_441 = vector.broadcast %get3A_7 : vector<1024x1xf32> to vector<1024x128xf32>
    %sub3A_442 = vector.broadcast %slice3A_440 : vector<1x128xf32> to vector<1024x128xf32>
    %sub3A_443 = arith.subf %sub3A_441, %sub3A_442 : vector<1024x128xf32>
    %mul3A_444 = arith.mulf %sub3A_443, %sub3A_443 : vector<1024x128xf32>
    %add3A_445 = arith.addf %add3A_439, %mul3A_444 : vector<1024x128xf32>
    %lt3A_446 = arith.cmpf olt, %add3A_445, %select_n3A_417 : vector<1024x128xf32>
    %select_n3A_447 = arith.select %lt3A_446, %select_n3A_417, %add3A_445 : vector<1024x128xi1>, vector<1024x128xf32>
    %jit3A_448 = arith.constant 12 : i32
    %broadcast_in_dim3A_449 = vector.broadcast %jit3A_448 : i32 to vector<1024x128xi32>
    %select_n3A_450 = arith.select %lt3A_446, %select_n3A_420, %broadcast_in_dim3A_449 : vector<1024x128xi1>, vector<1024x128xi32>
    %select_n3A_451 = arith.select %lt3A_446, %add3A_445, %select_n3A_417 : vector<1024x128xi1>, vector<1024x128xf32>
    %jit3A_452 = arith.constant 12 : i32
    %broadcast_in_dim3A_453 = vector.broadcast %jit3A_452 : i32 to vector<1024x128xi32>
    %select_n3A_454 = arith.select %lt3A_446, %broadcast_in_dim3A_453, %select_n3A_420 : vector<1024x128xi1>, vector<1024x128xi32>
    %lt3A_455 = arith.cmpf olt, %select_n3A_447, %select_n3A_424 : vector<1024x128xf32>
    %select_n3A_456 = arith.select %lt3A_455, %select_n3A_424, %select_n3A_447 : vector<1024x128xi1>, vector<1024x128xf32>
    %select_n3A_457 = arith.select %lt3A_455, %select_n3A_425, %select_n3A_450 : vector<1024x128xi1>, vector<1024x128xi32>
    %select_n3A_458 = arith.select %lt3A_455, %select_n3A_447, %select_n3A_424 : vector<1024x128xi1>, vector<1024x128xf32>
    %select_n3A_459 = arith.select %lt3A_455, %select_n3A_450, %select_n3A_425 : vector<1024x128xi1>, vector<1024x128xi32>
    %lt3A_460 = arith.cmpf olt, %select_n3A_456, %select_n3A_427 : vector<1024x128xf32>
    %select_n3A_461 = arith.select %lt3A_460, %select_n3A_456, %select_n3A_427 : vector<1024x128xi1>, vector<1024x128xf32>
    %select_n3A_462 = arith.select %lt3A_460, %select_n3A_457, %select_n3A_428 : vector<1024x128xi1>, vector<1024x128xi32>
    %slice3A_463 = vector.extract_strided_slice %get3A_10 {offsets = [0, 1664], sizes = [1, 128], strides = [1, 1]} : vector<1x4096xf32> to vector<1x128xf32>
    %sub3A_464 = vector.broadcast %get3A_1 : vector<1024x1xf32> to vector<1024x128xf32>
    %sub3A_465 = vector.broadcast %slice3A_463 : vector<1x128xf32> to vector<1024x128xf32>
    %sub3A_466 = arith.subf %sub3A_464, %sub3A_465 : vector<1024x128xf32>
    %mul3A_467 = arith.mulf %sub3A_466, %sub3A_466 : vector<1024x128xf32>
    %slice3A_468 = vector.extract_strided_slice %get3A_13 {offsets = [0, 1664], sizes = [1, 128], strides = [1, 1]} : vector<1x4096xf32> to vector<1x128xf32>
    %sub3A_469 = vector.broadcast %get3A_4 : vector<1024x1xf32> to vector<1024x128xf32>
    %sub3A_470 = vector.broadcast %slice3A_468 : vector<1x128xf32> to vector<1024x128xf32>
    %sub3A_471 = arith.subf %sub3A_469, %sub3A_470 : vector<1024x128xf32>
    %mul3A_472 = arith.mulf %sub3A_471, %sub3A_471 : vector<1024x128xf32>
    %add3A_473 = arith.addf %mul3A_467, %mul3A_472 : vector<1024x128xf32>
    %slice3A_474 = vector.extract_strided_slice %get3A_16 {offsets = [0, 1664], sizes = [1, 128], strides = [1, 1]} : vector<1x4096xf32> to vector<1x128xf32>
    %sub3A_475 = vector.broadcast %get3A_7 : vector<1024x1xf32> to vector<1024x128xf32>
    %sub3A_476 = vector.broadcast %slice3A_474 : vector<1x128xf32> to vector<1024x128xf32>
    %sub3A_477 = arith.subf %sub3A_475, %sub3A_476 : vector<1024x128xf32>
    %mul3A_478 = arith.mulf %sub3A_477, %sub3A_477 : vector<1024x128xf32>
    %add3A_479 = arith.addf %add3A_473, %mul3A_478 : vector<1024x128xf32>
    %lt3A_480 = arith.cmpf olt, %add3A_479, %select_n3A_451 : vector<1024x128xf32>
    %select_n3A_481 = arith.select %lt3A_480, %select_n3A_451, %add3A_479 : vector<1024x128xi1>, vector<1024x128xf32>
    %jit3A_482 = arith.constant 13 : i32
    %broadcast_in_dim3A_483 = vector.broadcast %jit3A_482 : i32 to vector<1024x128xi32>
    %select_n3A_484 = arith.select %lt3A_480, %select_n3A_454, %broadcast_in_dim3A_483 : vector<1024x128xi1>, vector<1024x128xi32>
    %select_n3A_485 = arith.select %lt3A_480, %add3A_479, %select_n3A_451 : vector<1024x128xi1>, vector<1024x128xf32>
    %jit3A_486 = arith.constant 13 : i32
    %broadcast_in_dim3A_487 = vector.broadcast %jit3A_486 : i32 to vector<1024x128xi32>
    %select_n3A_488 = arith.select %lt3A_480, %broadcast_in_dim3A_487, %select_n3A_454 : vector<1024x128xi1>, vector<1024x128xi32>
    %lt3A_489 = arith.cmpf olt, %select_n3A_481, %select_n3A_458 : vector<1024x128xf32>
    %select_n3A_490 = arith.select %lt3A_489, %select_n3A_458, %select_n3A_481 : vector<1024x128xi1>, vector<1024x128xf32>
    %select_n3A_491 = arith.select %lt3A_489, %select_n3A_459, %select_n3A_484 : vector<1024x128xi1>, vector<1024x128xi32>
    %select_n3A_492 = arith.select %lt3A_489, %select_n3A_481, %select_n3A_458 : vector<1024x128xi1>, vector<1024x128xf32>
    %select_n3A_493 = arith.select %lt3A_489, %select_n3A_484, %select_n3A_459 : vector<1024x128xi1>, vector<1024x128xi32>
    %lt3A_494 = arith.cmpf olt, %select_n3A_490, %select_n3A_461 : vector<1024x128xf32>
    %select_n3A_495 = arith.select %lt3A_494, %select_n3A_490, %select_n3A_461 : vector<1024x128xi1>, vector<1024x128xf32>
    %select_n3A_496 = arith.select %lt3A_494, %select_n3A_491, %select_n3A_462 : vector<1024x128xi1>, vector<1024x128xi32>
    %slice3A_497 = vector.extract_strided_slice %get3A_10 {offsets = [0, 1792], sizes = [1, 128], strides = [1, 1]} : vector<1x4096xf32> to vector<1x128xf32>
    %sub3A_498 = vector.broadcast %get3A_1 : vector<1024x1xf32> to vector<1024x128xf32>
    %sub3A_499 = vector.broadcast %slice3A_497 : vector<1x128xf32> to vector<1024x128xf32>
    %sub3A_500 = arith.subf %sub3A_498, %sub3A_499 : vector<1024x128xf32>
    %mul3A_501 = arith.mulf %sub3A_500, %sub3A_500 : vector<1024x128xf32>
    %slice3A_502 = vector.extract_strided_slice %get3A_13 {offsets = [0, 1792], sizes = [1, 128], strides = [1, 1]} : vector<1x4096xf32> to vector<1x128xf32>
    %sub3A_503 = vector.broadcast %get3A_4 : vector<1024x1xf32> to vector<1024x128xf32>
    %sub3A_504 = vector.broadcast %slice3A_502 : vector<1x128xf32> to vector<1024x128xf32>
    %sub3A_505 = arith.subf %sub3A_503, %sub3A_504 : vector<1024x128xf32>
    %mul3A_506 = arith.mulf %sub3A_505, %sub3A_505 : vector<1024x128xf32>
    %add3A_507 = arith.addf %mul3A_501, %mul3A_506 : vector<1024x128xf32>
    %slice3A_508 = vector.extract_strided_slice %get3A_16 {offsets = [0, 1792], sizes = [1, 128], strides = [1, 1]} : vector<1x4096xf32> to vector<1x128xf32>
    %sub3A_509 = vector.broadcast %get3A_7 : vector<1024x1xf32> to vector<1024x128xf32>
    %sub3A_510 = vector.broadcast %slice3A_508 : vector<1x128xf32> to vector<1024x128xf32>
    %sub3A_511 = arith.subf %sub3A_509, %sub3A_510 : vector<1024x128xf32>
    %mul3A_512 = arith.mulf %sub3A_511, %sub3A_511 : vector<1024x128xf32>
    %add3A_513 = arith.addf %add3A_507, %mul3A_512 : vector<1024x128xf32>
    %lt3A_514 = arith.cmpf olt, %add3A_513, %select_n3A_485 : vector<1024x128xf32>
    %select_n3A_515 = arith.select %lt3A_514, %select_n3A_485, %add3A_513 : vector<1024x128xi1>, vector<1024x128xf32>
    %jit3A_516 = arith.constant 14 : i32
    %broadcast_in_dim3A_517 = vector.broadcast %jit3A_516 : i32 to vector<1024x128xi32>
    %select_n3A_518 = arith.select %lt3A_514, %select_n3A_488, %broadcast_in_dim3A_517 : vector<1024x128xi1>, vector<1024x128xi32>
    %select_n3A_519 = arith.select %lt3A_514, %add3A_513, %select_n3A_485 : vector<1024x128xi1>, vector<1024x128xf32>
    %jit3A_520 = arith.constant 14 : i32
    %broadcast_in_dim3A_521 = vector.broadcast %jit3A_520 : i32 to vector<1024x128xi32>
    %select_n3A_522 = arith.select %lt3A_514, %broadcast_in_dim3A_521, %select_n3A_488 : vector<1024x128xi1>, vector<1024x128xi32>
    %lt3A_523 = arith.cmpf olt, %select_n3A_515, %select_n3A_492 : vector<1024x128xf32>
    %select_n3A_524 = arith.select %lt3A_523, %select_n3A_492, %select_n3A_515 : vector<1024x128xi1>, vector<1024x128xf32>
    %select_n3A_525 = arith.select %lt3A_523, %select_n3A_493, %select_n3A_518 : vector<1024x128xi1>, vector<1024x128xi32>
    %select_n3A_526 = arith.select %lt3A_523, %select_n3A_515, %select_n3A_492 : vector<1024x128xi1>, vector<1024x128xf32>
    %select_n3A_527 = arith.select %lt3A_523, %select_n3A_518, %select_n3A_493 : vector<1024x128xi1>, vector<1024x128xi32>
    %lt3A_528 = arith.cmpf olt, %select_n3A_524, %select_n3A_495 : vector<1024x128xf32>
    %select_n3A_529 = arith.select %lt3A_528, %select_n3A_524, %select_n3A_495 : vector<1024x128xi1>, vector<1024x128xf32>
    %select_n3A_530 = arith.select %lt3A_528, %select_n3A_525, %select_n3A_496 : vector<1024x128xi1>, vector<1024x128xi32>
    %slice3A_531 = vector.extract_strided_slice %get3A_10 {offsets = [0, 1920], sizes = [1, 128], strides = [1, 1]} : vector<1x4096xf32> to vector<1x128xf32>
    %sub3A_532 = vector.broadcast %get3A_1 : vector<1024x1xf32> to vector<1024x128xf32>
    %sub3A_533 = vector.broadcast %slice3A_531 : vector<1x128xf32> to vector<1024x128xf32>
    %sub3A_534 = arith.subf %sub3A_532, %sub3A_533 : vector<1024x128xf32>
    %mul3A_535 = arith.mulf %sub3A_534, %sub3A_534 : vector<1024x128xf32>
    %slice3A_536 = vector.extract_strided_slice %get3A_13 {offsets = [0, 1920], sizes = [1, 128], strides = [1, 1]} : vector<1x4096xf32> to vector<1x128xf32>
    %sub3A_537 = vector.broadcast %get3A_4 : vector<1024x1xf32> to vector<1024x128xf32>
    %sub3A_538 = vector.broadcast %slice3A_536 : vector<1x128xf32> to vector<1024x128xf32>
    %sub3A_539 = arith.subf %sub3A_537, %sub3A_538 : vector<1024x128xf32>
    %mul3A_540 = arith.mulf %sub3A_539, %sub3A_539 : vector<1024x128xf32>
    %add3A_541 = arith.addf %mul3A_535, %mul3A_540 : vector<1024x128xf32>
    %slice3A_542 = vector.extract_strided_slice %get3A_16 {offsets = [0, 1920], sizes = [1, 128], strides = [1, 1]} : vector<1x4096xf32> to vector<1x128xf32>
    %sub3A_543 = vector.broadcast %get3A_7 : vector<1024x1xf32> to vector<1024x128xf32>
    %sub3A_544 = vector.broadcast %slice3A_542 : vector<1x128xf32> to vector<1024x128xf32>
    %sub3A_545 = arith.subf %sub3A_543, %sub3A_544 : vector<1024x128xf32>
    %mul3A_546 = arith.mulf %sub3A_545, %sub3A_545 : vector<1024x128xf32>
    %add3A_547 = arith.addf %add3A_541, %mul3A_546 : vector<1024x128xf32>
    %lt3A_548 = arith.cmpf olt, %add3A_547, %select_n3A_519 : vector<1024x128xf32>
    %select_n3A_549 = arith.select %lt3A_548, %select_n3A_519, %add3A_547 : vector<1024x128xi1>, vector<1024x128xf32>
    %jit3A_550 = arith.constant 15 : i32
    %broadcast_in_dim3A_551 = vector.broadcast %jit3A_550 : i32 to vector<1024x128xi32>
    %select_n3A_552 = arith.select %lt3A_548, %select_n3A_522, %broadcast_in_dim3A_551 : vector<1024x128xi1>, vector<1024x128xi32>
    %select_n3A_553 = arith.select %lt3A_548, %add3A_547, %select_n3A_519 : vector<1024x128xi1>, vector<1024x128xf32>
    %jit3A_554 = arith.constant 15 : i32
    %broadcast_in_dim3A_555 = vector.broadcast %jit3A_554 : i32 to vector<1024x128xi32>
    %select_n3A_556 = arith.select %lt3A_548, %broadcast_in_dim3A_555, %select_n3A_522 : vector<1024x128xi1>, vector<1024x128xi32>
    %lt3A_557 = arith.cmpf olt, %select_n3A_549, %select_n3A_526 : vector<1024x128xf32>
    %select_n3A_558 = arith.select %lt3A_557, %select_n3A_526, %select_n3A_549 : vector<1024x128xi1>, vector<1024x128xf32>
    %select_n3A_559 = arith.select %lt3A_557, %select_n3A_527, %select_n3A_552 : vector<1024x128xi1>, vector<1024x128xi32>
    %select_n3A_560 = arith.select %lt3A_557, %select_n3A_549, %select_n3A_526 : vector<1024x128xi1>, vector<1024x128xf32>
    %select_n3A_561 = arith.select %lt3A_557, %select_n3A_552, %select_n3A_527 : vector<1024x128xi1>, vector<1024x128xi32>
    %lt3A_562 = arith.cmpf olt, %select_n3A_558, %select_n3A_529 : vector<1024x128xf32>
    %select_n3A_563 = arith.select %lt3A_562, %select_n3A_558, %select_n3A_529 : vector<1024x128xi1>, vector<1024x128xf32>
    %select_n3A_564 = arith.select %lt3A_562, %select_n3A_559, %select_n3A_530 : vector<1024x128xi1>, vector<1024x128xi32>
    %slice3A_565 = vector.extract_strided_slice %get3A_10 {offsets = [0, 2048], sizes = [1, 128], strides = [1, 1]} : vector<1x4096xf32> to vector<1x128xf32>
    %sub3A_566 = vector.broadcast %get3A_1 : vector<1024x1xf32> to vector<1024x128xf32>
    %sub3A_567 = vector.broadcast %slice3A_565 : vector<1x128xf32> to vector<1024x128xf32>
    %sub3A_568 = arith.subf %sub3A_566, %sub3A_567 : vector<1024x128xf32>
    %mul3A_569 = arith.mulf %sub3A_568, %sub3A_568 : vector<1024x128xf32>
    %slice3A_570 = vector.extract_strided_slice %get3A_13 {offsets = [0, 2048], sizes = [1, 128], strides = [1, 1]} : vector<1x4096xf32> to vector<1x128xf32>
    %sub3A_571 = vector.broadcast %get3A_4 : vector<1024x1xf32> to vector<1024x128xf32>
    %sub3A_572 = vector.broadcast %slice3A_570 : vector<1x128xf32> to vector<1024x128xf32>
    %sub3A_573 = arith.subf %sub3A_571, %sub3A_572 : vector<1024x128xf32>
    %mul3A_574 = arith.mulf %sub3A_573, %sub3A_573 : vector<1024x128xf32>
    %add3A_575 = arith.addf %mul3A_569, %mul3A_574 : vector<1024x128xf32>
    %slice3A_576 = vector.extract_strided_slice %get3A_16 {offsets = [0, 2048], sizes = [1, 128], strides = [1, 1]} : vector<1x4096xf32> to vector<1x128xf32>
    %sub3A_577 = vector.broadcast %get3A_7 : vector<1024x1xf32> to vector<1024x128xf32>
    %sub3A_578 = vector.broadcast %slice3A_576 : vector<1x128xf32> to vector<1024x128xf32>
    %sub3A_579 = arith.subf %sub3A_577, %sub3A_578 : vector<1024x128xf32>
    %mul3A_580 = arith.mulf %sub3A_579, %sub3A_579 : vector<1024x128xf32>
    %add3A_581 = arith.addf %add3A_575, %mul3A_580 : vector<1024x128xf32>
    %lt3A_582 = arith.cmpf olt, %add3A_581, %select_n3A_553 : vector<1024x128xf32>
    %select_n3A_583 = arith.select %lt3A_582, %select_n3A_553, %add3A_581 : vector<1024x128xi1>, vector<1024x128xf32>
    %jit3A_584 = arith.constant 16 : i32
    %broadcast_in_dim3A_585 = vector.broadcast %jit3A_584 : i32 to vector<1024x128xi32>
    %select_n3A_586 = arith.select %lt3A_582, %select_n3A_556, %broadcast_in_dim3A_585 : vector<1024x128xi1>, vector<1024x128xi32>
    %select_n3A_587 = arith.select %lt3A_582, %add3A_581, %select_n3A_553 : vector<1024x128xi1>, vector<1024x128xf32>
    %jit3A_588 = arith.constant 16 : i32
    %broadcast_in_dim3A_589 = vector.broadcast %jit3A_588 : i32 to vector<1024x128xi32>
    %select_n3A_590 = arith.select %lt3A_582, %broadcast_in_dim3A_589, %select_n3A_556 : vector<1024x128xi1>, vector<1024x128xi32>
    %lt3A_591 = arith.cmpf olt, %select_n3A_583, %select_n3A_560 : vector<1024x128xf32>
    %select_n3A_592 = arith.select %lt3A_591, %select_n3A_560, %select_n3A_583 : vector<1024x128xi1>, vector<1024x128xf32>
    %select_n3A_593 = arith.select %lt3A_591, %select_n3A_561, %select_n3A_586 : vector<1024x128xi1>, vector<1024x128xi32>
    %select_n3A_594 = arith.select %lt3A_591, %select_n3A_583, %select_n3A_560 : vector<1024x128xi1>, vector<1024x128xf32>
    %select_n3A_595 = arith.select %lt3A_591, %select_n3A_586, %select_n3A_561 : vector<1024x128xi1>, vector<1024x128xi32>
    %lt3A_596 = arith.cmpf olt, %select_n3A_592, %select_n3A_563 : vector<1024x128xf32>
    %select_n3A_597 = arith.select %lt3A_596, %select_n3A_592, %select_n3A_563 : vector<1024x128xi1>, vector<1024x128xf32>
    %select_n3A_598 = arith.select %lt3A_596, %select_n3A_593, %select_n3A_564 : vector<1024x128xi1>, vector<1024x128xi32>
    %slice3A_599 = vector.extract_strided_slice %get3A_10 {offsets = [0, 2176], sizes = [1, 128], strides = [1, 1]} : vector<1x4096xf32> to vector<1x128xf32>
    %sub3A_600 = vector.broadcast %get3A_1 : vector<1024x1xf32> to vector<1024x128xf32>
    %sub3A_601 = vector.broadcast %slice3A_599 : vector<1x128xf32> to vector<1024x128xf32>
    %sub3A_602 = arith.subf %sub3A_600, %sub3A_601 : vector<1024x128xf32>
    %mul3A_603 = arith.mulf %sub3A_602, %sub3A_602 : vector<1024x128xf32>
    %slice3A_604 = vector.extract_strided_slice %get3A_13 {offsets = [0, 2176], sizes = [1, 128], strides = [1, 1]} : vector<1x4096xf32> to vector<1x128xf32>
    %sub3A_605 = vector.broadcast %get3A_4 : vector<1024x1xf32> to vector<1024x128xf32>
    %sub3A_606 = vector.broadcast %slice3A_604 : vector<1x128xf32> to vector<1024x128xf32>
    %sub3A_607 = arith.subf %sub3A_605, %sub3A_606 : vector<1024x128xf32>
    %mul3A_608 = arith.mulf %sub3A_607, %sub3A_607 : vector<1024x128xf32>
    %add3A_609 = arith.addf %mul3A_603, %mul3A_608 : vector<1024x128xf32>
    %slice3A_610 = vector.extract_strided_slice %get3A_16 {offsets = [0, 2176], sizes = [1, 128], strides = [1, 1]} : vector<1x4096xf32> to vector<1x128xf32>
    %sub3A_611 = vector.broadcast %get3A_7 : vector<1024x1xf32> to vector<1024x128xf32>
    %sub3A_612 = vector.broadcast %slice3A_610 : vector<1x128xf32> to vector<1024x128xf32>
    %sub3A_613 = arith.subf %sub3A_611, %sub3A_612 : vector<1024x128xf32>
    %mul3A_614 = arith.mulf %sub3A_613, %sub3A_613 : vector<1024x128xf32>
    %add3A_615 = arith.addf %add3A_609, %mul3A_614 : vector<1024x128xf32>
    %lt3A_616 = arith.cmpf olt, %add3A_615, %select_n3A_587 : vector<1024x128xf32>
    %select_n3A_617 = arith.select %lt3A_616, %select_n3A_587, %add3A_615 : vector<1024x128xi1>, vector<1024x128xf32>
    %jit3A_618 = arith.constant 17 : i32
    %broadcast_in_dim3A_619 = vector.broadcast %jit3A_618 : i32 to vector<1024x128xi32>
    %select_n3A_620 = arith.select %lt3A_616, %select_n3A_590, %broadcast_in_dim3A_619 : vector<1024x128xi1>, vector<1024x128xi32>
    %select_n3A_621 = arith.select %lt3A_616, %add3A_615, %select_n3A_587 : vector<1024x128xi1>, vector<1024x128xf32>
    %jit3A_622 = arith.constant 17 : i32
    %broadcast_in_dim3A_623 = vector.broadcast %jit3A_622 : i32 to vector<1024x128xi32>
    %select_n3A_624 = arith.select %lt3A_616, %broadcast_in_dim3A_623, %select_n3A_590 : vector<1024x128xi1>, vector<1024x128xi32>
    %lt3A_625 = arith.cmpf olt, %select_n3A_617, %select_n3A_594 : vector<1024x128xf32>
    %select_n3A_626 = arith.select %lt3A_625, %select_n3A_594, %select_n3A_617 : vector<1024x128xi1>, vector<1024x128xf32>
    %select_n3A_627 = arith.select %lt3A_625, %select_n3A_595, %select_n3A_620 : vector<1024x128xi1>, vector<1024x128xi32>
    %select_n3A_628 = arith.select %lt3A_625, %select_n3A_617, %select_n3A_594 : vector<1024x128xi1>, vector<1024x128xf32>
    %select_n3A_629 = arith.select %lt3A_625, %select_n3A_620, %select_n3A_595 : vector<1024x128xi1>, vector<1024x128xi32>
    %lt3A_630 = arith.cmpf olt, %select_n3A_626, %select_n3A_597 : vector<1024x128xf32>
    %select_n3A_631 = arith.select %lt3A_630, %select_n3A_626, %select_n3A_597 : vector<1024x128xi1>, vector<1024x128xf32>
    %select_n3A_632 = arith.select %lt3A_630, %select_n3A_627, %select_n3A_598 : vector<1024x128xi1>, vector<1024x128xi32>
    %slice3A_633 = vector.extract_strided_slice %get3A_10 {offsets = [0, 2304], sizes = [1, 128], strides = [1, 1]} : vector<1x4096xf32> to vector<1x128xf32>
    %sub3A_634 = vector.broadcast %get3A_1 : vector<1024x1xf32> to vector<1024x128xf32>
    %sub3A_635 = vector.broadcast %slice3A_633 : vector<1x128xf32> to vector<1024x128xf32>
    %sub3A_636 = arith.subf %sub3A_634, %sub3A_635 : vector<1024x128xf32>
    %mul3A_637 = arith.mulf %sub3A_636, %sub3A_636 : vector<1024x128xf32>
    %slice3A_638 = vector.extract_strided_slice %get3A_13 {offsets = [0, 2304], sizes = [1, 128], strides = [1, 1]} : vector<1x4096xf32> to vector<1x128xf32>
    %sub3A_639 = vector.broadcast %get3A_4 : vector<1024x1xf32> to vector<1024x128xf32>
    %sub3A_640 = vector.broadcast %slice3A_638 : vector<1x128xf32> to vector<1024x128xf32>
    %sub3A_641 = arith.subf %sub3A_639, %sub3A_640 : vector<1024x128xf32>
    %mul3A_642 = arith.mulf %sub3A_641, %sub3A_641 : vector<1024x128xf32>
    %add3A_643 = arith.addf %mul3A_637, %mul3A_642 : vector<1024x128xf32>
    %slice3A_644 = vector.extract_strided_slice %get3A_16 {offsets = [0, 2304], sizes = [1, 128], strides = [1, 1]} : vector<1x4096xf32> to vector<1x128xf32>
    %sub3A_645 = vector.broadcast %get3A_7 : vector<1024x1xf32> to vector<1024x128xf32>
    %sub3A_646 = vector.broadcast %slice3A_644 : vector<1x128xf32> to vector<1024x128xf32>
    %sub3A_647 = arith.subf %sub3A_645, %sub3A_646 : vector<1024x128xf32>
    %mul3A_648 = arith.mulf %sub3A_647, %sub3A_647 : vector<1024x128xf32>
    %add3A_649 = arith.addf %add3A_643, %mul3A_648 : vector<1024x128xf32>
    %lt3A_650 = arith.cmpf olt, %add3A_649, %select_n3A_621 : vector<1024x128xf32>
    %select_n3A_651 = arith.select %lt3A_650, %select_n3A_621, %add3A_649 : vector<1024x128xi1>, vector<1024x128xf32>
    %jit3A_652 = arith.constant 18 : i32
    %broadcast_in_dim3A_653 = vector.broadcast %jit3A_652 : i32 to vector<1024x128xi32>
    %select_n3A_654 = arith.select %lt3A_650, %select_n3A_624, %broadcast_in_dim3A_653 : vector<1024x128xi1>, vector<1024x128xi32>
    %select_n3A_655 = arith.select %lt3A_650, %add3A_649, %select_n3A_621 : vector<1024x128xi1>, vector<1024x128xf32>
    %jit3A_656 = arith.constant 18 : i32
    %broadcast_in_dim3A_657 = vector.broadcast %jit3A_656 : i32 to vector<1024x128xi32>
    %select_n3A_658 = arith.select %lt3A_650, %broadcast_in_dim3A_657, %select_n3A_624 : vector<1024x128xi1>, vector<1024x128xi32>
    %lt3A_659 = arith.cmpf olt, %select_n3A_651, %select_n3A_628 : vector<1024x128xf32>
    %select_n3A_660 = arith.select %lt3A_659, %select_n3A_628, %select_n3A_651 : vector<1024x128xi1>, vector<1024x128xf32>
    %select_n3A_661 = arith.select %lt3A_659, %select_n3A_629, %select_n3A_654 : vector<1024x128xi1>, vector<1024x128xi32>
    %select_n3A_662 = arith.select %lt3A_659, %select_n3A_651, %select_n3A_628 : vector<1024x128xi1>, vector<1024x128xf32>
    %select_n3A_663 = arith.select %lt3A_659, %select_n3A_654, %select_n3A_629 : vector<1024x128xi1>, vector<1024x128xi32>
    %lt3A_664 = arith.cmpf olt, %select_n3A_660, %select_n3A_631 : vector<1024x128xf32>
    %select_n3A_665 = arith.select %lt3A_664, %select_n3A_660, %select_n3A_631 : vector<1024x128xi1>, vector<1024x128xf32>
    %select_n3A_666 = arith.select %lt3A_664, %select_n3A_661, %select_n3A_632 : vector<1024x128xi1>, vector<1024x128xi32>
    %slice3A_667 = vector.extract_strided_slice %get3A_10 {offsets = [0, 2432], sizes = [1, 128], strides = [1, 1]} : vector<1x4096xf32> to vector<1x128xf32>
    %sub3A_668 = vector.broadcast %get3A_1 : vector<1024x1xf32> to vector<1024x128xf32>
    %sub3A_669 = vector.broadcast %slice3A_667 : vector<1x128xf32> to vector<1024x128xf32>
    %sub3A_670 = arith.subf %sub3A_668, %sub3A_669 : vector<1024x128xf32>
    %mul3A_671 = arith.mulf %sub3A_670, %sub3A_670 : vector<1024x128xf32>
    %slice3A_672 = vector.extract_strided_slice %get3A_13 {offsets = [0, 2432], sizes = [1, 128], strides = [1, 1]} : vector<1x4096xf32> to vector<1x128xf32>
    %sub3A_673 = vector.broadcast %get3A_4 : vector<1024x1xf32> to vector<1024x128xf32>
    %sub3A_674 = vector.broadcast %slice3A_672 : vector<1x128xf32> to vector<1024x128xf32>
    %sub3A_675 = arith.subf %sub3A_673, %sub3A_674 : vector<1024x128xf32>
    %mul3A_676 = arith.mulf %sub3A_675, %sub3A_675 : vector<1024x128xf32>
    %add3A_677 = arith.addf %mul3A_671, %mul3A_676 : vector<1024x128xf32>
    %slice3A_678 = vector.extract_strided_slice %get3A_16 {offsets = [0, 2432], sizes = [1, 128], strides = [1, 1]} : vector<1x4096xf32> to vector<1x128xf32>
    %sub3A_679 = vector.broadcast %get3A_7 : vector<1024x1xf32> to vector<1024x128xf32>
    %sub3A_680 = vector.broadcast %slice3A_678 : vector<1x128xf32> to vector<1024x128xf32>
    %sub3A_681 = arith.subf %sub3A_679, %sub3A_680 : vector<1024x128xf32>
    %mul3A_682 = arith.mulf %sub3A_681, %sub3A_681 : vector<1024x128xf32>
    %add3A_683 = arith.addf %add3A_677, %mul3A_682 : vector<1024x128xf32>
    %lt3A_684 = arith.cmpf olt, %add3A_683, %select_n3A_655 : vector<1024x128xf32>
    %select_n3A_685 = arith.select %lt3A_684, %select_n3A_655, %add3A_683 : vector<1024x128xi1>, vector<1024x128xf32>
    %jit3A_686 = arith.constant 19 : i32
    %broadcast_in_dim3A_687 = vector.broadcast %jit3A_686 : i32 to vector<1024x128xi32>
    %select_n3A_688 = arith.select %lt3A_684, %select_n3A_658, %broadcast_in_dim3A_687 : vector<1024x128xi1>, vector<1024x128xi32>
    %select_n3A_689 = arith.select %lt3A_684, %add3A_683, %select_n3A_655 : vector<1024x128xi1>, vector<1024x128xf32>
    %jit3A_690 = arith.constant 19 : i32
    %broadcast_in_dim3A_691 = vector.broadcast %jit3A_690 : i32 to vector<1024x128xi32>
    %select_n3A_692 = arith.select %lt3A_684, %broadcast_in_dim3A_691, %select_n3A_658 : vector<1024x128xi1>, vector<1024x128xi32>
    %lt3A_693 = arith.cmpf olt, %select_n3A_685, %select_n3A_662 : vector<1024x128xf32>
    %select_n3A_694 = arith.select %lt3A_693, %select_n3A_662, %select_n3A_685 : vector<1024x128xi1>, vector<1024x128xf32>
    %select_n3A_695 = arith.select %lt3A_693, %select_n3A_663, %select_n3A_688 : vector<1024x128xi1>, vector<1024x128xi32>
    %select_n3A_696 = arith.select %lt3A_693, %select_n3A_685, %select_n3A_662 : vector<1024x128xi1>, vector<1024x128xf32>
    %select_n3A_697 = arith.select %lt3A_693, %select_n3A_688, %select_n3A_663 : vector<1024x128xi1>, vector<1024x128xi32>
    %lt3A_698 = arith.cmpf olt, %select_n3A_694, %select_n3A_665 : vector<1024x128xf32>
    %select_n3A_699 = arith.select %lt3A_698, %select_n3A_694, %select_n3A_665 : vector<1024x128xi1>, vector<1024x128xf32>
    %select_n3A_700 = arith.select %lt3A_698, %select_n3A_695, %select_n3A_666 : vector<1024x128xi1>, vector<1024x128xi32>
    %slice3A_701 = vector.extract_strided_slice %get3A_10 {offsets = [0, 2560], sizes = [1, 128], strides = [1, 1]} : vector<1x4096xf32> to vector<1x128xf32>
    %sub3A_702 = vector.broadcast %get3A_1 : vector<1024x1xf32> to vector<1024x128xf32>
    %sub3A_703 = vector.broadcast %slice3A_701 : vector<1x128xf32> to vector<1024x128xf32>
    %sub3A_704 = arith.subf %sub3A_702, %sub3A_703 : vector<1024x128xf32>
    %mul3A_705 = arith.mulf %sub3A_704, %sub3A_704 : vector<1024x128xf32>
    %slice3A_706 = vector.extract_strided_slice %get3A_13 {offsets = [0, 2560], sizes = [1, 128], strides = [1, 1]} : vector<1x4096xf32> to vector<1x128xf32>
    %sub3A_707 = vector.broadcast %get3A_4 : vector<1024x1xf32> to vector<1024x128xf32>
    %sub3A_708 = vector.broadcast %slice3A_706 : vector<1x128xf32> to vector<1024x128xf32>
    %sub3A_709 = arith.subf %sub3A_707, %sub3A_708 : vector<1024x128xf32>
    %mul3A_710 = arith.mulf %sub3A_709, %sub3A_709 : vector<1024x128xf32>
    %add3A_711 = arith.addf %mul3A_705, %mul3A_710 : vector<1024x128xf32>
    %slice3A_712 = vector.extract_strided_slice %get3A_16 {offsets = [0, 2560], sizes = [1, 128], strides = [1, 1]} : vector<1x4096xf32> to vector<1x128xf32>
    %sub3A_713 = vector.broadcast %get3A_7 : vector<1024x1xf32> to vector<1024x128xf32>
    %sub3A_714 = vector.broadcast %slice3A_712 : vector<1x128xf32> to vector<1024x128xf32>
    %sub3A_715 = arith.subf %sub3A_713, %sub3A_714 : vector<1024x128xf32>
    %mul3A_716 = arith.mulf %sub3A_715, %sub3A_715 : vector<1024x128xf32>
    %add3A_717 = arith.addf %add3A_711, %mul3A_716 : vector<1024x128xf32>
    %lt3A_718 = arith.cmpf olt, %add3A_717, %select_n3A_689 : vector<1024x128xf32>
    %select_n3A_719 = arith.select %lt3A_718, %select_n3A_689, %add3A_717 : vector<1024x128xi1>, vector<1024x128xf32>
    %jit3A_720 = arith.constant 20 : i32
    %broadcast_in_dim3A_721 = vector.broadcast %jit3A_720 : i32 to vector<1024x128xi32>
    %select_n3A_722 = arith.select %lt3A_718, %select_n3A_692, %broadcast_in_dim3A_721 : vector<1024x128xi1>, vector<1024x128xi32>
    %select_n3A_723 = arith.select %lt3A_718, %add3A_717, %select_n3A_689 : vector<1024x128xi1>, vector<1024x128xf32>
    %jit3A_724 = arith.constant 20 : i32
    %broadcast_in_dim3A_725 = vector.broadcast %jit3A_724 : i32 to vector<1024x128xi32>
    %select_n3A_726 = arith.select %lt3A_718, %broadcast_in_dim3A_725, %select_n3A_692 : vector<1024x128xi1>, vector<1024x128xi32>
    %lt3A_727 = arith.cmpf olt, %select_n3A_719, %select_n3A_696 : vector<1024x128xf32>
    %select_n3A_728 = arith.select %lt3A_727, %select_n3A_696, %select_n3A_719 : vector<1024x128xi1>, vector<1024x128xf32>
    %select_n3A_729 = arith.select %lt3A_727, %select_n3A_697, %select_n3A_722 : vector<1024x128xi1>, vector<1024x128xi32>
    %select_n3A_730 = arith.select %lt3A_727, %select_n3A_719, %select_n3A_696 : vector<1024x128xi1>, vector<1024x128xf32>
    %select_n3A_731 = arith.select %lt3A_727, %select_n3A_722, %select_n3A_697 : vector<1024x128xi1>, vector<1024x128xi32>
    %lt3A_732 = arith.cmpf olt, %select_n3A_728, %select_n3A_699 : vector<1024x128xf32>
    %select_n3A_733 = arith.select %lt3A_732, %select_n3A_728, %select_n3A_699 : vector<1024x128xi1>, vector<1024x128xf32>
    %select_n3A_734 = arith.select %lt3A_732, %select_n3A_729, %select_n3A_700 : vector<1024x128xi1>, vector<1024x128xi32>
    %slice3A_735 = vector.extract_strided_slice %get3A_10 {offsets = [0, 2688], sizes = [1, 128], strides = [1, 1]} : vector<1x4096xf32> to vector<1x128xf32>
    %sub3A_736 = vector.broadcast %get3A_1 : vector<1024x1xf32> to vector<1024x128xf32>
    %sub3A_737 = vector.broadcast %slice3A_735 : vector<1x128xf32> to vector<1024x128xf32>
    %sub3A_738 = arith.subf %sub3A_736, %sub3A_737 : vector<1024x128xf32>
    %mul3A_739 = arith.mulf %sub3A_738, %sub3A_738 : vector<1024x128xf32>
    %slice3A_740 = vector.extract_strided_slice %get3A_13 {offsets = [0, 2688], sizes = [1, 128], strides = [1, 1]} : vector<1x4096xf32> to vector<1x128xf32>
    %sub3A_741 = vector.broadcast %get3A_4 : vector<1024x1xf32> to vector<1024x128xf32>
    %sub3A_742 = vector.broadcast %slice3A_740 : vector<1x128xf32> to vector<1024x128xf32>
    %sub3A_743 = arith.subf %sub3A_741, %sub3A_742 : vector<1024x128xf32>
    %mul3A_744 = arith.mulf %sub3A_743, %sub3A_743 : vector<1024x128xf32>
    %add3A_745 = arith.addf %mul3A_739, %mul3A_744 : vector<1024x128xf32>
    %slice3A_746 = vector.extract_strided_slice %get3A_16 {offsets = [0, 2688], sizes = [1, 128], strides = [1, 1]} : vector<1x4096xf32> to vector<1x128xf32>
    %sub3A_747 = vector.broadcast %get3A_7 : vector<1024x1xf32> to vector<1024x128xf32>
    %sub3A_748 = vector.broadcast %slice3A_746 : vector<1x128xf32> to vector<1024x128xf32>
    %sub3A_749 = arith.subf %sub3A_747, %sub3A_748 : vector<1024x128xf32>
    %mul3A_750 = arith.mulf %sub3A_749, %sub3A_749 : vector<1024x128xf32>
    %add3A_751 = arith.addf %add3A_745, %mul3A_750 : vector<1024x128xf32>
    %lt3A_752 = arith.cmpf olt, %add3A_751, %select_n3A_723 : vector<1024x128xf32>
    %select_n3A_753 = arith.select %lt3A_752, %select_n3A_723, %add3A_751 : vector<1024x128xi1>, vector<1024x128xf32>
    %jit3A_754 = arith.constant 21 : i32
    %broadcast_in_dim3A_755 = vector.broadcast %jit3A_754 : i32 to vector<1024x128xi32>
    %select_n3A_756 = arith.select %lt3A_752, %select_n3A_726, %broadcast_in_dim3A_755 : vector<1024x128xi1>, vector<1024x128xi32>
    %select_n3A_757 = arith.select %lt3A_752, %add3A_751, %select_n3A_723 : vector<1024x128xi1>, vector<1024x128xf32>
    %jit3A_758 = arith.constant 21 : i32
    %broadcast_in_dim3A_759 = vector.broadcast %jit3A_758 : i32 to vector<1024x128xi32>
    %select_n3A_760 = arith.select %lt3A_752, %broadcast_in_dim3A_759, %select_n3A_726 : vector<1024x128xi1>, vector<1024x128xi32>
    %lt3A_761 = arith.cmpf olt, %select_n3A_753, %select_n3A_730 : vector<1024x128xf32>
    %select_n3A_762 = arith.select %lt3A_761, %select_n3A_730, %select_n3A_753 : vector<1024x128xi1>, vector<1024x128xf32>
    %select_n3A_763 = arith.select %lt3A_761, %select_n3A_731, %select_n3A_756 : vector<1024x128xi1>, vector<1024x128xi32>
    %select_n3A_764 = arith.select %lt3A_761, %select_n3A_753, %select_n3A_730 : vector<1024x128xi1>, vector<1024x128xf32>
    %select_n3A_765 = arith.select %lt3A_761, %select_n3A_756, %select_n3A_731 : vector<1024x128xi1>, vector<1024x128xi32>
    %lt3A_766 = arith.cmpf olt, %select_n3A_762, %select_n3A_733 : vector<1024x128xf32>
    %select_n3A_767 = arith.select %lt3A_766, %select_n3A_762, %select_n3A_733 : vector<1024x128xi1>, vector<1024x128xf32>
    %select_n3A_768 = arith.select %lt3A_766, %select_n3A_763, %select_n3A_734 : vector<1024x128xi1>, vector<1024x128xi32>
    %slice3A_769 = vector.extract_strided_slice %get3A_10 {offsets = [0, 2816], sizes = [1, 128], strides = [1, 1]} : vector<1x4096xf32> to vector<1x128xf32>
    %sub3A_770 = vector.broadcast %get3A_1 : vector<1024x1xf32> to vector<1024x128xf32>
    %sub3A_771 = vector.broadcast %slice3A_769 : vector<1x128xf32> to vector<1024x128xf32>
    %sub3A_772 = arith.subf %sub3A_770, %sub3A_771 : vector<1024x128xf32>
    %mul3A_773 = arith.mulf %sub3A_772, %sub3A_772 : vector<1024x128xf32>
    %slice3A_774 = vector.extract_strided_slice %get3A_13 {offsets = [0, 2816], sizes = [1, 128], strides = [1, 1]} : vector<1x4096xf32> to vector<1x128xf32>
    %sub3A_775 = vector.broadcast %get3A_4 : vector<1024x1xf32> to vector<1024x128xf32>
    %sub3A_776 = vector.broadcast %slice3A_774 : vector<1x128xf32> to vector<1024x128xf32>
    %sub3A_777 = arith.subf %sub3A_775, %sub3A_776 : vector<1024x128xf32>
    %mul3A_778 = arith.mulf %sub3A_777, %sub3A_777 : vector<1024x128xf32>
    %add3A_779 = arith.addf %mul3A_773, %mul3A_778 : vector<1024x128xf32>
    %slice3A_780 = vector.extract_strided_slice %get3A_16 {offsets = [0, 2816], sizes = [1, 128], strides = [1, 1]} : vector<1x4096xf32> to vector<1x128xf32>
    %sub3A_781 = vector.broadcast %get3A_7 : vector<1024x1xf32> to vector<1024x128xf32>
    %sub3A_782 = vector.broadcast %slice3A_780 : vector<1x128xf32> to vector<1024x128xf32>
    %sub3A_783 = arith.subf %sub3A_781, %sub3A_782 : vector<1024x128xf32>
    %mul3A_784 = arith.mulf %sub3A_783, %sub3A_783 : vector<1024x128xf32>
    %add3A_785 = arith.addf %add3A_779, %mul3A_784 : vector<1024x128xf32>
    %lt3A_786 = arith.cmpf olt, %add3A_785, %select_n3A_757 : vector<1024x128xf32>
    %select_n3A_787 = arith.select %lt3A_786, %select_n3A_757, %add3A_785 : vector<1024x128xi1>, vector<1024x128xf32>
    %jit3A_788 = arith.constant 22 : i32
    %broadcast_in_dim3A_789 = vector.broadcast %jit3A_788 : i32 to vector<1024x128xi32>
    %select_n3A_790 = arith.select %lt3A_786, %select_n3A_760, %broadcast_in_dim3A_789 : vector<1024x128xi1>, vector<1024x128xi32>
    %select_n3A_791 = arith.select %lt3A_786, %add3A_785, %select_n3A_757 : vector<1024x128xi1>, vector<1024x128xf32>
    %jit3A_792 = arith.constant 22 : i32
    %broadcast_in_dim3A_793 = vector.broadcast %jit3A_792 : i32 to vector<1024x128xi32>
    %select_n3A_794 = arith.select %lt3A_786, %broadcast_in_dim3A_793, %select_n3A_760 : vector<1024x128xi1>, vector<1024x128xi32>
    %lt3A_795 = arith.cmpf olt, %select_n3A_787, %select_n3A_764 : vector<1024x128xf32>
    %select_n3A_796 = arith.select %lt3A_795, %select_n3A_764, %select_n3A_787 : vector<1024x128xi1>, vector<1024x128xf32>
    %select_n3A_797 = arith.select %lt3A_795, %select_n3A_765, %select_n3A_790 : vector<1024x128xi1>, vector<1024x128xi32>
    %select_n3A_798 = arith.select %lt3A_795, %select_n3A_787, %select_n3A_764 : vector<1024x128xi1>, vector<1024x128xf32>
    %select_n3A_799 = arith.select %lt3A_795, %select_n3A_790, %select_n3A_765 : vector<1024x128xi1>, vector<1024x128xi32>
    %lt3A_800 = arith.cmpf olt, %select_n3A_796, %select_n3A_767 : vector<1024x128xf32>
    %select_n3A_801 = arith.select %lt3A_800, %select_n3A_796, %select_n3A_767 : vector<1024x128xi1>, vector<1024x128xf32>
    %select_n3A_802 = arith.select %lt3A_800, %select_n3A_797, %select_n3A_768 : vector<1024x128xi1>, vector<1024x128xi32>
    %slice3A_803 = vector.extract_strided_slice %get3A_10 {offsets = [0, 2944], sizes = [1, 128], strides = [1, 1]} : vector<1x4096xf32> to vector<1x128xf32>
    %sub3A_804 = vector.broadcast %get3A_1 : vector<1024x1xf32> to vector<1024x128xf32>
    %sub3A_805 = vector.broadcast %slice3A_803 : vector<1x128xf32> to vector<1024x128xf32>
    %sub3A_806 = arith.subf %sub3A_804, %sub3A_805 : vector<1024x128xf32>
    %mul3A_807 = arith.mulf %sub3A_806, %sub3A_806 : vector<1024x128xf32>
    %slice3A_808 = vector.extract_strided_slice %get3A_13 {offsets = [0, 2944], sizes = [1, 128], strides = [1, 1]} : vector<1x4096xf32> to vector<1x128xf32>
    %sub3A_809 = vector.broadcast %get3A_4 : vector<1024x1xf32> to vector<1024x128xf32>
    %sub3A_810 = vector.broadcast %slice3A_808 : vector<1x128xf32> to vector<1024x128xf32>
    %sub3A_811 = arith.subf %sub3A_809, %sub3A_810 : vector<1024x128xf32>
    %mul3A_812 = arith.mulf %sub3A_811, %sub3A_811 : vector<1024x128xf32>
    %add3A_813 = arith.addf %mul3A_807, %mul3A_812 : vector<1024x128xf32>
    %slice3A_814 = vector.extract_strided_slice %get3A_16 {offsets = [0, 2944], sizes = [1, 128], strides = [1, 1]} : vector<1x4096xf32> to vector<1x128xf32>
    %sub3A_815 = vector.broadcast %get3A_7 : vector<1024x1xf32> to vector<1024x128xf32>
    %sub3A_816 = vector.broadcast %slice3A_814 : vector<1x128xf32> to vector<1024x128xf32>
    %sub3A_817 = arith.subf %sub3A_815, %sub3A_816 : vector<1024x128xf32>
    %mul3A_818 = arith.mulf %sub3A_817, %sub3A_817 : vector<1024x128xf32>
    %add3A_819 = arith.addf %add3A_813, %mul3A_818 : vector<1024x128xf32>
    %lt3A_820 = arith.cmpf olt, %add3A_819, %select_n3A_791 : vector<1024x128xf32>
    %select_n3A_821 = arith.select %lt3A_820, %select_n3A_791, %add3A_819 : vector<1024x128xi1>, vector<1024x128xf32>
    %jit3A_822 = arith.constant 23 : i32
    %broadcast_in_dim3A_823 = vector.broadcast %jit3A_822 : i32 to vector<1024x128xi32>
    %select_n3A_824 = arith.select %lt3A_820, %select_n3A_794, %broadcast_in_dim3A_823 : vector<1024x128xi1>, vector<1024x128xi32>
    %select_n3A_825 = arith.select %lt3A_820, %add3A_819, %select_n3A_791 : vector<1024x128xi1>, vector<1024x128xf32>
    %jit3A_826 = arith.constant 23 : i32
    %broadcast_in_dim3A_827 = vector.broadcast %jit3A_826 : i32 to vector<1024x128xi32>
    %select_n3A_828 = arith.select %lt3A_820, %broadcast_in_dim3A_827, %select_n3A_794 : vector<1024x128xi1>, vector<1024x128xi32>
    %lt3A_829 = arith.cmpf olt, %select_n3A_821, %select_n3A_798 : vector<1024x128xf32>
    %select_n3A_830 = arith.select %lt3A_829, %select_n3A_798, %select_n3A_821 : vector<1024x128xi1>, vector<1024x128xf32>
    %select_n3A_831 = arith.select %lt3A_829, %select_n3A_799, %select_n3A_824 : vector<1024x128xi1>, vector<1024x128xi32>
    %select_n3A_832 = arith.select %lt3A_829, %select_n3A_821, %select_n3A_798 : vector<1024x128xi1>, vector<1024x128xf32>
    %select_n3A_833 = arith.select %lt3A_829, %select_n3A_824, %select_n3A_799 : vector<1024x128xi1>, vector<1024x128xi32>
    %lt3A_834 = arith.cmpf olt, %select_n3A_830, %select_n3A_801 : vector<1024x128xf32>
    %select_n3A_835 = arith.select %lt3A_834, %select_n3A_830, %select_n3A_801 : vector<1024x128xi1>, vector<1024x128xf32>
    %select_n3A_836 = arith.select %lt3A_834, %select_n3A_831, %select_n3A_802 : vector<1024x128xi1>, vector<1024x128xi32>
    %slice3A_837 = vector.extract_strided_slice %get3A_10 {offsets = [0, 3072], sizes = [1, 128], strides = [1, 1]} : vector<1x4096xf32> to vector<1x128xf32>
    %sub3A_838 = vector.broadcast %get3A_1 : vector<1024x1xf32> to vector<1024x128xf32>
    %sub3A_839 = vector.broadcast %slice3A_837 : vector<1x128xf32> to vector<1024x128xf32>
    %sub3A_840 = arith.subf %sub3A_838, %sub3A_839 : vector<1024x128xf32>
    %mul3A_841 = arith.mulf %sub3A_840, %sub3A_840 : vector<1024x128xf32>
    %slice3A_842 = vector.extract_strided_slice %get3A_13 {offsets = [0, 3072], sizes = [1, 128], strides = [1, 1]} : vector<1x4096xf32> to vector<1x128xf32>
    %sub3A_843 = vector.broadcast %get3A_4 : vector<1024x1xf32> to vector<1024x128xf32>
    %sub3A_844 = vector.broadcast %slice3A_842 : vector<1x128xf32> to vector<1024x128xf32>
    %sub3A_845 = arith.subf %sub3A_843, %sub3A_844 : vector<1024x128xf32>
    %mul3A_846 = arith.mulf %sub3A_845, %sub3A_845 : vector<1024x128xf32>
    %add3A_847 = arith.addf %mul3A_841, %mul3A_846 : vector<1024x128xf32>
    %slice3A_848 = vector.extract_strided_slice %get3A_16 {offsets = [0, 3072], sizes = [1, 128], strides = [1, 1]} : vector<1x4096xf32> to vector<1x128xf32>
    %sub3A_849 = vector.broadcast %get3A_7 : vector<1024x1xf32> to vector<1024x128xf32>
    %sub3A_850 = vector.broadcast %slice3A_848 : vector<1x128xf32> to vector<1024x128xf32>
    %sub3A_851 = arith.subf %sub3A_849, %sub3A_850 : vector<1024x128xf32>
    %mul3A_852 = arith.mulf %sub3A_851, %sub3A_851 : vector<1024x128xf32>
    %add3A_853 = arith.addf %add3A_847, %mul3A_852 : vector<1024x128xf32>
    %lt3A_854 = arith.cmpf olt, %add3A_853, %select_n3A_825 : vector<1024x128xf32>
    %select_n3A_855 = arith.select %lt3A_854, %select_n3A_825, %add3A_853 : vector<1024x128xi1>, vector<1024x128xf32>
    %jit3A_856 = arith.constant 24 : i32
    %broadcast_in_dim3A_857 = vector.broadcast %jit3A_856 : i32 to vector<1024x128xi32>
    %select_n3A_858 = arith.select %lt3A_854, %select_n3A_828, %broadcast_in_dim3A_857 : vector<1024x128xi1>, vector<1024x128xi32>
    %select_n3A_859 = arith.select %lt3A_854, %add3A_853, %select_n3A_825 : vector<1024x128xi1>, vector<1024x128xf32>
    %jit3A_860 = arith.constant 24 : i32
    %broadcast_in_dim3A_861 = vector.broadcast %jit3A_860 : i32 to vector<1024x128xi32>
    %select_n3A_862 = arith.select %lt3A_854, %broadcast_in_dim3A_861, %select_n3A_828 : vector<1024x128xi1>, vector<1024x128xi32>
    %lt3A_863 = arith.cmpf olt, %select_n3A_855, %select_n3A_832 : vector<1024x128xf32>
    %select_n3A_864 = arith.select %lt3A_863, %select_n3A_832, %select_n3A_855 : vector<1024x128xi1>, vector<1024x128xf32>
    %select_n3A_865 = arith.select %lt3A_863, %select_n3A_833, %select_n3A_858 : vector<1024x128xi1>, vector<1024x128xi32>
    %select_n3A_866 = arith.select %lt3A_863, %select_n3A_855, %select_n3A_832 : vector<1024x128xi1>, vector<1024x128xf32>
    %select_n3A_867 = arith.select %lt3A_863, %select_n3A_858, %select_n3A_833 : vector<1024x128xi1>, vector<1024x128xi32>
    %lt3A_868 = arith.cmpf olt, %select_n3A_864, %select_n3A_835 : vector<1024x128xf32>
    %select_n3A_869 = arith.select %lt3A_868, %select_n3A_864, %select_n3A_835 : vector<1024x128xi1>, vector<1024x128xf32>
    %select_n3A_870 = arith.select %lt3A_868, %select_n3A_865, %select_n3A_836 : vector<1024x128xi1>, vector<1024x128xi32>
    %slice3A_871 = vector.extract_strided_slice %get3A_10 {offsets = [0, 3200], sizes = [1, 128], strides = [1, 1]} : vector<1x4096xf32> to vector<1x128xf32>
    %sub3A_872 = vector.broadcast %get3A_1 : vector<1024x1xf32> to vector<1024x128xf32>
    %sub3A_873 = vector.broadcast %slice3A_871 : vector<1x128xf32> to vector<1024x128xf32>
    %sub3A_874 = arith.subf %sub3A_872, %sub3A_873 : vector<1024x128xf32>
    %mul3A_875 = arith.mulf %sub3A_874, %sub3A_874 : vector<1024x128xf32>
    %slice3A_876 = vector.extract_strided_slice %get3A_13 {offsets = [0, 3200], sizes = [1, 128], strides = [1, 1]} : vector<1x4096xf32> to vector<1x128xf32>
    %sub3A_877 = vector.broadcast %get3A_4 : vector<1024x1xf32> to vector<1024x128xf32>
    %sub3A_878 = vector.broadcast %slice3A_876 : vector<1x128xf32> to vector<1024x128xf32>
    %sub3A_879 = arith.subf %sub3A_877, %sub3A_878 : vector<1024x128xf32>
    %mul3A_880 = arith.mulf %sub3A_879, %sub3A_879 : vector<1024x128xf32>
    %add3A_881 = arith.addf %mul3A_875, %mul3A_880 : vector<1024x128xf32>
    %slice3A_882 = vector.extract_strided_slice %get3A_16 {offsets = [0, 3200], sizes = [1, 128], strides = [1, 1]} : vector<1x4096xf32> to vector<1x128xf32>
    %sub3A_883 = vector.broadcast %get3A_7 : vector<1024x1xf32> to vector<1024x128xf32>
    %sub3A_884 = vector.broadcast %slice3A_882 : vector<1x128xf32> to vector<1024x128xf32>
    %sub3A_885 = arith.subf %sub3A_883, %sub3A_884 : vector<1024x128xf32>
    %mul3A_886 = arith.mulf %sub3A_885, %sub3A_885 : vector<1024x128xf32>
    %add3A_887 = arith.addf %add3A_881, %mul3A_886 : vector<1024x128xf32>
    %lt3A_888 = arith.cmpf olt, %add3A_887, %select_n3A_859 : vector<1024x128xf32>
    %select_n3A_889 = arith.select %lt3A_888, %select_n3A_859, %add3A_887 : vector<1024x128xi1>, vector<1024x128xf32>
    %jit3A_890 = arith.constant 25 : i32
    %broadcast_in_dim3A_891 = vector.broadcast %jit3A_890 : i32 to vector<1024x128xi32>
    %select_n3A_892 = arith.select %lt3A_888, %select_n3A_862, %broadcast_in_dim3A_891 : vector<1024x128xi1>, vector<1024x128xi32>
    %select_n3A_893 = arith.select %lt3A_888, %add3A_887, %select_n3A_859 : vector<1024x128xi1>, vector<1024x128xf32>
    %jit3A_894 = arith.constant 25 : i32
    %broadcast_in_dim3A_895 = vector.broadcast %jit3A_894 : i32 to vector<1024x128xi32>
    %select_n3A_896 = arith.select %lt3A_888, %broadcast_in_dim3A_895, %select_n3A_862 : vector<1024x128xi1>, vector<1024x128xi32>
    %lt3A_897 = arith.cmpf olt, %select_n3A_889, %select_n3A_866 : vector<1024x128xf32>
    %select_n3A_898 = arith.select %lt3A_897, %select_n3A_866, %select_n3A_889 : vector<1024x128xi1>, vector<1024x128xf32>
    %select_n3A_899 = arith.select %lt3A_897, %select_n3A_867, %select_n3A_892 : vector<1024x128xi1>, vector<1024x128xi32>
    %select_n3A_900 = arith.select %lt3A_897, %select_n3A_889, %select_n3A_866 : vector<1024x128xi1>, vector<1024x128xf32>
    %select_n3A_901 = arith.select %lt3A_897, %select_n3A_892, %select_n3A_867 : vector<1024x128xi1>, vector<1024x128xi32>
    %lt3A_902 = arith.cmpf olt, %select_n3A_898, %select_n3A_869 : vector<1024x128xf32>
    %select_n3A_903 = arith.select %lt3A_902, %select_n3A_898, %select_n3A_869 : vector<1024x128xi1>, vector<1024x128xf32>
    %select_n3A_904 = arith.select %lt3A_902, %select_n3A_899, %select_n3A_870 : vector<1024x128xi1>, vector<1024x128xi32>
    %slice3A_905 = vector.extract_strided_slice %get3A_10 {offsets = [0, 3328], sizes = [1, 128], strides = [1, 1]} : vector<1x4096xf32> to vector<1x128xf32>
    %sub3A_906 = vector.broadcast %get3A_1 : vector<1024x1xf32> to vector<1024x128xf32>
    %sub3A_907 = vector.broadcast %slice3A_905 : vector<1x128xf32> to vector<1024x128xf32>
    %sub3A_908 = arith.subf %sub3A_906, %sub3A_907 : vector<1024x128xf32>
    %mul3A_909 = arith.mulf %sub3A_908, %sub3A_908 : vector<1024x128xf32>
    %slice3A_910 = vector.extract_strided_slice %get3A_13 {offsets = [0, 3328], sizes = [1, 128], strides = [1, 1]} : vector<1x4096xf32> to vector<1x128xf32>
    %sub3A_911 = vector.broadcast %get3A_4 : vector<1024x1xf32> to vector<1024x128xf32>
    %sub3A_912 = vector.broadcast %slice3A_910 : vector<1x128xf32> to vector<1024x128xf32>
    %sub3A_913 = arith.subf %sub3A_911, %sub3A_912 : vector<1024x128xf32>
    %mul3A_914 = arith.mulf %sub3A_913, %sub3A_913 : vector<1024x128xf32>
    %add3A_915 = arith.addf %mul3A_909, %mul3A_914 : vector<1024x128xf32>
    %slice3A_916 = vector.extract_strided_slice %get3A_16 {offsets = [0, 3328], sizes = [1, 128], strides = [1, 1]} : vector<1x4096xf32> to vector<1x128xf32>
    %sub3A_917 = vector.broadcast %get3A_7 : vector<1024x1xf32> to vector<1024x128xf32>
    %sub3A_918 = vector.broadcast %slice3A_916 : vector<1x128xf32> to vector<1024x128xf32>
    %sub3A_919 = arith.subf %sub3A_917, %sub3A_918 : vector<1024x128xf32>
    %mul3A_920 = arith.mulf %sub3A_919, %sub3A_919 : vector<1024x128xf32>
    %add3A_921 = arith.addf %add3A_915, %mul3A_920 : vector<1024x128xf32>
    %lt3A_922 = arith.cmpf olt, %add3A_921, %select_n3A_893 : vector<1024x128xf32>
    %select_n3A_923 = arith.select %lt3A_922, %select_n3A_893, %add3A_921 : vector<1024x128xi1>, vector<1024x128xf32>
    %jit3A_924 = arith.constant 26 : i32
    %broadcast_in_dim3A_925 = vector.broadcast %jit3A_924 : i32 to vector<1024x128xi32>
    %select_n3A_926 = arith.select %lt3A_922, %select_n3A_896, %broadcast_in_dim3A_925 : vector<1024x128xi1>, vector<1024x128xi32>
    %select_n3A_927 = arith.select %lt3A_922, %add3A_921, %select_n3A_893 : vector<1024x128xi1>, vector<1024x128xf32>
    %jit3A_928 = arith.constant 26 : i32
    %broadcast_in_dim3A_929 = vector.broadcast %jit3A_928 : i32 to vector<1024x128xi32>
    %select_n3A_930 = arith.select %lt3A_922, %broadcast_in_dim3A_929, %select_n3A_896 : vector<1024x128xi1>, vector<1024x128xi32>
    %lt3A_931 = arith.cmpf olt, %select_n3A_923, %select_n3A_900 : vector<1024x128xf32>
    %select_n3A_932 = arith.select %lt3A_931, %select_n3A_900, %select_n3A_923 : vector<1024x128xi1>, vector<1024x128xf32>
    %select_n3A_933 = arith.select %lt3A_931, %select_n3A_901, %select_n3A_926 : vector<1024x128xi1>, vector<1024x128xi32>
    %select_n3A_934 = arith.select %lt3A_931, %select_n3A_923, %select_n3A_900 : vector<1024x128xi1>, vector<1024x128xf32>
    %select_n3A_935 = arith.select %lt3A_931, %select_n3A_926, %select_n3A_901 : vector<1024x128xi1>, vector<1024x128xi32>
    %lt3A_936 = arith.cmpf olt, %select_n3A_932, %select_n3A_903 : vector<1024x128xf32>
    %select_n3A_937 = arith.select %lt3A_936, %select_n3A_932, %select_n3A_903 : vector<1024x128xi1>, vector<1024x128xf32>
    %select_n3A_938 = arith.select %lt3A_936, %select_n3A_933, %select_n3A_904 : vector<1024x128xi1>, vector<1024x128xi32>
    %slice3A_939 = vector.extract_strided_slice %get3A_10 {offsets = [0, 3456], sizes = [1, 128], strides = [1, 1]} : vector<1x4096xf32> to vector<1x128xf32>
    %sub3A_940 = vector.broadcast %get3A_1 : vector<1024x1xf32> to vector<1024x128xf32>
    %sub3A_941 = vector.broadcast %slice3A_939 : vector<1x128xf32> to vector<1024x128xf32>
    %sub3A_942 = arith.subf %sub3A_940, %sub3A_941 : vector<1024x128xf32>
    %mul3A_943 = arith.mulf %sub3A_942, %sub3A_942 : vector<1024x128xf32>
    %slice3A_944 = vector.extract_strided_slice %get3A_13 {offsets = [0, 3456], sizes = [1, 128], strides = [1, 1]} : vector<1x4096xf32> to vector<1x128xf32>
    %sub3A_945 = vector.broadcast %get3A_4 : vector<1024x1xf32> to vector<1024x128xf32>
    %sub3A_946 = vector.broadcast %slice3A_944 : vector<1x128xf32> to vector<1024x128xf32>
    %sub3A_947 = arith.subf %sub3A_945, %sub3A_946 : vector<1024x128xf32>
    %mul3A_948 = arith.mulf %sub3A_947, %sub3A_947 : vector<1024x128xf32>
    %add3A_949 = arith.addf %mul3A_943, %mul3A_948 : vector<1024x128xf32>
    %slice3A_950 = vector.extract_strided_slice %get3A_16 {offsets = [0, 3456], sizes = [1, 128], strides = [1, 1]} : vector<1x4096xf32> to vector<1x128xf32>
    %sub3A_951 = vector.broadcast %get3A_7 : vector<1024x1xf32> to vector<1024x128xf32>
    %sub3A_952 = vector.broadcast %slice3A_950 : vector<1x128xf32> to vector<1024x128xf32>
    %sub3A_953 = arith.subf %sub3A_951, %sub3A_952 : vector<1024x128xf32>
    %mul3A_954 = arith.mulf %sub3A_953, %sub3A_953 : vector<1024x128xf32>
    %add3A_955 = arith.addf %add3A_949, %mul3A_954 : vector<1024x128xf32>
    %lt3A_956 = arith.cmpf olt, %add3A_955, %select_n3A_927 : vector<1024x128xf32>
    %select_n3A_957 = arith.select %lt3A_956, %select_n3A_927, %add3A_955 : vector<1024x128xi1>, vector<1024x128xf32>
    %jit3A_958 = arith.constant 27 : i32
    %broadcast_in_dim3A_959 = vector.broadcast %jit3A_958 : i32 to vector<1024x128xi32>
    %select_n3A_960 = arith.select %lt3A_956, %select_n3A_930, %broadcast_in_dim3A_959 : vector<1024x128xi1>, vector<1024x128xi32>
    %select_n3A_961 = arith.select %lt3A_956, %add3A_955, %select_n3A_927 : vector<1024x128xi1>, vector<1024x128xf32>
    %jit3A_962 = arith.constant 27 : i32
    %broadcast_in_dim3A_963 = vector.broadcast %jit3A_962 : i32 to vector<1024x128xi32>
    %select_n3A_964 = arith.select %lt3A_956, %broadcast_in_dim3A_963, %select_n3A_930 : vector<1024x128xi1>, vector<1024x128xi32>
    %lt3A_965 = arith.cmpf olt, %select_n3A_957, %select_n3A_934 : vector<1024x128xf32>
    %select_n3A_966 = arith.select %lt3A_965, %select_n3A_934, %select_n3A_957 : vector<1024x128xi1>, vector<1024x128xf32>
    %select_n3A_967 = arith.select %lt3A_965, %select_n3A_935, %select_n3A_960 : vector<1024x128xi1>, vector<1024x128xi32>
    %select_n3A_968 = arith.select %lt3A_965, %select_n3A_957, %select_n3A_934 : vector<1024x128xi1>, vector<1024x128xf32>
    %select_n3A_969 = arith.select %lt3A_965, %select_n3A_960, %select_n3A_935 : vector<1024x128xi1>, vector<1024x128xi32>
    %lt3A_970 = arith.cmpf olt, %select_n3A_966, %select_n3A_937 : vector<1024x128xf32>
    %select_n3A_971 = arith.select %lt3A_970, %select_n3A_966, %select_n3A_937 : vector<1024x128xi1>, vector<1024x128xf32>
    %select_n3A_972 = arith.select %lt3A_970, %select_n3A_967, %select_n3A_938 : vector<1024x128xi1>, vector<1024x128xi32>
    %slice3A_973 = vector.extract_strided_slice %get3A_10 {offsets = [0, 3584], sizes = [1, 128], strides = [1, 1]} : vector<1x4096xf32> to vector<1x128xf32>
    %sub3A_974 = vector.broadcast %get3A_1 : vector<1024x1xf32> to vector<1024x128xf32>
    %sub3A_975 = vector.broadcast %slice3A_973 : vector<1x128xf32> to vector<1024x128xf32>
    %sub3A_976 = arith.subf %sub3A_974, %sub3A_975 : vector<1024x128xf32>
    %mul3A_977 = arith.mulf %sub3A_976, %sub3A_976 : vector<1024x128xf32>
    %slice3A_978 = vector.extract_strided_slice %get3A_13 {offsets = [0, 3584], sizes = [1, 128], strides = [1, 1]} : vector<1x4096xf32> to vector<1x128xf32>
    %sub3A_979 = vector.broadcast %get3A_4 : vector<1024x1xf32> to vector<1024x128xf32>
    %sub3A_980 = vector.broadcast %slice3A_978 : vector<1x128xf32> to vector<1024x128xf32>
    %sub3A_981 = arith.subf %sub3A_979, %sub3A_980 : vector<1024x128xf32>
    %mul3A_982 = arith.mulf %sub3A_981, %sub3A_981 : vector<1024x128xf32>
    %add3A_983 = arith.addf %mul3A_977, %mul3A_982 : vector<1024x128xf32>
    %slice3A_984 = vector.extract_strided_slice %get3A_16 {offsets = [0, 3584], sizes = [1, 128], strides = [1, 1]} : vector<1x4096xf32> to vector<1x128xf32>
    %sub3A_985 = vector.broadcast %get3A_7 : vector<1024x1xf32> to vector<1024x128xf32>
    %sub3A_986 = vector.broadcast %slice3A_984 : vector<1x128xf32> to vector<1024x128xf32>
    %sub3A_987 = arith.subf %sub3A_985, %sub3A_986 : vector<1024x128xf32>
    %mul3A_988 = arith.mulf %sub3A_987, %sub3A_987 : vector<1024x128xf32>
    %add3A_989 = arith.addf %add3A_983, %mul3A_988 : vector<1024x128xf32>
    %lt3A_990 = arith.cmpf olt, %add3A_989, %select_n3A_961 : vector<1024x128xf32>
    %select_n3A_991 = arith.select %lt3A_990, %select_n3A_961, %add3A_989 : vector<1024x128xi1>, vector<1024x128xf32>
    %jit3A_992 = arith.constant 28 : i32
    %broadcast_in_dim3A_993 = vector.broadcast %jit3A_992 : i32 to vector<1024x128xi32>
    %select_n3A_994 = arith.select %lt3A_990, %select_n3A_964, %broadcast_in_dim3A_993 : vector<1024x128xi1>, vector<1024x128xi32>
    %select_n3A_995 = arith.select %lt3A_990, %add3A_989, %select_n3A_961 : vector<1024x128xi1>, vector<1024x128xf32>
    %jit3A_996 = arith.constant 28 : i32
    %broadcast_in_dim3A_997 = vector.broadcast %jit3A_996 : i32 to vector<1024x128xi32>
    %select_n3A_998 = arith.select %lt3A_990, %broadcast_in_dim3A_997, %select_n3A_964 : vector<1024x128xi1>, vector<1024x128xi32>
    %lt3A_999 = arith.cmpf olt, %select_n3A_991, %select_n3A_968 : vector<1024x128xf32>
    %select_n3A_1000 = arith.select %lt3A_999, %select_n3A_968, %select_n3A_991 : vector<1024x128xi1>, vector<1024x128xf32>
    %select_n3A_1001 = arith.select %lt3A_999, %select_n3A_969, %select_n3A_994 : vector<1024x128xi1>, vector<1024x128xi32>
    %select_n3A_1002 = arith.select %lt3A_999, %select_n3A_991, %select_n3A_968 : vector<1024x128xi1>, vector<1024x128xf32>
    %select_n3A_1003 = arith.select %lt3A_999, %select_n3A_994, %select_n3A_969 : vector<1024x128xi1>, vector<1024x128xi32>
    %lt3A_1004 = arith.cmpf olt, %select_n3A_1000, %select_n3A_971 : vector<1024x128xf32>
    %select_n3A_1005 = arith.select %lt3A_1004, %select_n3A_1000, %select_n3A_971 : vector<1024x128xi1>, vector<1024x128xf32>
    %select_n3A_1006 = arith.select %lt3A_1004, %select_n3A_1001, %select_n3A_972 : vector<1024x128xi1>, vector<1024x128xi32>
    %slice3A_1007 = vector.extract_strided_slice %get3A_10 {offsets = [0, 3712], sizes = [1, 128], strides = [1, 1]} : vector<1x4096xf32> to vector<1x128xf32>
    %sub3A_1008 = vector.broadcast %get3A_1 : vector<1024x1xf32> to vector<1024x128xf32>
    %sub3A_1009 = vector.broadcast %slice3A_1007 : vector<1x128xf32> to vector<1024x128xf32>
    %sub3A_1010 = arith.subf %sub3A_1008, %sub3A_1009 : vector<1024x128xf32>
    %mul3A_1011 = arith.mulf %sub3A_1010, %sub3A_1010 : vector<1024x128xf32>
    %slice3A_1012 = vector.extract_strided_slice %get3A_13 {offsets = [0, 3712], sizes = [1, 128], strides = [1, 1]} : vector<1x4096xf32> to vector<1x128xf32>
    %sub3A_1013 = vector.broadcast %get3A_4 : vector<1024x1xf32> to vector<1024x128xf32>
    %sub3A_1014 = vector.broadcast %slice3A_1012 : vector<1x128xf32> to vector<1024x128xf32>
    %sub3A_1015 = arith.subf %sub3A_1013, %sub3A_1014 : vector<1024x128xf32>
    %mul3A_1016 = arith.mulf %sub3A_1015, %sub3A_1015 : vector<1024x128xf32>
    %add3A_1017 = arith.addf %mul3A_1011, %mul3A_1016 : vector<1024x128xf32>
    %slice3A_1018 = vector.extract_strided_slice %get3A_16 {offsets = [0, 3712], sizes = [1, 128], strides = [1, 1]} : vector<1x4096xf32> to vector<1x128xf32>
    %sub3A_1019 = vector.broadcast %get3A_7 : vector<1024x1xf32> to vector<1024x128xf32>
    %sub3A_1020 = vector.broadcast %slice3A_1018 : vector<1x128xf32> to vector<1024x128xf32>
    %sub3A_1021 = arith.subf %sub3A_1019, %sub3A_1020 : vector<1024x128xf32>
    %mul3A_1022 = arith.mulf %sub3A_1021, %sub3A_1021 : vector<1024x128xf32>
    %add3A_1023 = arith.addf %add3A_1017, %mul3A_1022 : vector<1024x128xf32>
    %lt3A_1024 = arith.cmpf olt, %add3A_1023, %select_n3A_995 : vector<1024x128xf32>
    %select_n3A_1025 = arith.select %lt3A_1024, %select_n3A_995, %add3A_1023 : vector<1024x128xi1>, vector<1024x128xf32>
    %jit3A_1026 = arith.constant 29 : i32
    %broadcast_in_dim3A_1027 = vector.broadcast %jit3A_1026 : i32 to vector<1024x128xi32>
    %select_n3A_1028 = arith.select %lt3A_1024, %select_n3A_998, %broadcast_in_dim3A_1027 : vector<1024x128xi1>, vector<1024x128xi32>
    %select_n3A_1029 = arith.select %lt3A_1024, %add3A_1023, %select_n3A_995 : vector<1024x128xi1>, vector<1024x128xf32>
    %jit3A_1030 = arith.constant 29 : i32
    %broadcast_in_dim3A_1031 = vector.broadcast %jit3A_1030 : i32 to vector<1024x128xi32>
    %select_n3A_1032 = arith.select %lt3A_1024, %broadcast_in_dim3A_1031, %select_n3A_998 : vector<1024x128xi1>, vector<1024x128xi32>
    %lt3A_1033 = arith.cmpf olt, %select_n3A_1025, %select_n3A_1002 : vector<1024x128xf32>
    %select_n3A_1034 = arith.select %lt3A_1033, %select_n3A_1002, %select_n3A_1025 : vector<1024x128xi1>, vector<1024x128xf32>
    %select_n3A_1035 = arith.select %lt3A_1033, %select_n3A_1003, %select_n3A_1028 : vector<1024x128xi1>, vector<1024x128xi32>
    %select_n3A_1036 = arith.select %lt3A_1033, %select_n3A_1025, %select_n3A_1002 : vector<1024x128xi1>, vector<1024x128xf32>
    %select_n3A_1037 = arith.select %lt3A_1033, %select_n3A_1028, %select_n3A_1003 : vector<1024x128xi1>, vector<1024x128xi32>
    %lt3A_1038 = arith.cmpf olt, %select_n3A_1034, %select_n3A_1005 : vector<1024x128xf32>
    %select_n3A_1039 = arith.select %lt3A_1038, %select_n3A_1034, %select_n3A_1005 : vector<1024x128xi1>, vector<1024x128xf32>
    %select_n3A_1040 = arith.select %lt3A_1038, %select_n3A_1035, %select_n3A_1006 : vector<1024x128xi1>, vector<1024x128xi32>
    %slice3A_1041 = vector.extract_strided_slice %get3A_10 {offsets = [0, 3840], sizes = [1, 128], strides = [1, 1]} : vector<1x4096xf32> to vector<1x128xf32>
    %sub3A_1042 = vector.broadcast %get3A_1 : vector<1024x1xf32> to vector<1024x128xf32>
    %sub3A_1043 = vector.broadcast %slice3A_1041 : vector<1x128xf32> to vector<1024x128xf32>
    %sub3A_1044 = arith.subf %sub3A_1042, %sub3A_1043 : vector<1024x128xf32>
    %mul3A_1045 = arith.mulf %sub3A_1044, %sub3A_1044 : vector<1024x128xf32>
    %slice3A_1046 = vector.extract_strided_slice %get3A_13 {offsets = [0, 3840], sizes = [1, 128], strides = [1, 1]} : vector<1x4096xf32> to vector<1x128xf32>
    %sub3A_1047 = vector.broadcast %get3A_4 : vector<1024x1xf32> to vector<1024x128xf32>
    %sub3A_1048 = vector.broadcast %slice3A_1046 : vector<1x128xf32> to vector<1024x128xf32>
    %sub3A_1049 = arith.subf %sub3A_1047, %sub3A_1048 : vector<1024x128xf32>
    %mul3A_1050 = arith.mulf %sub3A_1049, %sub3A_1049 : vector<1024x128xf32>
    %add3A_1051 = arith.addf %mul3A_1045, %mul3A_1050 : vector<1024x128xf32>
    %slice3A_1052 = vector.extract_strided_slice %get3A_16 {offsets = [0, 3840], sizes = [1, 128], strides = [1, 1]} : vector<1x4096xf32> to vector<1x128xf32>
    %sub3A_1053 = vector.broadcast %get3A_7 : vector<1024x1xf32> to vector<1024x128xf32>
    %sub3A_1054 = vector.broadcast %slice3A_1052 : vector<1x128xf32> to vector<1024x128xf32>
    %sub3A_1055 = arith.subf %sub3A_1053, %sub3A_1054 : vector<1024x128xf32>
    %mul3A_1056 = arith.mulf %sub3A_1055, %sub3A_1055 : vector<1024x128xf32>
    %add3A_1057 = arith.addf %add3A_1051, %mul3A_1056 : vector<1024x128xf32>
    %lt3A_1058 = arith.cmpf olt, %add3A_1057, %select_n3A_1029 : vector<1024x128xf32>
    %select_n3A_1059 = arith.select %lt3A_1058, %select_n3A_1029, %add3A_1057 : vector<1024x128xi1>, vector<1024x128xf32>
    %jit3A_1060 = arith.constant 30 : i32
    %broadcast_in_dim3A_1061 = vector.broadcast %jit3A_1060 : i32 to vector<1024x128xi32>
    %select_n3A_1062 = arith.select %lt3A_1058, %select_n3A_1032, %broadcast_in_dim3A_1061 : vector<1024x128xi1>, vector<1024x128xi32>
    %select_n3A_1063 = arith.select %lt3A_1058, %add3A_1057, %select_n3A_1029 : vector<1024x128xi1>, vector<1024x128xf32>
    %jit3A_1064 = arith.constant 30 : i32
    %broadcast_in_dim3A_1065 = vector.broadcast %jit3A_1064 : i32 to vector<1024x128xi32>
    %select_n3A_1066 = arith.select %lt3A_1058, %broadcast_in_dim3A_1065, %select_n3A_1032 : vector<1024x128xi1>, vector<1024x128xi32>
    %lt3A_1067 = arith.cmpf olt, %select_n3A_1059, %select_n3A_1036 : vector<1024x128xf32>
    %select_n3A_1068 = arith.select %lt3A_1067, %select_n3A_1036, %select_n3A_1059 : vector<1024x128xi1>, vector<1024x128xf32>
    %select_n3A_1069 = arith.select %lt3A_1067, %select_n3A_1037, %select_n3A_1062 : vector<1024x128xi1>, vector<1024x128xi32>
    %select_n3A_1070 = arith.select %lt3A_1067, %select_n3A_1059, %select_n3A_1036 : vector<1024x128xi1>, vector<1024x128xf32>
    %select_n3A_1071 = arith.select %lt3A_1067, %select_n3A_1062, %select_n3A_1037 : vector<1024x128xi1>, vector<1024x128xi32>
    %lt3A_1072 = arith.cmpf olt, %select_n3A_1068, %select_n3A_1039 : vector<1024x128xf32>
    %select_n3A_1073 = arith.select %lt3A_1072, %select_n3A_1068, %select_n3A_1039 : vector<1024x128xi1>, vector<1024x128xf32>
    %select_n3A_1074 = arith.select %lt3A_1072, %select_n3A_1069, %select_n3A_1040 : vector<1024x128xi1>, vector<1024x128xi32>
    %slice3A_1075 = vector.extract_strided_slice %get3A_10 {offsets = [0, 3968], sizes = [1, 128], strides = [1, 1]} : vector<1x4096xf32> to vector<1x128xf32>
    %sub3A_1076 = vector.broadcast %get3A_1 : vector<1024x1xf32> to vector<1024x128xf32>
    %sub3A_1077 = vector.broadcast %slice3A_1075 : vector<1x128xf32> to vector<1024x128xf32>
    %sub3A_1078 = arith.subf %sub3A_1076, %sub3A_1077 : vector<1024x128xf32>
    %mul3A_1079 = arith.mulf %sub3A_1078, %sub3A_1078 : vector<1024x128xf32>
    %slice3A_1080 = vector.extract_strided_slice %get3A_13 {offsets = [0, 3968], sizes = [1, 128], strides = [1, 1]} : vector<1x4096xf32> to vector<1x128xf32>
    %sub3A_1081 = vector.broadcast %get3A_4 : vector<1024x1xf32> to vector<1024x128xf32>
    %sub3A_1082 = vector.broadcast %slice3A_1080 : vector<1x128xf32> to vector<1024x128xf32>
    %sub3A_1083 = arith.subf %sub3A_1081, %sub3A_1082 : vector<1024x128xf32>
    %mul3A_1084 = arith.mulf %sub3A_1083, %sub3A_1083 : vector<1024x128xf32>
    %add3A_1085 = arith.addf %mul3A_1079, %mul3A_1084 : vector<1024x128xf32>
    %slice3A_1086 = vector.extract_strided_slice %get3A_16 {offsets = [0, 3968], sizes = [1, 128], strides = [1, 1]} : vector<1x4096xf32> to vector<1x128xf32>
    %sub3A_1087 = vector.broadcast %get3A_7 : vector<1024x1xf32> to vector<1024x128xf32>
    %sub3A_1088 = vector.broadcast %slice3A_1086 : vector<1x128xf32> to vector<1024x128xf32>
    %sub3A_1089 = arith.subf %sub3A_1087, %sub3A_1088 : vector<1024x128xf32>
    %mul3A_1090 = arith.mulf %sub3A_1089, %sub3A_1089 : vector<1024x128xf32>
    %add3A_1091 = arith.addf %add3A_1085, %mul3A_1090 : vector<1024x128xf32>
    %lt3A_1092 = arith.cmpf olt, %add3A_1091, %select_n3A_1063 : vector<1024x128xf32>
    %select_n3A_1093 = arith.select %lt3A_1092, %select_n3A_1063, %add3A_1091 : vector<1024x128xi1>, vector<1024x128xf32>
    %jit3A_1094 = arith.constant 31 : i32
    %broadcast_in_dim3A_1095 = vector.broadcast %jit3A_1094 : i32 to vector<1024x128xi32>
    %select_n3A_1096 = arith.select %lt3A_1092, %select_n3A_1066, %broadcast_in_dim3A_1095 : vector<1024x128xi1>, vector<1024x128xi32>
    %select_n3A_1097 = arith.select %lt3A_1092, %add3A_1091, %select_n3A_1063 : vector<1024x128xi1>, vector<1024x128xf32>
    %jit3A_1098 = arith.constant 31 : i32
    %broadcast_in_dim3A_1099 = vector.broadcast %jit3A_1098 : i32 to vector<1024x128xi32>
    %select_n3A_1100 = arith.select %lt3A_1092, %broadcast_in_dim3A_1099, %select_n3A_1066 : vector<1024x128xi1>, vector<1024x128xi32>
    %lt3A_1101 = arith.cmpf olt, %select_n3A_1093, %select_n3A_1070 : vector<1024x128xf32>
    %select_n3A_1102 = arith.select %lt3A_1101, %select_n3A_1070, %select_n3A_1093 : vector<1024x128xi1>, vector<1024x128xf32>
    %select_n3A_1103 = arith.select %lt3A_1101, %select_n3A_1071, %select_n3A_1096 : vector<1024x128xi1>, vector<1024x128xi32>
    %select_n3A_1104 = arith.select %lt3A_1101, %select_n3A_1093, %select_n3A_1070 : vector<1024x128xi1>, vector<1024x128xf32>
    %select_n3A_1105 = arith.select %lt3A_1101, %select_n3A_1096, %select_n3A_1071 : vector<1024x128xi1>, vector<1024x128xi32>
    %lt3A_1106 = arith.cmpf olt, %select_n3A_1102, %select_n3A_1073 : vector<1024x128xf32>
    %select_n3A_1107 = arith.select %lt3A_1106, %select_n3A_1102, %select_n3A_1073 : vector<1024x128xi1>, vector<1024x128xf32>
    %select_n3A_1108 = arith.select %lt3A_1106, %select_n3A_1103, %select_n3A_1074 : vector<1024x128xi1>, vector<1024x128xi32>
    %iota3A = tpu.iota {dimensions = array<i32: 1>} : vector<1024x128xi32>
    %mul3A_1109 = arith.constant 128 : i32
    %mul3A_1110 = vector.broadcast %mul3A_1109 : i32 to vector<1024x128xi32>
    %mul3A_1111 = arith.muli %select_n3A_1100, %mul3A_1110 : vector<1024x128xi32>
    %add3A_1112 = arith.addi %mul3A_1111, %iota3A : vector<1024x128xi32>
    %mul3A_1113 = arith.constant 128 : i32
    %mul3A_1114 = vector.broadcast %mul3A_1113 : i32 to vector<1024x128xi32>
    %mul3A_1115 = arith.muli %select_n3A_1105, %mul3A_1114 : vector<1024x128xi32>
    %add3A_1116 = arith.addi %mul3A_1115, %iota3A : vector<1024x128xi32>
    %mul3A_1117 = arith.constant 128 : i32
    %mul3A_1118 = vector.broadcast %mul3A_1117 : i32 to vector<1024x128xi32>
    %mul3A_1119 = arith.muli %select_n3A_1108, %mul3A_1118 : vector<1024x128xi32>
    %add3A_1120 = arith.addi %mul3A_1119, %iota3A : vector<1024x128xi32>
    %concatenate3A = tpu.concatenate %select_n3A_1097, %select_n3A_1104, %select_n3A_1107 in 1 : vector<1024x128xf32>, vector<1024x128xf32>, vector<1024x128xf32> -> vector<1024x384xf32>
    %concatenate3A_1121 = tpu.concatenate %add3A_1112, %add3A_1116, %add3A_1120 in 1 : vector<1024x128xi32>, vector<1024x128xi32>, vector<1024x128xi32> -> vector<1024x384xi32>
    %reduce_min3A = arith.constant dense<0x7F800000> : vector<1024xf32>
    %reduce_min3A_1122 = vector.multi_reduction <minimumf>, %concatenate3A, %reduce_min3A [1] : vector<1024x384xf32> to vector<1024xf32>
    %broadcast_in_dim3A_1123 = vector.shape_cast %reduce_min3A_1122 : vector<1024xf32> to vector<1024x1xf32>
    %eq3A = vector.broadcast %broadcast_in_dim3A_1123 : vector<1024x1xf32> to vector<1024x384xf32>
    %eq3A_1124 = arith.cmpf oeq, %concatenate3A, %eq3A : vector<1024x384xf32>
    %jit3A_1125 = arith.constant 4096 : i32
    %broadcast_in_dim3A_1126 = vector.broadcast %jit3A_1125 : i32 to vector<1024x384xi32>
    %select_n3A_1127 = arith.select %eq3A_1124, %concatenate3A_1121, %broadcast_in_dim3A_1126 : vector<1024x384xi1>, vector<1024x384xi32>
    %reduce_min3A_1128 = arith.constant dense<2147483647> : vector<1024xi32>
    %reduce_min3A_1129 = vector.multi_reduction <minsi>, %select_n3A_1127, %reduce_min3A_1128 [1] : vector<1024x384xi32> to vector<1024xi32>
    %broadcast_in_dim3A_1130 = vector.shape_cast %reduce_min3A_1129 : vector<1024xi32> to vector<1024x1xi32>
    %swap3A = arith.constant 0 : index
    %swap3A_1131 = arith.constant 0 : index
    %swap3A_1132 = vector.load %arg3[%swap3A, %swap3A_1131] : memref<1024x1xi32, #tpu.memory_space<vmem>>, vector<1024x1xi32>
    tpu.vector_store %arg3[%swap3A, %swap3A_1131], %broadcast_in_dim3A_1130 {strides = array<i32>} : memref<1024x1xi32, #tpu.memory_space<vmem>>, vector<1024x1xi32>,
    %eq3A_1133 = vector.broadcast %broadcast_in_dim3A_1130 : vector<1024x1xi32> to vector<1024x384xi32>
    %eq3A_1134 = arith.cmpi eq, %concatenate3A_1121, %eq3A_1133 : vector<1024x384xi32>
    %jit3A_1135 = arith.constant 0x7F800000 : f32
    %broadcast_in_dim3A_1136 = vector.broadcast %jit3A_1135 : f32 to vector<1024x384xf32>
    %select_n3A_1137 = arith.select %eq3A_1134, %broadcast_in_dim3A_1136, %concatenate3A : vector<1024x384xi1>, vector<1024x384xf32>
    %reduce_min3A_1138 = arith.constant dense<0x7F800000> : vector<1024xf32>
    %reduce_min3A_1139 = vector.multi_reduction <minimumf>, %select_n3A_1137, %reduce_min3A_1138 [1] : vector<1024x384xf32> to vector<1024xf32>
    %broadcast_in_dim3A_1140 = vector.shape_cast %reduce_min3A_1139 : vector<1024xf32> to vector<1024x1xf32>
    %eq3A_1141 = vector.broadcast %broadcast_in_dim3A_1140 : vector<1024x1xf32> to vector<1024x384xf32>
    %eq3A_1142 = arith.cmpf oeq, %select_n3A_1137, %eq3A_1141 : vector<1024x384xf32>
    %jit3A_1143 = arith.constant 4096 : i32
    %broadcast_in_dim3A_1144 = vector.broadcast %jit3A_1143 : i32 to vector<1024x384xi32>
    %select_n3A_1145 = arith.select %eq3A_1142, %concatenate3A_1121, %broadcast_in_dim3A_1144 : vector<1024x384xi1>, vector<1024x384xi32>
    %reduce_min3A_1146 = arith.constant dense<2147483647> : vector<1024xi32>
    %reduce_min3A_1147 = vector.multi_reduction <minsi>, %select_n3A_1145, %reduce_min3A_1146 [1] : vector<1024x384xi32> to vector<1024xi32>
    %broadcast_in_dim3A_1148 = vector.shape_cast %reduce_min3A_1147 : vector<1024xi32> to vector<1024x1xi32>
    %swap3A_1149 = arith.constant 0 : index
    %swap3A_1150 = arith.constant 0 : index
    %swap3A_1151 = vector.load %arg4[%swap3A_1149, %swap3A_1150] : memref<1024x1xi32, #tpu.memory_space<vmem>>, vector<1024x1xi32>
    tpu.vector_store %arg4[%swap3A_1149, %swap3A_1150], %broadcast_in_dim3A_1148 {strides = array<i32>} : memref<1024x1xi32, #tpu.memory_space<vmem>>, vector<1024x1xi32>,
    %eq3A_1152 = vector.broadcast %broadcast_in_dim3A_1148 : vector<1024x1xi32> to vector<1024x384xi32>
    %eq3A_1153 = arith.cmpi eq, %concatenate3A_1121, %eq3A_1152 : vector<1024x384xi32>
    %jit3A_1154 = arith.constant 0x7F800000 : f32
    %broadcast_in_dim3A_1155 = vector.broadcast %jit3A_1154 : f32 to vector<1024x384xf32>
    %select_n3A_1156 = arith.select %eq3A_1153, %broadcast_in_dim3A_1155, %select_n3A_1137 : vector<1024x384xi1>, vector<1024x384xf32>
    %reduce_min3A_1157 = arith.constant dense<0x7F800000> : vector<1024xf32>
    %reduce_min3A_1158 = vector.multi_reduction <minimumf>, %select_n3A_1156, %reduce_min3A_1157 [1] : vector<1024x384xf32> to vector<1024xf32>
    %broadcast_in_dim3A_1159 = vector.shape_cast %reduce_min3A_1158 : vector<1024xf32> to vector<1024x1xf32>
    %eq3A_1160 = vector.broadcast %broadcast_in_dim3A_1159 : vector<1024x1xf32> to vector<1024x384xf32>
    %eq3A_1161 = arith.cmpf oeq, %select_n3A_1156, %eq3A_1160 : vector<1024x384xf32>
    %jit3A_1162 = arith.constant 4096 : i32
    %broadcast_in_dim3A_1163 = vector.broadcast %jit3A_1162 : i32 to vector<1024x384xi32>
    %select_n3A_1164 = arith.select %eq3A_1161, %concatenate3A_1121, %broadcast_in_dim3A_1163 : vector<1024x384xi1>, vector<1024x384xi32>
    %reduce_min3A_1165 = arith.constant dense<2147483647> : vector<1024xi32>
    %reduce_min3A_1166 = vector.multi_reduction <minsi>, %select_n3A_1164, %reduce_min3A_1165 [1] : vector<1024x384xi32> to vector<1024xi32>
    %broadcast_in_dim3A_1167 = vector.shape_cast %reduce_min3A_1166 : vector<1024xi32> to vector<1024x1xi32>
    %swap3A_1168 = arith.constant 0 : index
    %swap3A_1169 = arith.constant 0 : index
    %swap3A_1170 = vector.load %arg5[%swap3A_1168, %swap3A_1169] : memref<1024x1xi32, #tpu.memory_space<vmem>>, vector<1024x1xi32>
    tpu.vector_store %arg5[%swap3A_1168, %swap3A_1169], %broadcast_in_dim3A_1167 {strides = array<i32>} : memref<1024x1xi32, #tpu.memory_space<vmem>>, vector<1024x1xi32>,
    return
  }
  func.func @transform_0(%arg0: i32) -> (i32, i32) {
    %c0_i32 = arith.constant 0 : i32
    %c0_i32_0 = arith.constant 0 : i32
    return %arg0, %c0_i32 : i32, i32
  }
  func.func @transform_1(%arg0: i32) -> (i32, i32) {
    %c0_i32 = arith.constant 0 : i32
    %c0_i32_0 = arith.constant 0 : i32
    %c0_i32_1 = arith.constant 0 : i32
    return %c0_i32, %c0_i32_0 : i32, i32
  }
  func.func @transform_2(%arg0: i32) -> (i32, i32) {
    %c0_i32 = arith.constant 0 : i32
    %c0_i32_0 = arith.constant 0 : i32
    return %arg0, %c0_i32 : i32, i32
  }
  func.func @transform_3(%arg0: i32) -> (i32, i32) {
    %c0_i32 = arith.constant 0 : i32
    %c0_i32_0 = arith.constant 0 : i32
    return %arg0, %c0_i32 : i32, i32
  }
  func.func @transform_4(%arg0: i32) -> (i32, i32) {
    %c0_i32 = arith.constant 0 : i32
    %c0_i32_0 = arith.constant 0 : i32
    return %arg0, %c0_i32 : i32, i32
  }
}

module attributes {stable_mosaic.version = 14 : i64} {
  func.func @_y2_kernel(%arg0: memref<4096x128xf32, #tpu.memory_space<vmem>>, %arg1: memref<128x64xf32, #tpu.memory_space<vmem>>, %arg2: memref<1x64xf32, #tpu.memory_space<vmem>>, %arg3: memref<4096x64xf32, #tpu.memory_space<vmem>>) attributes {dimension_semantics = [], scalar_prefetch = 0 : i64, scratch_operands = 0 : i64, tpu.core_type = #tpu.core_type<tc>} {
    %get3A = arith.constant 0 : index
    %get3A_0 = arith.constant 0 : index
    %get3A_1 = vector.load %arg0[%get3A, %get3A_0] : memref<4096x128xf32, #tpu.memory_space<vmem>>, vector<4096x128xf32>
    %get3A_2 = arith.constant 0 : index
    %get3A_3 = arith.constant 0 : index
    %get3A_4 = vector.load %arg1[%get3A_2, %get3A_3] : memref<128x64xf32, #tpu.memory_space<vmem>>, vector<128x64xf32>
    %dot_general3A = arith.constant dense<0.000000e+00> : vector<4096x64xf32>
    %dot_general3A_5 = tpu.matmul %get3A_1, %get3A_4, %dot_general3A {dimension_numbers = #tpu.dot_dimension_numbers<[1], [0], [0], [1], [0, 0, 1, 1], [], []>, transpose_lhs_hint = false} : vector<4096x128xf32>, vector<128x64xf32>, vector<4096x64xf32> -> vector<4096x64xf32>
    %get3A_6 = arith.constant 0 : index
    %get3A_7 = arith.constant 0 : index
    %get3A_8 = vector.load %arg2[%get3A_6, %get3A_7] : memref<1x64xf32, #tpu.memory_space<vmem>>, vector<1x64xf32>
    %add3A = vector.broadcast %get3A_8 : vector<1x64xf32> to vector<4096x64xf32>
    %add3A_9 = arith.addf %dot_general3A_5, %add3A : vector<4096x64xf32>
    %swap3A = arith.constant 0 : index
    %swap3A_10 = arith.constant 0 : index
    %swap3A_11 = vector.load %arg3[%swap3A, %swap3A_10] : memref<4096x64xf32, #tpu.memory_space<vmem>>, vector<4096x64xf32>
    tpu.vector_store %arg3[%swap3A, %swap3A_10], %add3A_9 {strides = array<i32>} : memref<4096x64xf32, #tpu.memory_space<vmem>>, vector<4096x64xf32>,
    return
  }
}

module attributes {stable_mosaic.version = 14 : i64} {
  func.func @_bn1_kernel(%arg0: i32, %arg1: memref<2048x64xf32, #tpu.memory_space<vmem>>, %arg2: memref<2048x64xf32, #tpu.memory_space<vmem>>, %arg3: memref<32x64xf32, #tpu.memory_space<vmem>>, %arg4: memref<32x64xf32, #tpu.memory_space<vmem>>, %arg5: memref<1x64xf32, #tpu.memory_space<vmem>>, %arg6: memref<1x64xf32, #tpu.memory_space<vmem>>, %arg7: memref<2048x64xf32, #tpu.memory_space<vmem>>, %arg8: memref<1x64xf32, #tpu.memory_space<vmem>>, %arg9: memref<1x64xf32, #tpu.memory_space<vmem>>) attributes {dimension_semantics = [#tpu.dimension_semantics<arbitrary>], iteration_bounds = array<i64: 8>, scalar_prefetch = 0 : i64, scratch_operands = 0 : i64, tpu.core_type = #tpu.core_type<tc>, window_params = [{transform_indices = @transform_0, window_bounds = array<i64: 2048, 64>}, {transform_indices = @transform_1, window_bounds = array<i64: 2048, 64>}, {pipeline_mode = #tpu.pipeline_mode<synchronous>, transform_indices = @transform_2, window_bounds = array<i64: 32, 64>}, {pipeline_mode = #tpu.pipeline_mode<synchronous>, transform_indices = @transform_3, window_bounds = array<i64: 32, 64>}, {pipeline_mode = #tpu.pipeline_mode<synchronous>, transform_indices = @transform_4, window_bounds = array<i64: 1, 64>}, {pipeline_mode = #tpu.pipeline_mode<synchronous>, transform_indices = @transform_5, window_bounds = array<i64: 1, 64>}, {transform_indices = @transform_6, window_bounds = array<i64: 2048, 64>}, {pipeline_mode = #tpu.pipeline_mode<synchronous>, transform_indices = @transform_7, window_bounds = array<i64: 1, 64>}, {pipeline_mode = #tpu.pipeline_mode<synchronous>, transform_indices = @transform_8, window_bounds = array<i64: 1, 64>}]} {
    %get3A = arith.constant 0 : index
    %get3A_0 = arith.constant 0 : index
    %get3A_1 = vector.load %arg3[%get3A, %get3A_0] : memref<32x64xf32, #tpu.memory_space<vmem>>, vector<32x64xf32>
    %reduce_sum3A = arith.constant dense<0.000000e+00> : vector<64xf32>
    %reduce_sum3A_2 = vector.multi_reduction <add>, %get3A_1, %reduce_sum3A [0] : vector<32x64xf32> to vector<64xf32>
    %broadcast_in_dim3A = vector.shape_cast %reduce_sum3A_2 : vector<64xf32> to vector<1x64xf32>
    %get3A_3 = arith.constant 0 : index
    %get3A_4 = arith.constant 0 : index
    %get3A_5 = vector.load %arg4[%get3A_3, %get3A_4] : memref<32x64xf32, #tpu.memory_space<vmem>>, vector<32x64xf32>
    %reduce_sum3A_6 = arith.constant dense<0.000000e+00> : vector<64xf32>
    %reduce_sum3A_7 = vector.multi_reduction <add>, %get3A_5, %reduce_sum3A_6 [0] : vector<32x64xf32> to vector<64xf32>
    %broadcast_in_dim3A_8 = vector.shape_cast %reduce_sum3A_7 : vector<64xf32> to vector<1x64xf32>
    %div3A = arith.constant 4.915200e+04 : f32
    %div3A_9 = vector.broadcast %div3A : f32 to vector<1x64xf32>
    %div3A_10 = arith.divf %broadcast_in_dim3A, %div3A_9 : vector<1x64xf32>
    %div3A_11 = arith.constant 4.915200e+04 : f32
    %div3A_12 = vector.broadcast %div3A_11 : f32 to vector<1x64xf32>
    %div3A_13 = arith.divf %broadcast_in_dim3A_8, %div3A_12 : vector<1x64xf32>
    %mul3A = arith.mulf %div3A_10, %div3A_10 : vector<1x64xf32>
    %sub3A = arith.subf %div3A_13, %mul3A : vector<1x64xf32>
    %max3A = arith.constant 0.000000e+00 : f32
    %max3A_14 = vector.broadcast %max3A : f32 to vector<1x64xf32>
    %max3A_15 = arith.maximumf %sub3A, %max3A_14 : vector<1x64xf32>
    %add3A = arith.constant 9.99999974E-6 : f32
    %add3A_16 = vector.broadcast %add3A : f32 to vector<1x64xf32>
    %add3A_17 = arith.addf %max3A_15, %add3A_16 : vector<1x64xf32>
    %sqrt3A = math.sqrt %add3A_17 : vector<1x64xf32>
    %get3A_18 = arith.constant 0 : index
    %get3A_19 = arith.constant 0 : index
    %get3A_20 = vector.load %arg1[%get3A_18, %get3A_19] : memref<2048x64xf32, #tpu.memory_space<vmem>>, vector<2048x64xf32>
    %sub3A_21 = vector.broadcast %div3A_10 : vector<1x64xf32> to vector<2048x64xf32>
    %sub3A_22 = arith.subf %get3A_20, %sub3A_21 : vector<2048x64xf32>
    %div3A_23 = vector.broadcast %sqrt3A : vector<1x64xf32> to vector<2048x64xf32>
    %div3A_24 = arith.divf %sub3A_22, %div3A_23 : vector<2048x64xf32>
    %get3A_25 = arith.constant 0 : index
    %get3A_26 = arith.constant 0 : index
    %get3A_27 = vector.load %arg5[%get3A_25, %get3A_26] : memref<1x64xf32, #tpu.memory_space<vmem>>, vector<1x64xf32>
    %mul3A_28 = vector.broadcast %get3A_27 : vector<1x64xf32> to vector<2048x64xf32>
    %mul3A_29 = arith.mulf %div3A_24, %mul3A_28 : vector<2048x64xf32>
    %get3A_30 = arith.constant 0 : index
    %get3A_31 = arith.constant 0 : index
    %get3A_32 = vector.load %arg6[%get3A_30, %get3A_31] : memref<1x64xf32, #tpu.memory_space<vmem>>, vector<1x64xf32>
    %add3A_33 = vector.broadcast %get3A_32 : vector<1x64xf32> to vector<2048x64xf32>
    %add3A_34 = arith.addf %mul3A_29, %add3A_33 : vector<2048x64xf32>
    %max3A_35 = arith.constant 0.000000e+00 : f32
    %max3A_36 = vector.broadcast %max3A_35 : f32 to vector<2048x64xf32>
    %max3A_37 = arith.maximumf %add3A_34, %max3A_36 : vector<2048x64xf32>
    %get3A_38 = arith.constant 0 : index
    %get3A_39 = arith.constant 0 : index
    %get3A_40 = vector.load %arg2[%get3A_38, %get3A_39] : memref<2048x64xf32, #tpu.memory_space<vmem>>, vector<2048x64xf32>
    %add3A_41 = arith.addf %get3A_40, %max3A_37 : vector<2048x64xf32>
    %swap3A = arith.constant 0 : index
    %swap3A_42 = arith.constant 0 : index
    %swap3A_43 = vector.load %arg7[%swap3A, %swap3A_42] : memref<2048x64xf32, #tpu.memory_space<vmem>>, vector<2048x64xf32>
    tpu.vector_store %arg7[%swap3A, %swap3A_42], %add3A_41 {strides = array<i32>} : memref<2048x64xf32, #tpu.memory_space<vmem>>, vector<2048x64xf32>,
    %eq3A = arith.constant 0 : i32
    %eq3A_44 = arith.cmpi eq, %arg0, %eq3A : i32
    %convert_element_type3A = arith.extui %eq3A_44 : i1 to i32
    %cond3A = arith.constant 0 : i32
    %cond3A_45 = arith.cmpi ne, %convert_element_type3A, %cond3A : i32
    scf.if %cond3A_45 {
      %broadcast_in_dim3A_67 = arith.constant 0.000000e+00 : f32
      %broadcast_in_dim3A_68 = vector.broadcast %broadcast_in_dim3A_67 : f32 to vector<1x64xf32>
      %swap3A_69 = arith.constant 0 : index
      %swap3A_70 = arith.constant 0 : index
      %swap3A_71 = vector.load %arg8[%swap3A_69, %swap3A_70] : memref<1x64xf32, #tpu.memory_space<vmem>>, vector<1x64xf32>
      tpu.vector_store %arg8[%swap3A_69, %swap3A_70], %broadcast_in_dim3A_68 {strides = array<i32>} : memref<1x64xf32, #tpu.memory_space<vmem>>, vector<1x64xf32>,
      %broadcast_in_dim3A_72 = arith.constant 0.000000e+00 : f32
      %broadcast_in_dim3A_73 = vector.broadcast %broadcast_in_dim3A_72 : f32 to vector<1x64xf32>
      %swap3A_74 = arith.constant 0 : index
      %swap3A_75 = arith.constant 0 : index
      %swap3A_76 = vector.load %arg9[%swap3A_74, %swap3A_75] : memref<1x64xf32, #tpu.memory_space<vmem>>, vector<1x64xf32>
      tpu.vector_store %arg9[%swap3A_74, %swap3A_75], %broadcast_in_dim3A_73 {strides = array<i32>} : memref<1x64xf32, #tpu.memory_space<vmem>>, vector<1x64xf32>,
    } else {
    }
    %get3A_46 = arith.constant 0 : index
    %get3A_47 = arith.constant 0 : index
    %get3A_48 = vector.load %arg8[%get3A_46, %get3A_47] : memref<1x64xf32, #tpu.memory_space<vmem>>, vector<1x64xf32>
    %reduce_sum3A_49 = arith.constant dense<0.000000e+00> : vector<64xf32>
    %reduce_sum3A_50 = vector.multi_reduction <add>, %add3A_41, %reduce_sum3A_49 [0] : vector<2048x64xf32> to vector<64xf32>
    %broadcast_in_dim3A_51 = vector.shape_cast %reduce_sum3A_50 : vector<64xf32> to vector<1x64xf32>
    %add3A_52 = arith.addf %get3A_48, %broadcast_in_dim3A_51 : vector<1x64xf32>
    %swap3A_53 = arith.constant 0 : index
    %swap3A_54 = arith.constant 0 : index
    %swap3A_55 = vector.load %arg8[%swap3A_53, %swap3A_54] : memref<1x64xf32, #tpu.memory_space<vmem>>, vector<1x64xf32>
    tpu.vector_store %arg8[%swap3A_53, %swap3A_54], %add3A_52 {strides = array<i32>} : memref<1x64xf32, #tpu.memory_space<vmem>>, vector<1x64xf32>,
    %get3A_56 = arith.constant 0 : index
    %get3A_57 = arith.constant 0 : index
    %get3A_58 = vector.load %arg9[%get3A_56, %get3A_57] : memref<1x64xf32, #tpu.memory_space<vmem>>, vector<1x64xf32>
    %mul3A_59 = arith.mulf %add3A_41, %add3A_41 : vector<2048x64xf32>
    %reduce_sum3A_60 = arith.constant dense<0.000000e+00> : vector<64xf32>
    %reduce_sum3A_61 = vector.multi_reduction <add>, %mul3A_59, %reduce_sum3A_60 [0] : vector<2048x64xf32> to vector<64xf32>
    %broadcast_in_dim3A_62 = vector.shape_cast %reduce_sum3A_61 : vector<64xf32> to vector<1x64xf32>
    %add3A_63 = arith.addf %get3A_58, %broadcast_in_dim3A_62 : vector<1x64xf32>
    %swap3A_64 = arith.constant 0 : index
    %swap3A_65 = arith.constant 0 : index
    %swap3A_66 = vector.load %arg9[%swap3A_64, %swap3A_65] : memref<1x64xf32, #tpu.memory_space<vmem>>, vector<1x64xf32>
    tpu.vector_store %arg9[%swap3A_64, %swap3A_65], %add3A_63 {strides = array<i32>} : memref<1x64xf32, #tpu.memory_space<vmem>>, vector<1x64xf32>,
    return
  }
  func.func @transform_0(%arg0: i32) -> (i32, i32) {
    %c0_i32 = arith.constant 0 : i32
    %c0_i32_0 = arith.constant 0 : i32
    return %arg0, %c0_i32 : i32, i32
  }
  func.func @transform_1(%arg0: i32) -> (i32, i32) {
    %c0_i32 = arith.constant 0 : i32
    %c0_i32_0 = arith.constant 0 : i32
    return %arg0, %c0_i32 : i32, i32
  }
  func.func @transform_2(%arg0: i32) -> (i32, i32) {
    %c0_i32 = arith.constant 0 : i32
    %c0_i32_0 = arith.constant 0 : i32
    %c0_i32_1 = arith.constant 0 : i32
    return %c0_i32, %c0_i32_0 : i32, i32
  }
  func.func @transform_3(%arg0: i32) -> (i32, i32) {
    %c0_i32 = arith.constant 0 : i32
    %c0_i32_0 = arith.constant 0 : i32
    %c0_i32_1 = arith.constant 0 : i32
    return %c0_i32, %c0_i32_0 : i32, i32
  }
  func.func @transform_4(%arg0: i32) -> (i32, i32) {
    %c0_i32 = arith.constant 0 : i32
    %c0_i32_0 = arith.constant 0 : i32
    %c0_i32_1 = arith.constant 0 : i32
    return %c0_i32, %c0_i32_0 : i32, i32
  }
  func.func @transform_5(%arg0: i32) -> (i32, i32) {
    %c0_i32 = arith.constant 0 : i32
    %c0_i32_0 = arith.constant 0 : i32
    %c0_i32_1 = arith.constant 0 : i32
    return %c0_i32, %c0_i32_0 : i32, i32
  }
  func.func @transform_6(%arg0: i32) -> (i32, i32) {
    %c0_i32 = arith.constant 0 : i32
    %c0_i32_0 = arith.constant 0 : i32
    return %arg0, %c0_i32 : i32, i32
  }
  func.func @transform_7(%arg0: i32) -> (i32, i32) {
    %c0_i32 = arith.constant 0 : i32
    %c0_i32_0 = arith.constant 0 : i32
    %c0_i32_1 = arith.constant 0 : i32
    return %c0_i32, %c0_i32_0 : i32, i32
  }
  func.func @transform_8(%arg0: i32) -> (i32, i32) {
    %c0_i32 = arith.constant 0 : i32
    %c0_i32_0 = arith.constant 0 : i32
    %c0_i32_1 = arith.constant 0 : i32
    return %c0_i32, %c0_i32_0 : i32, i32
  }
}

module attributes {stable_mosaic.version = 14 : i64} {
  func.func @_bn2_kernel(%arg0: i32, %arg1: memref<2048x64xf32, #tpu.memory_space<vmem>>, %arg2: memref<1x64xf32, #tpu.memory_space<vmem>>, %arg3: memref<1x64xf32, #tpu.memory_space<vmem>>, %arg4: memref<1x64xf32, #tpu.memory_space<vmem>>, %arg5: memref<1x64xf32, #tpu.memory_space<vmem>>, %arg6: memref<2048x64xf32, #tpu.memory_space<vmem>>) attributes {dimension_semantics = [#tpu.dimension_semantics<arbitrary>], iteration_bounds = array<i64: 8>, scalar_prefetch = 0 : i64, scratch_operands = 0 : i64, tpu.core_type = #tpu.core_type<tc>, window_params = [{transform_indices = @transform_0, window_bounds = array<i64: 2048, 64>}, {pipeline_mode = #tpu.pipeline_mode<synchronous>, transform_indices = @transform_1, window_bounds = array<i64: 1, 64>}, {pipeline_mode = #tpu.pipeline_mode<synchronous>, transform_indices = @transform_2, window_bounds = array<i64: 1, 64>}, {pipeline_mode = #tpu.pipeline_mode<synchronous>, transform_indices = @transform_3, window_bounds = array<i64: 1, 64>}, {pipeline_mode = #tpu.pipeline_mode<synchronous>, transform_indices = @transform_4, window_bounds = array<i64: 1, 64>}, {transform_indices = @transform_5, window_bounds = array<i64: 2048, 64>}]} {
    %get3A = arith.constant 0 : index
    %get3A_0 = arith.constant 0 : index
    %get3A_1 = vector.load %arg2[%get3A, %get3A_0] : memref<1x64xf32, #tpu.memory_space<vmem>>, vector<1x64xf32>
    %div3A = arith.constant 1.638400e+04 : f32
    %div3A_2 = vector.broadcast %div3A : f32 to vector<1x64xf32>
    %div3A_3 = arith.divf %get3A_1, %div3A_2 : vector<1x64xf32>
    %get3A_4 = arith.constant 0 : index
    %get3A_5 = arith.constant 0 : index
    %get3A_6 = vector.load %arg3[%get3A_4, %get3A_5] : memref<1x64xf32, #tpu.memory_space<vmem>>, vector<1x64xf32>
    %div3A_7 = arith.constant 1.638400e+04 : f32
    %div3A_8 = vector.broadcast %div3A_7 : f32 to vector<1x64xf32>
    %div3A_9 = arith.divf %get3A_6, %div3A_8 : vector<1x64xf32>
    %mul3A = arith.mulf %div3A_3, %div3A_3 : vector<1x64xf32>
    %sub3A = arith.subf %div3A_9, %mul3A : vector<1x64xf32>
    %max3A = arith.constant 0.000000e+00 : f32
    %max3A_10 = vector.broadcast %max3A : f32 to vector<1x64xf32>
    %max3A_11 = arith.maximumf %sub3A, %max3A_10 : vector<1x64xf32>
    %get3A_12 = arith.constant 0 : index
    %get3A_13 = arith.constant 0 : index
    %get3A_14 = vector.load %arg1[%get3A_12, %get3A_13] : memref<2048x64xf32, #tpu.memory_space<vmem>>, vector<2048x64xf32>
    %sub3A_15 = vector.broadcast %div3A_3 : vector<1x64xf32> to vector<2048x64xf32>
    %sub3A_16 = arith.subf %get3A_14, %sub3A_15 : vector<2048x64xf32>
    %add3A = arith.constant 9.99999974E-6 : f32
    %add3A_17 = vector.broadcast %add3A : f32 to vector<1x64xf32>
    %add3A_18 = arith.addf %max3A_11, %add3A_17 : vector<1x64xf32>
    %sqrt3A = math.sqrt %add3A_18 : vector<1x64xf32>
    %div3A_19 = vector.broadcast %sqrt3A : vector<1x64xf32> to vector<2048x64xf32>
    %div3A_20 = arith.divf %sub3A_16, %div3A_19 : vector<2048x64xf32>
    %get3A_21 = arith.constant 0 : index
    %get3A_22 = arith.constant 0 : index
    %get3A_23 = vector.load %arg4[%get3A_21, %get3A_22] : memref<1x64xf32, #tpu.memory_space<vmem>>, vector<1x64xf32>
    %mul3A_24 = vector.broadcast %get3A_23 : vector<1x64xf32> to vector<2048x64xf32>
    %mul3A_25 = arith.mulf %div3A_20, %mul3A_24 : vector<2048x64xf32>
    %get3A_26 = arith.constant 0 : index
    %get3A_27 = arith.constant 0 : index
    %get3A_28 = vector.load %arg5[%get3A_26, %get3A_27] : memref<1x64xf32, #tpu.memory_space<vmem>>, vector<1x64xf32>
    %add3A_29 = vector.broadcast %get3A_28 : vector<1x64xf32> to vector<2048x64xf32>
    %add3A_30 = arith.addf %mul3A_25, %add3A_29 : vector<2048x64xf32>
    %swap3A = arith.constant 0 : index
    %swap3A_31 = arith.constant 0 : index
    %swap3A_32 = vector.load %arg6[%swap3A, %swap3A_31] : memref<2048x64xf32, #tpu.memory_space<vmem>>, vector<2048x64xf32>
    tpu.vector_store %arg6[%swap3A, %swap3A_31], %add3A_30 {strides = array<i32>} : memref<2048x64xf32, #tpu.memory_space<vmem>>, vector<2048x64xf32>,
    return
  }
  func.func @transform_0(%arg0: i32) -> (i32, i32) {
    %c0_i32 = arith.constant 0 : i32
    %c0_i32_0 = arith.constant 0 : i32
    return %arg0, %c0_i32 : i32, i32
  }
  func.func @transform_1(%arg0: i32) -> (i32, i32) {
    %c0_i32 = arith.constant 0 : i32
    %c0_i32_0 = arith.constant 0 : i32
    %c0_i32_1 = arith.constant 0 : i32
    return %c0_i32, %c0_i32_0 : i32, i32
  }
  func.func @transform_2(%arg0: i32) -> (i32, i32) {
    %c0_i32 = arith.constant 0 : i32
    %c0_i32_0 = arith.constant 0 : i32
    %c0_i32_1 = arith.constant 0 : i32
    return %c0_i32, %c0_i32_0 : i32, i32
  }
  func.func @transform_3(%arg0: i32) -> (i32, i32) {
    %c0_i32 = arith.constant 0 : i32
    %c0_i32_0 = arith.constant 0 : i32
    %c0_i32_1 = arith.constant 0 : i32
    return %c0_i32, %c0_i32_0 : i32, i32
  }
  func.func @transform_4(%arg0: i32) -> (i32, i32) {
    %c0_i32 = arith.constant 0 : i32
    %c0_i32_0 = arith.constant 0 : i32
    %c0_i32_1 = arith.constant 0 : i32
    return %c0_i32, %c0_i32_0 : i32, i32
  }
  func.func @transform_5(%arg0: i32) -> (i32, i32) {
    %c0_i32 = arith.constant 0 : i32
    %c0_i32_0 = arith.constant 0 : i32
    return %arg0, %c0_i32 : i32, i32
  }
}

</mosaic_0001>

<sc_bundles>
// kernel: kernel.11.cloned.1.call-start
scs
__scs_entry_jumppad:
0x0: {  	(pc) =	sbr.rel $0x88, $3  }
0x1: {  	(tag) =	ssettag $0x0;
	lr =	simm.s32 $0x1  }
0x2: {  	[smem:$0x3F97] =	sst lr;
	_ =	strace $0xD0000000  }
0x3: {  	_ = 	snop  }
0x4: {  	_ = 	snop  }
0x5: {  	_ = 	snop  }
0x6: {  	_ = 	snop  }
0x7: {  	_ = 	snop  }
__scs_overlays_trampoline_lowered:
0x8: {  	[smem:$0x3FA6] =	sst s0  }
0x9: {  	[smem:$0x3FA7] =	sst s1  }
0xa: {  	[smem:$0x3FA8] =	sst s2  }
0xb: {  	[smem:$0x3FA9] =	sst s3  }
0xc: {  	[smem:$0x3FAA] =	sst s4  }
0xd: {  	[smem:$0x3FAB] =	sst s5  }
0xe: {  	[smem:$0x3FAC] =	sst s6  }
0xf: {  	[smem:$0x3FAD] =	sst s7  }
0x10: {  	[smem:$0x3FAE] =	sst s8  }
0x11: {  	[smem:$0x3FAF] =	sst s9;
	s0 =	simm.s32 @!p0 $0x0  }
0x12: {  	s1 =	sld [smem:$0x3F95];
	s0 =	simm.s32 @p0 $0x1  }
0x13: {  	[smem:$0x3FB0] =	sst s0;
	s0 =	simm.s32 @!p1 $0x0  }
0x14: {  	s2 =	sld [smem:$0x3F94];
	s0 =	simm.s32 @p1 $0x1  }
0x15: {  	[smem:$0x3FB1] =	sst s0;
	s0 =	simm.s32 @!p2 $0x0  }
0x16: {  	s3 =	sld [smem:$0x3FDB];
	s0 =	simm.s32 @p2 $0x1  }
0x17: {  	s4 =	simm.s32 $0x1BF5;
	[smem:$0x3FB3] =	sst s0  }
0x18: {  	s0 =	sld [smem:$0x3F96];
	_ =	swait.ge [sflag:s4], $0x0  }
0x19: {  	s7 =	sld [smem:$0x3F97]  }
0x1a: {  	s8 =	sadd.s32 $0xFFFFE003, lr  }
0x1b: {  	s9 =	sadd.s32 $0xFFFFFEF7, lr;
	s5 =	simm.s32 $0xFFFFFFFF;
	p2 =	slt.u32 s8, $0xFFFFF086  }
0x1c: {  	p1 =	slt.u32 s9, $0xF7A;
	s5 =	simm.s32 @!p2 $0x0  }
0x1d: {  	s5 =	simm.s32 @p1 $0x1;
	p0 =	seq.s32 s7, s2  }
0x1e: {  	s7 =	smul.u32 @!p0 $0xF7A, s2;
	p2 =	seq.s32 @!p0 s5, $0x0  }
0x1f: {  	s9 =	smul.u32 $0xF7A, s1;
	s8 =	simm.s32 @!p0 $0x1BF5;
	p2 =	por !p2, p0  }
0x20: {  	[sflag:s8] =	ssyncset.s32 @!p0 $0xFFFFF086;
	s6 =	sadd.s32 @!p0 s3, s7;
	s7 =	simm.s32 @!p0 $0x108  }
0x21: {  	s3 =	sadd.s32 s3, s9;
	s6 =	sadd.s32 @!p0 $0x88, s6;
	s7 =	simm.s32 @p2 $0x1082  }
0x22: {  	[simem:s7], [sflag:s8] =	dma.local @!p0 [hbm:s6], $0xF7A  }
0x23: {  	s9 =	sor.u32 $0xD0000000, s2;
	s6 =	simm.s32 $0x108;
	_ =	swait.ge @!p0 [sflag:s8], $0x0  }
0x24: {  	s3 =	sadd.s32 $0x88, s3;
	s6 =	simm.s32 @!p1 $0x1082;
	[sflag:s4] =	ssyncset.s32 $0xFFFFF086  }
0x25: {  	[simem:s6], [sflag:s4] =	dma.local [hbm:s3], $0xF7A  }
0x26: {  	[smem:$0x3F97] =	sst s1;
	(tag) =	ssettag s2;
	_ =	strace s9  }
0x27: {  	s1 =	sld [smem:$0x3FA7]  }
0x28: {  	s2 =	sld [smem:$0x3FA8]  }
0x29: {  	s4 =	sld [smem:$0x3FAA]  }
0x2a: {  	p0 =	seq.s32 s5, $0x0;
	s5 =	sld [smem:$0x3FAB]  }
0x2b: {  	s6 =	sld [smem:$0x3FAC]  }
0x2c: {  	s7 =	sld [smem:$0x3FAD]  }
0x2d: {  	s3 =	simm.s32 $0x108;
	s8 =	sld [smem:$0x3FAE]  }
0x2e: {  	s3 =	simm.s32 @!p0 $0x1082;
	s9 =	sld [smem:$0x3FAF]  }
0x2f: {  	lr =	sadd.s32 s0, s3;
	s0 =	sld [smem:$0x3FA6]  }
0x30: {  	s3 =	sld [smem:$0x3FA9]  }
0x31: {  	[smem:$0x3FB2] =	sst s10  }
0x32: {  	s10 =	sld [smem:$0x3FB0];
	_ =	sdelay $0x3  }
0x33: {  	p0 =	seq.s32 s10, $0x1;
	s10 =	sld [smem:$0x3FB2];
	_ =	sdelay $0x3  }
0x34: {  	[smem:$0x3FB2] =	sst s10  }
0x35: {  	s10 =	sld [smem:$0x3FB1];
	_ =	sdelay $0x3  }
0x36: {  	p1 =	seq.s32 s10, $0x1;
	s10 =	sld [smem:$0x3FB2];
	_ =	sdelay $0x3  }
0x37: {  	[smem:$0x3FB2] =	sst s10  }
0x38: {  	s10 =	sld [smem:$0x3FB3]  }
0x39: {  	_ = 	snop;
	(pc) =	sbr.ind lr, $3  }
0x3a: {  	_ = 	snop  }
0x3b: {  	_ = 	snop  }
0x3c: {  	p2 =	seq.s32 s10, $0x1;
	s10 =	sld [smem:$0x3FB2]  }
0x3d: {  	_ =	shalt  }
0x3e: {  	_ =	shalt  }
0x3f: {  	_ =	shalt  }
0x40: {  	_ =	shalt  }
0x41: {  	_ =	shalt  }
0x42: {  	_ =	shalt  }
0x43: {  	_ =	shalt  }
0x44: {  	_ =	shalt  }
0x45: {  	_ =	shalt  }
0x46: {  	_ =	shalt  }
0x47: {  	_ =	shalt  }
0x48: {  	_ =	shalt  }
0x49: {  	_ =	shalt  }
0x4a: {  	_ =	shalt  }
0x4b: {  	_ =	shalt  }
0x4c: {  	_ =	shalt  }
0x4d: {  	_ =	shalt  }
0x4e: {  	_ =	shalt  }
0x4f: {  	_ =	shalt  }
0x50: {  	_ =	shalt  }
0x51: {  	_ =	shalt  }
0x52: {  	_ =	shalt  }
0x53: {  	_ =	shalt  }
0x54: {  	_ =	shalt  }
0x55: {  	_ =	shalt  }
0x56: {  	_ =	shalt  }
0x57: {  	_ =	shalt  }
0x58: {  	_ =	shalt  }
0x59: {  	_ =	shalt  }
0x5a: {  	_ =	shalt  }
0x5b: {  	_ =	shalt  }
0x5c: {  	_ =	shalt  }
0x5d: {  	_ =	shalt  }
0x5e: {  	_ =	shalt  }
0x5f: {  	_ =	shalt  }
0x60: {  	_ =	shalt  }
0x61: {  	_ =	shalt  }
0x62: {  	_ =	shalt  }
0x63: {  	_ =	shalt  }
0x64: {  	_ =	shalt  }
0x65: {  	_ =	shalt  }
0x66: {  	_ =	shalt  }
0x67: {  	_ =	shalt  }
0x68: {  	_ =	shalt  }
0x69: {  	_ =	shalt  }
0x6a: {  	_ =	shalt  }
0x6b: {  	_ =	shalt  }
0x6c: {  	_ =	shalt  }
0x6d: {  	_ =	shalt  }
0x6e: {  	_ =	shalt  }
0x6f: {  	_ =	shalt  }
0x70: {  	_ =	shalt  }
0x71: {  	_ =	shalt  }
0x72: {  	_ =	shalt  }
0x73: {  	_ =	shalt  }
0x74: {  	_ =	shalt  }
0x75: {  	_ =	shalt  }
0x76: {  	_ =	shalt  }
0x77: {  	_ =	shalt  }
0x78: {  	_ =	shalt  }
0x79: {  	_ =	shalt  }
0x7a: {  	_ =	shalt  }
0x7b: {  	_ =	shalt  }
0x7c: {  	_ =	shalt  }
0x7d: {  	_ =	shalt  }
0x7e: {  	_ =	shalt  }
0x7f: {  	_ =	shalt  }
0x80: {  	_ =	shalt  }
0x81: {  	_ =	shalt  }
0x82: {  	_ =	shalt  }
0x83: {  	_ =	shalt  }
0x84: {  	_ =	shalt  }
0x85: {  	_ =	shalt  }
0x86: {  	_ =	shalt  }
0x87: {  	_ =	shalt  }
.Lfunc_end0:
.L_simem_size_0:
called_computation.1_lowered:
.L_overlay_start_0:
0x88: {  	s2 =	sld [smem:$0x3FD9]  }
0x89: {  	s3 =	sld [smem:$0x3FFE];
	_ =	sdelay $0x1  }
0x8a: {  	s1 =	srdreg.scid  }
0x8b: {  	s0 =	sand.u32 $0x1, s1  }
0x8c: {  	s17 =	sshll.u32 s0, $0xA;
	s2 =	sadd.s32 s3, s2  }
0x8d: {  	s2 =	sadd.s32 s2, s17  }
0x8e: {  	[smem:$0x3FBE] =	sst s2  }
0x8f: {  	_ = 	snop  }
0x90: {  	s2 =	sld [smem:$0x3FD0];
	(tm) =	ssettm $0x1  }
0x91: {  	s18 =	sld [smem:$0x3FFB];
	_ =	sdelay $0x3  }
0x92: {  	_ =	strace s18  }
0x93: {  	s3 =	sld [smem:$0x3FFC];
	_ =	sdelay $0x3  }
0x94: {  	_ =	strace s3  }
0x95: {  	s3 =	sld [smem:$0x3FFD];
	_ =	sdelay $0x3  }
0x96: {  	_ =	strace s3  }
0x97: {  	_ =	strace $0x8FFFFFFF  }
0x98: {  	s19 =	sld [smem:$0x3FDB];
	_ =	sdelay $0x1  }
0x99: {  	s4 =	simm.s32 $_scs_section_size  }
0x9a: {  	s5 =	simm.s32 $_size__tile_overlayer_lowered;
	s6 =	simm.s32 $_tile_overlayer_lowered  }
0x9b: {  	s22 =	simm.s32 $0x1BFF;
	s21 =	sshll.u32 s6, $0x1;
	s3 =	sadd.s32 s4, s19  }
0x9c: {  	s7 =	simm.s32 $0x0;
	s20 =	sshll.u32 s5, $0x1;
	s5 =	sadd.s32 s21, s3  }
0x9d: {  	[timem:s7], [sflag:s22] =	dma.local [hbm:s5], s20  }
0x9e: {  	_ =	swait.ge [sflag:s22], s20  }
0x9f: {  	s4 =	ssub.s32 $0x0, s20;
	[sflag:s22] =	ssyncset.done $0x0  }
0xa0: {  	[sflag:s22] =	ssyncadd.s32 s4;
	_ =	sdelay $0x1  }
0xa1: {  	s23 =	simm.s32 $0x1B8B  }
0xa2: {  	_ =	swait.ge [sflag:s23], $0x1  }
0xa3: {  	[sflag:s23] =	ssyncset.done $0x0  }
0xa4: {  	s25 =	simm.s32 $0x1B8E;
	s24 =	sld [smem:$0x3FFE];
	[sflag:s23] =	ssyncadd.s32 $0xFFFFFFFF  }
0xa5: {  	s26 =	simm.s32 $execute0_lowered;
	[smem:$0x3FD2] =	sst s25  }
0xa6: {  	s5 =	sshll.u32 s26, $0x1;
	_ =	strace $0x80000049;
	[dreg:$0x1] =	wrdreg $0xFFFFFFFF  }
0xa7: {  	s28 =	simm.s32 $_size_execute0_lowered;
	s3 =	sadd.s32 s3, s5;
	[dreg:$0x0] =	wrdreg $0x0  }
0xa8: {  	s5 =	sshll.u32 s28, $0x1;
	[dreg:$0x2] =	wrdreg s3  }
0xa9: {  	[dreg:$0x3] =	wrdreg s5  }
0xaa: {  	[dreg:$0x4] =	wrdreg $0xC0  }
0xab: {  	_ =	task [dreg:s7], $0x5FFFF  }
0xac: {  	[dreg:$0x1] =	wrdreg $0xFFFFFFFF  }
0xad: {  	[dreg:$0x0] =	wrdreg $0x60  }
0xae: {  	[dreg:$0x2] =	wrdreg s24  }
0xaf: {  	[dreg:$0x3] =	wrdreg s2  }
0xb0: {  	[dreg:$0x4] =	wrdreg $0x9  }
0xb1: {  	_ =	task.clear_ibuf [dreg:s7], $0x5FFFF;
	_ =	strace $0x90000049  }
0xb2: {  	s29 =	simm.s32 $0x9;
	_ =	strace $0x8000004B  }
0xb3: {  	_ =	swait.ge [sflag:s29], $0x1  }
0xb4: {  	[sflag:s29] =	ssyncadd.s32 $0xFFFFFFFF  }
0xb5: {  	_ =	strace $0x9000004B  }
0xb6: {  	_ =	sfence  }
0xb7: {  	s30 =	sld [smem:$0x0];
	_ =	sdelay $0x2  }
0xb8: {  	s31 =	sshll.u32 s1, $0xD;
	s1 =	sshrl.u32 s1, $0x2  }
0xb9: {  	s3 =	sand.u32 $0x4000, s31;
	s1 =	sadd.s32 s1, s30  }
0xba: {  	s0 =	sor.u32 s3, s0;
	s1 =	sshll.u32 s1, $0x11  }
0xbb: {  	s0 =	sor.u32 s1, s0  }
0xbc: {  	s0 =	sadd.s32 $0x8F2B, s0  }
0xbd: {  	[sflag:s0] =	ssyncadd.remote.s32 $0x1  }
0xbe: {  	_ =	sfence.sel $0xFFFF  }
0xbf: {  	[dreg:$0x0] =	wrdreg $0xFFFFFFFF;
	(pc) =	sbr.abs _section_cstart, $3  }
0xc0: {  	[dreg:$0x1] =	wrdreg $0xFFFFFFFF  }
0xc1: {  	_ =	task.clear_ibuf [dreg:s7], $0x2FFFF;
	_ =	strace $0x9FFFFFFF  }
0xc2: {  	(tm) =	ssettm $0x7FFFFFFF  }
0xc3: {  	_ =	shalt  }
tec
execute0_lowered:
.L_overlay_start_1:
0x0: {  	(tag) =	ssettag $0x1  }
0x1: {  	s0 =	rddreg [dreg:$0x0]  }
0x2: {  	s1 =	srdreg.scid;
	s2 =	stileid.u32  }
0x3: {  	s6 =	rddreg [dreg:$0x1];
	s14 =	simm.s32 $0x5;
	s15 =	simm.s32 $0x200  }
0x4: {  	s16 =	simm.s32 $0x400;
	s17 =	simm.s32 $0x80;
	s19 =	simm.s32 $0x380  }
0x5: {  	s20 =	simm.s32 $0x14600;
	s21 =	simm.s32 $0x580;
	s22 =	simm.s32 $0x16600  }
0x6: {  	s23 =	simm.s32 $0x1;
	s24 =	simm.s32 $0x18600;
	s25 =	simm.s32 $0x2  }
0x7: {  	s28 =	simm.s32 $0x4;
	s29 =	simm.s32 $0x1A600;
	s30 =	simm.s32 $0x1A640  }
0x8: {  	s1 =	sand.u32 $0x1, s1;
	s3 =	sshll.u32 s2, $0x1;
	s2 =	simm.s32 $0x0  }
0x9: {  	s31 =	simm.s32 $0x0;
	s4 =	sor.u32 s1, s3;
	[smem:$0x7FF] =	sst s2  }
0xa: {  	s1 =	ssub.s32 $0x2, s1;
	s3 =	sshll.u32 s4, $0x6;
	_ =	strace $0x8000004A  }
0xb: {  	s5 =	sshll.u32 s4, $0x3;
	s8 =	sshrl.u32 s1, $0x1;
	s26 =	sshll.u32 s4, $0xC  }
0xc: {  	s7 =	sadd.s32 s3, s0;
	s3 =	sadd.s32 $0x2E00, s0;
	s0 =	sadd.s32 s5, s0  }
0xd: {  	s1 =	ssub.s32 s1, s8;
	s6 =	sadd.s32 s6, s26;
	s26 =	simm.s32 $0x3  }
0xe: {  	s4 =	sadd.s32 $0xB600, s7;
	s5 =	sadd.s32 $0xAE00, s7;
	s7 =	sadd.s32 $0x1E00, s7  }
0xf: {  	s8 =	sadd.s32 $0x400, s6;
	s9 =	sadd.s32 $0x800, s6;
	s10 =	sadd.s32 $0xC00, s6  }
0x10: {  	s11 =	sadd.s32 $0x2800, s0;
	s12 =	sadd.s32 $0x2600, s0;
	s13 =	smax.u32 s1, $0x1  }
.LBB2_1:
0x11: {  	[tilespmem:s2], [sflag:$0x5] =	stream.linear.gather [hbm4b:s4+s2], $0x200, $0x38;
	[tilespmem:$0x1A680] =	vst v63  }
0x12: {  	_ =	swait.ge [sflag:s14], $0x200  }
0x13: {  	[sflag:s14] =	ssyncset.done $0x0  }
0x14: {  	[sflag:s14] =	ssyncadd.s32 $0xFFFFFE00  }
0x15: {  	[tilespmem:s15], [sflag:$0x5] =	stream.linear.gather [hbm4b:s5+s2], $0x200, $0x38;
	[tilespmem:$0x1A680] =	vst v63  }
0x16: {  	_ =	swait.ge [sflag:s14], $0x200  }
0x17: {  	[sflag:s14] =	ssyncset.done $0x0  }
0x18: {  	[sflag:s14] =	ssyncadd.s32 $0xFFFFFE00  }
0x19: {  	[tilespmem:s16], [sflag:$0x5] =	stream.linear.gather [hbm4b:s7+s2], $0x200, $0x38;
	[tilespmem:$0x1A680] =	vst v63  }
0x1a: {  	_ =	swait.ge [sflag:s14], $0x200  }
0x1b: {  	[sflag:s14] =	ssyncset.done $0x0  }
0x1c: {  	s0 =	simm.s32 $0x600;
	[sflag:s14] =	ssyncadd.s32 $0xFFFFFE00  }
0x1d: {  	[tilespmem:s0], [sflag:$0x1] =	stream.indirect.gather [hbm4b:s3+s17], $0x40, s2, s17, $0xb8;
	[tilespmem:$0x1A680] =	vst v63  }
0x1e: {  	s1 =	simm.s32 $0x2600  }
0x1f: {  	[tilespmem:s1], [sflag:$0x1] =	stream.indirect.gather [hbm4b:s3+s17], $0x40, s15, s17, $0xb8;
	[tilespmem:$0x1A680] =	vst v63  }
0x20: {  	s18 =	simm.s32 $0x4600  }
0x21: {  	[tilespmem:s18], [sflag:$0x1] =	stream.indirect.gather [hbm4b:s3+s17], $0x40, s16, s17, $0xb8;
	[tilespmem:$0x1A680] =	vst v63  }
0x22: {  	s1 =	simm.s32 $0x6600  }
0x23: {  	[tilespmem:s1], [sflag:$0x2] =	stream.indirect.gather [hbm4b:s3+s17], $0x40, s17, s17, $0xb8;
	[tilespmem:$0x1A680] =	vst v63  }
0x24: {  	s18 =	simm.s32 $0x280;
	s1 =	simm.s32 $0x8600  }
0x25: {  	[tilespmem:s1], [sflag:$0x2] =	stream.indirect.gather [hbm4b:s3+s17], $0x40, s18, s17, $0xb8;
	[tilespmem:$0x1A680] =	vst v63  }
0x26: {  	s1 =	simm.s32 $0x480;
	s18 =	simm.s32 $0xA600  }
0x27: {  	[tilespmem:s18], [sflag:$0x2] =	stream.indirect.gather [hbm4b:s3+s17], $0x40, s1, s17, $0xb8;
	[tilespmem:$0x1A680] =	vst v63  }
0x28: {  	s1 =	simm.s32 $0x100;
	s18 =	simm.s32 $0xC600  }
0x29: {  	[tilespmem:s18], [sflag:$0x3] =	stream.indirect.gather [hbm4b:s3+s17], $0x40, s1, s17, $0xb8;
	[tilespmem:$0x1A680] =	vst v63  }
0x2a: {  	s1 =	simm.s32 $0x300;
	s18 =	simm.s32 $0xE600  }
0x2b: {  	[tilespmem:s18], [sflag:$0x3] =	stream.indirect.gather [hbm4b:s3+s17], $0x40, s1, s17, $0xb8;
	[tilespmem:$0x1A680] =	vst v63  }
0x2c: {  	s1 =	simm.s32 $0x500;
	s18 =	simm.s32 $0x10600  }
0x2d: {  	[tilespmem:s18], [sflag:$0x3] =	stream.indirect.gather [hbm4b:s3+s17], $0x40, s1, s17, $0xb8;
	[tilespmem:$0x1A680] =	vst v63  }
0x2e: {  	s1 =	simm.s32 $0x180;
	s18 =	simm.s32 $0x12600  }
0x2f: {  	[tilespmem:s18], [sflag:$0x4] =	stream.indirect.gather [hbm4b:s3+s17], $0x40, s1, s17, $0xb8;
	[tilespmem:$0x1A680] =	vst v63  }
0x30: {  	_ = 	snop  }
0x31: {  	[tilespmem:s20], [sflag:$0x4] =	stream.indirect.gather [hbm4b:s3+s17], $0x40, s19, s17, $0xb8;
	[tilespmem:$0x1A680] =	vst v63  }
0x32: {  	_ = 	snop  }
0x33: {  	[tilespmem:s22], [sflag:$0x4] =	stream.indirect.gather [hbm4b:s3+s17], $0x40, s21, s17, $0xb8;
	[tilespmem:$0x1A680] =	vst v63  }
0x34: {  	_ =	swait.ge [sflag:s23], $0x2000  }
0x35: {  	[sflag:s23] =	ssyncset.done $0x0  }
0x36: {  	[sflag:s23] =	ssyncadd.s32 $0xFFFFE000  }
0x37: {  	_ =	swait.ge [sflag:s23], $0x2000  }
0x38: {  	[sflag:s23] =	ssyncset.done $0x0  }
0x39: {  	[sflag:s23] =	ssyncadd.s32 $0xFFFFE000  }
0x3a: {  	_ =	swait.ge [sflag:s23], $0x2000  }
0x3b: {  	[sflag:s23] =	ssyncset.done $0x0  }
0x3c: {  	s1 =	simm.s32 $0x0;
	[sflag:s23] =	ssyncadd.s32 $0xFFFFE000  }
0x3d: {  	v8 =	vld [tilespmem:s1+$0x4620]  }
0x3e: {  	v11 =	vld [tilespmem:s1+$0x4630]  }
0x3f: {  	v23 =	vld [tilespmem:s1+$0x630]  }
0x40: {  	v2 =	vld [tilespmem:s1+$0x620]  }
0x41: {  	v0 =	vld [tilespmem:s1+$0x4600]  }
0x42: {  	v3 =	vld [tilespmem:s1+$0x2620]  }
0x43: {  	v14 =	vld [tilespmem:s1+$0x2600]  }
0x44: {  	v15 =	vld [tilespmem:s1+$0x2630]  }
0x45: {  	v1 =	vimm.f32 $0.0e+00;
	v9 =	vimm.f32 $0.0e+00;
	v4 =	vimm.f32 $0.0e+00;
	v16 =	vld [tilespmem:s1+$0x610]  }
0x46: {  	v5 =	vimm.f32 $0.0e+00;
	v6 =	vimm.f32 $0.0e+00;
	v20 =	vld [tilespmem:s1+$0x600];
	v17 =	vmul.f32 v23, v23  }
0x47: {  	v7 =	vimm.f32 $0.0e+00;
	v10 =	vld [tilespmem:s1+$0x4610];
	v21 =	vmul.f32 v2, v2;
	v12 =	vmul.f32 v11, v11  }
0x48: {  	v18 =	vld [tilespmem:s1+$0x2610];
	v13 =	vmul.f32 v0, v0;
	v25 =	vadd.f32 v3, v2;
	v19 =	vmul.f32 v14, v14  }
0x49: {  	v22 =	vmax.f32 v2, v3;
	v27 =	vmul.f32 v3, v3;
	v24 =	vmul.f32 v8, v8  }
0x4a: {  	s0 =	simm.s32 $0x100;
	v26 =	vadd.f32 v15, v23;
	v2 =	vimm.f32 $0.0e+00;
	v3 =	vimm.f32 $0.0e+00  }
.LBB2_2:
0x4b: {  	s18 =	sshra.s32 s0, $0x2;
	p0 =	sne.s32 s0, $0x7F00;
	s0 =	sadd.s32 $0x100, s0;
	v28 =	vmul.f32 v20, v20;
	v29 =	vmul.f32 v16, v16;
	v25 =	vadd.f32 v8, v25  }
0x4c: {  	v31 =	vadd.f32 v14, v20;
	v21 =	vadd.f32 v27, v21;
	v27 =	vmul.f32 v15, v15;
	v30 =	vld [tilespmem:s18+$0x4620]  }
0x4d: {  	v34 =	vmul.f32 v10, v10;
	v26 =	vadd.f32 v11, v26;
	v32 =	vld [tilespmem:s18+$0x4630];
	v33 =	vadd.f32 v18, v16  }
0x4e: {  	v16 =	vmax.f32 v16, v18;
	v21 =	vadd.f32 v24, v21;
	v17 =	vadd.f32 v27, v17;
	v35 =	vld [tilespmem:s18+$0x630]  }
0x4f: {  	v14 =	vmax.f32 v20, v14;
	v20 =	vadd.f32 v0, v31;
	v1 =	vadd.f32 v26, v1;
	v24 =	vld [tilespmem:s18+$0x620]  }
0x50: {  	v14 =	vmax.f32 v14, v0;
	v19 =	vadd.f32 v19, v28;
	v9 =	vadd.f32 v25, v9;
	v0 =	vld [tilespmem:s18+$0x4600]  }
0x51: {  	v15 =	vmax.f32 v23, v15;
	v16 =	vmax.f32 v16, v10;
	v12 =	vadd.f32 v12, v17;
	v26 =	vld [tilespmem:s18+$0x2620];
	[tilespmem:s1+$0x18600] =	vst v14  }
0x52: {  	v11 =	vmax.f32 v15, v11;
	v23 =	vadd.f32 v13, v19;
	v13 =	vmul.f32 v18, v18;
	v14 =	vld [tilespmem:s18+$0x2600];
	[tilespmem:s1+$0x18610] =	vst v16  }
0x53: {  	v2 =	vadd.f32 v20, v2;
	v18 =	vmax.f32 v22, v8;
	v3 =	vadd.f32 v12, v3;
	v8 =	vmovc v30;
	v16 =	vld [tilespmem:s18+$0x610]  }
0x54: {  	v4 =	vadd.f32 v21, v4;
	v19 =	vadd.f32 v13, v29;
	v17 =	vmul.f32 v35, v35;
	v15 =	vld [tilespmem:s18+$0x2630];
	[tilespmem:s1+$0x18620] =	vst v18  }
.Ltmp0:
0x55: {  	v28 =	vadd.f32 v10, v33;
	v12 =	vmul.f32 v32, v32;
	v21 =	vmul.f32 v24, v24;
	v20 =	vld [tilespmem:s18+$0x600];
	[tilespmem:s1+$0x18630] =	vst v11;
	s1 =	smov.u32 s18;
	(pc) =	sbr.rel @p0 .LBB2_2-.Ltmp0, $4  }
0x56: {  	v29 =	vadd.f32 v34, v19;
	v13 =	vmul.f32 v0, v0;
	v11 =	vmovc v32;
	v10 =	vld [tilespmem:s1+$0x4610];
	v25 =	vadd.f32 v26, v24  }
0x57: {  	v5 =	vadd.f32 v23, v5;
	v23 =	vmovc v35;
	v22 =	vmax.f32 v24, v26;
	v19 =	vmul.f32 v14, v14;
	v18 =	vld [tilespmem:s1+$0x2610]  }
0x58: {  	v6 =	vadd.f32 v28, v6;
	v7 =	vadd.f32 v29, v7;
	v27 =	vmul.f32 v26, v26  }
0x59: {  	v24 =	vmul.f32 v30, v8;
	v26 =	vadd.f32 v15, v23  }
0x5a: {  	v28 =	vmax.f32 v20, v14;
	v22 =	vmax.f32 v22, v8  }
0x5b: {  	v23 =	vmax.f32 v23, v15;
	v28 =	vmax.f32 v28, v0;
	[tilespmem:s1+$0x18620] =	vst v22  }
0x5c: {  	v23 =	vmax.f32 v23, v11;
	v29 =	vmax.f32 v16, v18;
	[tilespmem:s1+$0x18600] =	vst v28  }
0x5d: {  	[tilespmem:s1+$0x18630] =	vst v23;
	v28 =	vmax.f32 v29, v10  }
0x5e: {  	s0 =	simm.s32 $0x0;
	[tilespmem:s1+$0x18610] =	vst v28  }
0x5f: {  	[hbm4b:s6+s0] =	stream.linear.scatter [tilespmem:s24], [sflag:$0x5], $0x2000, $0x38;
	[tilespmem:$0x1A680] =	vst v63  }
0x60: {  	_ =	swait.ge [sflag:s14], $0x2000  }
0x61: {  	[sflag:s14] =	ssyncset.done $0x0  }
0x62: {  	[sflag:s14] =	ssyncadd.s32 $0xFFFFE000  }
0x63: {  	_ =	swait.ge [sflag:s25], $0x2000  }
0x64: {  	[sflag:s25] =	ssyncset.done $0x0  }
0x65: {  	[sflag:s25] =	ssyncadd.s32 $0xFFFFE000  }
0x66: {  	_ =	swait.ge [sflag:s25], $0x2000  }
0x67: {  	[sflag:s25] =	ssyncset.done $0x0  }
0x68: {  	[sflag:s25] =	ssyncadd.s32 $0xFFFFE000  }
0x69: {  	_ =	swait.ge [sflag:s25], $0x2000  }
0x6a: {  	[sflag:s25] =	ssyncset.done $0x0  }
0x6b: {  	v21 =	vadd.f32 v27, v21;
	s1 =	simm.s32 $0x0;
	[sflag:s25] =	ssyncadd.s32 $0xFFFFE000  }
0x6c: {  	v14 =	vadd.f32 v14, v20;
	v15 =	vmul.f32 v15, v15;
	v22 =	vadd.f32 v8, v25;
	v8 =	vld [tilespmem:s1+$0xA620]  }
0x6d: {  	v20 =	vmul.f32 v20, v20;
	v25 =	vadd.f32 v11, v26;
	v24 =	vadd.f32 v24, v21;
	v11 =	vld [tilespmem:s1+$0xA630]  }
0x6e: {  	v15 =	vadd.f32 v15, v17;
	v14 =	vadd.f32 v0, v14;
	v21 =	vld [tilespmem:s1+$0x6630]  }
0x6f: {  	v17 =	vadd.f32 v19, v20;
	v0 =	vadd.f32 v25, v1;
	v26 =	vld [tilespmem:s1+$0x6620]  }
0x70: {  	v1 =	vadd.f32 v22, v9;
	v12 =	vadd.f32 v12, v15;
	v9 =	vld [tilespmem:s1+$0xA600]  }
0x71: {  	v23 =	vadd.f32 v18, v16;
	v16 =	vmul.f32 v16, v16;
	v15 =	vmul.f32 v18, v18;
	v27 =	vld [tilespmem:s1+$0x8620]  }
0x72: {  	v17 =	vadd.f32 v13, v17;
	v3 =	vadd.f32 v12, v3;
	v12 =	vld [tilespmem:s1+$0x8600]  }
0x73: {  	v2 =	vadd.f32 v14, v2;
	v14 =	vmul.f32 v10, v10;
	v15 =	vadd.f32 v15, v16;
	v13 =	vld [tilespmem:s1+$0x8630]  }
0x74: {  	v4 =	vadd.f32 v24, v4;
	v10 =	vadd.f32 v10, v23;
	v16 =	vld [tilespmem:s1+$0x6610]  }
0x75: {  	v5 =	vadd.f32 v17, v5;
	v14 =	vadd.f32 v14, v15;
	v19 =	vld [tilespmem:s1+$0x6600]  }
0x76: {  	v6 =	vadd.f32 v10, v6;
	v10 =	vld [tilespmem:s1+$0xA610];
	v18 =	vmul.f32 v21, v21;
	v22 =	vmul.f32 v26, v26  }
0x77: {  	v7 =	vadd.f32 v14, v7;
	v17 =	vld [tilespmem:s1+$0x8610];
	v14 =	vmul.f32 v11, v11;
	v15 =	vmul.f32 v9, v9  }
0x78: {  	v25 =	vadd.f32 v27, v26;
	v20 =	vmul.f32 v12, v12;
	v23 =	vmax.f32 v26, v27  }
0x79: {  	s0 =	simm.s32 $0x100;
	v27 =	vmul.f32 v27, v27;
	v24 =	vmul.f32 v8, v8;
	v26 =	vadd.f32 v13, v21  }
.LBB2_4:
0x7a: {  	s18 =	sshra.s32 s0, $0x2;
	p0 =	sne.s32 s0, $0x7F00;
	s0 =	sadd.s32 $0x100, s0;
	v28 =	vmul.f32 v19, v19;
	v29 =	vmul.f32 v16, v16;
	v25 =	vadd.f32 v8, v25  }
0x7b: {  	v31 =	vadd.f32 v12, v19;
	v22 =	vadd.f32 v27, v22;
	v27 =	vmul.f32 v13, v13;
	v30 =	vld [tilespmem:s18+$0xA620]  }
0x7c: {  	v34 =	vmul.f32 v10, v10;
	v26 =	vadd.f32 v11, v26;
	v32 =	vld [tilespmem:s18+$0xA630];
	v33 =	vadd.f32 v17, v16  }
0x7d: {  	v16 =	vmax.f32 v16, v17;
	v22 =	vadd.f32 v24, v22;
	v18 =	vadd.f32 v27, v18;
	v35 =	vld [tilespmem:s18+$0x6630]  }
0x7e: {  	v12 =	vmax.f32 v19, v12;
	v19 =	vadd.f32 v9, v31;
	v0 =	vadd.f32 v26, v0;
	v24 =	vld [tilespmem:s18+$0x6620]  }
0x7f: {  	v12 =	vmax.f32 v12, v9;
	v20 =	vadd.f32 v20, v28;
	v1 =	vadd.f32 v25, v1;
	v9 =	vld [tilespmem:s18+$0xA600]  }
0x80: {  	v13 =	vmax.f32 v21, v13;
	v16 =	vmax.f32 v16, v10;
	v14 =	vadd.f32 v14, v18;
	v26 =	vld [tilespmem:s18+$0x8620];
	[tilespmem:s1+$0x18600] =	vst v12  }
0x81: {  	v11 =	vmax.f32 v13, v11;
	v21 =	vadd.f32 v15, v20;
	v15 =	vmul.f32 v17, v17;
	v12 =	vld [tilespmem:s18+$0x8600];
	[tilespmem:s1+$0x18610] =	vst v16  }
0x82: {  	v2 =	vadd.f32 v19, v2;
	v17 =	vmax.f32 v23, v8;
	v3 =	vadd.f32 v14, v3;
	v8 =	vmovc v30;
	v16 =	vld [tilespmem:s18+$0x6610]  }
0x83: {  	v4 =	vadd.f32 v22, v4;
	v20 =	vadd.f32 v15, v29;
	v18 =	vmul.f32 v35, v35;
	v13 =	vld [tilespmem:s18+$0x8630];
	[tilespmem:s1+$0x18620] =	vst v17  }
.Ltmp1:
0x84: {  	v28 =	vadd.f32 v10, v33;
	v14 =	vmul.f32 v32, v32;
	v22 =	vmul.f32 v24, v24;
	v19 =	vld [tilespmem:s18+$0x6600];
	[tilespmem:s1+$0x18630] =	vst v11;
	s1 =	smov.u32 s18;
	(pc) =	sbr.rel @p0 .LBB2_4-.Ltmp1, $4  }
0x85: {  	v29 =	vadd.f32 v34, v20;
	v15 =	vmul.f32 v9, v9;
	v11 =	vmovc v32;
	v10 =	vld [tilespmem:s1+$0xA610];
	v25 =	vadd.f32 v26, v24  }
0x86: {  	v5 =	vadd.f32 v21, v5;
	v21 =	vmovc v35;
	v23 =	vmax.f32 v24, v26;
	v20 =	vmul.f32 v12, v12;
	v17 =	vld [tilespmem:s1+$0x8610]  }
0x87: {  	v6 =	vadd.f32 v28, v6;
	v7 =	vadd.f32 v29, v7;
	v27 =	vmul.f32 v26, v26  }
0x88: {  	v24 =	vmul.f32 v30, v8;
	v26 =	vadd.f32 v13, v21  }
0x89: {  	v28 =	vmax.f32 v19, v12;
	v23 =	vmax.f32 v23, v8  }
0x8a: {  	v21 =	vmax.f32 v21, v13;
	v28 =	vmax.f32 v28, v9;
	[tilespmem:s1+$0x18620] =	vst v23  }
0x8b: {  	v21 =	vmax.f32 v21, v11;
	v29 =	vmax.f32 v16, v17;
	[tilespmem:s1+$0x18600] =	vst v28  }
0x8c: {  	[tilespmem:s1+$0x18630] =	vst v21;
	v28 =	vmax.f32 v29, v10  }
0x8d: {  	s0 =	simm.s32 $0x0;
	[tilespmem:s1+$0x18610] =	vst v28  }
0x8e: {  	[hbm4b:s8+s0] =	stream.linear.scatter [tilespmem:s24], [sflag:$0x5], $0x2000, $0x38;
	[tilespmem:$0x1A680] =	vst v63  }
0x8f: {  	_ =	swait.ge [sflag:s14], $0x2000  }
0x90: {  	[sflag:s14] =	ssyncset.done $0x0  }
0x91: {  	[sflag:s14] =	ssyncadd.s32 $0xFFFFE000  }
0x92: {  	_ =	swait.ge [sflag:s26], $0x2000  }
0x93: {  	[sflag:s26] =	ssyncset.done $0x0  }
0x94: {  	[sflag:s26] =	ssyncadd.s32 $0xFFFFE000  }
0x95: {  	_ =	swait.ge [sflag:s26], $0x2000  }
0x96: {  	[sflag:s26] =	ssyncset.done $0x0  }
0x97: {  	[sflag:s26] =	ssyncadd.s32 $0xFFFFE000  }
0x98: {  	_ =	swait.ge [sflag:s26], $0x2000  }
0x99: {  	[sflag:s26] =	ssyncset.done $0x0  }
0x9a: {  	s1 =	simm.s32 $0x0;
	[sflag:s26] =	ssyncadd.s32 $0xFFFFE000  }
0x9b: {  	v23 =	vadd.f32 v8, v25;
	v21 =	vadd.f32 v27, v22;
	v8 =	vld [tilespmem:s1+$0x10620]  }
0x9c: {  	v13 =	vmul.f32 v13, v13;
	v11 =	vadd.f32 v11, v26;
	v22 =	vadd.f32 v12, v19;
	v12 =	vld [tilespmem:s1+$0x10630]  }
0x9d: {  	v25 =	vadd.f32 v17, v16;
	v19 =	vmul.f32 v19, v19;
	v24 =	vadd.f32 v24, v21;
	v21 =	vld [tilespmem:s1+$0xC630]  }
0x9e: {  	v13 =	vadd.f32 v13, v18;
	v0 =	vadd.f32 v11, v0;
	v26 =	vld [tilespmem:s1+$0xC620]  }
0x9f: {  	v16 =	vmul.f32 v16, v16;
	v18 =	vadd.f32 v9, v22;
	v11 =	vadd.f32 v20, v19;
	v9 =	vld [tilespmem:s1+$0x10600]  }
0xa0: {  	v1 =	vadd.f32 v23, v1;
	v13 =	vadd.f32 v14, v13;
	v14 =	vmul.f32 v17, v17;
	v27 =	vld [tilespmem:s1+$0xE620]  }
0xa1: {  	v17 =	vmul.f32 v10, v10;
	v10 =	vadd.f32 v10, v25;
	v15 =	vadd.f32 v15, v11;
	v11 =	vld [tilespmem:s1+$0xE600]  }
0xa2: {  	v3 =	vadd.f32 v13, v3;
	v14 =	vadd.f32 v14, v16;
	v13 =	vld [tilespmem:s1+$0xE630]  }
0xa3: {  	v2 =	vadd.f32 v18, v2;
	v4 =	vadd.f32 v24, v4;
	v16 =	vld [tilespmem:s1+$0xC610]  }
0xa4: {  	v6 =	vadd.f32 v10, v6;
	v14 =	vadd.f32 v17, v14;
	v19 =	vld [tilespmem:s1+$0xC600]  }
0xa5: {  	v5 =	vadd.f32 v15, v5;
	v10 =	vld [tilespmem:s1+$0x10610];
	v18 =	vmul.f32 v21, v21;
	v22 =	vmul.f32 v26, v26  }
0xa6: {  	v7 =	vadd.f32 v14, v7;
	v17 =	vld [tilespmem:s1+$0xE610];
	v14 =	vmul.f32 v12, v12;
	v15 =	vmul.f32 v9, v9  }
0xa7: {  	v25 =	vadd.f32 v27, v26;
	v20 =	vmul.f32 v11, v11;
	v23 =	vmax.f32 v26, v27  }
0xa8: {  	s0 =	simm.s32 $0x100;
	v27 =	vmul.f32 v27, v27;
	v24 =	vmul.f32 v8, v8;
	v26 =	vadd.f32 v13, v21  }
.LBB2_6:
0xa9: {  	s18 =	sshra.s32 s0, $0x2;
	p0 =	sne.s32 s0, $0x7F00;
	s0 =	sadd.s32 $0x100, s0;
	v28 =	vmul.f32 v19, v19;
	v29 =	vmul.f32 v16, v16;
	v25 =	vadd.f32 v8, v25  }
0xaa: {  	v31 =	vadd.f32 v11, v19;
	v22 =	vadd.f32 v27, v22;
	v27 =	vmul.f32 v13, v13;
	v30 =	vld [tilespmem:s18+$0x10620]  }
0xab: {  	v34 =	vmul.f32 v10, v10;
	v26 =	vadd.f32 v12, v26;
	v32 =	vld [tilespmem:s18+$0x10630];
	v33 =	vadd.f32 v17, v16  }
0xac: {  	v16 =	vmax.f32 v16, v17;
	v22 =	vadd.f32 v24, v22;
	v18 =	vadd.f32 v27, v18;
	v35 =	vld [tilespmem:s18+$0xC630]  }
0xad: {  	v11 =	vmax.f32 v19, v11;
	v19 =	vadd.f32 v9, v31;
	v0 =	vadd.f32 v26, v0;
	v24 =	vld [tilespmem:s18+$0xC620]  }
0xae: {  	v11 =	vmax.f32 v11, v9;
	v20 =	vadd.f32 v20, v28;
	v1 =	vadd.f32 v25, v1;
	v9 =	vld [tilespmem:s18+$0x10600]  }
0xaf: {  	v13 =	vmax.f32 v21, v13;
	v16 =	vmax.f32 v16, v10;
	v14 =	vadd.f32 v14, v18;
	v26 =	vld [tilespmem:s18+$0xE620];
	[tilespmem:s1+$0x18600] =	vst v11  }
0xb0: {  	v12 =	vmax.f32 v13, v12;
	v21 =	vadd.f32 v15, v20;
	v15 =	vmul.f32 v17, v17;
	v11 =	vld [tilespmem:s18+$0xE600];
	[tilespmem:s1+$0x18610] =	vst v16  }
0xb1: {  	v2 =	vadd.f32 v19, v2;
	v17 =	vmax.f32 v23, v8;
	v3 =	vadd.f32 v14, v3;
	v8 =	vmovc v30;
	v16 =	vld [tilespmem:s18+$0xC610]  }
0xb2: {  	v4 =	vadd.f32 v22, v4;
	v20 =	vadd.f32 v15, v29;
	v18 =	vmul.f32 v35, v35;
	v13 =	vld [tilespmem:s18+$0xE630];
	[tilespmem:s1+$0x18620] =	vst v17  }
.Ltmp2:
0xb3: {  	v28 =	vadd.f32 v10, v33;
	v14 =	vmul.f32 v32, v32;
	v22 =	vmul.f32 v24, v24;
	v19 =	vld [tilespmem:s18+$0xC600];
	[tilespmem:s1+$0x18630] =	vst v12;
	s1 =	smov.u32 s18;
	(pc) =	sbr.rel @p0 .LBB2_6-.Ltmp2, $4  }
0xb4: {  	v29 =	vadd.f32 v34, v20;
	v15 =	vmul.f32 v9, v9;
	v12 =	vmovc v32;
	v10 =	vld [tilespmem:s1+$0x10610];
	v25 =	vadd.f32 v26, v24  }
0xb5: {  	v5 =	vadd.f32 v21, v5;
	v21 =	vmovc v35;
	v23 =	vmax.f32 v24, v26;
	v20 =	vmul.f32 v11, v11;
	v17 =	vld [tilespmem:s1+$0xE610]  }
0xb6: {  	v6 =	vadd.f32 v28, v6;
	v7 =	vadd.f32 v29, v7;
	v27 =	vmul.f32 v26, v26  }
0xb7: {  	v24 =	vmul.f32 v30, v8;
	v26 =	vadd.f32 v13, v21  }
0xb8: {  	v28 =	vmax.f32 v19, v11;
	v23 =	vmax.f32 v23, v8  }
0xb9: {  	v21 =	vmax.f32 v21, v13;
	v28 =	vmax.f32 v28, v9;
	[tilespmem:s1+$0x18620] =	vst v23  }
0xba: {  	v21 =	vmax.f32 v21, v12;
	v29 =	vmax.f32 v16, v17;
	[tilespmem:s1+$0x18600] =	vst v28  }
0xbb: {  	[tilespmem:s1+$0x18630] =	vst v21;
	v28 =	vmax.f32 v29, v10  }
0xbc: {  	s0 =	simm.s32 $0x0;
	[tilespmem:s1+$0x18610] =	vst v28  }
0xbd: {  	[hbm4b:s9+s0] =	stream.linear.scatter [tilespmem:s24], [sflag:$0x5], $0x2000, $0x38;
	[tilespmem:$0x1A680] =	vst v63  }
0xbe: {  	_ =	swait.ge [sflag:s14], $0x2000  }
0xbf: {  	[sflag:s14] =	ssyncset.done $0x0  }
0xc0: {  	[sflag:s14] =	ssyncadd.s32 $0xFFFFE000  }
0xc1: {  	_ =	swait.ge [sflag:s28], $0x2000  }
0xc2: {  	[sflag:s28] =	ssyncset.done $0x0  }
0xc3: {  	[sflag:s28] =	ssyncadd.s32 $0xFFFFE000  }
0xc4: {  	_ =	swait.ge [sflag:s28], $0x2000  }
0xc5: {  	[sflag:s28] =	ssyncset.done $0x0  }
0xc6: {  	[sflag:s28] =	ssyncadd.s32 $0xFFFFE000  }
0xc7: {  	_ =	swait.ge [sflag:s28], $0x2000  }
0xc8: {  	[sflag:s28] =	ssyncset.done $0x0  }
0xc9: {  	v21 =	vadd.f32 v8, v25;
	v8 =	vadd.f32 v27, v22;
	s1 =	simm.s32 $0x0;
	[sflag:s28] =	ssyncadd.s32 $0xFFFFE000  }
0xca: {  	v13 =	vmul.f32 v13, v13;
	v22 =	vadd.f32 v11, v19;
	v11 =	vld [tilespmem:s1+$0x16620]  }
0xcb: {  	v12 =	vadd.f32 v12, v26;
	v19 =	vmul.f32 v19, v19;
	v24 =	vadd.f32 v24, v8;
	v8 =	vld [tilespmem:s1+$0x16630]  }
0xcc: {  	v23 =	vadd.f32 v17, v16;
	v13 =	vadd.f32 v13, v18;
	v18 =	vld [tilespmem:s1+$0x12630]  }
0xcd: {  	v16 =	vmul.f32 v16, v16;
	v0 =	vadd.f32 v12, v0;
	v19 =	vadd.f32 v20, v19;
	v25 =	vld [tilespmem:s1+$0x12620]  }
0xce: {  	v9 =	vadd.f32 v9, v22;
	v13 =	vadd.f32 v14, v13;
	v14 =	vmul.f32 v17, v17;
	v12 =	vld [tilespmem:s1+$0x16600]  }
0xcf: {  	v15 =	vadd.f32 v15, v19;
	v27 =	vld [tilespmem:s1+$0x14620]  }
0xd0: {  	v17 =	vmul.f32 v10, v10;
	v9 =	vadd.f32 v9, v2;
	v16 =	vadd.f32 v14, v16;
	v14 =	vld [tilespmem:s1+$0x14600]  }
0xd1: {  	v2 =	vadd.f32 v13, v3;
	v3 =	vadd.f32 v24, v4;
	v13 =	vld [tilespmem:s1+$0x14630]  }
0xd2: {  	v4 =	vadd.f32 v10, v23;
	v17 =	vadd.f32 v17, v16;
	v16 =	vld [tilespmem:s1+$0x12610]  }
0xd3: {  	v1 =	vadd.f32 v21, v1;
	v10 =	vadd.f32 v15, v5;
	v20 =	vld [tilespmem:s1+$0x12600]  }
0xd4: {  	v4 =	vadd.f32 v4, v6;
	v6 =	vld [tilespmem:s1+$0x16610];
	v15 =	vmul.f32 v18, v18;
	v23 =	vmul.f32 v25, v25  }
0xd5: {  	v5 =	vadd.f32 v17, v7;
	v19 =	vld [tilespmem:s1+$0x14610];
	v7 =	vmul.f32 v8, v8;
	v17 =	vmul.f32 v12, v12  }
0xd6: {  	v26 =	vadd.f32 v27, v25;
	v22 =	vmul.f32 v14, v14;
	v21 =	vmax.f32 v25, v27  }
0xd7: {  	s0 =	simm.s32 $0x100;
	v27 =	vmul.f32 v27, v27;
	v25 =	vmul.f32 v11, v11;
	v24 =	vadd.f32 v13, v18  }
.LBB2_8:
0xd8: {  	s18 =	sshra.s32 s0, $0x2;
	p0 =	sne.s32 s0, $0x7F00;
	s0 =	sadd.s32 $0x100, s0;
	v28 =	vmul.f32 v20, v20;
	v29 =	vmul.f32 v16, v16;
	v26 =	vadd.f32 v11, v26  }
0xd9: {  	v31 =	vadd.f32 v14, v20;
	v23 =	vadd.f32 v27, v23;
	v27 =	vmul.f32 v13, v13;
	v30 =	vld [tilespmem:s18+$0x16620]  }
0xda: {  	v34 =	vmul.f32 v6, v6;
	v24 =	vadd.f32 v8, v24;
	v32 =	vld [tilespmem:s18+$0x16630];
	v33 =	vadd.f32 v19, v16  }
0xdb: {  	v16 =	vmax.f32 v16, v19;
	v23 =	vadd.f32 v25, v23;
	v15 =	vadd.f32 v27, v15;
	v35 =	vld [tilespmem:s18+$0x12630]  }
0xdc: {  	v14 =	vmax.f32 v20, v14;
	v20 =	vadd.f32 v12, v31;
	v0 =	vadd.f32 v24, v0;
	v25 =	vld [tilespmem:s18+$0x12620]  }
0xdd: {  	v14 =	vmax.f32 v14, v12;
	v22 =	vadd.f32 v22, v28;
	v1 =	vadd.f32 v26, v1;
	v12 =	vld [tilespmem:s18+$0x16600]  }
0xde: {  	v13 =	vmax.f32 v18, v13;
	v16 =	vmax.f32 v16, v6;
	v7 =	vadd.f32 v7, v15;
	v24 =	vld [tilespmem:s18+$0x14620];
	[tilespmem:s1+$0x18600] =	vst v14  }
0xdf: {  	v8 =	vmax.f32 v13, v8;
	v18 =	vadd.f32 v17, v22;
	v17 =	vmul.f32 v19, v19;
	v14 =	vld [tilespmem:s18+$0x14600];
	[tilespmem:s1+$0x18610] =	vst v16  }
0xe0: {  	v9 =	vadd.f32 v20, v9;
	v19 =	vmax.f32 v21, v11;
	v2 =	vadd.f32 v7, v2;
	v11 =	vmovc v30;
	v16 =	vld [tilespmem:s18+$0x12610]  }
0xe1: {  	v3 =	vadd.f32 v23, v3;
	v21 =	vadd.f32 v17, v29;
	v15 =	vmul.f32 v35, v35;
	v13 =	vld [tilespmem:s18+$0x14630];
	[tilespmem:s1+$0x18620] =	vst v19  }
.Ltmp3:
0xe2: {  	v28 =	vadd.f32 v6, v33;
	v7 =	vmul.f32 v32, v32;
	v23 =	vmul.f32 v25, v25;
	v20 =	vld [tilespmem:s18+$0x12600];
	[tilespmem:s1+$0x18630] =	vst v8;
	s1 =	smov.u32 s18;
	(pc) =	sbr.rel @p0 .LBB2_8-.Ltmp3, $4  }
0xe3: {  	v29 =	vadd.f32 v34, v21;
	v17 =	vmul.f32 v12, v12;
	v8 =	vmovc v32;
	v6 =	vld [tilespmem:s1+$0x16610];
	v26 =	vadd.f32 v24, v25  }
0xe4: {  	v10 =	vadd.f32 v18, v10;
	v18 =	vmovc v35;
	v21 =	vmax.f32 v25, v24;
	v22 =	vmul.f32 v14, v14;
	v19 =	vld [tilespmem:s1+$0x14610]  }
0xe5: {  	v4 =	vadd.f32 v28, v4;
	v5 =	vadd.f32 v29, v5;
	v27 =	vmul.f32 v24, v24  }
0xe6: {  	v25 =	vmul.f32 v30, v11;
	v24 =	vadd.f32 v13, v18  }
0xe7: {  	v28 =	vmax.f32 v20, v14;
	v21 =	vmax.f32 v21, v11  }
0xe8: {  	v18 =	vmax.f32 v18, v13;
	v28 =	vmax.f32 v28, v12;
	[tilespmem:s1+$0x18620] =	vst v21  }
0xe9: {  	v30 =	vmul.f32 v20, v20;
	v18 =	vmax.f32 v18, v8;
	v29 =	vmax.f32 v16, v19;
	[tilespmem:s1+$0x18600] =	vst v28  }
0xea: {  	v47 =	vadd.f32 v11, v26;
	v48 =	vadd.f32 v14, v20;
	[tilespmem:s1+$0x18630] =	vst v18;
	v45 =	vmax.f32 v29, v6  }
0xeb: {  	v49 =	vadd.f32 v27, v23;
	v50 =	vadd.f32 v22, v30;
	[tilespmem:s1+$0x18610] =	vst v45  }
0xec: {  	v52 =	vadd.f32 v19, v16;
	v53 =	vadd.f32 v12, v48;
	[hbm4b:s10+s2] =	stream.linear.scatter [tilespmem:s24], [sflag:$0x5], $0x2000, $0x38;
	[tilespmem:$0x1A680] =	vst v63  }
0xed: {  	v46 =	vmul.f32 v16, v16;
	v61 =	vadd.f32 v8, v24;
	v17 =	vadd.f32 v17, v50;
	_ =	swait.ge [sflag:s14], $0x2000  }
0xee: {  	v57 =	vmul.f32 v13, v13;
	v9 =	vadd.f32 v53, v9;
	v56 =	vadd.f32 v6, v52;
	[sflag:s14] =	ssyncset.done $0x0  }
0xef: {  	v51 =	vmul.f32 v19, v19;
	v59 =	vadd.f32 v25, v49;
	v10 =	vadd.f32 v17, v10;
	[sflag:s14] =	ssyncadd.s32 $0xFFFFE000  }
0xf0: {  	v60 =	vadd.f32 v57, v15;
	v4 =	vadd.f32 v56, v4;
	[tilespmem:$0x1A600] =	vst v9  }
0xf1: {  	v54 =	vmul.f32 v6, v6;
	v1 =	vadd.f32 v47, v1;
	v55 =	vadd.f32 v51, v46;
	[tilespmem:$0x1A640] =	vst v10  }
0xf2: {  	v62 =	vadd.f32 v7, v60;
	v3 =	vadd.f32 v59, v3;
	[tilespmem:$0x1A610] =	vst v4  }
0xf3: {  	v0 =	vadd.f32 v61, v0;
	v58 =	vadd.f32 v54, v55;
	[tilespmem:$0x1A620] =	vst v1  }
0xf4: {  	v63 =	vadd.f32 v62, v2;
	[tilespmem:$0x1A660] =	vst v3  }
0xf5: {  	v5 =	vadd.f32 v58, v5;
	[tilespmem:$0x1A630] =	vst v0  }
0xf6: {  	[tilespmem:$0x1A670] =	vst v63  }
0xf7: {  	[tilespmem:$0x1A650] =	vst v5  }
0xf8: {  	[hbm4b:s11+s2] =	stream.linear.scatter [tilespmem:s29], [sflag:$0x5], $0x40, $0x38;
	[tilespmem:$0x1A680] =	vst v63  }
0xf9: {  	s31 =	sadd.s32 $0x1, s31;
	_ =	swait.ge [sflag:s14], $0x40  }
0xfa: {  	p0 =	sne.s32 s31, s13;
	[sflag:s14] =	ssyncset.done $0x0  }
.Ltmp4:
0xfb: {  	[sflag:s14] =	ssyncadd.s32 $0xFFFFFFC0;
	(pc) =	sbr.rel @p0 .LBB2_1-.Ltmp4, $4  }
0xfc: {  	[hbm4b:s12+s2] =	stream.linear.scatter [tilespmem:s30], [sflag:$0x5], $0x40, $0x38;
	[tilespmem:$0x1A680] =	vst v63  }
0xfd: {  	_ =	swait.ge [sflag:s14], $0x40  }
0xfe: {  	[sflag:s14] =	ssyncset.done $0x0  }
0xff: {  	[sflag:s14] =	ssyncadd.s32 $0xFFFFFFC0  }
0x100: {  	_ =	sfence.sel $0x180000  }
0x101: {  	[bflag:$0x0] =	sbarrier.arrive $0xFFFF  }
0x102: {  	_ =	strace $0x9000004A  }
0x103: {  	s0 =	stileid.u32;
	[bflag:$0x2] =	sbarrier.arrive $0xFFFF  }
0x104: {  	p0 =	sne.s32 s0, $0x0;
	s0 =	rddreg [dreg:$0x2]  }
0x105: {  	s0 =	sadd.s32 @!p0 $0x100000, s0  }
0x106: {  	[sflag:s0] =	ssyncadd.tile.s32 @!p0 $0x1;
	_ =	shalt  }
.Lfunc_end2:
_tile_overlayer_lowered:
.L_overlay_start_2:
0x107: {  	(tag) =	ssettag $0x2  }
0x108: {  	s0 =	rddreg [dreg:$0x0];
	s2 =	stileid.u32  }
0x109: {  	s1 =	rddreg [dreg:$0x1];
	p0 =	sne.s32 s2, $0x0  }
0x10a: {  	s3 =	rddreg [dreg:$0x2];
	[bflag:$0x3] =	sbarrier.arrive $0xFFFF;
	s2 =	simm.s32 @!p0 $0x1C05  }
0x10b: {  	[timem:s3], [sflag:s2] =	dma.local @!p0 [hbm:s0], s1  }
0x10c: {  	s0 =	simm.s32 @!p0 $0x5  }
0x10d: {  	_ =	swait.ge @!p0 [sflag:s0], s1  }
0x10e: {  	s1 =	ssub.s32 @!p0 $0x0, s1;
	[sflag:s0] =	ssyncset.done @!p0 $0x0  }
0x10f: {  	[sflag:s0] =	ssyncadd.s32 @!p0 s1  }
0x110: {  	[bflag:$0x3] =	sbarrier.arrive $0xFFFF  }
0x111: {  	_ =	shalt  }

// kernel: kernel.8.cloned.1.call-start
scs
__scs_entry_jumppad:
0x0: {  	(pc) =	sbr.rel $0x88, $3  }
0x1: {  	(tag) =	ssettag $0x0;
	lr =	simm.s32 $0x1  }
0x2: {  	[smem:$0x3F97] =	sst lr;
	_ =	strace $0xD0000000  }
0x3: {  	_ = 	snop  }
0x4: {  	_ = 	snop  }
0x5: {  	_ = 	snop  }
0x6: {  	_ = 	snop  }
0x7: {  	_ = 	snop  }
__scs_overlays_trampoline_lowered:
0x8: {  	[smem:$0x3FA6] =	sst s0  }
0x9: {  	[smem:$0x3FA7] =	sst s1  }
0xa: {  	[smem:$0x3FA8] =	sst s2  }
0xb: {  	[smem:$0x3FA9] =	sst s3  }
0xc: {  	[smem:$0x3FAA] =	sst s4  }
0xd: {  	[smem:$0x3FAB] =	sst s5  }
0xe: {  	[smem:$0x3FAC] =	sst s6  }
0xf: {  	[smem:$0x3FAD] =	sst s7  }
0x10: {  	[smem:$0x3FAE] =	sst s8  }
0x11: {  	[smem:$0x3FAF] =	sst s9;
	s0 =	simm.s32 @!p0 $0x0  }
0x12: {  	s1 =	sld [smem:$0x3F95];
	s0 =	simm.s32 @p0 $0x1  }
0x13: {  	[smem:$0x3FB0] =	sst s0;
	s0 =	simm.s32 @!p1 $0x0  }
0x14: {  	s2 =	sld [smem:$0x3F94];
	s0 =	simm.s32 @p1 $0x1  }
0x15: {  	[smem:$0x3FB1] =	sst s0;
	s0 =	simm.s32 @!p2 $0x0  }
0x16: {  	s3 =	sld [smem:$0x3FDB];
	s0 =	simm.s32 @p2 $0x1  }
0x17: {  	s4 =	simm.s32 $0x1BF5;
	[smem:$0x3FB3] =	sst s0  }
0x18: {  	s0 =	sld [smem:$0x3F96];
	_ =	swait.ge [sflag:s4], $0x0  }
0x19: {  	s7 =	sld [smem:$0x3F97]  }
0x1a: {  	s8 =	sadd.s32 $0xFFFFE003, lr  }
0x1b: {  	s9 =	sadd.s32 $0xFFFFFEF7, lr;
	s5 =	simm.s32 $0xFFFFFFFF;
	p2 =	slt.u32 s8, $0xFFFFF086  }
0x1c: {  	p1 =	slt.u32 s9, $0xF7A;
	s5 =	simm.s32 @!p2 $0x0  }
0x1d: {  	s5 =	simm.s32 @p1 $0x1;
	p0 =	seq.s32 s7, s2  }
0x1e: {  	s7 =	smul.u32 @!p0 $0xF7A, s2;
	p2 =	seq.s32 @!p0 s5, $0x0  }
0x1f: {  	s9 =	smul.u32 $0xF7A, s1;
	s8 =	simm.s32 @!p0 $0x1BF5;
	p2 =	por !p2, p0  }
0x20: {  	[sflag:s8] =	ssyncset.s32 @!p0 $0xFFFFF086;
	s6 =	sadd.s32 @!p0 s3, s7;
	s7 =	simm.s32 @!p0 $0x108  }
0x21: {  	s3 =	sadd.s32 s3, s9;
	s6 =	sadd.s32 @!p0 $0x88, s6;
	s7 =	simm.s32 @p2 $0x1082  }
0x22: {  	[simem:s7], [sflag:s8] =	dma.local @!p0 [hbm:s6], $0xF7A  }
0x23: {  	s9 =	sor.u32 $0xD0000000, s2;
	s6 =	simm.s32 $0x108;
	_ =	swait.ge @!p0 [sflag:s8], $0x0  }
0x24: {  	s3 =	sadd.s32 $0x88, s3;
	s6 =	simm.s32 @!p1 $0x1082;
	[sflag:s4] =	ssyncset.s32 $0xFFFFF086  }
0x25: {  	[simem:s6], [sflag:s4] =	dma.local [hbm:s3], $0xF7A  }
0x26: {  	[smem:$0x3F97] =	sst s1;
	(tag) =	ssettag s2;
	_ =	strace s9  }
0x27: {  	s1 =	sld [smem:$0x3FA7]  }
0x28: {  	s2 =	sld [smem:$0x3FA8]  }
0x29: {  	s4 =	sld [smem:$0x3FAA]  }
0x2a: {  	p0 =	seq.s32 s5, $0x0;
	s5 =	sld [smem:$0x3FAB]  }
0x2b: {  	s6 =	sld [smem:$0x3FAC]  }
0x2c: {  	s7 =	sld [smem:$0x3FAD]  }
0x2d: {  	s3 =	simm.s32 $0x108;
	s8 =	sld [smem:$0x3FAE]  }
0x2e: {  	s3 =	simm.s32 @!p0 $0x1082;
	s9 =	sld [smem:$0x3FAF]  }
0x2f: {  	lr =	sadd.s32 s0, s3;
	s0 =	sld [smem:$0x3FA6]  }
0x30: {  	s3 =	sld [smem:$0x3FA9]  }
0x31: {  	[smem:$0x3FB2] =	sst s10  }
0x32: {  	s10 =	sld [smem:$0x3FB0];
	_ =	sdelay $0x3  }
0x33: {  	p0 =	seq.s32 s10, $0x1;
	s10 =	sld [smem:$0x3FB2];
	_ =	sdelay $0x3  }
0x34: {  	[smem:$0x3FB2] =	sst s10  }
0x35: {  	s10 =	sld [smem:$0x3FB1];
	_ =	sdelay $0x3  }
0x36: {  	p1 =	seq.s32 s10, $0x1;
	s10 =	sld [smem:$0x3FB2];
	_ =	sdelay $0x3  }
0x37: {  	[smem:$0x3FB2] =	sst s10  }
0x38: {  	s10 =	sld [smem:$0x3FB3]  }
0x39: {  	_ = 	snop;
	(pc) =	sbr.ind lr, $3  }
0x3a: {  	_ = 	snop  }
0x3b: {  	_ = 	snop  }
0x3c: {  	p2 =	seq.s32 s10, $0x1;
	s10 =	sld [smem:$0x3FB2]  }
0x3d: {  	_ =	shalt  }
0x3e: {  	_ =	shalt  }
0x3f: {  	_ =	shalt  }
0x40: {  	_ =	shalt  }
0x41: {  	_ =	shalt  }
0x42: {  	_ =	shalt  }
0x43: {  	_ =	shalt  }
0x44: {  	_ =	shalt  }
0x45: {  	_ =	shalt  }
0x46: {  	_ =	shalt  }
0x47: {  	_ =	shalt  }
0x48: {  	_ =	shalt  }
0x49: {  	_ =	shalt  }
0x4a: {  	_ =	shalt  }
0x4b: {  	_ =	shalt  }
0x4c: {  	_ =	shalt  }
0x4d: {  	_ =	shalt  }
0x4e: {  	_ =	shalt  }
0x4f: {  	_ =	shalt  }
0x50: {  	_ =	shalt  }
0x51: {  	_ =	shalt  }
0x52: {  	_ =	shalt  }
0x53: {  	_ =	shalt  }
0x54: {  	_ =	shalt  }
0x55: {  	_ =	shalt  }
0x56: {  	_ =	shalt  }
0x57: {  	_ =	shalt  }
0x58: {  	_ =	shalt  }
0x59: {  	_ =	shalt  }
0x5a: {  	_ =	shalt  }
0x5b: {  	_ =	shalt  }
0x5c: {  	_ =	shalt  }
0x5d: {  	_ =	shalt  }
0x5e: {  	_ =	shalt  }
0x5f: {  	_ =	shalt  }
0x60: {  	_ =	shalt  }
0x61: {  	_ =	shalt  }
0x62: {  	_ =	shalt  }
0x63: {  	_ =	shalt  }
0x64: {  	_ =	shalt  }
0x65: {  	_ =	shalt  }
0x66: {  	_ =	shalt  }
0x67: {  	_ =	shalt  }
0x68: {  	_ =	shalt  }
0x69: {  	_ =	shalt  }
0x6a: {  	_ =	shalt  }
0x6b: {  	_ =	shalt  }
0x6c: {  	_ =	shalt  }
0x6d: {  	_ =	shalt  }
0x6e: {  	_ =	shalt  }
0x6f: {  	_ =	shalt  }
0x70: {  	_ =	shalt  }
0x71: {  	_ =	shalt  }
0x72: {  	_ =	shalt  }
0x73: {  	_ =	shalt  }
0x74: {  	_ =	shalt  }
0x75: {  	_ =	shalt  }
0x76: {  	_ =	shalt  }
0x77: {  	_ =	shalt  }
0x78: {  	_ =	shalt  }
0x79: {  	_ =	shalt  }
0x7a: {  	_ =	shalt  }
0x7b: {  	_ =	shalt  }
0x7c: {  	_ =	shalt  }
0x7d: {  	_ =	shalt  }
0x7e: {  	_ =	shalt  }
0x7f: {  	_ =	shalt  }
0x80: {  	_ =	shalt  }
0x81: {  	_ =	shalt  }
0x82: {  	_ =	shalt  }
0x83: {  	_ =	shalt  }
0x84: {  	_ =	shalt  }
0x85: {  	_ =	shalt  }
0x86: {  	_ =	shalt  }
0x87: {  	_ =	shalt  }
.Lfunc_end0:
.L_simem_size_0:
called_computation_lowered:
.L_overlay_start_0:
0x88: {  	s2 =	sld [smem:$0x3FD9]  }
0x89: {  	s3 =	sld [smem:$0x3FFE];
	_ =	sdelay $0x1  }
0x8a: {  	s1 =	srdreg.scid  }
0x8b: {  	s0 =	sand.u32 $0x1, s1  }
0x8c: {  	s17 =	sshll.u32 s0, $0xA;
	s2 =	sadd.s32 s3, s2  }
0x8d: {  	s2 =	sadd.s32 s2, s17  }
0x8e: {  	[smem:$0x3FBE] =	sst s2  }
0x8f: {  	_ = 	snop  }
0x90: {  	s2 =	sld [smem:$0x3FD0];
	(tm) =	ssettm $0x1  }
0x91: {  	s18 =	sld [smem:$0x3FFB];
	_ =	sdelay $0x3  }
0x92: {  	_ =	strace s18  }
0x93: {  	s3 =	sld [smem:$0x3FFC];
	_ =	sdelay $0x3  }
0x94: {  	_ =	strace s3  }
0x95: {  	s3 =	sld [smem:$0x3FFD];
	_ =	sdelay $0x3  }
0x96: {  	_ =	strace s3  }
0x97: {  	_ =	strace $0x8FFFFFFF  }
0x98: {  	s19 =	sld [smem:$0x3FDB];
	_ =	sdelay $0x1  }
0x99: {  	s4 =	simm.s32 $_scs_section_size  }
0x9a: {  	s5 =	simm.s32 $_size__tile_overlayer_lowered;
	s6 =	simm.s32 $_tile_overlayer_lowered  }
0x9b: {  	s22 =	simm.s32 $0x1BFF;
	s21 =	sshll.u32 s6, $0x1;
	s3 =	sadd.s32 s4, s19  }
0x9c: {  	s7 =	simm.s32 $0x0;
	s20 =	sshll.u32 s5, $0x1;
	s5 =	sadd.s32 s21, s3  }
0x9d: {  	[timem:s7], [sflag:s22] =	dma.local [hbm:s5], s20  }
0x9e: {  	_ =	swait.ge [sflag:s22], s20  }
0x9f: {  	s4 =	ssub.s32 $0x0, s20;
	[sflag:s22] =	ssyncset.done $0x0  }
0xa0: {  	[sflag:s22] =	ssyncadd.s32 s4;
	_ =	sdelay $0x1  }
0xa1: {  	s23 =	simm.s32 $0x1B8B  }
0xa2: {  	_ =	swait.ge [sflag:s23], $0x1  }
0xa3: {  	[sflag:s23] =	ssyncset.done $0x0  }
0xa4: {  	s25 =	simm.s32 $0x1B8E;
	s24 =	sld [smem:$0x3FFE];
	[sflag:s23] =	ssyncadd.s32 $0xFFFFFFFF  }
0xa5: {  	s26 =	simm.s32 $execute0_lowered;
	[smem:$0x3FD2] =	sst s25  }
0xa6: {  	s5 =	sshll.u32 s26, $0x1;
	_ =	strace $0x80000046;
	[dreg:$0x1] =	wrdreg $0xFFFFFFFF  }
0xa7: {  	s28 =	simm.s32 $_size_execute0_lowered;
	s3 =	sadd.s32 s3, s5;
	[dreg:$0x0] =	wrdreg $0x0  }
0xa8: {  	s5 =	sshll.u32 s28, $0x1;
	[dreg:$0x2] =	wrdreg s3  }
0xa9: {  	[dreg:$0x3] =	wrdreg s5  }
0xaa: {  	[dreg:$0x4] =	wrdreg $0xC0  }
0xab: {  	_ =	task [dreg:s7], $0x5FFFF  }
0xac: {  	[dreg:$0x1] =	wrdreg $0xFFFFFFFF  }
0xad: {  	[dreg:$0x0] =	wrdreg $0x60  }
0xae: {  	[dreg:$0x2] =	wrdreg s24  }
0xaf: {  	[dreg:$0x3] =	wrdreg s2  }
0xb0: {  	[dreg:$0x4] =	wrdreg $0x9  }
0xb1: {  	_ =	task.clear_ibuf [dreg:s7], $0x5FFFF;
	_ =	strace $0x90000046  }
0xb2: {  	s29 =	simm.s32 $0x9;
	_ =	strace $0x80000048  }
0xb3: {  	_ =	swait.ge [sflag:s29], $0x1  }
0xb4: {  	[sflag:s29] =	ssyncadd.s32 $0xFFFFFFFF  }
0xb5: {  	_ =	strace $0x90000048  }
0xb6: {  	_ =	sfence  }
0xb7: {  	s30 =	sld [smem:$0x0];
	_ =	sdelay $0x2  }
0xb8: {  	s31 =	sshll.u32 s1, $0xD;
	s1 =	sshrl.u32 s1, $0x2  }
0xb9: {  	s3 =	sand.u32 $0x4000, s31;
	s1 =	sadd.s32 s1, s30  }
0xba: {  	s0 =	sor.u32 s3, s0;
	s1 =	sshll.u32 s1, $0x11  }
0xbb: {  	s0 =	sor.u32 s1, s0  }
0xbc: {  	s0 =	sadd.s32 $0x8F2B, s0  }
0xbd: {  	[sflag:s0] =	ssyncadd.remote.s32 $0x1  }
0xbe: {  	_ =	sfence.sel $0xFFFF  }
0xbf: {  	[dreg:$0x0] =	wrdreg $0xFFFFFFFF;
	(pc) =	sbr.abs _section_cstart, $3  }
0xc0: {  	[dreg:$0x1] =	wrdreg $0xFFFFFFFF  }
0xc1: {  	_ =	task.clear_ibuf [dreg:s7], $0x2FFFF;
	_ =	strace $0x9FFFFFFF  }
0xc2: {  	(tm) =	ssettm $0x7FFFFFFF  }
0xc3: {  	_ =	shalt  }
tec
execute0_lowered:
.L_overlay_start_1:
0x0: {  	(tag) =	ssettag $0x1  }
0x1: {  	s0 =	rddreg [dreg:$0x0];
	s3 =	simm.s32 $0x0;
	s2 =	srdreg.scid  }
0x2: {  	s1 =	stileid.u32;
	s13 =	simm.s32 $0x1;
	s14 =	simm.s32 $0x1000  }
0x3: {  	s15 =	simm.s32 $0x2000;
	s16 =	simm.s32 $0x3000;
	s17 =	simm.s32 $0x3090  }
0x4: {  	s18 =	simm.s32 $0x3120;
	s19 =	simm.s32 $0x31B0;
	s20 =	simm.s32 $0x3230  }
0x5: {  	s21 =	simm.s32 $0x32B0;
	s22 =	simm.s32 $0x0;
	s2 =	sand.u32 $0x1, s2  }
0x6: {  	[smem:$0x7FF] =	sst s3;
	s5 =	sshll.u32 s1, $0x5;
	s6 =	sshll.u32 s2, $0x4  }
0x7: {  	s4 =	sadd.s32 $0x2600, s0;
	s2 =	ssub.s32 $0x2, s2;
	s6 =	sor.u32 s6, s5  }
0x8: {  	s5 =	sadd.s32 $0x2400, s0;
	s31 =	sshrl.u32 s2, $0x1;
	s0 =	sadd.s32 s6, s0  }
0x9: {  	_ =	strace $0x80000047;
	s2 =	ssub.s32 s2, s31;
	s6 =	sadd.s32 $0x2200, s0  }
0xa: {  	s7 =	sadd.s32 $0x2000, s0;
	s8 =	sadd.s32 $0x1E00, s0;
	s9 =	sadd.s32 $0x2C00, s0  }
0xb: {  	v0 =	vlaneseq.u32;
	s10 =	sadd.s32 $0x2A00, s0;
	s11 =	sadd.s32 $0x2800, s0;
	s12 =	smax.u32 s2, $0x1  }
.LBB2_1:
0xc: {  	[tilespmem:s3], [sflag:$0x1] =	stream.linear.gather [hbm4b:s4+s3], $0x1000, $0x38;
	[tilespmem:$0x3330] =	vst v63  }
0xd: {  	_ =	swait.ge [sflag:s13], $0x1000  }
0xe: {  	[sflag:s13] =	ssyncset.done $0x0  }
0xf: {  	[sflag:s13] =	ssyncadd.s32 $0xFFFFF000  }
0x10: {  	[tilespmem:s14], [sflag:$0x1] =	stream.linear.gather [hbm4b:s5+s3], $0x1000, $0x38;
	[tilespmem:$0x3330] =	vst v63  }
0x11: {  	_ =	swait.ge [sflag:s13], $0x1000  }
0x12: {  	[sflag:s13] =	ssyncset.done $0x0  }
0x13: {  	[sflag:s13] =	ssyncadd.s32 $0xFFFFF000  }
0x14: {  	s0 =	rddreg [dreg:$0x1]  }
0x15: {  	[tilespmem:s15], [sflag:$0x1] =	stream.linear.gather [hbm4b:s0+s3], $0x1000, $0x38;
	[tilespmem:$0x3330] =	vst v63  }
0x16: {  	_ =	swait.ge [sflag:s13], $0x1000  }
0x17: {  	[sflag:s13] =	ssyncset.done $0x0  }
0x18: {  	[sflag:s13] =	ssyncadd.s32 $0xFFFFF000  }
0x19: {  	[tilespmem:s16], [sflag:$0x1] =	stream.linear.gather [hbm4b:s6+s3], $0x80, $0x38;
	[tilespmem:$0x3330] =	vst v63  }
0x1a: {  	_ =	swait.ge [sflag:s13], $0x80  }
0x1b: {  	[sflag:s13] =	ssyncset.done $0x0  }
0x1c: {  	[sflag:s13] =	ssyncadd.s32 $0xFFFFFF80  }
0x1d: {  	[tilespmem:s17], [sflag:$0x1] =	stream.linear.gather [hbm4b:s7+s3], $0x80, $0x38;
	[tilespmem:$0x3330] =	vst v63  }
0x1e: {  	_ =	swait.ge [sflag:s13], $0x80  }
0x1f: {  	[sflag:s13] =	ssyncset.done $0x0  }
0x20: {  	[sflag:s13] =	ssyncadd.s32 $0xFFFFFF80  }
0x21: {  	[tilespmem:s18], [sflag:$0x1] =	stream.linear.gather [hbm4b:s8+s3], $0x80, $0x38;
	[tilespmem:$0x3330] =	vst v63  }
0x22: {  	_ =	swait.ge [sflag:s13], $0x80  }
0x23: {  	[sflag:s13] =	ssyncset.done $0x0  }
0x24: {  	s23 =	simm.s32 $0x0;
	[sflag:s13] =	ssyncadd.s32 $0xFFFFFF80  }
.LBB2_2:
0x25: {  	v2 =	vld.msk [tilespmem:s23+$0x3000 ss:$0x0], $0xffff  }
0x26: {  	v3 =	vld.msk [tilespmem:s23+$0x3090 ss:$0x0], $0xffff  }
0x27: {  	v1 =	vld.msk [tilespmem:s23+$0x3120 ss:$0x0], $0xffff;
	s0 =	simm.s32 $0x1020  }
0x28: {  	s24 =	simm.s32 $0x20;
	v4 =	vld [tilespmem:s0+$0xFFFFFFE0]  }
0x29: {  	v6 =	vld [tilespmem:s24+$0x10]  }
0x2a: {  	v7 =	vld [tilespmem:s0+$0x10]  }
0x2b: {  	v8 =	vld [tilespmem:s0+$0x0]  }
0x2c: {  	v9 =	vld [tilespmem:s24+$0x0]  }
0x2d: {  	v10 =	vld [tilespmem:s24+$0xFFFFFFE0]  }
0x2e: {  	v11 =	vld [tilespmem:s24+$0xFFFFFFF0]  }
0x2f: {  	s2 =	simm.s32 $0x2020;
	v12 =	vld [tilespmem:s0+$0xFFFFFFF0]  }
0x30: {  	v13 =	vld [tilespmem:s2+$0xFFFFFFE0]  }
0x31: {  	v14 =	vld [tilespmem:s2+$0x0]  }
0x32: {  	v15 =	vld [tilespmem:s2+$0xFFFFFFF0];
	v4 =	vsub.f32 v3, v4  }
0x33: {  	s1 =	simm.s32 $0x2060;
	v5 =	vld [tilespmem:s2+$0x10];
	v9 =	vsub.f32 v2, v9;
	v6 =	vsub.f32 v2, v6  }
0x34: {  	s26 =	simm.s32 $0x1060;
	v21 =	vld [tilespmem:s1+$0xFFFFFFF0];
	v10 =	vsub.f32 v2, v10;
	v8 =	vsub.f32 v3, v8  }
0x35: {  	v19 =	vld [tilespmem:s26+$0x10];
	v7 =	vsub.f32 v3, v7;
	v12 =	vsub.f32 v3, v12  }
0x36: {  	v18 =	vimm.f32 $+Inf;
	v13 =	vsub.f32 v1, v13;
	v11 =	vsub.f32 v2, v11  }
0x37: {  	v22 =	vimm.s32 $0x0;
	v20 =	vld [tilespmem:s26+$0x0];
	v14 =	vsub.f32 v1, v14;
	v15 =	vsub.f32 v1, v15  }
0x38: {  	v16 =	vld [tilespmem:s26+$0xFFFFFFE0];
	v23 =	vsub.f32 v1, v5;
	v4 =	vmul.f32 v4, v4;
	v9 =	vmul.f32 v9, v9  }
0x39: {  	s0 =	simm.s32 $0x60;
	v5 =	vsub.f32 v1, v21;
	v10 =	vmul.f32 v10, v10;
	v7 =	vmul.f32 v7, v7  }
0x3a: {  	v17 =	vld [tilespmem:s0+$0x10];
	v19 =	vsub.f32 v3, v19;
	v6 =	vmul.f32 v6, v6;
	v11 =	vmul.f32 v11, v11  }
0x3b: {  	v4 =	vadd.f32 v4, v10;
	v10 =	vmul.f32 v12, v12;
	v12 =	vmul.f32 v13, v13  }
0x3c: {  	v8 =	vmul.f32 v8, v8;
	v13 =	vld [tilespmem:s0+$0x0];
	v6 =	vadd.f32 v7, v6;
	v7 =	vsub.f32 v3, v20  }
0x3d: {  	v20 =	vmul.f32 v23, v23;
	v12 =	vadd.f32 v12, v4;
	v4 =	vsub.f32 v3, v16;
	v16 =	vld [tilespmem:s0+$0xFFFFFFE0]  }
0x3e: {  	v14 =	vmul.f32 v14, v14;
	v8 =	vadd.f32 v8, v9;
	v10 =	vadd.f32 v10, v11;
	v11 =	vld [tilespmem:s0+$0xFFFFFFF0]  }
0x3f: {  	v17 =	vsub.f32 v2, v17;
	v21 =	vmul.f32 v15, v15;
	v9 =	vadd.f32 v20, v6;
	v20 =	vld [tilespmem:s1+$0xFFFFFFE0]  }
0x40: {  	v25 =	vld [tilespmem:s26+$0xFFFFFFF0];
	v15 =	vmul.f32 v19, v19;
	v23 =	vadd.f32 v14, v8;
	v24 =	vmul.f32 v4, v4  }
0x41: {  	vm0 =	vlt.f32 v12, v18;
	v10 =	vadd.f32 v21, v10;
	v4 =	vsub.f32 v2, v13;
	v13 =	vld [tilespmem:s1+$0x0]  }
0x42: {  	s25 =	simm.s32 $0x0;
	v14 =	vsel vm0, v18, v12;
	v12 =	vsel vm0, v12, v18;
	v16 =	vsub.f32 v2, v16  }
0x43: {  	v19 =	vsel vm0, s25, v22;
	vm1 =	vlt.f32 v10, v12;
	v4 =	vmul.f32 v4, v4  }
0x44: {  	s26 =	simm.s32 $0x1;
	v11 =	vsub.f32 v2, v11;
	v20 =	vsub.f32 v1, v20;
	v6 =	vmul.f32 v16, v16  }
0x45: {  	v27 =	vsel vm1, v12, v10;
	v21 =	vsel vm1, s26, v19;
	v16 =	vsub.f32 v3, v25  }
0x46: {  	v11 =	vmul.f32 v11, v11;
	v8 =	vsub.f32 v1, v13;
	v13 =	vadd.f32 v24, v6  }
0x47: {  	v24 =	vmul.f32 v16, v16;
	v16 =	vmul.f32 v17, v17;
	v17 =	vnsel vm1, s26, v19  }
0x48: {  	v6 =	vmul.f32 v8, v8;
	v8 =	vnsel vm0, s25, v22;
	vm0 =	vlt.f32 v14, v18  }
0x49: {  	v25 =	vsel vm0, v18, v14;
	v26 =	vsel vm0, v14, v18;
	v14 =	vmul.f32 v20, v20  }
0x4a: {  	v19 =	vsel vm0, v8, v22;
	v11 =	vadd.f32 v24, v11;
	vm3 =	vlt.f32 v25, v18  }
0x4b: {  	vm2 =	vlt.f32 v27, v26;
	v20 =	vsel vm3, v25, v18;
	v18 =	vsel vm0, v22, v8  }
0x4c: {  	v25 =	vsel vm1, v10, v12;
	v8 =	vadd.f32 v14, v13;
	v10 =	vsel vm2, v17, v19  }
0x4d: {  	s28 =	simm.s32 $0x8;
	s29 =	simm.s32 $0xA0;
	v24 =	vsel vm2, v26, v27;
	v14 =	vsel vm3, v18, v22;
	vm3 =	vlt.f32 v23, v25  }
0x4e: {  	s30 =	simm.s32 $0x10A0;
	s31 =	simm.s32 $0x20A0;
	s2 =	simm.s32 $0x2;
	v12 =	vld [tilespmem:s1+$0x10];
	v18 =	vsel vm2, v27, v26;
	vm1 =	vlt.f32 v24, v20;
	v22 =	vsel vm3, v23, v25  }
0x4f: {  	s24 =	simm.s32 $0x7;
	s26 =	simm.s32 $0x3;
	s25 =	simm.s32 $0x4;
	v13 =	vnsel vm3, s2, v21;
	v23 =	vsel vm3, v25, v23;
	vm0 =	vlt.f32 v9, v22  }
.LBB2_3:
0x50: {  	s1 =	sadd.s32 $0x3, s28  }
0x51: {  	v25 =	vld [tilespmem:s30+$0xFFFFFFE0];
	p0 =	sne.s32 s28, $0xFC;
	v15 =	vadd.f32 v15, v16;
	v16 =	vsel vm3, s2, v21;
	v21 =	vsel vm0, v22, v9;
	s0 =	smov.u32 s28;
	s28 =	sadd.s32 $0x4, s28  }
0x52: {  	v17 =	vsel vm2, v19, v17;
	v19 =	vsel vm1, v24, v20;
	v26 =	vld [tilespmem:s31+$0x10];
	v20 =	vsel vm0, s26, v16  }
0x53: {  	v27 =	vmul.f32 v7, v7;
	v28 =	vsub.f32 v1, v12;
	v7 =	vnsel vm0, s26, v16;
	s26 =	smov.u32 s24;
	s24 =	smov.u32 s1;
	v24 =	vld [tilespmem:s29+$0x10]  }
0x54: {  	v14 =	vsel vm1, v17, v14;
	vm1 =	vlt.f32 v23, v18;
	v17 =	vsel vm0, v9, v22;
	v16 =	vld [tilespmem:s30+$0x10]  }
0x55: {  	v31 =	vsel vm1, v18, v23;
	v22 =	vsel vm1, v10, v13;
	v18 =	vsel vm1, v23, v18;
	v9 =	vld [tilespmem:s30+$0x0]  }
0x56: {  	vm0 =	vlt.f32 v31, v19;
	vm2 =	vlt.f32 v21, v18;
	v23 =	vsub.f32 v3, v25;
	v25 =	vld [tilespmem:s29+$0x0]  }
0x57: {  	v19 =	vsel vm0, v31, v19;
	v30 =	vsel vm2, v18, v21;
	v18 =	vsel vm2, v21, v18;
	v29 =	vld [tilespmem:s31+$0xFFFFFFF0];
	v12 =	vmovc v26  }
0x58: {  	v10 =	vsel vm1, v13, v10;
	v21 =	vld [tilespmem:s29+$0xFFFFFFE0];
	v23 =	vmul.f32 v23, v23;
	v24 =	vsub.f32 v2, v24  }
0x59: {  	v14 =	vsel vm0, v22, v14;
	v22 =	vsel vm2, v10, v7;
	vm0 =	vlt.f32 v30, v19;
	v13 =	vld [tilespmem:s29+$0xFFFFFFF0]  }
0x5a: {  	v10 =	vsel vm2, v7, v10;
	v30 =	vsel vm0, v30, v19;
	v14 =	vsel vm0, v22, v14;
	v26 =	vld [tilespmem:s30+$0xFFFFFFF0]  }
0x5b: {  	vm0 =	vlt.f32 v8, v17;
	v7 =	vsub.f32 v3, v9;
	v19 =	vsub.f32 v2, v25;
	v22 =	vld [tilespmem:s31+$0x0]  }
0x5c: {  	v16 =	vsub.f32 v3, v16;
	v9 =	vmul.f32 v28, v28;
	v25 =	vsub.f32 v1, v29  }
0x5d: {  	v27 =	vadd.f32 v27, v4;
	v21 =	vsub.f32 v2, v21;
	v4 =	vmul.f32 v19, v19  }
0x5e: {  	v9 =	vadd.f32 v9, v15;
	v19 =	vmul.f32 v5, v5;
	v13 =	vsub.f32 v2, v13;
	v5 =	vmovc v25  }
0x5f: {  	v27 =	vadd.f32 v6, v27;
	v21 =	vmul.f32 v21, v21;
	v25 =	vld [tilespmem:s31+$0xFFFFFFE0];
	v26 =	vsub.f32 v3, v26  }
0x60: {  	v15 =	vmul.f32 v16, v16;
	v11 =	vadd.f32 v19, v11;
	v6 =	vsub.f32 v1, v22  }
0x61: {  	v16 =	vmul.f32 v24, v24;
	v22 =	vadd.f32 v23, v21;
	v23 =	vmul.f32 v26, v26  }
0x62: {  	v24 =	vnsel vm0, s25, v20;
	v13 =	vmul.f32 v13, v13;
	v6 =	vmul.f32 v6, v6  }
0x63: {  	v20 =	vsel vm0, s25, v20;
	v19 =	vsel vm0, v17, v8;
	v8 =	vsel vm0, v8, v17  }
0x64: {  	s1 =	sadd.s32 $0x1, s25;
	vm0 =	vlt.f32 v19, v18;
	vm1 =	vlt.f32 v11, v8;
	v25 =	vsub.f32 v1, v25  }
0x65: {  	v26 =	vsel vm0, v18, v19;
	v28 =	vsel vm0, v19, v18;
	v17 =	vnsel vm1, s1, v20  }
0x66: {  	vm3 =	vlt.f32 v26, v30;
	v29 =	vsel vm1, v8, v11;
	v21 =	vsel vm1, s1, v20  }
0x67: {  	v19 =	vsel vm0, v24, v10;
	v20 =	vsel vm3, v26, v30;
	v18 =	vmul.f32 v25, v25  }
.Ltmp0:
0x68: {  	v10 =	vsel vm0, v10, v24;
	vm2 =	vlt.f32 v29, v28;
	v25 =	vsel vm1, v11, v8;
	(pc) =	sbr.rel @p0 .LBB2_3-.Ltmp0, $4  }
0x69: {  	v14 =	vsel vm3, v10, v14;
	v10 =	vsel vm2, v17, v19;
	v8 =	vadd.f32 v18, v22  }
0x6a: {  	s2 =	sadd.s32 $0x2, s25;
	s25 =	smov.u32 s0;
	v11 =	vadd.f32 v23, v13;
	vm3 =	vlt.f32 v27, v25;
	v18 =	vsel vm2, v29, v28  }
0x6b: {  	v24 =	vsel vm2, v28, v29;
	v13 =	vnsel vm3, s2, v21;
	v22 =	vsel vm3, v27, v25  }
0x6c: {  	s29 =	sadd.s32 $0x40, s29;
	s30 =	sadd.s32 $0x40, s30;
	s31 =	sadd.s32 $0x40, s31;
	vm1 =	vlt.f32 v24, v20;
	v23 =	vsel vm3, v25, v27;
	vm0 =	vlt.f32 v9, v22  }
0x6d: {  	v2 =	vadd.f32 v15, v16  }
0x6e: {  	v3 =	vsel vm3, s2, v21;
	v61 =	vsel vm0, v22, v9;
	v62 =	vsel vm2, v19, v17  }
0x6f: {  	v63 =	vsel vm1, v24, v20;
	vm2 =	vlt.f32 v23, v18;
	v7 =	vmul.f32 v7, v7  }
0x70: {  	v1 =	vsub.f32 v1, v12;
	v27 =	vsel vm0, v9, v22;
	v5 =	vmul.f32 v5, v5  }
0x71: {  	v24 =	vsel vm0, s26, v3;
	v25 =	vsel vm2, v18, v23;
	v26 =	vsel vm2, v23, v18  }
0x72: {  	vm6 =	vlt.f32 v8, v27;
	vm5 =	vlt.f32 v25, v63;
	vm3 =	vlt.f32 v61, v26  }
0x73: {  	v1 =	vmul.f32 v1, v1;
	v4 =	vadd.f32 v7, v4;
	v5 =	vadd.f32 v5, v11  }
0x74: {  	v30 =	vsel vm6, v27, v8;
	v28 =	vsel vm5, v25, v63;
	v29 =	vsel vm3, v26, v61  }
0x75: {  	v15 =	vsel vm3, v61, v26;
	vm4 =	vlt.f32 v29, v28;
	v1 =	vadd.f32 v1, v2  }
0x76: {  	v2 =	vsel vm6, v8, v27;
	vm7 =	vlt.f32 v30, v15;
	v4 =	vadd.f32 v6, v4  }
0x77: {  	v12 =	vsel vm4, v29, v28;
	vm8 =	vlt.f32 v5, v2;
	v31 =	vsel vm7, v15, v30  }
0x78: {  	v7 =	vsel vm7, v30, v15;
	vm9 =	vlt.f32 v31, v12;
	v8 =	vsel vm8, v2, v5  }
0x79: {  	v2 =	vsel vm8, v5, v2;
	v6 =	vsel vm9, v31, v12;
	vm12 =	vlt.f32 v8, v7  }
0x7a: {  	vm10 =	vlt.f32 v4, v2;
	v32 =	vsel vm12, v8, v7;
	v7 =	vsel vm12, v7, v8  }
0x7b: {  	v33 =	vsel vm10, v4, v2;
	v2 =	vsel vm10, v2, v4;
	vm13 =	vlt.f32 v7, v6  }
0x7c: {  	vm11 =	vlt.f32 v1, v33;
	vm14 =	vlt.f32 v2, v32;
	v34 =	vsel vm13, v7, v6  }
0x7d: {  	v35 =	vsel vm14, v32, v2;
	v2 =	vsel vm14, v2, v32;
	v36 =	vsel vm11, v33, v1  }
0x7e: {  	v37 =	vsel vm1, v62, v14;
	vm15 =	vlt.f32 v35, v34;
	vm1 =	vlt.f32 v36, v2  }
0x7f: {  	v3 =	vnsel vm0, s26, v3;
	v4 =	vsel vm15, v35, v34;
	v38 =	vsel vm1, v2, v36  }
0x80: {  	v1 =	vsel vm11, v1, v33;
	v2 =	vsel vm1, v36, v2;
	vm0 =	vlt.f32 v38, v4  }
0x81: {  	v39 =	vsel vm2, v10, v13;
	v40 =	vmin.f32 v1, v2;
	v4 =	vsel vm0, v38, v4  }
0x82: {  	v41 =	vsel vm2, v13, v10;
	v43 =	vsel vm6, s25, v24;
	v6 =	vmin.f32 v40, v4  }
0x83: {  	v44 =	vnsel vm6, s25, v24;
	v42 =	vsel vm3, v41, v3;
	v3 =	vsel vm3, v3, v41;
	(xrf0) =	vmin.scan.msk.f32 $0xffff, v6  }
0x84: {  	s0 =	sadd.s32 $0x1, s25;
	v46 =	vsel vm7, v44, v3;
	v3 =	vsel vm7, v3, v44;
	v5 =	vsel vm5, v39, v37  }
0x85: {  	v45 =	vnsel vm8, s0, v43;
	v5 =	vsel vm4, v42, v5;
	v8 =	vsel vm8, s0, v43  }
0x86: {  	s29 =	sadd.s32 $0x2, s25;
	v3 =	vsel vm9, v3, v5;
	v47 =	vsel vm12, v45, v46;
	v48 =	vsel vm12, v46, v45  }
0x87: {  	v49 =	vnsel vm10, s29, v8;
	v8 =	vsel vm10, s29, v8;
	v3 =	vsel vm13, v48, v3  }
0x88: {  	v50 =	vsel vm14, v47, v49;
	v51 =	vnsel vm11, s24, v8;
	v8 =	vsel vm11, s24, v8  }
0x89: {  	v5 =	vsel vm14, v49, v47;
	v54 =	vshll.u32 v8, $0x4;
	v3 =	vsel vm15, v50, v3;
	v53, _, _ =	vpop (xrf0)  }
0x8a: {  	v52 =	vsel vm1, v5, v51;
	v5 =	vsel vm1, v51, v5;
	v55 =	vbroadcast v53, $0xF  }
0x8b: {  	v56 =	vor.u32 v0, v54;
	v5 =	vshll.u32 v5, $0x4;
	v3 =	vsel vm0, v52, v3  }
0x8c: {  	v5 =	vor.u32 v0, v5;
	vm15 =	veq.f32 v1, v55;
	vm4 =	veq.f32 v2, v55  }
0x8d: {  	v3 =	vshll.u32 v3, $0x4;
	v7 =	vnsel vm15, $0x1000, v56;
	v57 =	vnsel vm4, $0x1000, v5  }
0x8e: {  	v3 =	vor.u32 v0, v3;
	vm5 =	veq.f32 v4, v55;
	vm0 =	vlt.s32 v7, v57  }
0x8f: {  	v8 =	vnsel vm5, $0x1000, v3;
	v7 =	vsel vm0, v7, v57  }
0x90: {  	vm0 =	vlt.s32 v7, v8  }
0x91: {  	v7 =	vsel vm0, v7, v8  }
0x92: {  	v7 =	vxor.u32 $0x80000000, v7  }
0x93: {  	(xrf0) =	vmin.scan.msk.u32 $0xffff, v7;
	_ =	sdelay $0x5  }
0x94: {  	v7, _, _ =	vpop (xrf0)  }
0x95: {  	(v2sf) =	vpush v7, $0xF;
	_ =	sdelay $0xe  }
0x96: {  	s30 =	spop (v2sf)  }
0x97: {  	s0 =	sxor.u32 $0x80000000, s30  }
0x98: {  	vm6 =	veq.s32 v56, s0;
	vm7 =	veq.s32 v5, s0  }
0x99: {  	vm8 =	veq.s32 v3, s0;
	v1 =	vsel vm6, $0x7F800000, v1;
	v2 =	vsel vm7, $0x7F800000, v2  }
0x9a: {  	v4 =	vsel vm8, $0x7F800000, v4;
	v58 =	vmin.f32 v1, v2  }
0x9b: {  	v7 =	vmin.f32 v58, v4  }
0x9c: {  	(xrf0) =	vmin.scan.msk.f32 $0xffff, v7;
	_ =	sdelay $0x5  }
0x9d: {  	v7, _, _ =	vpop (xrf0)  }
0x9e: {  	v7 =	vbroadcast v7, $0xF;
	_ =	sdelay $0x1  }
0x9f: {  	vm9 =	veq.f32 v1, v7;
	vm1 =	veq.f32 v2, v7  }
0xa0: {  	v59 =	vnsel vm9, $0x1000, v56;
	v60 =	vnsel vm1, $0x1000, v5  }
0xa1: {  	vm10 =	veq.f32 v4, v7;
	vm0 =	vlt.s32 v59, v60  }
0xa2: {  	v62 =	vnsel vm10, $0x1000, v3;
	v61 =	vsel vm0, v59, v60  }
0xa3: {  	vm0 =	vlt.s32 v61, v62  }
0xa4: {  	v7 =	vsel vm0, v61, v62  }
0xa5: {  	v7 =	vxor.u32 $0x80000000, v7  }
0xa6: {  	(xrf0) =	vmin.scan.msk.u32 $0xffff, v7;
	_ =	sdelay $0x5  }
0xa7: {  	v7, _, _ =	vpop (xrf0)  }
0xa8: {  	(v2sf) =	vpush v7, $0xF;
	_ =	sdelay $0xe  }
0xa9: {  	s1 =	spop (v2sf)  }
0xaa: {  	s1 =	sxor.u32 $0x80000000, s1  }
0xab: {  	vm11 =	veq.s32 v56, s1;
	vm12 =	veq.s32 v5, s1  }
0xac: {  	vm13 =	veq.s32 v3, s1;
	v1 =	vsel vm11, $0x7F800000, v1;
	v2 =	vsel vm12, $0x7F800000, v2  }
0xad: {  	v4 =	vsel vm13, $0x7F800000, v4;
	v63 =	vmin.f32 v1, v2  }
0xae: {  	v7 =	vmin.f32 v63, v4  }
0xaf: {  	(xrf0) =	vmin.scan.msk.f32 $0xffff, v7;
	_ =	sdelay $0x5  }
0xb0: {  	v7, _, _ =	vpop (xrf0)  }
0xb1: {  	v7 =	vbroadcast v7, $0xF;
	_ =	sdelay $0x1  }
0xb2: {  	vm14 =	veq.f32 v1, v7;
	vm1 =	veq.f32 v2, v7  }
0xb3: {  	v1 =	vnsel vm14, $0x1000, v56;
	v2 =	vnsel vm1, $0x1000, v5  }
0xb4: {  	vm15 =	veq.f32 v4, v7;
	vm0 =	vlt.s32 v1, v2  }
0xb5: {  	v1 =	vsel vm0, v1, v2;
	v2 =	vnsel vm15, $0x1000, v3  }
0xb6: {  	vm0 =	vlt.s32 v1, v2  }
0xb7: {  	v1 =	vsel vm0, v1, v2  }
0xb8: {  	v1 =	vxor.u32 $0x80000000, v1  }
0xb9: {  	(xrf0) =	vmin.scan.msk.u32 $0xffff, v1;
	_ =	sdelay $0x5  }
0xba: {  	v1, _, _ =	vpop (xrf0)  }
0xbb: {  	(v2sf) =	vpush v1, $0xF;
	_ =	sdelay $0xa  }
0xbc: {  	v1 =	vmov s23  }
0xbd: {  	s23 =	sadd.s32 $0x1, s23  }
0xbe: {  	p0 =	sne.s32 s23, $0x80  }
.Ltmp1:
0xbf: {  	_ = 	snop;
	(pc) =	sbr.rel @p0 .LBB2_2-.Ltmp1, $4  }
0xc0: {  	v2 =	vmov s0;
	s31 =	spop (v2sf)  }
0xc1: {  	[tilespmem:v1+s19+$0x0] =	vst.idx.msk $0x1, v2;
	v2 =	vmov s1;
	s0 =	sxor.u32 $0x80000000, s31  }
0xc2: {  	[tilespmem:v1+s20+$0x0] =	vst.idx.msk $0x1, v2;
	v2 =	vmov s0  }
0xc3: {  	[tilespmem:v1+s21+$0x0] =	vst.idx.msk $0x1, v2  }
0xc4: {  	[hbm4b:s9+s3] =	stream.linear.scatter [tilespmem:s19], [sflag:$0x1], $0x80, $0x38;
	[tilespmem:$0x3330] =	vst v63  }
0xc5: {  	_ =	swait.ge [sflag:s13], $0x80  }
0xc6: {  	[sflag:s13] =	ssyncset.done $0x0  }
0xc7: {  	[sflag:s13] =	ssyncadd.s32 $0xFFFFFF80  }
0xc8: {  	[hbm4b:s10+s3] =	stream.linear.scatter [tilespmem:s20], [sflag:$0x1], $0x80, $0x38;
	[tilespmem:$0x3330] =	vst v63  }
0xc9: {  	s22 =	sadd.s32 $0x1, s22;
	_ =	swait.ge [sflag:s13], $0x80  }
0xca: {  	p0 =	sne.s32 s22, s12;
	[sflag:s13] =	ssyncset.done $0x0  }
.Ltmp2:
0xcb: {  	[sflag:s13] =	ssyncadd.s32 $0xFFFFFF80;
	(pc) =	sbr.rel @p0 .LBB2_1-.Ltmp2, $4  }
0xcc: {  	[hbm4b:s11+s3] =	stream.linear.scatter [tilespmem:s21], [sflag:$0x1], $0x80, $0x38;
	[tilespmem:$0x3330] =	vst v63  }
0xcd: {  	_ =	swait.ge [sflag:s13], $0x80  }
0xce: {  	[sflag:s13] =	ssyncset.done $0x0  }
0xcf: {  	[sflag:s13] =	ssyncadd.s32 $0xFFFFFF80  }
0xd0: {  	_ =	sfence.sel $0x180000  }
0xd1: {  	[bflag:$0x0] =	sbarrier.arrive $0xFFFF  }
0xd2: {  	_ =	strace $0x90000047  }
0xd3: {  	s0 =	stileid.u32;
	[bflag:$0x2] =	sbarrier.arrive $0xFFFF  }
0xd4: {  	p0 =	sne.s32 s0, $0x0;
	s0 =	rddreg [dreg:$0x2]  }
0xd5: {  	s0 =	sadd.s32 @!p0 $0x100000, s0  }
0xd6: {  	[sflag:s0] =	ssyncadd.tile.s32 @!p0 $0x1;
	_ =	shalt  }
.Lfunc_end2:
_tile_overlayer_lowered:
.L_overlay_start_2:
0xd7: {  	(tag) =	ssettag $0x2  }
0xd8: {  	s0 =	rddreg [dreg:$0x0];
	s2 =	stileid.u32  }
0xd9: {  	s1 =	rddreg [dreg:$0x1];
	p0 =	sne.s32 s2, $0x0  }
0xda: {  	s3 =	rddreg [dreg:$0x2];
	[bflag:$0x3] =	sbarrier.arrive $0xFFFF;
	s2 =	simm.s32 @!p0 $0x1C01  }
0xdb: {  	[timem:s3], [sflag:s2] =	dma.local @!p0 [hbm:s0], s1  }
0xdc: {  	s0 =	simm.s32 @!p0 $0x1  }
0xdd: {  	_ =	swait.ge @!p0 [sflag:s0], s1  }
0xde: {  	s1 =	ssub.s32 @!p0 $0x0, s1;
	[sflag:s0] =	ssyncset.done @!p0 $0x0  }
0xdf: {  	[sflag:s0] =	ssyncadd.s32 @!p0 s1  }
0xe0: {  	[bflag:$0x3] =	sbarrier.arrive $0xFFFF  }
0xe1: {  	_ =	shalt  }

</sc_bundles>
